<compile_context>
chip_gen: v7x
topology: tpu7x:2x2x1
jax: 0.10.2.dev20260603
libtpu: 0.0.44.dev20260713+nightly
codegen_flags: <defaults>
</compile_context>

<pallas_src>
import functools

import jax
import jax.numpy as jnp
from jax import lax
from jax.experimental import pallas as pl
from jax.experimental.pallas import tpu as pltpu
from jax.experimental.pallas import tpu_sc as plsc

B = 16384
CTX = 20
NT = 5
H = 64
NC = 2
NS = 16
L = 16
NW = NC * NS
BPW = B // NW
HALF = BPW // 2
S1_ROWS = 32
S1_STEPS = HALF // S1_ROWS
S2_ROWS = 128
S2_STEPS = HALF // S2_ROWS
GROWS = 640
HQ = H // L


def _dot_rows(conbuf, gbuf, buf, iota, row_base, g):
  def body(rr, yv):
    row = row_base + rr
    cv = [conbuf[row, pl.ds(h * L, L)] for h in range(HQ)]
    tbase = (g * L + rr) * NT
    out = []
    for j in range(NT):
      d = cv[0] * gbuf[buf, tbase + j, pl.ds(0, L)]
      for h in range(1, HQ):
        d = d + cv[h] * gbuf[buf, tbase + j, pl.ds(h * L, L)]
      s = jnp.sum(d)
      out.append(jnp.where(iota == rr, s, yv[j]))
    return tuple(out)
  zeros = jnp.zeros((L,), jnp.float32)
  return lax.fori_loop(0, L, body, (zeros,) * NT, unroll=False)


def kernel(contexts, t, in_emb, out_emb):
  ctx_r = contexts.reshape(NW, (BPW * CTX) // 128, 128)
  t_r = t.reshape(NW, (BPW * NT) // 128, 128)

  mesh = plsc.VectorSubcoreMesh(core_axis_name="c", subcore_axis_name="s")

  @functools.partial(
      pl.kernel,
      out_type=jax.ShapeDtypeStruct((NW, BPW * NT), jnp.float32),
      mesh=mesh,
      compiler_params=pltpu.CompilerParams(
          needs_layout_passes=False, use_tc_tiling_on_sc=False),
      scratch_types=[
          pltpu.VMEM((BPW * CTX // 128, 128), jnp.int32),
          pltpu.VMEM((BPW * NT // 128, 128), jnp.int32),
          pltpu.VMEM((2, GROWS, H), jnp.float32),
          pltpu.VMEM((HALF, H), jnp.float32),
          pltpu.VMEM((BPW * NT,), jnp.float32),
          pltpu.SemaphoreType.DMA,
          pltpu.SemaphoreType.DMA,
      ],
  )
  def run(ctx_hbm, t_hbm, in_hbm, oute_hbm, y_hbm,
          ctx_idx, t_idx, gbuf, conbuf, ybuf, sem0, sem1):
    wid = lax.axis_index("s") * NC + lax.axis_index("c")
    sems = (sem0, sem1)
    iota = lax.iota(jnp.int32, L)

    pltpu.sync_copy(ctx_hbm.at[wid], ctx_idx)
    pltpu.sync_copy(t_hbm.at[wid], t_idx)

    def fire(table, idx, step, buf):
      for j in range(5):
        pltpu.async_copy(
            table.at[idx.at[step * 5 + j]],
            gbuf.at[buf, pl.ds(128 * j, 128)],
            sems[buf])

    def wait(buf):
      pltpu.make_async_copy(
          in_hbm.at[pl.ds(0, GROWS)], gbuf.at[buf], sems[buf]).wait()

    def consum_step(step_in_half, buf):
      row0 = step_in_half * S1_ROWS
      def body(b, _):
        base = b * CTX
        acc = [gbuf[buf, base, pl.ds(h * L, L)] for h in range(HQ)]
        for c in range(1, CTX):
          for h in range(HQ):
            acc[h] = acc[h] + gbuf[buf, base + c, pl.ds(h * L, L)]
        for h in range(HQ):
          conbuf[row0 + b, pl.ds(h * L, L)] = acc[h]
        return 0
      lax.fori_loop(0, S1_ROWS, body, 0, unroll=False)

    def dot_step(half, step_in_half, buf):
      def body(g, _):
        row_base = step_in_half * S2_ROWS + g * L
        yv = _dot_rows(conbuf, gbuf, buf, iota, row_base, g)
        out_base = (half * HALF + row_base) * NT
        for j in range(NT):
          plsc.store_scatter(ybuf, [iota * NT + (out_base + j)], yv[j])
        return 0
      lax.fori_loop(0, S2_ROWS // L, body, 0, unroll=False)

    for half in range(2):
      base1 = half * S1_STEPS
      fire(in_hbm, ctx_idx, base1, 0)
      def pair1(p, _, base1=base1):
        for b in range(2):
          s = p * 2 + b
          wait(b)
          @pl.when(s + 1 < S1_STEPS)
          def _():
            fire(in_hbm, ctx_idx, base1 + s + 1, (b + 1) % 2)
          consum_step(s, b)
        return 0
      lax.fori_loop(0, S1_STEPS // 2, pair1, 0, unroll=False)

      base2 = half * S2_STEPS
      fire(oute_hbm, t_idx, base2, 0)
      for s2 in range(S2_STEPS):
        wait(s2)
        if s2 + 1 < S2_STEPS:
          fire(oute_hbm, t_idx, base2 + s2 + 1, s2 + 1)
        dot_step(half, s2, s2)

    pltpu.sync_copy(ybuf, y_hbm.at[wid])

  y = run(ctx_r, t_r, in_emb, out_emb)
  return y.reshape(B, NT)

# --- scband reference (transcript-rebuilt; emitter-appended) ---
"""Pipeline reference for scband-cbow-model-46033459478935 (READ-ONLY COPY).

The authoritative reference and input builder live on the scoring server;
editing this copy changes nothing except your own understanding.
"""

import jax, jax.numpy as jnp
import numpy as np

VOCAB = 1000000
HIDDEN = 64
BATCH = 16384
CTX = 20
NT = 5

def setup_inputs(seed: int = 0) -> dict:
    key = jax.random.key(seed)
    k1, k2, k3, k4 = jax.random.split(key, 4)
    contexts = jax.random.randint(k1, (BATCH, CTX), 0, VOCAB, dtype=jnp.int64 if jax.config.read('jax_enable_x64') else jnp.int32)
    t = jax.random.randint(k2, (BATCH, NT), 0, VOCAB, dtype=jnp.int64 if jax.config.read('jax_enable_x64') else jnp.int32)
    # xavier_uniform bound for [VOCAB, HIDDEN]
    bound = float(np.sqrt(6.0 / (VOCAB + HIDDEN)))
    in_emb = jax.random.uniform(k3, (VOCAB, HIDDEN), dtype=jnp.float32, minval=-bound, maxval=bound)
    out_emb = jax.random.uniform(k4, (VOCAB, HIDDEN), dtype=jnp.float32, minval=-bound, maxval=bound)
    return {"contexts": contexts, "t": t, "in_emb": in_emb, "out_emb": out_emb}

def reference(contexts, t, in_emb, out_emb):
    # con_emb = self.in_emb(contexts).sum(dim=1)  -> [B, H]
    con_emb = jnp.take(in_emb, contexts, axis=0).sum(axis=1)
    # target_emb = self.out_emb(t)               -> [B, T, H]
    target_emb = jnp.take(out_emb, t, axis=0)
    # y = bmm(con_emb[:, None, :], target_emb.transpose(1, 2)).squeeze(1) -> [B, T]
    y = jnp.einsum('bh,bth->bt', con_emb, target_emb)
    return y

if __name__ == "__main__":
    import jax
    _d = setup_inputs()
    print(jax.jit(kernel)(*tuple(_d.values())))

</pallas_src>

<mosaic_0001>
#map = affine_map<(d0, d1) -> (0, 0, 0)>
#map1 = affine_map<(d0, d1) -> (0, 0)>
module attributes {stable_mosaic.version = 14 : i64} {
  func.func @run(%arg0: i32, %arg1: i32, %arg2: memref<32x80x128xi32, #tpu.memory_space<hbm>>, %arg3: memref<32x20x128xi32, #tpu.memory_space<hbm>>, %arg4: memref<1000000x64xf32, #tpu.memory_space<hbm>>, %arg5: memref<1000000x64xf32, #tpu.memory_space<hbm>>, %arg6: memref<32x2560xf32, #tpu.memory_space<hbm>>, %arg7: memref<80x128xi32, #tpu.memory_space<vmem>>, %arg8: memref<20x128xi32, #tpu.memory_space<vmem>>, %arg9: memref<2x640x64xf32, #tpu.memory_space<vmem>>, %arg10: memref<256x64xf32, #tpu.memory_space<vmem>>, %arg11: memref<2560xf32, #tpu.memory_space<vmem>>, %arg12: memref<!tpu.dma_semaphore, #tpu.memory_space<semaphore_mem>>, %arg13: memref<!tpu.dma_semaphore, #tpu.memory_space<semaphore_mem>>) attributes {dimension_semantics = [#tpu.dimension_semantics<core_parallel>, #tpu.dimension_semantics<subcore_parallel>], iteration_bounds = array<i64: 2, 16>, scalar_prefetch = 0 : i64, scratch_operands = 7 : i64, tpu.core_type = #tpu.core_type<sc_vector_subcore>, window_params = [{transform_indices = #map}, {transform_indices = #map}, {transform_indices = #map1}, {transform_indices = #map1}, {transform_indices = #map1}]} {
    %mul3A = arith.constant 2 : i32
    %mul3A_0 = arith.muli %arg1, %mul3A : i32
    %add3A = arith.addi %mul3A_0, %arg0 : i32
    %iota3A = tpu.iota {dimensions = array<i32: 0>} : vector<16xi32>
    "tpu.region"() ({
      %run_scoped3A = tpu.sem_alloc : memref<!tpu.dma_semaphore, #tpu.memory_space<semaphore_mem>>
      %dma_start3A_460 = arith.constant 0 : i32
      %dma_start3A_461 = arith.constant 0 : i32
      %dma_start3A_462 = tpu.memref_slice %arg2[%add3A, %dma_start3A_460, %dma_start3A_461] : memref<32x80x128xi32, #tpu.memory_space<hbm>> -> memref<1x80x128xi32, #tpu.memory_space<hbm>>
      %dma_start3A_463 = tpu.memref_squeeze %dma_start3A_462 : memref<1x80x128xi32, #tpu.memory_space<hbm>> -> memref<80x128xi32, #tpu.memory_space<hbm>>
      %dma_start3A_464 = arith.constant 0 : i32
      %dma_start3A_465 = arith.constant 0 : i32
      %dma_start3A_466 = tpu.memref_slice %arg2[%add3A, %dma_start3A_464, %dma_start3A_465] : memref<32x80x128xi32, #tpu.memory_space<hbm>> -> memref<1x80x128xi32, #tpu.memory_space<hbm>>
      %dma_start3A_467 = tpu.memref_squeeze %dma_start3A_466 : memref<1x80x128xi32, #tpu.memory_space<hbm>> -> memref<80x128xi32, #tpu.memory_space<hbm>>
      tpu.enqueue_dma source(%dma_start3A_467 : memref<80x128xi32, #tpu.memory_space<hbm>>) target(%arg7 : memref<80x128xi32, #tpu.memory_space<vmem>>) target_semaphore(%run_scoped3A : memref<!tpu.dma_semaphore, #tpu.memory_space<semaphore_mem>>)
      %dma_wait3A_468 = arith.constant 0 : i32
      %dma_wait3A_469 = arith.constant 0 : i32
      %dma_wait3A_470 = tpu.memref_slice %arg2[%add3A, %dma_wait3A_468, %dma_wait3A_469] : memref<32x80x128xi32, #tpu.memory_space<hbm>> -> memref<1x80x128xi32, #tpu.memory_space<hbm>>
      %dma_wait3A_471 = tpu.memref_squeeze %dma_wait3A_470 : memref<1x80x128xi32, #tpu.memory_space<hbm>> -> memref<80x128xi32, #tpu.memory_space<hbm>>
      %dma_wait3A_472 = arith.constant 0 : i32
      %dma_wait3A_473 = arith.constant 0 : i32
      %dma_wait3A_474 = tpu.memref_slice %arg2[%add3A, %dma_wait3A_472, %dma_wait3A_473] : memref<32x80x128xi32, #tpu.memory_space<hbm>> -> memref<1x80x128xi32, #tpu.memory_space<hbm>>
      %dma_wait3A_475 = tpu.memref_squeeze %dma_wait3A_474 : memref<1x80x128xi32, #tpu.memory_space<hbm>> -> memref<80x128xi32, #tpu.memory_space<hbm>>
      tpu.wait_dma2 semaphore(%run_scoped3A : memref<!tpu.dma_semaphore, #tpu.memory_space<semaphore_mem>>) src(%dma_wait3A_475 : memref<80x128xi32, #tpu.memory_space<hbm>>) dst(%arg7 : memref<80x128xi32, #tpu.memory_space<vmem>>)
      tpu.yield
    }) : () -> ()
    "tpu.region"() ({
      %run_scoped3A = tpu.sem_alloc : memref<!tpu.dma_semaphore, #tpu.memory_space<semaphore_mem>>
      %dma_start3A_460 = arith.constant 0 : i32
      %dma_start3A_461 = arith.constant 0 : i32
      %dma_start3A_462 = tpu.memref_slice %arg3[%add3A, %dma_start3A_460, %dma_start3A_461] : memref<32x20x128xi32, #tpu.memory_space<hbm>> -> memref<1x20x128xi32, #tpu.memory_space<hbm>>
      %dma_start3A_463 = tpu.memref_squeeze %dma_start3A_462 : memref<1x20x128xi32, #tpu.memory_space<hbm>> -> memref<20x128xi32, #tpu.memory_space<hbm>>
      %dma_start3A_464 = arith.constant 0 : i32
      %dma_start3A_465 = arith.constant 0 : i32
      %dma_start3A_466 = tpu.memref_slice %arg3[%add3A, %dma_start3A_464, %dma_start3A_465] : memref<32x20x128xi32, #tpu.memory_space<hbm>> -> memref<1x20x128xi32, #tpu.memory_space<hbm>>
      %dma_start3A_467 = tpu.memref_squeeze %dma_start3A_466 : memref<1x20x128xi32, #tpu.memory_space<hbm>> -> memref<20x128xi32, #tpu.memory_space<hbm>>
      tpu.enqueue_dma source(%dma_start3A_467 : memref<20x128xi32, #tpu.memory_space<hbm>>) target(%arg8 : memref<20x128xi32, #tpu.memory_space<vmem>>) target_semaphore(%run_scoped3A : memref<!tpu.dma_semaphore, #tpu.memory_space<semaphore_mem>>)
      %dma_wait3A_468 = arith.constant 0 : i32
      %dma_wait3A_469 = arith.constant 0 : i32
      %dma_wait3A_470 = tpu.memref_slice %arg3[%add3A, %dma_wait3A_468, %dma_wait3A_469] : memref<32x20x128xi32, #tpu.memory_space<hbm>> -> memref<1x20x128xi32, #tpu.memory_space<hbm>>
      %dma_wait3A_471 = tpu.memref_squeeze %dma_wait3A_470 : memref<1x20x128xi32, #tpu.memory_space<hbm>> -> memref<20x128xi32, #tpu.memory_space<hbm>>
      %dma_wait3A_472 = arith.constant 0 : i32
      %dma_wait3A_473 = arith.constant 0 : i32
      %dma_wait3A_474 = tpu.memref_slice %arg3[%add3A, %dma_wait3A_472, %dma_wait3A_473] : memref<32x20x128xi32, #tpu.memory_space<hbm>> -> memref<1x20x128xi32, #tpu.memory_space<hbm>>
      %dma_wait3A_475 = tpu.memref_squeeze %dma_wait3A_474 : memref<1x20x128xi32, #tpu.memory_space<hbm>> -> memref<20x128xi32, #tpu.memory_space<hbm>>
      tpu.wait_dma2 semaphore(%run_scoped3A : memref<!tpu.dma_semaphore, #tpu.memory_space<semaphore_mem>>) src(%dma_wait3A_475 : memref<20x128xi32, #tpu.memory_space<hbm>>) dst(%arg8 : memref<20x128xi32, #tpu.memory_space<vmem>>)
      tpu.yield
    }) : () -> ()
    %dma_start3A = arith.constant 0 : i32
    %dma_start3A_1 = arith.constant 0 : i32
    %dma_start3A_2 = arith.constant 0 : i32
    %dma_start3A_3 = arith.constant 0 : i32
    %dma_start3A_4 = tpu.memref_slice %arg9[%dma_start3A_1, %dma_start3A_2, %dma_start3A_3] : memref<2x640x64xf32, #tpu.memory_space<vmem>> -> memref<1x128x64xf32, #tpu.memory_space<vmem>>
    %dma_start3A_5 = tpu.memref_squeeze %dma_start3A_4 : memref<1x128x64xf32, #tpu.memory_space<vmem>> -> memref<128x64xf32, #tpu.memory_space<vmem>>
    %dma_start3A_6 = arith.constant 0 : i32
    %dma_start3A_7 = tpu.memref_slice %arg7[%dma_start3A, %dma_start3A_6] : memref<80x128xi32, #tpu.memory_space<vmem>> -> memref<1x128xi32, #tpu.memory_space<vmem>>
    %dma_start3A_8 = tpu.memref_squeeze %dma_start3A_7 : memref<1x128xi32, #tpu.memory_space<vmem>> -> memref<128xi32, #tpu.memory_space<vmem>>
    %dma_start3A_9 = arith.constant 0 : i32
    %dma_start3A_10 = arith.constant 0 : i32
    %dma_start3A_11 = tpu.memref_slice %arg4[%dma_start3A_9, %dma_start3A_10] : memref<1000000x64xf32, #tpu.memory_space<hbm>> -> memref<1000000x64xf32, #tpu.memory_space<hbm>>
    tpu.enqueue_indirect_dma source(%dma_start3A_11 : memref<1000000x64xf32, #tpu.memory_space<hbm>>) target(%dma_start3A_5 : memref<128x64xf32, #tpu.memory_space<vmem>>) offsets(%dma_start3A_8 : memref<128xi32, #tpu.memory_space<vmem>>) semaphore(%arg12 : memref<!tpu.dma_semaphore, #tpu.memory_space<semaphore_mem>>)
    %dma_start3A_12 = arith.constant 1 : i32
    %dma_start3A_13 = arith.constant 0 : i32
    %dma_start3A_14 = arith.constant 128 : i32
    %dma_start3A_15 = arith.constant 0 : i32
    %dma_start3A_16 = tpu.memref_slice %arg9[%dma_start3A_13, %dma_start3A_14, %dma_start3A_15] : memref<2x640x64xf32, #tpu.memory_space<vmem>> -> memref<1x128x64xf32, #tpu.memory_space<vmem>>
    %dma_start3A_17 = tpu.memref_squeeze %dma_start3A_16 : memref<1x128x64xf32, #tpu.memory_space<vmem>> -> memref<128x64xf32, #tpu.memory_space<vmem>>
    %dma_start3A_18 = arith.constant 0 : i32
    %dma_start3A_19 = tpu.memref_slice %arg7[%dma_start3A_12, %dma_start3A_18] : memref<80x128xi32, #tpu.memory_space<vmem>> -> memref<1x128xi32, #tpu.memory_space<vmem>>
    %dma_start3A_20 = tpu.memref_squeeze %dma_start3A_19 : memref<1x128xi32, #tpu.memory_space<vmem>> -> memref<128xi32, #tpu.memory_space<vmem>>
    %dma_start3A_21 = arith.constant 0 : i32
    %dma_start3A_22 = arith.constant 0 : i32
    %dma_start3A_23 = tpu.memref_slice %arg4[%dma_start3A_21, %dma_start3A_22] : memref<1000000x64xf32, #tpu.memory_space<hbm>> -> memref<1000000x64xf32, #tpu.memory_space<hbm>>
    tpu.enqueue_indirect_dma source(%dma_start3A_23 : memref<1000000x64xf32, #tpu.memory_space<hbm>>) target(%dma_start3A_17 : memref<128x64xf32, #tpu.memory_space<vmem>>) offsets(%dma_start3A_20 : memref<128xi32, #tpu.memory_space<vmem>>) semaphore(%arg12 : memref<!tpu.dma_semaphore, #tpu.memory_space<semaphore_mem>>)
    %dma_start3A_24 = arith.constant 2 : i32
    %dma_start3A_25 = arith.constant 0 : i32
    %dma_start3A_26 = arith.constant 256 : i32
    %dma_start3A_27 = arith.constant 0 : i32
    %dma_start3A_28 = tpu.memref_slice %arg9[%dma_start3A_25, %dma_start3A_26, %dma_start3A_27] : memref<2x640x64xf32, #tpu.memory_space<vmem>> -> memref<1x128x64xf32, #tpu.memory_space<vmem>>
    %dma_start3A_29 = tpu.memref_squeeze %dma_start3A_28 : memref<1x128x64xf32, #tpu.memory_space<vmem>> -> memref<128x64xf32, #tpu.memory_space<vmem>>
    %dma_start3A_30 = arith.constant 0 : i32
    %dma_start3A_31 = tpu.memref_slice %arg7[%dma_start3A_24, %dma_start3A_30] : memref<80x128xi32, #tpu.memory_space<vmem>> -> memref<1x128xi32, #tpu.memory_space<vmem>>
    %dma_start3A_32 = tpu.memref_squeeze %dma_start3A_31 : memref<1x128xi32, #tpu.memory_space<vmem>> -> memref<128xi32, #tpu.memory_space<vmem>>
    %dma_start3A_33 = arith.constant 0 : i32
    %dma_start3A_34 = arith.constant 0 : i32
    %dma_start3A_35 = tpu.memref_slice %arg4[%dma_start3A_33, %dma_start3A_34] : memref<1000000x64xf32, #tpu.memory_space<hbm>> -> memref<1000000x64xf32, #tpu.memory_space<hbm>>
    tpu.enqueue_indirect_dma source(%dma_start3A_35 : memref<1000000x64xf32, #tpu.memory_space<hbm>>) target(%dma_start3A_29 : memref<128x64xf32, #tpu.memory_space<vmem>>) offsets(%dma_start3A_32 : memref<128xi32, #tpu.memory_space<vmem>>) semaphore(%arg12 : memref<!tpu.dma_semaphore, #tpu.memory_space<semaphore_mem>>)
    %dma_start3A_36 = arith.constant 3 : i32
    %dma_start3A_37 = arith.constant 0 : i32
    %dma_start3A_38 = arith.constant 384 : i32
    %dma_start3A_39 = arith.constant 0 : i32
    %dma_start3A_40 = tpu.memref_slice %arg9[%dma_start3A_37, %dma_start3A_38, %dma_start3A_39] : memref<2x640x64xf32, #tpu.memory_space<vmem>> -> memref<1x128x64xf32, #tpu.memory_space<vmem>>
    %dma_start3A_41 = tpu.memref_squeeze %dma_start3A_40 : memref<1x128x64xf32, #tpu.memory_space<vmem>> -> memref<128x64xf32, #tpu.memory_space<vmem>>
    %dma_start3A_42 = arith.constant 0 : i32
    %dma_start3A_43 = tpu.memref_slice %arg7[%dma_start3A_36, %dma_start3A_42] : memref<80x128xi32, #tpu.memory_space<vmem>> -> memref<1x128xi32, #tpu.memory_space<vmem>>
    %dma_start3A_44 = tpu.memref_squeeze %dma_start3A_43 : memref<1x128xi32, #tpu.memory_space<vmem>> -> memref<128xi32, #tpu.memory_space<vmem>>
    %dma_start3A_45 = arith.constant 0 : i32
    %dma_start3A_46 = arith.constant 0 : i32
    %dma_start3A_47 = tpu.memref_slice %arg4[%dma_start3A_45, %dma_start3A_46] : memref<1000000x64xf32, #tpu.memory_space<hbm>> -> memref<1000000x64xf32, #tpu.memory_space<hbm>>
    tpu.enqueue_indirect_dma source(%dma_start3A_47 : memref<1000000x64xf32, #tpu.memory_space<hbm>>) target(%dma_start3A_41 : memref<128x64xf32, #tpu.memory_space<vmem>>) offsets(%dma_start3A_44 : memref<128xi32, #tpu.memory_space<vmem>>) semaphore(%arg12 : memref<!tpu.dma_semaphore, #tpu.memory_space<semaphore_mem>>)
    %dma_start3A_48 = arith.constant 4 : i32
    %dma_start3A_49 = arith.constant 0 : i32
    %dma_start3A_50 = arith.constant 512 : i32
    %dma_start3A_51 = arith.constant 0 : i32
    %dma_start3A_52 = tpu.memref_slice %arg9[%dma_start3A_49, %dma_start3A_50, %dma_start3A_51] : memref<2x640x64xf32, #tpu.memory_space<vmem>> -> memref<1x128x64xf32, #tpu.memory_space<vmem>>
    %dma_start3A_53 = tpu.memref_squeeze %dma_start3A_52 : memref<1x128x64xf32, #tpu.memory_space<vmem>> -> memref<128x64xf32, #tpu.memory_space<vmem>>
    %dma_start3A_54 = arith.constant 0 : i32
    %dma_start3A_55 = tpu.memref_slice %arg7[%dma_start3A_48, %dma_start3A_54] : memref<80x128xi32, #tpu.memory_space<vmem>> -> memref<1x128xi32, #tpu.memory_space<vmem>>
    %dma_start3A_56 = tpu.memref_squeeze %dma_start3A_55 : memref<1x128xi32, #tpu.memory_space<vmem>> -> memref<128xi32, #tpu.memory_space<vmem>>
    %dma_start3A_57 = arith.constant 0 : i32
    %dma_start3A_58 = arith.constant 0 : i32
    %dma_start3A_59 = tpu.memref_slice %arg4[%dma_start3A_57, %dma_start3A_58] : memref<1000000x64xf32, #tpu.memory_space<hbm>> -> memref<1000000x64xf32, #tpu.memory_space<hbm>>
    tpu.enqueue_indirect_dma source(%dma_start3A_59 : memref<1000000x64xf32, #tpu.memory_space<hbm>>) target(%dma_start3A_53 : memref<128x64xf32, #tpu.memory_space<vmem>>) offsets(%dma_start3A_56 : memref<128xi32, #tpu.memory_space<vmem>>) semaphore(%arg12 : memref<!tpu.dma_semaphore, #tpu.memory_space<semaphore_mem>>)
    %scan3A = arith.constant 0 : i32
    %scan3A_60 = arith.constant 0 : i32
    %scan3A_61 = arith.constant 4 : i32
    %scan3A_62 = arith.addi %scan3A_60, %scan3A_61 : i32
    %scan3A_63 = arith.constant 1 : i32
    %scan3A_64 = scf.for %scan3A_460 = %scan3A_60 to %scan3A_62 step %scan3A_63 iter_args(%scan3A_461 = %scan3A) -> (i32)  : i32 {
      %mul3A_462 = arith.constant 2 : i32
      %mul3A_463 = arith.muli %scan3A_460, %mul3A_462 : i32
      %add3A_464 = arith.constant 0 : i32
      %add3A_465 = arith.addi %mul3A_463, %add3A_464 : i32
      %dma_wait3A_466 = arith.constant 0 : i32
      %dma_wait3A_467 = arith.constant 0 : i32
      %dma_wait3A_468 = arith.constant 0 : i32
      %dma_wait3A_469 = tpu.memref_slice %arg9[%dma_wait3A_466, %dma_wait3A_467, %dma_wait3A_468] : memref<2x640x64xf32, #tpu.memory_space<vmem>> -> memref<1x640x64xf32, #tpu.memory_space<vmem>>
      %dma_wait3A_470 = tpu.memref_squeeze %dma_wait3A_469 : memref<1x640x64xf32, #tpu.memory_space<vmem>> -> memref<640x64xf32, #tpu.memory_space<vmem>>
      %dma_wait3A_471 = arith.constant 0 : i32
      %dma_wait3A_472 = arith.constant 0 : i32
      %dma_wait3A_473 = tpu.memref_slice %arg4[%dma_wait3A_471, %dma_wait3A_472] : memref<1000000x64xf32, #tpu.memory_space<hbm>> -> memref<640x64xf32, #tpu.memory_space<hbm>>
      %dma_wait3A_474 = arith.constant 0 : i32
      %dma_wait3A_475 = arith.constant 0 : i32
      %dma_wait3A_476 = tpu.memref_slice %arg9[%dma_wait3A_466, %dma_wait3A_474, %dma_wait3A_475] : memref<2x640x64xf32, #tpu.memory_space<vmem>> -> memref<1x640x64xf32, #tpu.memory_space<vmem>>
      %dma_wait3A_477 = tpu.memref_squeeze %dma_wait3A_476 : memref<1x640x64xf32, #tpu.memory_space<vmem>> -> memref<640x64xf32, #tpu.memory_space<vmem>>
      %dma_wait3A_478 = arith.constant 0 : i32
      %dma_wait3A_479 = arith.constant 0 : i32
      %dma_wait3A_480 = tpu.memref_slice %arg4[%dma_wait3A_478, %dma_wait3A_479] : memref<1000000x64xf32, #tpu.memory_space<hbm>> -> memref<640x64xf32, #tpu.memory_space<hbm>>
      tpu.wait_dma2 semaphore(%arg12 : memref<!tpu.dma_semaphore, #tpu.memory_space<semaphore_mem>>) src(%dma_wait3A_480 : memref<640x64xf32, #tpu.memory_space<hbm>>) dst(%dma_wait3A_477 : memref<640x64xf32, #tpu.memory_space<vmem>>)
      %add3A_481 = arith.constant 1 : i32
      %add3A_482 = arith.addi %add3A_465, %add3A_481 : i32
      %lt3A = arith.constant 8 : i32
      %lt3A_483 = arith.cmpi slt, %add3A_482, %lt3A : i32
      %convert_element_type3A = arith.extui %lt3A_483 : i1 to i32
      %cond3A = arith.constant 0 : i32
      %cond3A_484 = arith.cmpi ne, %convert_element_type3A, %cond3A : i32
      scf.if %cond3A_484 {
        %add3A_530 = arith.constant 0 : i32
        %add3A_531 = arith.addi %add3A_530, %add3A_465 : i32
        %add3A_532 = arith.constant 1 : i32
        %add3A_533 = arith.addi %add3A_531, %add3A_532 : i32
        %mul3A_534 = arith.constant 5 : i32
        %mul3A_535 = arith.muli %add3A_533, %mul3A_534 : i32
        %add3A_536 = arith.constant 0 : i32
        %add3A_537 = arith.addi %mul3A_535, %add3A_536 : i32
        %dma_start3A_538 = arith.constant 1 : i32
        %dma_start3A_539 = arith.constant 0 : i32
        %dma_start3A_540 = arith.constant 0 : i32
        %dma_start3A_541 = tpu.memref_slice %arg9[%dma_start3A_538, %dma_start3A_539, %dma_start3A_540] : memref<2x640x64xf32, #tpu.memory_space<vmem>> -> memref<1x128x64xf32, #tpu.memory_space<vmem>>
        %dma_start3A_542 = tpu.memref_squeeze %dma_start3A_541 : memref<1x128x64xf32, #tpu.memory_space<vmem>> -> memref<128x64xf32, #tpu.memory_space<vmem>>
        %dma_start3A_543 = arith.constant 0 : i32
        %dma_start3A_544 = tpu.memref_slice %arg7[%add3A_537, %dma_start3A_543] : memref<80x128xi32, #tpu.memory_space<vmem>> -> memref<1x128xi32, #tpu.memory_space<vmem>>
        %dma_start3A_545 = tpu.memref_squeeze %dma_start3A_544 : memref<1x128xi32, #tpu.memory_space<vmem>> -> memref<128xi32, #tpu.memory_space<vmem>>
        %dma_start3A_546 = arith.constant 0 : i32
        %dma_start3A_547 = arith.constant 0 : i32
        %dma_start3A_548 = tpu.memref_slice %arg4[%dma_start3A_546, %dma_start3A_547] : memref<1000000x64xf32, #tpu.memory_space<hbm>> -> memref<1000000x64xf32, #tpu.memory_space<hbm>>
        tpu.enqueue_indirect_dma source(%dma_start3A_548 : memref<1000000x64xf32, #tpu.memory_space<hbm>>) target(%dma_start3A_542 : memref<128x64xf32, #tpu.memory_space<vmem>>) offsets(%dma_start3A_545 : memref<128xi32, #tpu.memory_space<vmem>>) semaphore(%arg13 : memref<!tpu.dma_semaphore, #tpu.memory_space<semaphore_mem>>)
        %mul3A_549 = arith.constant 5 : i32
        %mul3A_550 = arith.muli %add3A_533, %mul3A_549 : i32
        %add3A_551 = arith.constant 1 : i32
        %add3A_552 = arith.addi %mul3A_550, %add3A_551 : i32
        %dma_start3A_553 = arith.constant 1 : i32
        %dma_start3A_554 = arith.constant 128 : i32
        %dma_start3A_555 = arith.constant 0 : i32
        %dma_start3A_556 = tpu.memref_slice %arg9[%dma_start3A_553, %dma_start3A_554, %dma_start3A_555] : memref<2x640x64xf32, #tpu.memory_space<vmem>> -> memref<1x128x64xf32, #tpu.memory_space<vmem>>
        %dma_start3A_557 = tpu.memref_squeeze %dma_start3A_556 : memref<1x128x64xf32, #tpu.memory_space<vmem>> -> memref<128x64xf32, #tpu.memory_space<vmem>>
        %dma_start3A_558 = arith.constant 0 : i32
        %dma_start3A_559 = tpu.memref_slice %arg7[%add3A_552, %dma_start3A_558] : memref<80x128xi32, #tpu.memory_space<vmem>> -> memref<1x128xi32, #tpu.memory_space<vmem>>
        %dma_start3A_560 = tpu.memref_squeeze %dma_start3A_559 : memref<1x128xi32, #tpu.memory_space<vmem>> -> memref<128xi32, #tpu.memory_space<vmem>>
        %dma_start3A_561 = arith.constant 0 : i32
        %dma_start3A_562 = arith.constant 0 : i32
        %dma_start3A_563 = tpu.memref_slice %arg4[%dma_start3A_561, %dma_start3A_562] : memref<1000000x64xf32, #tpu.memory_space<hbm>> -> memref<1000000x64xf32, #tpu.memory_space<hbm>>
        tpu.enqueue_indirect_dma source(%dma_start3A_563 : memref<1000000x64xf32, #tpu.memory_space<hbm>>) target(%dma_start3A_557 : memref<128x64xf32, #tpu.memory_space<vmem>>) offsets(%dma_start3A_560 : memref<128xi32, #tpu.memory_space<vmem>>) semaphore(%arg13 : memref<!tpu.dma_semaphore, #tpu.memory_space<semaphore_mem>>)
        %mul3A_564 = arith.constant 5 : i32
        %mul3A_565 = arith.muli %add3A_533, %mul3A_564 : i32
        %add3A_566 = arith.constant 2 : i32
        %add3A_567 = arith.addi %mul3A_565, %add3A_566 : i32
        %dma_start3A_568 = arith.constant 1 : i32
        %dma_start3A_569 = arith.constant 256 : i32
        %dma_start3A_570 = arith.constant 0 : i32
        %dma_start3A_571 = tpu.memref_slice %arg9[%dma_start3A_568, %dma_start3A_569, %dma_start3A_570] : memref<2x640x64xf32, #tpu.memory_space<vmem>> -> memref<1x128x64xf32, #tpu.memory_space<vmem>>
        %dma_start3A_572 = tpu.memref_squeeze %dma_start3A_571 : memref<1x128x64xf32, #tpu.memory_space<vmem>> -> memref<128x64xf32, #tpu.memory_space<vmem>>
        %dma_start3A_573 = arith.constant 0 : i32
        %dma_start3A_574 = tpu.memref_slice %arg7[%add3A_567, %dma_start3A_573] : memref<80x128xi32, #tpu.memory_space<vmem>> -> memref<1x128xi32, #tpu.memory_space<vmem>>
        %dma_start3A_575 = tpu.memref_squeeze %dma_start3A_574 : memref<1x128xi32, #tpu.memory_space<vmem>> -> memref<128xi32, #tpu.memory_space<vmem>>
        %dma_start3A_576 = arith.constant 0 : i32
        %dma_start3A_577 = arith.constant 0 : i32
        %dma_start3A_578 = tpu.memref_slice %arg4[%dma_start3A_576, %dma_start3A_577] : memref<1000000x64xf32, #tpu.memory_space<hbm>> -> memref<1000000x64xf32, #tpu.memory_space<hbm>>
        tpu.enqueue_indirect_dma source(%dma_start3A_578 : memref<1000000x64xf32, #tpu.memory_space<hbm>>) target(%dma_start3A_572 : memref<128x64xf32, #tpu.memory_space<vmem>>) offsets(%dma_start3A_575 : memref<128xi32, #tpu.memory_space<vmem>>) semaphore(%arg13 : memref<!tpu.dma_semaphore, #tpu.memory_space<semaphore_mem>>)
        %mul3A_579 = arith.constant 5 : i32
        %mul3A_580 = arith.muli %add3A_533, %mul3A_579 : i32
        %add3A_581 = arith.constant 3 : i32
        %add3A_582 = arith.addi %mul3A_580, %add3A_581 : i32
        %dma_start3A_583 = arith.constant 1 : i32
        %dma_start3A_584 = arith.constant 384 : i32
        %dma_start3A_585 = arith.constant 0 : i32
        %dma_start3A_586 = tpu.memref_slice %arg9[%dma_start3A_583, %dma_start3A_584, %dma_start3A_585] : memref<2x640x64xf32, #tpu.memory_space<vmem>> -> memref<1x128x64xf32, #tpu.memory_space<vmem>>
        %dma_start3A_587 = tpu.memref_squeeze %dma_start3A_586 : memref<1x128x64xf32, #tpu.memory_space<vmem>> -> memref<128x64xf32, #tpu.memory_space<vmem>>
        %dma_start3A_588 = arith.constant 0 : i32
        %dma_start3A_589 = tpu.memref_slice %arg7[%add3A_582, %dma_start3A_588] : memref<80x128xi32, #tpu.memory_space<vmem>> -> memref<1x128xi32, #tpu.memory_space<vmem>>
        %dma_start3A_590 = tpu.memref_squeeze %dma_start3A_589 : memref<1x128xi32, #tpu.memory_space<vmem>> -> memref<128xi32, #tpu.memory_space<vmem>>
        %dma_start3A_591 = arith.constant 0 : i32
        %dma_start3A_592 = arith.constant 0 : i32
        %dma_start3A_593 = tpu.memref_slice %arg4[%dma_start3A_591, %dma_start3A_592] : memref<1000000x64xf32, #tpu.memory_space<hbm>> -> memref<1000000x64xf32, #tpu.memory_space<hbm>>
        tpu.enqueue_indirect_dma source(%dma_start3A_593 : memref<1000000x64xf32, #tpu.memory_space<hbm>>) target(%dma_start3A_587 : memref<128x64xf32, #tpu.memory_space<vmem>>) offsets(%dma_start3A_590 : memref<128xi32, #tpu.memory_space<vmem>>) semaphore(%arg13 : memref<!tpu.dma_semaphore, #tpu.memory_space<semaphore_mem>>)
        %mul3A_594 = arith.constant 5 : i32
        %mul3A_595 = arith.muli %add3A_533, %mul3A_594 : i32
        %add3A_596 = arith.constant 4 : i32
        %add3A_597 = arith.addi %mul3A_595, %add3A_596 : i32
        %dma_start3A_598 = arith.constant 1 : i32
        %dma_start3A_599 = arith.constant 512 : i32
        %dma_start3A_600 = arith.constant 0 : i32
        %dma_start3A_601 = tpu.memref_slice %arg9[%dma_start3A_598, %dma_start3A_599, %dma_start3A_600] : memref<2x640x64xf32, #tpu.memory_space<vmem>> -> memref<1x128x64xf32, #tpu.memory_space<vmem>>
        %dma_start3A_602 = tpu.memref_squeeze %dma_start3A_601 : memref<1x128x64xf32, #tpu.memory_space<vmem>> -> memref<128x64xf32, #tpu.memory_space<vmem>>
        %dma_start3A_603 = arith.constant 0 : i32
        %dma_start3A_604 = tpu.memref_slice %arg7[%add3A_597, %dma_start3A_603] : memref<80x128xi32, #tpu.memory_space<vmem>> -> memref<1x128xi32, #tpu.memory_space<vmem>>
        %dma_start3A_605 = tpu.memref_squeeze %dma_start3A_604 : memref<1x128xi32, #tpu.memory_space<vmem>> -> memref<128xi32, #tpu.memory_space<vmem>>
        %dma_start3A_606 = arith.constant 0 : i32
        %dma_start3A_607 = arith.constant 0 : i32
        %dma_start3A_608 = tpu.memref_slice %arg4[%dma_start3A_606, %dma_start3A_607] : memref<1000000x64xf32, #tpu.memory_space<hbm>> -> memref<1000000x64xf32, #tpu.memory_space<hbm>>
        tpu.enqueue_indirect_dma source(%dma_start3A_608 : memref<1000000x64xf32, #tpu.memory_space<hbm>>) target(%dma_start3A_602 : memref<128x64xf32, #tpu.memory_space<vmem>>) offsets(%dma_start3A_605 : memref<128xi32, #tpu.memory_space<vmem>>) semaphore(%arg13 : memref<!tpu.dma_semaphore, #tpu.memory_space<semaphore_mem>>)
      } else {
      }
      %mul3A_485 = arith.constant 32 : i32
      %mul3A_486 = arith.muli %add3A_465, %mul3A_485 : i32
      %scan3A_487 = arith.constant 0 : i32
      %scan3A_488 = arith.constant 0 : i32
      %scan3A_489 = arith.constant 32 : i32
      %scan3A_490 = arith.addi %scan3A_488, %scan3A_489 : i32
      %scan3A_491 = arith.constant 1 : i32
      %scan3A_492 = scf.for %scan3A_530 = %scan3A_488 to %scan3A_490 step %scan3A_491 iter_args(%scan3A_531 = %scan3A_487) -> (i32)  : i32 {
        %mul3A_532 = arith.constant 20 : i32
        %mul3A_533 = arith.muli %scan3A_530, %mul3A_532 : i32
        %get3A = arith.constant 0 : i32
        %get3A_534 = arith.index_cast %get3A : i32 to index
        %get3A_535 = arith.index_cast %mul3A_533 : i32 to index
        %get3A_536 = arith.constant 0 : index
        %get3A_537 = tpu.vector_load %arg9[%get3A_534, %get3A_535, %get3A_536] {strides = array<i32>} : memref<2x640x64xf32, #tpu.memory_space<vmem>>, vector<16xf32>,
        %get3A_538 = arith.constant 0 : i32
        %get3A_539 = arith.index_cast %get3A_538 : i32 to index
        %get3A_540 = arith.index_cast %mul3A_533 : i32 to index
        %get3A_541 = arith.constant 16 : index
        %get3A_542 = tpu.vector_load %arg9[%get3A_539, %get3A_540, %get3A_541] {strides = array<i32>} : memref<2x640x64xf32, #tpu.memory_space<vmem>>, vector<16xf32>,
        %get3A_543 = arith.constant 0 : i32
        %get3A_544 = arith.index_cast %get3A_543 : i32 to index
        %get3A_545 = arith.index_cast %mul3A_533 : i32 to index
        %get3A_546 = arith.constant 32 : index
        %get3A_547 = tpu.vector_load %arg9[%get3A_544, %get3A_545, %get3A_546] {strides = array<i32>} : memref<2x640x64xf32, #tpu.memory_space<vmem>>, vector<16xf32>,
        %get3A_548 = arith.constant 0 : i32
        %get3A_549 = arith.index_cast %get3A_548 : i32 to index
        %get3A_550 = arith.index_cast %mul3A_533 : i32 to index
        %get3A_551 = arith.constant 48 : index
        %get3A_552 = tpu.vector_load %arg9[%get3A_549, %get3A_550, %get3A_551] {strides = array<i32>} : memref<2x640x64xf32, #tpu.memory_space<vmem>>, vector<16xf32>,
        %add3A_553 = arith.constant 1 : i32
        %add3A_554 = arith.addi %mul3A_533, %add3A_553 : i32
        %get3A_555 = arith.constant 0 : i32
        %get3A_556 = arith.index_cast %get3A_555 : i32 to index
        %get3A_557 = arith.index_cast %add3A_554 : i32 to index
        %get3A_558 = arith.constant 0 : index
        %get3A_559 = tpu.vector_load %arg9[%get3A_556, %get3A_557, %get3A_558] {strides = array<i32>} : memref<2x640x64xf32, #tpu.memory_space<vmem>>, vector<16xf32>,
        %add3A_560 = arith.addf %get3A_537, %get3A_559 : vector<16xf32>
        %add3A_561 = arith.constant 1 : i32
        %add3A_562 = arith.addi %mul3A_533, %add3A_561 : i32
        %get3A_563 = arith.constant 0 : i32
        %get3A_564 = arith.index_cast %get3A_563 : i32 to index
        %get3A_565 = arith.index_cast %add3A_562 : i32 to index
        %get3A_566 = arith.constant 16 : index
        %get3A_567 = tpu.vector_load %arg9[%get3A_564, %get3A_565, %get3A_566] {strides = array<i32>} : memref<2x640x64xf32, #tpu.memory_space<vmem>>, vector<16xf32>,
        %add3A_568 = arith.addf %get3A_542, %get3A_567 : vector<16xf32>
        %add3A_569 = arith.constant 1 : i32
        %add3A_570 = arith.addi %mul3A_533, %add3A_569 : i32
        %get3A_571 = arith.constant 0 : i32
        %get3A_572 = arith.index_cast %get3A_571 : i32 to index
        %get3A_573 = arith.index_cast %add3A_570 : i32 to index
        %get3A_574 = arith.constant 32 : index
        %get3A_575 = tpu.vector_load %arg9[%get3A_572, %get3A_573, %get3A_574] {strides = array<i32>} : memref<2x640x64xf32, #tpu.memory_space<vmem>>, vector<16xf32>,
        %add3A_576 = arith.addf %get3A_547, %get3A_575 : vector<16xf32>
        %add3A_577 = arith.constant 1 : i32
        %add3A_578 = arith.addi %mul3A_533, %add3A_577 : i32
        %get3A_579 = arith.constant 0 : i32
        %get3A_580 = arith.index_cast %get3A_579 : i32 to index
        %get3A_581 = arith.index_cast %add3A_578 : i32 to index
        %get3A_582 = arith.constant 48 : index
        %get3A_583 = tpu.vector_load %arg9[%get3A_580, %get3A_581, %get3A_582] {strides = array<i32>} : memref<2x640x64xf32, #tpu.memory_space<vmem>>, vector<16xf32>,
        %add3A_584 = arith.addf %get3A_552, %get3A_583 : vector<16xf32>
        %add3A_585 = arith.constant 2 : i32
        %add3A_586 = arith.addi %mul3A_533, %add3A_585 : i32
        %get3A_587 = arith.constant 0 : i32
        %get3A_588 = arith.index_cast %get3A_587 : i32 to index
        %get3A_589 = arith.index_cast %add3A_586 : i32 to index
        %get3A_590 = arith.constant 0 : index
        %get3A_591 = tpu.vector_load %arg9[%get3A_588, %get3A_589, %get3A_590] {strides = array<i32>} : memref<2x640x64xf32, #tpu.memory_space<vmem>>, vector<16xf32>,
        %add3A_592 = arith.addf %add3A_560, %get3A_591 : vector<16xf32>
        %add3A_593 = arith.constant 2 : i32
        %add3A_594 = arith.addi %mul3A_533, %add3A_593 : i32
        %get3A_595 = arith.constant 0 : i32
        %get3A_596 = arith.index_cast %get3A_595 : i32 to index
        %get3A_597 = arith.index_cast %add3A_594 : i32 to index
        %get3A_598 = arith.constant 16 : index
        %get3A_599 = tpu.vector_load %arg9[%get3A_596, %get3A_597, %get3A_598] {strides = array<i32>} : memref<2x640x64xf32, #tpu.memory_space<vmem>>, vector<16xf32>,
        %add3A_600 = arith.addf %add3A_568, %get3A_599 : vector<16xf32>
        %add3A_601 = arith.constant 2 : i32
        %add3A_602 = arith.addi %mul3A_533, %add3A_601 : i32
        %get3A_603 = arith.constant 0 : i32
        %get3A_604 = arith.index_cast %get3A_603 : i32 to index
        %get3A_605 = arith.index_cast %add3A_602 : i32 to index
        %get3A_606 = arith.constant 32 : index
        %get3A_607 = tpu.vector_load %arg9[%get3A_604, %get3A_605, %get3A_606] {strides = array<i32>} : memref<2x640x64xf32, #tpu.memory_space<vmem>>, vector<16xf32>,
        %add3A_608 = arith.addf %add3A_576, %get3A_607 : vector<16xf32>
        %add3A_609 = arith.constant 2 : i32
        %add3A_610 = arith.addi %mul3A_533, %add3A_609 : i32
        %get3A_611 = arith.constant 0 : i32
        %get3A_612 = arith.index_cast %get3A_611 : i32 to index
        %get3A_613 = arith.index_cast %add3A_610 : i32 to index
        %get3A_614 = arith.constant 48 : index
        %get3A_615 = tpu.vector_load %arg9[%get3A_612, %get3A_613, %get3A_614] {strides = array<i32>} : memref<2x640x64xf32, #tpu.memory_space<vmem>>, vector<16xf32>,
        %add3A_616 = arith.addf %add3A_584, %get3A_615 : vector<16xf32>
        %add3A_617 = arith.constant 3 : i32
        %add3A_618 = arith.addi %mul3A_533, %add3A_617 : i32
        %get3A_619 = arith.constant 0 : i32
        %get3A_620 = arith.index_cast %get3A_619 : i32 to index
        %get3A_621 = arith.index_cast %add3A_618 : i32 to index
        %get3A_622 = arith.constant 0 : index
        %get3A_623 = tpu.vector_load %arg9[%get3A_620, %get3A_621, %get3A_622] {strides = array<i32>} : memref<2x640x64xf32, #tpu.memory_space<vmem>>, vector<16xf32>,
        %add3A_624 = arith.addf %add3A_592, %get3A_623 : vector<16xf32>
        %add3A_625 = arith.constant 3 : i32
        %add3A_626 = arith.addi %mul3A_533, %add3A_625 : i32
        %get3A_627 = arith.constant 0 : i32
        %get3A_628 = arith.index_cast %get3A_627 : i32 to index
        %get3A_629 = arith.index_cast %add3A_626 : i32 to index
        %get3A_630 = arith.constant 16 : index
        %get3A_631 = tpu.vector_load %arg9[%get3A_628, %get3A_629, %get3A_630] {strides = array<i32>} : memref<2x640x64xf32, #tpu.memory_space<vmem>>, vector<16xf32>,
        %add3A_632 = arith.addf %add3A_600, %get3A_631 : vector<16xf32>
        %add3A_633 = arith.constant 3 : i32
        %add3A_634 = arith.addi %mul3A_533, %add3A_633 : i32
        %get3A_635 = arith.constant 0 : i32
        %get3A_636 = arith.index_cast %get3A_635 : i32 to index
        %get3A_637 = arith.index_cast %add3A_634 : i32 to index
        %get3A_638 = arith.constant 32 : index
        %get3A_639 = tpu.vector_load %arg9[%get3A_636, %get3A_637, %get3A_638] {strides = array<i32>} : memref<2x640x64xf32, #tpu.memory_space<vmem>>, vector<16xf32>,
        %add3A_640 = arith.addf %add3A_608, %get3A_639 : vector<16xf32>
        %add3A_641 = arith.constant 3 : i32
        %add3A_642 = arith.addi %mul3A_533, %add3A_641 : i32
        %get3A_643 = arith.constant 0 : i32
        %get3A_644 = arith.index_cast %get3A_643 : i32 to index
        %get3A_645 = arith.index_cast %add3A_642 : i32 to index
        %get3A_646 = arith.constant 48 : index
        %get3A_647 = tpu.vector_load %arg9[%get3A_644, %get3A_645, %get3A_646] {strides = array<i32>} : memref<2x640x64xf32, #tpu.memory_space<vmem>>, vector<16xf32>,
        %add3A_648 = arith.addf %add3A_616, %get3A_647 : vector<16xf32>
        %add3A_649 = arith.constant 4 : i32
        %add3A_650 = arith.addi %mul3A_533, %add3A_649 : i32
        %get3A_651 = arith.constant 0 : i32
        %get3A_652 = arith.index_cast %get3A_651 : i32 to index
        %get3A_653 = arith.index_cast %add3A_650 : i32 to index
        %get3A_654 = arith.constant 0 : index
        %get3A_655 = tpu.vector_load %arg9[%get3A_652, %get3A_653, %get3A_654] {strides = array<i32>} : memref<2x640x64xf32, #tpu.memory_space<vmem>>, vector<16xf32>,
        %add3A_656 = arith.addf %add3A_624, %get3A_655 : vector<16xf32>
        %add3A_657 = arith.constant 4 : i32
        %add3A_658 = arith.addi %mul3A_533, %add3A_657 : i32
        %get3A_659 = arith.constant 0 : i32
        %get3A_660 = arith.index_cast %get3A_659 : i32 to index
        %get3A_661 = arith.index_cast %add3A_658 : i32 to index
        %get3A_662 = arith.constant 16 : index
        %get3A_663 = tpu.vector_load %arg9[%get3A_660, %get3A_661, %get3A_662] {strides = array<i32>} : memref<2x640x64xf32, #tpu.memory_space<vmem>>, vector<16xf32>,
        %add3A_664 = arith.addf %add3A_632, %get3A_663 : vector<16xf32>
        %add3A_665 = arith.constant 4 : i32
        %add3A_666 = arith.addi %mul3A_533, %add3A_665 : i32
        %get3A_667 = arith.constant 0 : i32
        %get3A_668 = arith.index_cast %get3A_667 : i32 to index
        %get3A_669 = arith.index_cast %add3A_666 : i32 to index
        %get3A_670 = arith.constant 32 : index
        %get3A_671 = tpu.vector_load %arg9[%get3A_668, %get3A_669, %get3A_670] {strides = array<i32>} : memref<2x640x64xf32, #tpu.memory_space<vmem>>, vector<16xf32>,
        %add3A_672 = arith.addf %add3A_640, %get3A_671 : vector<16xf32>
        %add3A_673 = arith.constant 4 : i32
        %add3A_674 = arith.addi %mul3A_533, %add3A_673 : i32
        %get3A_675 = arith.constant 0 : i32
        %get3A_676 = arith.index_cast %get3A_675 : i32 to index
        %get3A_677 = arith.index_cast %add3A_674 : i32 to index
        %get3A_678 = arith.constant 48 : index
        %get3A_679 = tpu.vector_load %arg9[%get3A_676, %get3A_677, %get3A_678] {strides = array<i32>} : memref<2x640x64xf32, #tpu.memory_space<vmem>>, vector<16xf32>,
        %add3A_680 = arith.addf %add3A_648, %get3A_679 : vector<16xf32>
        %add3A_681 = arith.constant 5 : i32
        %add3A_682 = arith.addi %mul3A_533, %add3A_681 : i32
        %get3A_683 = arith.constant 0 : i32
        %get3A_684 = arith.index_cast %get3A_683 : i32 to index
        %get3A_685 = arith.index_cast %add3A_682 : i32 to index
        %get3A_686 = arith.constant 0 : index
        %get3A_687 = tpu.vector_load %arg9[%get3A_684, %get3A_685, %get3A_686] {strides = array<i32>} : memref<2x640x64xf32, #tpu.memory_space<vmem>>, vector<16xf32>,
        %add3A_688 = arith.addf %add3A_656, %get3A_687 : vector<16xf32>
        %add3A_689 = arith.constant 5 : i32
        %add3A_690 = arith.addi %mul3A_533, %add3A_689 : i32
        %get3A_691 = arith.constant 0 : i32
        %get3A_692 = arith.index_cast %get3A_691 : i32 to index
        %get3A_693 = arith.index_cast %add3A_690 : i32 to index
        %get3A_694 = arith.constant 16 : index
        %get3A_695 = tpu.vector_load %arg9[%get3A_692, %get3A_693, %get3A_694] {strides = array<i32>} : memref<2x640x64xf32, #tpu.memory_space<vmem>>, vector<16xf32>,
        %add3A_696 = arith.addf %add3A_664, %get3A_695 : vector<16xf32>
        %add3A_697 = arith.constant 5 : i32
        %add3A_698 = arith.addi %mul3A_533, %add3A_697 : i32
        %get3A_699 = arith.constant 0 : i32
        %get3A_700 = arith.index_cast %get3A_699 : i32 to index
        %get3A_701 = arith.index_cast %add3A_698 : i32 to index
        %get3A_702 = arith.constant 32 : index
        %get3A_703 = tpu.vector_load %arg9[%get3A_700, %get3A_701, %get3A_702] {strides = array<i32>} : memref<2x640x64xf32, #tpu.memory_space<vmem>>, vector<16xf32>,
        %add3A_704 = arith.addf %add3A_672, %get3A_703 : vector<16xf32>
        %add3A_705 = arith.constant 5 : i32
        %add3A_706 = arith.addi %mul3A_533, %add3A_705 : i32
        %get3A_707 = arith.constant 0 : i32
        %get3A_708 = arith.index_cast %get3A_707 : i32 to index
        %get3A_709 = arith.index_cast %add3A_706 : i32 to index
        %get3A_710 = arith.constant 48 : index
        %get3A_711 = tpu.vector_load %arg9[%get3A_708, %get3A_709, %get3A_710] {strides = array<i32>} : memref<2x640x64xf32, #tpu.memory_space<vmem>>, vector<16xf32>,
        %add3A_712 = arith.addf %add3A_680, %get3A_711 : vector<16xf32>
        %add3A_713 = arith.constant 6 : i32
        %add3A_714 = arith.addi %mul3A_533, %add3A_713 : i32
        %get3A_715 = arith.constant 0 : i32
        %get3A_716 = arith.index_cast %get3A_715 : i32 to index
        %get3A_717 = arith.index_cast %add3A_714 : i32 to index
        %get3A_718 = arith.constant 0 : index
        %get3A_719 = tpu.vector_load %arg9[%get3A_716, %get3A_717, %get3A_718] {strides = array<i32>} : memref<2x640x64xf32, #tpu.memory_space<vmem>>, vector<16xf32>,
        %add3A_720 = arith.addf %add3A_688, %get3A_719 : vector<16xf32>
        %add3A_721 = arith.constant 6 : i32
        %add3A_722 = arith.addi %mul3A_533, %add3A_721 : i32
        %get3A_723 = arith.constant 0 : i32
        %get3A_724 = arith.index_cast %get3A_723 : i32 to index
        %get3A_725 = arith.index_cast %add3A_722 : i32 to index
        %get3A_726 = arith.constant 16 : index
        %get3A_727 = tpu.vector_load %arg9[%get3A_724, %get3A_725, %get3A_726] {strides = array<i32>} : memref<2x640x64xf32, #tpu.memory_space<vmem>>, vector<16xf32>,
        %add3A_728 = arith.addf %add3A_696, %get3A_727 : vector<16xf32>
        %add3A_729 = arith.constant 6 : i32
        %add3A_730 = arith.addi %mul3A_533, %add3A_729 : i32
        %get3A_731 = arith.constant 0 : i32
        %get3A_732 = arith.index_cast %get3A_731 : i32 to index
        %get3A_733 = arith.index_cast %add3A_730 : i32 to index
        %get3A_734 = arith.constant 32 : index
        %get3A_735 = tpu.vector_load %arg9[%get3A_732, %get3A_733, %get3A_734] {strides = array<i32>} : memref<2x640x64xf32, #tpu.memory_space<vmem>>, vector<16xf32>,
        %add3A_736 = arith.addf %add3A_704, %get3A_735 : vector<16xf32>
        %add3A_737 = arith.constant 6 : i32
        %add3A_738 = arith.addi %mul3A_533, %add3A_737 : i32
        %get3A_739 = arith.constant 0 : i32
        %get3A_740 = arith.index_cast %get3A_739 : i32 to index
        %get3A_741 = arith.index_cast %add3A_738 : i32 to index
        %get3A_742 = arith.constant 48 : index
        %get3A_743 = tpu.vector_load %arg9[%get3A_740, %get3A_741, %get3A_742] {strides = array<i32>} : memref<2x640x64xf32, #tpu.memory_space<vmem>>, vector<16xf32>,
        %add3A_744 = arith.addf %add3A_712, %get3A_743 : vector<16xf32>
        %add3A_745 = arith.constant 7 : i32
        %add3A_746 = arith.addi %mul3A_533, %add3A_745 : i32
        %get3A_747 = arith.constant 0 : i32
        %get3A_748 = arith.index_cast %get3A_747 : i32 to index
        %get3A_749 = arith.index_cast %add3A_746 : i32 to index
        %get3A_750 = arith.constant 0 : index
        %get3A_751 = tpu.vector_load %arg9[%get3A_748, %get3A_749, %get3A_750] {strides = array<i32>} : memref<2x640x64xf32, #tpu.memory_space<vmem>>, vector<16xf32>,
        %add3A_752 = arith.addf %add3A_720, %get3A_751 : vector<16xf32>
        %add3A_753 = arith.constant 7 : i32
        %add3A_754 = arith.addi %mul3A_533, %add3A_753 : i32
        %get3A_755 = arith.constant 0 : i32
        %get3A_756 = arith.index_cast %get3A_755 : i32 to index
        %get3A_757 = arith.index_cast %add3A_754 : i32 to index
        %get3A_758 = arith.constant 16 : index
        %get3A_759 = tpu.vector_load %arg9[%get3A_756, %get3A_757, %get3A_758] {strides = array<i32>} : memref<2x640x64xf32, #tpu.memory_space<vmem>>, vector<16xf32>,
        %add3A_760 = arith.addf %add3A_728, %get3A_759 : vector<16xf32>
        %add3A_761 = arith.constant 7 : i32
        %add3A_762 = arith.addi %mul3A_533, %add3A_761 : i32
        %get3A_763 = arith.constant 0 : i32
        %get3A_764 = arith.index_cast %get3A_763 : i32 to index
        %get3A_765 = arith.index_cast %add3A_762 : i32 to index
        %get3A_766 = arith.constant 32 : index
        %get3A_767 = tpu.vector_load %arg9[%get3A_764, %get3A_765, %get3A_766] {strides = array<i32>} : memref<2x640x64xf32, #tpu.memory_space<vmem>>, vector<16xf32>,
        %add3A_768 = arith.addf %add3A_736, %get3A_767 : vector<16xf32>
        %add3A_769 = arith.constant 7 : i32
        %add3A_770 = arith.addi %mul3A_533, %add3A_769 : i32
        %get3A_771 = arith.constant 0 : i32
        %get3A_772 = arith.index_cast %get3A_771 : i32 to index
        %get3A_773 = arith.index_cast %add3A_770 : i32 to index
        %get3A_774 = arith.constant 48 : index
        %get3A_775 = tpu.vector_load %arg9[%get3A_772, %get3A_773, %get3A_774] {strides = array<i32>} : memref<2x640x64xf32, #tpu.memory_space<vmem>>, vector<16xf32>,
        %add3A_776 = arith.addf %add3A_744, %get3A_775 : vector<16xf32>
        %add3A_777 = arith.constant 8 : i32
        %add3A_778 = arith.addi %mul3A_533, %add3A_777 : i32
        %get3A_779 = arith.constant 0 : i32
        %get3A_780 = arith.index_cast %get3A_779 : i32 to index
        %get3A_781 = arith.index_cast %add3A_778 : i32 to index
        %get3A_782 = arith.constant 0 : index
        %get3A_783 = tpu.vector_load %arg9[%get3A_780, %get3A_781, %get3A_782] {strides = array<i32>} : memref<2x640x64xf32, #tpu.memory_space<vmem>>, vector<16xf32>,
        %add3A_784 = arith.addf %add3A_752, %get3A_783 : vector<16xf32>
        %add3A_785 = arith.constant 8 : i32
        %add3A_786 = arith.addi %mul3A_533, %add3A_785 : i32
        %get3A_787 = arith.constant 0 : i32
        %get3A_788 = arith.index_cast %get3A_787 : i32 to index
        %get3A_789 = arith.index_cast %add3A_786 : i32 to index
        %get3A_790 = arith.constant 16 : index
        %get3A_791 = tpu.vector_load %arg9[%get3A_788, %get3A_789, %get3A_790] {strides = array<i32>} : memref<2x640x64xf32, #tpu.memory_space<vmem>>, vector<16xf32>,
        %add3A_792 = arith.addf %add3A_760, %get3A_791 : vector<16xf32>
        %add3A_793 = arith.constant 8 : i32
        %add3A_794 = arith.addi %mul3A_533, %add3A_793 : i32
        %get3A_795 = arith.constant 0 : i32
        %get3A_796 = arith.index_cast %get3A_795 : i32 to index
        %get3A_797 = arith.index_cast %add3A_794 : i32 to index
        %get3A_798 = arith.constant 32 : index
        %get3A_799 = tpu.vector_load %arg9[%get3A_796, %get3A_797, %get3A_798] {strides = array<i32>} : memref<2x640x64xf32, #tpu.memory_space<vmem>>, vector<16xf32>,
        %add3A_800 = arith.addf %add3A_768, %get3A_799 : vector<16xf32>
        %add3A_801 = arith.constant 8 : i32
        %add3A_802 = arith.addi %mul3A_533, %add3A_801 : i32
        %get3A_803 = arith.constant 0 : i32
        %get3A_804 = arith.index_cast %get3A_803 : i32 to index
        %get3A_805 = arith.index_cast %add3A_802 : i32 to index
        %get3A_806 = arith.constant 48 : index
        %get3A_807 = tpu.vector_load %arg9[%get3A_804, %get3A_805, %get3A_806] {strides = array<i32>} : memref<2x640x64xf32, #tpu.memory_space<vmem>>, vector<16xf32>,
        %add3A_808 = arith.addf %add3A_776, %get3A_807 : vector<16xf32>
        %add3A_809 = arith.constant 9 : i32
        %add3A_810 = arith.addi %mul3A_533, %add3A_809 : i32
        %get3A_811 = arith.constant 0 : i32
        %get3A_812 = arith.index_cast %get3A_811 : i32 to index
        %get3A_813 = arith.index_cast %add3A_810 : i32 to index
        %get3A_814 = arith.constant 0 : index
        %get3A_815 = tpu.vector_load %arg9[%get3A_812, %get3A_813, %get3A_814] {strides = array<i32>} : memref<2x640x64xf32, #tpu.memory_space<vmem>>, vector<16xf32>,
        %add3A_816 = arith.addf %add3A_784, %get3A_815 : vector<16xf32>
        %add3A_817 = arith.constant 9 : i32
        %add3A_818 = arith.addi %mul3A_533, %add3A_817 : i32
        %get3A_819 = arith.constant 0 : i32
        %get3A_820 = arith.index_cast %get3A_819 : i32 to index
        %get3A_821 = arith.index_cast %add3A_818 : i32 to index
        %get3A_822 = arith.constant 16 : index
        %get3A_823 = tpu.vector_load %arg9[%get3A_820, %get3A_821, %get3A_822] {strides = array<i32>} : memref<2x640x64xf32, #tpu.memory_space<vmem>>, vector<16xf32>,
        %add3A_824 = arith.addf %add3A_792, %get3A_823 : vector<16xf32>
        %add3A_825 = arith.constant 9 : i32
        %add3A_826 = arith.addi %mul3A_533, %add3A_825 : i32
        %get3A_827 = arith.constant 0 : i32
        %get3A_828 = arith.index_cast %get3A_827 : i32 to index
        %get3A_829 = arith.index_cast %add3A_826 : i32 to index
        %get3A_830 = arith.constant 32 : index
        %get3A_831 = tpu.vector_load %arg9[%get3A_828, %get3A_829, %get3A_830] {strides = array<i32>} : memref<2x640x64xf32, #tpu.memory_space<vmem>>, vector<16xf32>,
        %add3A_832 = arith.addf %add3A_800, %get3A_831 : vector<16xf32>
        %add3A_833 = arith.constant 9 : i32
        %add3A_834 = arith.addi %mul3A_533, %add3A_833 : i32
        %get3A_835 = arith.constant 0 : i32
        %get3A_836 = arith.index_cast %get3A_835 : i32 to index
        %get3A_837 = arith.index_cast %add3A_834 : i32 to index
        %get3A_838 = arith.constant 48 : index
        %get3A_839 = tpu.vector_load %arg9[%get3A_836, %get3A_837, %get3A_838] {strides = array<i32>} : memref<2x640x64xf32, #tpu.memory_space<vmem>>, vector<16xf32>,
        %add3A_840 = arith.addf %add3A_808, %get3A_839 : vector<16xf32>
        %add3A_841 = arith.constant 10 : i32
        %add3A_842 = arith.addi %mul3A_533, %add3A_841 : i32
        %get3A_843 = arith.constant 0 : i32
        %get3A_844 = arith.index_cast %get3A_843 : i32 to index
        %get3A_845 = arith.index_cast %add3A_842 : i32 to index
        %get3A_846 = arith.constant 0 : index
        %get3A_847 = tpu.vector_load %arg9[%get3A_844, %get3A_845, %get3A_846] {strides = array<i32>} : memref<2x640x64xf32, #tpu.memory_space<vmem>>, vector<16xf32>,
        %add3A_848 = arith.addf %add3A_816, %get3A_847 : vector<16xf32>
        %add3A_849 = arith.constant 10 : i32
        %add3A_850 = arith.addi %mul3A_533, %add3A_849 : i32
        %get3A_851 = arith.constant 0 : i32
        %get3A_852 = arith.index_cast %get3A_851 : i32 to index
        %get3A_853 = arith.index_cast %add3A_850 : i32 to index
        %get3A_854 = arith.constant 16 : index
        %get3A_855 = tpu.vector_load %arg9[%get3A_852, %get3A_853, %get3A_854] {strides = array<i32>} : memref<2x640x64xf32, #tpu.memory_space<vmem>>, vector<16xf32>,
        %add3A_856 = arith.addf %add3A_824, %get3A_855 : vector<16xf32>
        %add3A_857 = arith.constant 10 : i32
        %add3A_858 = arith.addi %mul3A_533, %add3A_857 : i32
        %get3A_859 = arith.constant 0 : i32
        %get3A_860 = arith.index_cast %get3A_859 : i32 to index
        %get3A_861 = arith.index_cast %add3A_858 : i32 to index
        %get3A_862 = arith.constant 32 : index
        %get3A_863 = tpu.vector_load %arg9[%get3A_860, %get3A_861, %get3A_862] {strides = array<i32>} : memref<2x640x64xf32, #tpu.memory_space<vmem>>, vector<16xf32>,
        %add3A_864 = arith.addf %add3A_832, %get3A_863 : vector<16xf32>
        %add3A_865 = arith.constant 10 : i32
        %add3A_866 = arith.addi %mul3A_533, %add3A_865 : i32
        %get3A_867 = arith.constant 0 : i32
        %get3A_868 = arith.index_cast %get3A_867 : i32 to index
        %get3A_869 = arith.index_cast %add3A_866 : i32 to index
        %get3A_870 = arith.constant 48 : index
        %get3A_871 = tpu.vector_load %arg9[%get3A_868, %get3A_869, %get3A_870] {strides = array<i32>} : memref<2x640x64xf32, #tpu.memory_space<vmem>>, vector<16xf32>,
        %add3A_872 = arith.addf %add3A_840, %get3A_871 : vector<16xf32>
        %add3A_873 = arith.constant 11 : i32
        %add3A_874 = arith.addi %mul3A_533, %add3A_873 : i32
        %get3A_875 = arith.constant 0 : i32
        %get3A_876 = arith.index_cast %get3A_875 : i32 to index
        %get3A_877 = arith.index_cast %add3A_874 : i32 to index
        %get3A_878 = arith.constant 0 : index
        %get3A_879 = tpu.vector_load %arg9[%get3A_876, %get3A_877, %get3A_878] {strides = array<i32>} : memref<2x640x64xf32, #tpu.memory_space<vmem>>, vector<16xf32>,
        %add3A_880 = arith.addf %add3A_848, %get3A_879 : vector<16xf32>
        %add3A_881 = arith.constant 11 : i32
        %add3A_882 = arith.addi %mul3A_533, %add3A_881 : i32
        %get3A_883 = arith.constant 0 : i32
        %get3A_884 = arith.index_cast %get3A_883 : i32 to index
        %get3A_885 = arith.index_cast %add3A_882 : i32 to index
        %get3A_886 = arith.constant 16 : index
        %get3A_887 = tpu.vector_load %arg9[%get3A_884, %get3A_885, %get3A_886] {strides = array<i32>} : memref<2x640x64xf32, #tpu.memory_space<vmem>>, vector<16xf32>,
        %add3A_888 = arith.addf %add3A_856, %get3A_887 : vector<16xf32>
        %add3A_889 = arith.constant 11 : i32
        %add3A_890 = arith.addi %mul3A_533, %add3A_889 : i32
        %get3A_891 = arith.constant 0 : i32
        %get3A_892 = arith.index_cast %get3A_891 : i32 to index
        %get3A_893 = arith.index_cast %add3A_890 : i32 to index
        %get3A_894 = arith.constant 32 : index
        %get3A_895 = tpu.vector_load %arg9[%get3A_892, %get3A_893, %get3A_894] {strides = array<i32>} : memref<2x640x64xf32, #tpu.memory_space<vmem>>, vector<16xf32>,
        %add3A_896 = arith.addf %add3A_864, %get3A_895 : vector<16xf32>
        %add3A_897 = arith.constant 11 : i32
        %add3A_898 = arith.addi %mul3A_533, %add3A_897 : i32
        %get3A_899 = arith.constant 0 : i32
        %get3A_900 = arith.index_cast %get3A_899 : i32 to index
        %get3A_901 = arith.index_cast %add3A_898 : i32 to index
        %get3A_902 = arith.constant 48 : index
        %get3A_903 = tpu.vector_load %arg9[%get3A_900, %get3A_901, %get3A_902] {strides = array<i32>} : memref<2x640x64xf32, #tpu.memory_space<vmem>>, vector<16xf32>,
        %add3A_904 = arith.addf %add3A_872, %get3A_903 : vector<16xf32>
        %add3A_905 = arith.constant 12 : i32
        %add3A_906 = arith.addi %mul3A_533, %add3A_905 : i32
        %get3A_907 = arith.constant 0 : i32
        %get3A_908 = arith.index_cast %get3A_907 : i32 to index
        %get3A_909 = arith.index_cast %add3A_906 : i32 to index
        %get3A_910 = arith.constant 0 : index
        %get3A_911 = tpu.vector_load %arg9[%get3A_908, %get3A_909, %get3A_910] {strides = array<i32>} : memref<2x640x64xf32, #tpu.memory_space<vmem>>, vector<16xf32>,
        %add3A_912 = arith.addf %add3A_880, %get3A_911 : vector<16xf32>
        %add3A_913 = arith.constant 12 : i32
        %add3A_914 = arith.addi %mul3A_533, %add3A_913 : i32
        %get3A_915 = arith.constant 0 : i32
        %get3A_916 = arith.index_cast %get3A_915 : i32 to index
        %get3A_917 = arith.index_cast %add3A_914 : i32 to index
        %get3A_918 = arith.constant 16 : index
        %get3A_919 = tpu.vector_load %arg9[%get3A_916, %get3A_917, %get3A_918] {strides = array<i32>} : memref<2x640x64xf32, #tpu.memory_space<vmem>>, vector<16xf32>,
        %add3A_920 = arith.addf %add3A_888, %get3A_919 : vector<16xf32>
        %add3A_921 = arith.constant 12 : i32
        %add3A_922 = arith.addi %mul3A_533, %add3A_921 : i32
        %get3A_923 = arith.constant 0 : i32
        %get3A_924 = arith.index_cast %get3A_923 : i32 to index
        %get3A_925 = arith.index_cast %add3A_922 : i32 to index
        %get3A_926 = arith.constant 32 : index
        %get3A_927 = tpu.vector_load %arg9[%get3A_924, %get3A_925, %get3A_926] {strides = array<i32>} : memref<2x640x64xf32, #tpu.memory_space<vmem>>, vector<16xf32>,
        %add3A_928 = arith.addf %add3A_896, %get3A_927 : vector<16xf32>
        %add3A_929 = arith.constant 12 : i32
        %add3A_930 = arith.addi %mul3A_533, %add3A_929 : i32
        %get3A_931 = arith.constant 0 : i32
        %get3A_932 = arith.index_cast %get3A_931 : i32 to index
        %get3A_933 = arith.index_cast %add3A_930 : i32 to index
        %get3A_934 = arith.constant 48 : index
        %get3A_935 = tpu.vector_load %arg9[%get3A_932, %get3A_933, %get3A_934] {strides = array<i32>} : memref<2x640x64xf32, #tpu.memory_space<vmem>>, vector<16xf32>,
        %add3A_936 = arith.addf %add3A_904, %get3A_935 : vector<16xf32>
        %add3A_937 = arith.constant 13 : i32
        %add3A_938 = arith.addi %mul3A_533, %add3A_937 : i32
        %get3A_939 = arith.constant 0 : i32
        %get3A_940 = arith.index_cast %get3A_939 : i32 to index
        %get3A_941 = arith.index_cast %add3A_938 : i32 to index
        %get3A_942 = arith.constant 0 : index
        %get3A_943 = tpu.vector_load %arg9[%get3A_940, %get3A_941, %get3A_942] {strides = array<i32>} : memref<2x640x64xf32, #tpu.memory_space<vmem>>, vector<16xf32>,
        %add3A_944 = arith.addf %add3A_912, %get3A_943 : vector<16xf32>
        %add3A_945 = arith.constant 13 : i32
        %add3A_946 = arith.addi %mul3A_533, %add3A_945 : i32
        %get3A_947 = arith.constant 0 : i32
        %get3A_948 = arith.index_cast %get3A_947 : i32 to index
        %get3A_949 = arith.index_cast %add3A_946 : i32 to index
        %get3A_950 = arith.constant 16 : index
        %get3A_951 = tpu.vector_load %arg9[%get3A_948, %get3A_949, %get3A_950] {strides = array<i32>} : memref<2x640x64xf32, #tpu.memory_space<vmem>>, vector<16xf32>,
        %add3A_952 = arith.addf %add3A_920, %get3A_951 : vector<16xf32>
        %add3A_953 = arith.constant 13 : i32
        %add3A_954 = arith.addi %mul3A_533, %add3A_953 : i32
        %get3A_955 = arith.constant 0 : i32
        %get3A_956 = arith.index_cast %get3A_955 : i32 to index
        %get3A_957 = arith.index_cast %add3A_954 : i32 to index
        %get3A_958 = arith.constant 32 : index
        %get3A_959 = tpu.vector_load %arg9[%get3A_956, %get3A_957, %get3A_958] {strides = array<i32>} : memref<2x640x64xf32, #tpu.memory_space<vmem>>, vector<16xf32>,
        %add3A_960 = arith.addf %add3A_928, %get3A_959 : vector<16xf32>
        %add3A_961 = arith.constant 13 : i32
        %add3A_962 = arith.addi %mul3A_533, %add3A_961 : i32
        %get3A_963 = arith.constant 0 : i32
        %get3A_964 = arith.index_cast %get3A_963 : i32 to index
        %get3A_965 = arith.index_cast %add3A_962 : i32 to index
        %get3A_966 = arith.constant 48 : index
        %get3A_967 = tpu.vector_load %arg9[%get3A_964, %get3A_965, %get3A_966] {strides = array<i32>} : memref<2x640x64xf32, #tpu.memory_space<vmem>>, vector<16xf32>,
        %add3A_968 = arith.addf %add3A_936, %get3A_967 : vector<16xf32>
        %add3A_969 = arith.constant 14 : i32
        %add3A_970 = arith.addi %mul3A_533, %add3A_969 : i32
        %get3A_971 = arith.constant 0 : i32
        %get3A_972 = arith.index_cast %get3A_971 : i32 to index
        %get3A_973 = arith.index_cast %add3A_970 : i32 to index
        %get3A_974 = arith.constant 0 : index
        %get3A_975 = tpu.vector_load %arg9[%get3A_972, %get3A_973, %get3A_974] {strides = array<i32>} : memref<2x640x64xf32, #tpu.memory_space<vmem>>, vector<16xf32>,
        %add3A_976 = arith.addf %add3A_944, %get3A_975 : vector<16xf32>
        %add3A_977 = arith.constant 14 : i32
        %add3A_978 = arith.addi %mul3A_533, %add3A_977 : i32
        %get3A_979 = arith.constant 0 : i32
        %get3A_980 = arith.index_cast %get3A_979 : i32 to index
        %get3A_981 = arith.index_cast %add3A_978 : i32 to index
        %get3A_982 = arith.constant 16 : index
        %get3A_983 = tpu.vector_load %arg9[%get3A_980, %get3A_981, %get3A_982] {strides = array<i32>} : memref<2x640x64xf32, #tpu.memory_space<vmem>>, vector<16xf32>,
        %add3A_984 = arith.addf %add3A_952, %get3A_983 : vector<16xf32>
        %add3A_985 = arith.constant 14 : i32
        %add3A_986 = arith.addi %mul3A_533, %add3A_985 : i32
        %get3A_987 = arith.constant 0 : i32
        %get3A_988 = arith.index_cast %get3A_987 : i32 to index
        %get3A_989 = arith.index_cast %add3A_986 : i32 to index
        %get3A_990 = arith.constant 32 : index
        %get3A_991 = tpu.vector_load %arg9[%get3A_988, %get3A_989, %get3A_990] {strides = array<i32>} : memref<2x640x64xf32, #tpu.memory_space<vmem>>, vector<16xf32>,
        %add3A_992 = arith.addf %add3A_960, %get3A_991 : vector<16xf32>
        %add3A_993 = arith.constant 14 : i32
        %add3A_994 = arith.addi %mul3A_533, %add3A_993 : i32
        %get3A_995 = arith.constant 0 : i32
        %get3A_996 = arith.index_cast %get3A_995 : i32 to index
        %get3A_997 = arith.index_cast %add3A_994 : i32 to index
        %get3A_998 = arith.constant 48 : index
        %get3A_999 = tpu.vector_load %arg9[%get3A_996, %get3A_997, %get3A_998] {strides = array<i32>} : memref<2x640x64xf32, #tpu.memory_space<vmem>>, vector<16xf32>,
        %add3A_1000 = arith.addf %add3A_968, %get3A_999 : vector<16xf32>
        %add3A_1001 = arith.constant 15 : i32
        %add3A_1002 = arith.addi %mul3A_533, %add3A_1001 : i32
        %get3A_1003 = arith.constant 0 : i32
        %get3A_1004 = arith.index_cast %get3A_1003 : i32 to index
        %get3A_1005 = arith.index_cast %add3A_1002 : i32 to index
        %get3A_1006 = arith.constant 0 : index
        %get3A_1007 = tpu.vector_load %arg9[%get3A_1004, %get3A_1005, %get3A_1006] {strides = array<i32>} : memref<2x640x64xf32, #tpu.memory_space<vmem>>, vector<16xf32>,
        %add3A_1008 = arith.addf %add3A_976, %get3A_1007 : vector<16xf32>
        %add3A_1009 = arith.constant 15 : i32
        %add3A_1010 = arith.addi %mul3A_533, %add3A_1009 : i32
        %get3A_1011 = arith.constant 0 : i32
        %get3A_1012 = arith.index_cast %get3A_1011 : i32 to index
        %get3A_1013 = arith.index_cast %add3A_1010 : i32 to index
        %get3A_1014 = arith.constant 16 : index
        %get3A_1015 = tpu.vector_load %arg9[%get3A_1012, %get3A_1013, %get3A_1014] {strides = array<i32>} : memref<2x640x64xf32, #tpu.memory_space<vmem>>, vector<16xf32>,
        %add3A_1016 = arith.addf %add3A_984, %get3A_1015 : vector<16xf32>
        %add3A_1017 = arith.constant 15 : i32
        %add3A_1018 = arith.addi %mul3A_533, %add3A_1017 : i32
        %get3A_1019 = arith.constant 0 : i32
        %get3A_1020 = arith.index_cast %get3A_1019 : i32 to index
        %get3A_1021 = arith.index_cast %add3A_1018 : i32 to index
        %get3A_1022 = arith.constant 32 : index
        %get3A_1023 = tpu.vector_load %arg9[%get3A_1020, %get3A_1021, %get3A_1022] {strides = array<i32>} : memref<2x640x64xf32, #tpu.memory_space<vmem>>, vector<16xf32>,
        %add3A_1024 = arith.addf %add3A_992, %get3A_1023 : vector<16xf32>
        %add3A_1025 = arith.constant 15 : i32
        %add3A_1026 = arith.addi %mul3A_533, %add3A_1025 : i32
        %get3A_1027 = arith.constant 0 : i32
        %get3A_1028 = arith.index_cast %get3A_1027 : i32 to index
        %get3A_1029 = arith.index_cast %add3A_1026 : i32 to index
        %get3A_1030 = arith.constant 48 : index
        %get3A_1031 = tpu.vector_load %arg9[%get3A_1028, %get3A_1029, %get3A_1030] {strides = array<i32>} : memref<2x640x64xf32, #tpu.memory_space<vmem>>, vector<16xf32>,
        %add3A_1032 = arith.addf %add3A_1000, %get3A_1031 : vector<16xf32>
        %add3A_1033 = arith.constant 16 : i32
        %add3A_1034 = arith.addi %mul3A_533, %add3A_1033 : i32
        %get3A_1035 = arith.constant 0 : i32
        %get3A_1036 = arith.index_cast %get3A_1035 : i32 to index
        %get3A_1037 = arith.index_cast %add3A_1034 : i32 to index
        %get3A_1038 = arith.constant 0 : index
        %get3A_1039 = tpu.vector_load %arg9[%get3A_1036, %get3A_1037, %get3A_1038] {strides = array<i32>} : memref<2x640x64xf32, #tpu.memory_space<vmem>>, vector<16xf32>,
        %add3A_1040 = arith.addf %add3A_1008, %get3A_1039 : vector<16xf32>
        %add3A_1041 = arith.constant 16 : i32
        %add3A_1042 = arith.addi %mul3A_533, %add3A_1041 : i32
        %get3A_1043 = arith.constant 0 : i32
        %get3A_1044 = arith.index_cast %get3A_1043 : i32 to index
        %get3A_1045 = arith.index_cast %add3A_1042 : i32 to index
        %get3A_1046 = arith.constant 16 : index
        %get3A_1047 = tpu.vector_load %arg9[%get3A_1044, %get3A_1045, %get3A_1046] {strides = array<i32>} : memref<2x640x64xf32, #tpu.memory_space<vmem>>, vector<16xf32>,
        %add3A_1048 = arith.addf %add3A_1016, %get3A_1047 : vector<16xf32>
        %add3A_1049 = arith.constant 16 : i32
        %add3A_1050 = arith.addi %mul3A_533, %add3A_1049 : i32
        %get3A_1051 = arith.constant 0 : i32
        %get3A_1052 = arith.index_cast %get3A_1051 : i32 to index
        %get3A_1053 = arith.index_cast %add3A_1050 : i32 to index
        %get3A_1054 = arith.constant 32 : index
        %get3A_1055 = tpu.vector_load %arg9[%get3A_1052, %get3A_1053, %get3A_1054] {strides = array<i32>} : memref<2x640x64xf32, #tpu.memory_space<vmem>>, vector<16xf32>,
        %add3A_1056 = arith.addf %add3A_1024, %get3A_1055 : vector<16xf32>
        %add3A_1057 = arith.constant 16 : i32
        %add3A_1058 = arith.addi %mul3A_533, %add3A_1057 : i32
        %get3A_1059 = arith.constant 0 : i32
        %get3A_1060 = arith.index_cast %get3A_1059 : i32 to index
        %get3A_1061 = arith.index_cast %add3A_1058 : i32 to index
        %get3A_1062 = arith.constant 48 : index
        %get3A_1063 = tpu.vector_load %arg9[%get3A_1060, %get3A_1061, %get3A_1062] {strides = array<i32>} : memref<2x640x64xf32, #tpu.memory_space<vmem>>, vector<16xf32>,
        %add3A_1064 = arith.addf %add3A_1032, %get3A_1063 : vector<16xf32>
        %add3A_1065 = arith.constant 17 : i32
        %add3A_1066 = arith.addi %mul3A_533, %add3A_1065 : i32
        %get3A_1067 = arith.constant 0 : i32
        %get3A_1068 = arith.index_cast %get3A_1067 : i32 to index
        %get3A_1069 = arith.index_cast %add3A_1066 : i32 to index
        %get3A_1070 = arith.constant 0 : index
        %get3A_1071 = tpu.vector_load %arg9[%get3A_1068, %get3A_1069, %get3A_1070] {strides = array<i32>} : memref<2x640x64xf32, #tpu.memory_space<vmem>>, vector<16xf32>,
        %add3A_1072 = arith.addf %add3A_1040, %get3A_1071 : vector<16xf32>
        %add3A_1073 = arith.constant 17 : i32
        %add3A_1074 = arith.addi %mul3A_533, %add3A_1073 : i32
        %get3A_1075 = arith.constant 0 : i32
        %get3A_1076 = arith.index_cast %get3A_1075 : i32 to index
        %get3A_1077 = arith.index_cast %add3A_1074 : i32 to index
        %get3A_1078 = arith.constant 16 : index
        %get3A_1079 = tpu.vector_load %arg9[%get3A_1076, %get3A_1077, %get3A_1078] {strides = array<i32>} : memref<2x640x64xf32, #tpu.memory_space<vmem>>, vector<16xf32>,
        %add3A_1080 = arith.addf %add3A_1048, %get3A_1079 : vector<16xf32>
        %add3A_1081 = arith.constant 17 : i32
        %add3A_1082 = arith.addi %mul3A_533, %add3A_1081 : i32
        %get3A_1083 = arith.constant 0 : i32
        %get3A_1084 = arith.index_cast %get3A_1083 : i32 to index
        %get3A_1085 = arith.index_cast %add3A_1082 : i32 to index
        %get3A_1086 = arith.constant 32 : index
        %get3A_1087 = tpu.vector_load %arg9[%get3A_1084, %get3A_1085, %get3A_1086] {strides = array<i32>} : memref<2x640x64xf32, #tpu.memory_space<vmem>>, vector<16xf32>,
        %add3A_1088 = arith.addf %add3A_1056, %get3A_1087 : vector<16xf32>
        %add3A_1089 = arith.constant 17 : i32
        %add3A_1090 = arith.addi %mul3A_533, %add3A_1089 : i32
        %get3A_1091 = arith.constant 0 : i32
        %get3A_1092 = arith.index_cast %get3A_1091 : i32 to index
        %get3A_1093 = arith.index_cast %add3A_1090 : i32 to index
        %get3A_1094 = arith.constant 48 : index
        %get3A_1095 = tpu.vector_load %arg9[%get3A_1092, %get3A_1093, %get3A_1094] {strides = array<i32>} : memref<2x640x64xf32, #tpu.memory_space<vmem>>, vector<16xf32>,
        %add3A_1096 = arith.addf %add3A_1064, %get3A_1095 : vector<16xf32>
        %add3A_1097 = arith.constant 18 : i32
        %add3A_1098 = arith.addi %mul3A_533, %add3A_1097 : i32
        %get3A_1099 = arith.constant 0 : i32
        %get3A_1100 = arith.index_cast %get3A_1099 : i32 to index
        %get3A_1101 = arith.index_cast %add3A_1098 : i32 to index
        %get3A_1102 = arith.constant 0 : index
        %get3A_1103 = tpu.vector_load %arg9[%get3A_1100, %get3A_1101, %get3A_1102] {strides = array<i32>} : memref<2x640x64xf32, #tpu.memory_space<vmem>>, vector<16xf32>,
        %add3A_1104 = arith.addf %add3A_1072, %get3A_1103 : vector<16xf32>
        %add3A_1105 = arith.constant 18 : i32
        %add3A_1106 = arith.addi %mul3A_533, %add3A_1105 : i32
        %get3A_1107 = arith.constant 0 : i32
        %get3A_1108 = arith.index_cast %get3A_1107 : i32 to index
        %get3A_1109 = arith.index_cast %add3A_1106 : i32 to index
        %get3A_1110 = arith.constant 16 : index
        %get3A_1111 = tpu.vector_load %arg9[%get3A_1108, %get3A_1109, %get3A_1110] {strides = array<i32>} : memref<2x640x64xf32, #tpu.memory_space<vmem>>, vector<16xf32>,
        %add3A_1112 = arith.addf %add3A_1080, %get3A_1111 : vector<16xf32>
        %add3A_1113 = arith.constant 18 : i32
        %add3A_1114 = arith.addi %mul3A_533, %add3A_1113 : i32
        %get3A_1115 = arith.constant 0 : i32
        %get3A_1116 = arith.index_cast %get3A_1115 : i32 to index
        %get3A_1117 = arith.index_cast %add3A_1114 : i32 to index
        %get3A_1118 = arith.constant 32 : index
        %get3A_1119 = tpu.vector_load %arg9[%get3A_1116, %get3A_1117, %get3A_1118] {strides = array<i32>} : memref<2x640x64xf32, #tpu.memory_space<vmem>>, vector<16xf32>,
        %add3A_1120 = arith.addf %add3A_1088, %get3A_1119 : vector<16xf32>
        %add3A_1121 = arith.constant 18 : i32
        %add3A_1122 = arith.addi %mul3A_533, %add3A_1121 : i32
        %get3A_1123 = arith.constant 0 : i32
        %get3A_1124 = arith.index_cast %get3A_1123 : i32 to index
        %get3A_1125 = arith.index_cast %add3A_1122 : i32 to index
        %get3A_1126 = arith.constant 48 : index
        %get3A_1127 = tpu.vector_load %arg9[%get3A_1124, %get3A_1125, %get3A_1126] {strides = array<i32>} : memref<2x640x64xf32, #tpu.memory_space<vmem>>, vector<16xf32>,
        %add3A_1128 = arith.addf %add3A_1096, %get3A_1127 : vector<16xf32>
        %add3A_1129 = arith.constant 19 : i32
        %add3A_1130 = arith.addi %mul3A_533, %add3A_1129 : i32
        %get3A_1131 = arith.constant 0 : i32
        %get3A_1132 = arith.index_cast %get3A_1131 : i32 to index
        %get3A_1133 = arith.index_cast %add3A_1130 : i32 to index
        %get3A_1134 = arith.constant 0 : index
        %get3A_1135 = tpu.vector_load %arg9[%get3A_1132, %get3A_1133, %get3A_1134] {strides = array<i32>} : memref<2x640x64xf32, #tpu.memory_space<vmem>>, vector<16xf32>,
        %add3A_1136 = arith.addf %add3A_1104, %get3A_1135 : vector<16xf32>
        %add3A_1137 = arith.constant 19 : i32
        %add3A_1138 = arith.addi %mul3A_533, %add3A_1137 : i32
        %get3A_1139 = arith.constant 0 : i32
        %get3A_1140 = arith.index_cast %get3A_1139 : i32 to index
        %get3A_1141 = arith.index_cast %add3A_1138 : i32 to index
        %get3A_1142 = arith.constant 16 : index
        %get3A_1143 = tpu.vector_load %arg9[%get3A_1140, %get3A_1141, %get3A_1142] {strides = array<i32>} : memref<2x640x64xf32, #tpu.memory_space<vmem>>, vector<16xf32>,
        %add3A_1144 = arith.addf %add3A_1112, %get3A_1143 : vector<16xf32>
        %add3A_1145 = arith.constant 19 : i32
        %add3A_1146 = arith.addi %mul3A_533, %add3A_1145 : i32
        %get3A_1147 = arith.constant 0 : i32
        %get3A_1148 = arith.index_cast %get3A_1147 : i32 to index
        %get3A_1149 = arith.index_cast %add3A_1146 : i32 to index
        %get3A_1150 = arith.constant 32 : index
        %get3A_1151 = tpu.vector_load %arg9[%get3A_1148, %get3A_1149, %get3A_1150] {strides = array<i32>} : memref<2x640x64xf32, #tpu.memory_space<vmem>>, vector<16xf32>,
        %add3A_1152 = arith.addf %add3A_1120, %get3A_1151 : vector<16xf32>
        %add3A_1153 = arith.constant 19 : i32
        %add3A_1154 = arith.addi %mul3A_533, %add3A_1153 : i32
        %get3A_1155 = arith.constant 0 : i32
        %get3A_1156 = arith.index_cast %get3A_1155 : i32 to index
        %get3A_1157 = arith.index_cast %add3A_1154 : i32 to index
        %get3A_1158 = arith.constant 48 : index
        %get3A_1159 = tpu.vector_load %arg9[%get3A_1156, %get3A_1157, %get3A_1158] {strides = array<i32>} : memref<2x640x64xf32, #tpu.memory_space<vmem>>, vector<16xf32>,
        %add3A_1160 = arith.addf %add3A_1128, %get3A_1159 : vector<16xf32>
        %add3A_1161 = arith.addi %mul3A_486, %scan3A_530 : i32
        %swap3A = arith.index_cast %add3A_1161 : i32 to index
        %swap3A_1162 = arith.constant 0 : index
        %swap3A_1163 = tpu.vector_load %arg10[%swap3A, %swap3A_1162] {strides = array<i32>} : memref<256x64xf32, #tpu.memory_space<vmem>>, vector<16xf32>,
        tpu.vector_store %arg10[%swap3A, %swap3A_1162], %add3A_1136 {strides = array<i32>} : memref<256x64xf32, #tpu.memory_space<vmem>>, vector<16xf32>,
        %add3A_1164 = arith.addi %mul3A_486, %scan3A_530 : i32
        %swap3A_1165 = arith.index_cast %add3A_1164 : i32 to index
        %swap3A_1166 = arith.constant 16 : index
        %swap3A_1167 = tpu.vector_load %arg10[%swap3A_1165, %swap3A_1166] {strides = array<i32>} : memref<256x64xf32, #tpu.memory_space<vmem>>, vector<16xf32>,
        tpu.vector_store %arg10[%swap3A_1165, %swap3A_1166], %add3A_1144 {strides = array<i32>} : memref<256x64xf32, #tpu.memory_space<vmem>>, vector<16xf32>,
        %add3A_1168 = arith.addi %mul3A_486, %scan3A_530 : i32
        %swap3A_1169 = arith.index_cast %add3A_1168 : i32 to index
        %swap3A_1170 = arith.constant 32 : index
        %swap3A_1171 = tpu.vector_load %arg10[%swap3A_1169, %swap3A_1170] {strides = array<i32>} : memref<256x64xf32, #tpu.memory_space<vmem>>, vector<16xf32>,
        tpu.vector_store %arg10[%swap3A_1169, %swap3A_1170], %add3A_1152 {strides = array<i32>} : memref<256x64xf32, #tpu.memory_space<vmem>>, vector<16xf32>,
        %add3A_1172 = arith.addi %mul3A_486, %scan3A_530 : i32
        %swap3A_1173 = arith.index_cast %add3A_1172 : i32 to index
        %swap3A_1174 = arith.constant 48 : index
        %swap3A_1175 = tpu.vector_load %arg10[%swap3A_1173, %swap3A_1174] {strides = array<i32>} : memref<256x64xf32, #tpu.memory_space<vmem>>, vector<16xf32>,
        tpu.vector_store %arg10[%swap3A_1173, %swap3A_1174], %add3A_1160 {strides = array<i32>} : memref<256x64xf32, #tpu.memory_space<vmem>>, vector<16xf32>,
        %scan3A_1176 = arith.constant 0 : i32
        scf.yield %scan3A_1176 : i32
      }
      %scan3A_493 = arith.constant 32 : i32
      %mul3A_494 = arith.constant 2 : i32
      %mul3A_495 = arith.muli %scan3A_460, %mul3A_494 : i32
      %add3A_496 = arith.constant 1 : i32
      %add3A_497 = arith.addi %mul3A_495, %add3A_496 : i32
      %dma_wait3A_498 = arith.constant 1 : i32
      %dma_wait3A_499 = arith.constant 0 : i32
      %dma_wait3A_500 = arith.constant 0 : i32
      %dma_wait3A_501 = tpu.memref_slice %arg9[%dma_wait3A_498, %dma_wait3A_499, %dma_wait3A_500] : memref<2x640x64xf32, #tpu.memory_space<vmem>> -> memref<1x640x64xf32, #tpu.memory_space<vmem>>
      %dma_wait3A_502 = tpu.memref_squeeze %dma_wait3A_501 : memref<1x640x64xf32, #tpu.memory_space<vmem>> -> memref<640x64xf32, #tpu.memory_space<vmem>>
      %dma_wait3A_503 = arith.constant 0 : i32
      %dma_wait3A_504 = arith.constant 0 : i32
      %dma_wait3A_505 = tpu.memref_slice %arg4[%dma_wait3A_503, %dma_wait3A_504] : memref<1000000x64xf32, #tpu.memory_space<hbm>> -> memref<640x64xf32, #tpu.memory_space<hbm>>
      %dma_wait3A_506 = arith.constant 0 : i32
      %dma_wait3A_507 = arith.constant 0 : i32
      %dma_wait3A_508 = tpu.memref_slice %arg9[%dma_wait3A_498, %dma_wait3A_506, %dma_wait3A_507] : memref<2x640x64xf32, #tpu.memory_space<vmem>> -> memref<1x640x64xf32, #tpu.memory_space<vmem>>
      %dma_wait3A_509 = tpu.memref_squeeze %dma_wait3A_508 : memref<1x640x64xf32, #tpu.memory_space<vmem>> -> memref<640x64xf32, #tpu.memory_space<vmem>>
      %dma_wait3A_510 = arith.constant 0 : i32
      %dma_wait3A_511 = arith.constant 0 : i32
      %dma_wait3A_512 = tpu.memref_slice %arg4[%dma_wait3A_510, %dma_wait3A_511] : memref<1000000x64xf32, #tpu.memory_space<hbm>> -> memref<640x64xf32, #tpu.memory_space<hbm>>
      tpu.wait_dma2 semaphore(%arg13 : memref<!tpu.dma_semaphore, #tpu.memory_space<semaphore_mem>>) src(%dma_wait3A_512 : memref<640x64xf32, #tpu.memory_space<hbm>>) dst(%dma_wait3A_509 : memref<640x64xf32, #tpu.memory_space<vmem>>)
      %add3A_513 = arith.constant 1 : i32
      %add3A_514 = arith.addi %add3A_497, %add3A_513 : i32
      %lt3A_515 = arith.constant 8 : i32
      %lt3A_516 = arith.cmpi slt, %add3A_514, %lt3A_515 : i32
      %convert_element_type3A_517 = arith.extui %lt3A_516 : i1 to i32
      %cond3A_518 = arith.constant 0 : i32
      %cond3A_519 = arith.cmpi ne, %convert_element_type3A_517, %cond3A_518 : i32
      scf.if %cond3A_519 {
        %add3A_530 = arith.constant 0 : i32
        %add3A_531 = arith.addi %add3A_530, %add3A_497 : i32
        %add3A_532 = arith.constant 1 : i32
        %add3A_533 = arith.addi %add3A_531, %add3A_532 : i32
        %mul3A_534 = arith.constant 5 : i32
        %mul3A_535 = arith.muli %add3A_533, %mul3A_534 : i32
        %add3A_536 = arith.constant 0 : i32
        %add3A_537 = arith.addi %mul3A_535, %add3A_536 : i32
        %dma_start3A_538 = arith.constant 0 : i32
        %dma_start3A_539 = arith.constant 0 : i32
        %dma_start3A_540 = arith.constant 0 : i32
        %dma_start3A_541 = tpu.memref_slice %arg9[%dma_start3A_538, %dma_start3A_539, %dma_start3A_540] : memref<2x640x64xf32, #tpu.memory_space<vmem>> -> memref<1x128x64xf32, #tpu.memory_space<vmem>>
        %dma_start3A_542 = tpu.memref_squeeze %dma_start3A_541 : memref<1x128x64xf32, #tpu.memory_space<vmem>> -> memref<128x64xf32, #tpu.memory_space<vmem>>
        %dma_start3A_543 = arith.constant 0 : i32
        %dma_start3A_544 = tpu.memref_slice %arg7[%add3A_537, %dma_start3A_543] : memref<80x128xi32, #tpu.memory_space<vmem>> -> memref<1x128xi32, #tpu.memory_space<vmem>>
        %dma_start3A_545 = tpu.memref_squeeze %dma_start3A_544 : memref<1x128xi32, #tpu.memory_space<vmem>> -> memref<128xi32, #tpu.memory_space<vmem>>
        %dma_start3A_546 = arith.constant 0 : i32
        %dma_start3A_547 = arith.constant 0 : i32
        %dma_start3A_548 = tpu.memref_slice %arg4[%dma_start3A_546, %dma_start3A_547] : memref<1000000x64xf32, #tpu.memory_space<hbm>> -> memref<1000000x64xf32, #tpu.memory_space<hbm>>
        tpu.enqueue_indirect_dma source(%dma_start3A_548 : memref<1000000x64xf32, #tpu.memory_space<hbm>>) target(%dma_start3A_542 : memref<128x64xf32, #tpu.memory_space<vmem>>) offsets(%dma_start3A_545 : memref<128xi32, #tpu.memory_space<vmem>>) semaphore(%arg12 : memref<!tpu.dma_semaphore, #tpu.memory_space<semaphore_mem>>)
        %mul3A_549 = arith.constant 5 : i32
        %mul3A_550 = arith.muli %add3A_533, %mul3A_549 : i32
        %add3A_551 = arith.constant 1 : i32
        %add3A_552 = arith.addi %mul3A_550, %add3A_551 : i32
        %dma_start3A_553 = arith.constant 0 : i32
        %dma_start3A_554 = arith.constant 128 : i32
        %dma_start3A_555 = arith.constant 0 : i32
        %dma_start3A_556 = tpu.memref_slice %arg9[%dma_start3A_553, %dma_start3A_554, %dma_start3A_555] : memref<2x640x64xf32, #tpu.memory_space<vmem>> -> memref<1x128x64xf32, #tpu.memory_space<vmem>>
        %dma_start3A_557 = tpu.memref_squeeze %dma_start3A_556 : memref<1x128x64xf32, #tpu.memory_space<vmem>> -> memref<128x64xf32, #tpu.memory_space<vmem>>
        %dma_start3A_558 = arith.constant 0 : i32
        %dma_start3A_559 = tpu.memref_slice %arg7[%add3A_552, %dma_start3A_558] : memref<80x128xi32, #tpu.memory_space<vmem>> -> memref<1x128xi32, #tpu.memory_space<vmem>>
        %dma_start3A_560 = tpu.memref_squeeze %dma_start3A_559 : memref<1x128xi32, #tpu.memory_space<vmem>> -> memref<128xi32, #tpu.memory_space<vmem>>
        %dma_start3A_561 = arith.constant 0 : i32
        %dma_start3A_562 = arith.constant 0 : i32
        %dma_start3A_563 = tpu.memref_slice %arg4[%dma_start3A_561, %dma_start3A_562] : memref<1000000x64xf32, #tpu.memory_space<hbm>> -> memref<1000000x64xf32, #tpu.memory_space<hbm>>
        tpu.enqueue_indirect_dma source(%dma_start3A_563 : memref<1000000x64xf32, #tpu.memory_space<hbm>>) target(%dma_start3A_557 : memref<128x64xf32, #tpu.memory_space<vmem>>) offsets(%dma_start3A_560 : memref<128xi32, #tpu.memory_space<vmem>>) semaphore(%arg12 : memref<!tpu.dma_semaphore, #tpu.memory_space<semaphore_mem>>)
        %mul3A_564 = arith.constant 5 : i32
        %mul3A_565 = arith.muli %add3A_533, %mul3A_564 : i32
        %add3A_566 = arith.constant 2 : i32
        %add3A_567 = arith.addi %mul3A_565, %add3A_566 : i32
        %dma_start3A_568 = arith.constant 0 : i32
        %dma_start3A_569 = arith.constant 256 : i32
        %dma_start3A_570 = arith.constant 0 : i32
        %dma_start3A_571 = tpu.memref_slice %arg9[%dma_start3A_568, %dma_start3A_569, %dma_start3A_570] : memref<2x640x64xf32, #tpu.memory_space<vmem>> -> memref<1x128x64xf32, #tpu.memory_space<vmem>>
        %dma_start3A_572 = tpu.memref_squeeze %dma_start3A_571 : memref<1x128x64xf32, #tpu.memory_space<vmem>> -> memref<128x64xf32, #tpu.memory_space<vmem>>
        %dma_start3A_573 = arith.constant 0 : i32
        %dma_start3A_574 = tpu.memref_slice %arg7[%add3A_567, %dma_start3A_573] : memref<80x128xi32, #tpu.memory_space<vmem>> -> memref<1x128xi32, #tpu.memory_space<vmem>>
        %dma_start3A_575 = tpu.memref_squeeze %dma_start3A_574 : memref<1x128xi32, #tpu.memory_space<vmem>> -> memref<128xi32, #tpu.memory_space<vmem>>
        %dma_start3A_576 = arith.constant 0 : i32
        %dma_start3A_577 = arith.constant 0 : i32
        %dma_start3A_578 = tpu.memref_slice %arg4[%dma_start3A_576, %dma_start3A_577] : memref<1000000x64xf32, #tpu.memory_space<hbm>> -> memref<1000000x64xf32, #tpu.memory_space<hbm>>
        tpu.enqueue_indirect_dma source(%dma_start3A_578 : memref<1000000x64xf32, #tpu.memory_space<hbm>>) target(%dma_start3A_572 : memref<128x64xf32, #tpu.memory_space<vmem>>) offsets(%dma_start3A_575 : memref<128xi32, #tpu.memory_space<vmem>>) semaphore(%arg12 : memref<!tpu.dma_semaphore, #tpu.memory_space<semaphore_mem>>)
        %mul3A_579 = arith.constant 5 : i32
        %mul3A_580 = arith.muli %add3A_533, %mul3A_579 : i32
        %add3A_581 = arith.constant 3 : i32
        %add3A_582 = arith.addi %mul3A_580, %add3A_581 : i32
        %dma_start3A_583 = arith.constant 0 : i32
        %dma_start3A_584 = arith.constant 384 : i32
        %dma_start3A_585 = arith.constant 0 : i32
        %dma_start3A_586 = tpu.memref_slice %arg9[%dma_start3A_583, %dma_start3A_584, %dma_start3A_585] : memref<2x640x64xf32, #tpu.memory_space<vmem>> -> memref<1x128x64xf32, #tpu.memory_space<vmem>>
        %dma_start3A_587 = tpu.memref_squeeze %dma_start3A_586 : memref<1x128x64xf32, #tpu.memory_space<vmem>> -> memref<128x64xf32, #tpu.memory_space<vmem>>
        %dma_start3A_588 = arith.constant 0 : i32
        %dma_start3A_589 = tpu.memref_slice %arg7[%add3A_582, %dma_start3A_588] : memref<80x128xi32, #tpu.memory_space<vmem>> -> memref<1x128xi32, #tpu.memory_space<vmem>>
        %dma_start3A_590 = tpu.memref_squeeze %dma_start3A_589 : memref<1x128xi32, #tpu.memory_space<vmem>> -> memref<128xi32, #tpu.memory_space<vmem>>
        %dma_start3A_591 = arith.constant 0 : i32
        %dma_start3A_592 = arith.constant 0 : i32
        %dma_start3A_593 = tpu.memref_slice %arg4[%dma_start3A_591, %dma_start3A_592] : memref<1000000x64xf32, #tpu.memory_space<hbm>> -> memref<1000000x64xf32, #tpu.memory_space<hbm>>
        tpu.enqueue_indirect_dma source(%dma_start3A_593 : memref<1000000x64xf32, #tpu.memory_space<hbm>>) target(%dma_start3A_587 : memref<128x64xf32, #tpu.memory_space<vmem>>) offsets(%dma_start3A_590 : memref<128xi32, #tpu.memory_space<vmem>>) semaphore(%arg12 : memref<!tpu.dma_semaphore, #tpu.memory_space<semaphore_mem>>)
        %mul3A_594 = arith.constant 5 : i32
        %mul3A_595 = arith.muli %add3A_533, %mul3A_594 : i32
        %add3A_596 = arith.constant 4 : i32
        %add3A_597 = arith.addi %mul3A_595, %add3A_596 : i32
        %dma_start3A_598 = arith.constant 0 : i32
        %dma_start3A_599 = arith.constant 512 : i32
        %dma_start3A_600 = arith.constant 0 : i32
        %dma_start3A_601 = tpu.memref_slice %arg9[%dma_start3A_598, %dma_start3A_599, %dma_start3A_600] : memref<2x640x64xf32, #tpu.memory_space<vmem>> -> memref<1x128x64xf32, #tpu.memory_space<vmem>>
        %dma_start3A_602 = tpu.memref_squeeze %dma_start3A_601 : memref<1x128x64xf32, #tpu.memory_space<vmem>> -> memref<128x64xf32, #tpu.memory_space<vmem>>
        %dma_start3A_603 = arith.constant 0 : i32
        %dma_start3A_604 = tpu.memref_slice %arg7[%add3A_597, %dma_start3A_603] : memref<80x128xi32, #tpu.memory_space<vmem>> -> memref<1x128xi32, #tpu.memory_space<vmem>>
        %dma_start3A_605 = tpu.memref_squeeze %dma_start3A_604 : memref<1x128xi32, #tpu.memory_space<vmem>> -> memref<128xi32, #tpu.memory_space<vmem>>
        %dma_start3A_606 = arith.constant 0 : i32
        %dma_start3A_607 = arith.constant 0 : i32
        %dma_start3A_608 = tpu.memref_slice %arg4[%dma_start3A_606, %dma_start3A_607] : memref<1000000x64xf32, #tpu.memory_space<hbm>> -> memref<1000000x64xf32, #tpu.memory_space<hbm>>
        tpu.enqueue_indirect_dma source(%dma_start3A_608 : memref<1000000x64xf32, #tpu.memory_space<hbm>>) target(%dma_start3A_602 : memref<128x64xf32, #tpu.memory_space<vmem>>) offsets(%dma_start3A_605 : memref<128xi32, #tpu.memory_space<vmem>>) semaphore(%arg12 : memref<!tpu.dma_semaphore, #tpu.memory_space<semaphore_mem>>)
      } else {
      }
      %mul3A_520 = arith.constant 32 : i32
      %mul3A_521 = arith.muli %add3A_497, %mul3A_520 : i32
      %scan3A_522 = arith.constant 0 : i32
      %scan3A_523 = arith.constant 0 : i32
      %scan3A_524 = arith.constant 32 : i32
      %scan3A_525 = arith.addi %scan3A_523, %scan3A_524 : i32
      %scan3A_526 = arith.constant 1 : i32
      %scan3A_527 = scf.for %scan3A_530 = %scan3A_523 to %scan3A_525 step %scan3A_526 iter_args(%scan3A_531 = %scan3A_522) -> (i32)  : i32 {
        %mul3A_532 = arith.constant 20 : i32
        %mul3A_533 = arith.muli %scan3A_530, %mul3A_532 : i32
        %get3A = arith.constant 1 : i32
        %get3A_534 = arith.index_cast %get3A : i32 to index
        %get3A_535 = arith.index_cast %mul3A_533 : i32 to index
        %get3A_536 = arith.constant 0 : index
        %get3A_537 = tpu.vector_load %arg9[%get3A_534, %get3A_535, %get3A_536] {strides = array<i32>} : memref<2x640x64xf32, #tpu.memory_space<vmem>>, vector<16xf32>,
        %get3A_538 = arith.constant 1 : i32
        %get3A_539 = arith.index_cast %get3A_538 : i32 to index
        %get3A_540 = arith.index_cast %mul3A_533 : i32 to index
        %get3A_541 = arith.constant 16 : index
        %get3A_542 = tpu.vector_load %arg9[%get3A_539, %get3A_540, %get3A_541] {strides = array<i32>} : memref<2x640x64xf32, #tpu.memory_space<vmem>>, vector<16xf32>,
        %get3A_543 = arith.constant 1 : i32
        %get3A_544 = arith.index_cast %get3A_543 : i32 to index
        %get3A_545 = arith.index_cast %mul3A_533 : i32 to index
        %get3A_546 = arith.constant 32 : index
        %get3A_547 = tpu.vector_load %arg9[%get3A_544, %get3A_545, %get3A_546] {strides = array<i32>} : memref<2x640x64xf32, #tpu.memory_space<vmem>>, vector<16xf32>,
        %get3A_548 = arith.constant 1 : i32
        %get3A_549 = arith.index_cast %get3A_548 : i32 to index
        %get3A_550 = arith.index_cast %mul3A_533 : i32 to index
        %get3A_551 = arith.constant 48 : index
        %get3A_552 = tpu.vector_load %arg9[%get3A_549, %get3A_550, %get3A_551] {strides = array<i32>} : memref<2x640x64xf32, #tpu.memory_space<vmem>>, vector<16xf32>,
        %add3A_553 = arith.constant 1 : i32
        %add3A_554 = arith.addi %mul3A_533, %add3A_553 : i32
        %get3A_555 = arith.constant 1 : i32
        %get3A_556 = arith.index_cast %get3A_555 : i32 to index
        %get3A_557 = arith.index_cast %add3A_554 : i32 to index
        %get3A_558 = arith.constant 0 : index
        %get3A_559 = tpu.vector_load %arg9[%get3A_556, %get3A_557, %get3A_558] {strides = array<i32>} : memref<2x640x64xf32, #tpu.memory_space<vmem>>, vector<16xf32>,
        %add3A_560 = arith.addf %get3A_537, %get3A_559 : vector<16xf32>
        %add3A_561 = arith.constant 1 : i32
        %add3A_562 = arith.addi %mul3A_533, %add3A_561 : i32
        %get3A_563 = arith.constant 1 : i32
        %get3A_564 = arith.index_cast %get3A_563 : i32 to index
        %get3A_565 = arith.index_cast %add3A_562 : i32 to index
        %get3A_566 = arith.constant 16 : index
        %get3A_567 = tpu.vector_load %arg9[%get3A_564, %get3A_565, %get3A_566] {strides = array<i32>} : memref<2x640x64xf32, #tpu.memory_space<vmem>>, vector<16xf32>,
        %add3A_568 = arith.addf %get3A_542, %get3A_567 : vector<16xf32>
        %add3A_569 = arith.constant 1 : i32
        %add3A_570 = arith.addi %mul3A_533, %add3A_569 : i32
        %get3A_571 = arith.constant 1 : i32
        %get3A_572 = arith.index_cast %get3A_571 : i32 to index
        %get3A_573 = arith.index_cast %add3A_570 : i32 to index
        %get3A_574 = arith.constant 32 : index
        %get3A_575 = tpu.vector_load %arg9[%get3A_572, %get3A_573, %get3A_574] {strides = array<i32>} : memref<2x640x64xf32, #tpu.memory_space<vmem>>, vector<16xf32>,
        %add3A_576 = arith.addf %get3A_547, %get3A_575 : vector<16xf32>
        %add3A_577 = arith.constant 1 : i32
        %add3A_578 = arith.addi %mul3A_533, %add3A_577 : i32
        %get3A_579 = arith.constant 1 : i32
        %get3A_580 = arith.index_cast %get3A_579 : i32 to index
        %get3A_581 = arith.index_cast %add3A_578 : i32 to index
        %get3A_582 = arith.constant 48 : index
        %get3A_583 = tpu.vector_load %arg9[%get3A_580, %get3A_581, %get3A_582] {strides = array<i32>} : memref<2x640x64xf32, #tpu.memory_space<vmem>>, vector<16xf32>,
        %add3A_584 = arith.addf %get3A_552, %get3A_583 : vector<16xf32>
        %add3A_585 = arith.constant 2 : i32
        %add3A_586 = arith.addi %mul3A_533, %add3A_585 : i32
        %get3A_587 = arith.constant 1 : i32
        %get3A_588 = arith.index_cast %get3A_587 : i32 to index
        %get3A_589 = arith.index_cast %add3A_586 : i32 to index
        %get3A_590 = arith.constant 0 : index
        %get3A_591 = tpu.vector_load %arg9[%get3A_588, %get3A_589, %get3A_590] {strides = array<i32>} : memref<2x640x64xf32, #tpu.memory_space<vmem>>, vector<16xf32>,
        %add3A_592 = arith.addf %add3A_560, %get3A_591 : vector<16xf32>
        %add3A_593 = arith.constant 2 : i32
        %add3A_594 = arith.addi %mul3A_533, %add3A_593 : i32
        %get3A_595 = arith.constant 1 : i32
        %get3A_596 = arith.index_cast %get3A_595 : i32 to index
        %get3A_597 = arith.index_cast %add3A_594 : i32 to index
        %get3A_598 = arith.constant 16 : index
        %get3A_599 = tpu.vector_load %arg9[%get3A_596, %get3A_597, %get3A_598] {strides = array<i32>} : memref<2x640x64xf32, #tpu.memory_space<vmem>>, vector<16xf32>,
        %add3A_600 = arith.addf %add3A_568, %get3A_599 : vector<16xf32>
        %add3A_601 = arith.constant 2 : i32
        %add3A_602 = arith.addi %mul3A_533, %add3A_601 : i32
        %get3A_603 = arith.constant 1 : i32
        %get3A_604 = arith.index_cast %get3A_603 : i32 to index
        %get3A_605 = arith.index_cast %add3A_602 : i32 to index
        %get3A_606 = arith.constant 32 : index
        %get3A_607 = tpu.vector_load %arg9[%get3A_604, %get3A_605, %get3A_606] {strides = array<i32>} : memref<2x640x64xf32, #tpu.memory_space<vmem>>, vector<16xf32>,
        %add3A_608 = arith.addf %add3A_576, %get3A_607 : vector<16xf32>
        %add3A_609 = arith.constant 2 : i32
        %add3A_610 = arith.addi %mul3A_533, %add3A_609 : i32
        %get3A_611 = arith.constant 1 : i32
        %get3A_612 = arith.index_cast %get3A_611 : i32 to index
        %get3A_613 = arith.index_cast %add3A_610 : i32 to index
        %get3A_614 = arith.constant 48 : index
        %get3A_615 = tpu.vector_load %arg9[%get3A_612, %get3A_613, %get3A_614] {strides = array<i32>} : memref<2x640x64xf32, #tpu.memory_space<vmem>>, vector<16xf32>,
        %add3A_616 = arith.addf %add3A_584, %get3A_615 : vector<16xf32>
        %add3A_617 = arith.constant 3 : i32
        %add3A_618 = arith.addi %mul3A_533, %add3A_617 : i32
        %get3A_619 = arith.constant 1 : i32
        %get3A_620 = arith.index_cast %get3A_619 : i32 to index
        %get3A_621 = arith.index_cast %add3A_618 : i32 to index
        %get3A_622 = arith.constant 0 : index
        %get3A_623 = tpu.vector_load %arg9[%get3A_620, %get3A_621, %get3A_622] {strides = array<i32>} : memref<2x640x64xf32, #tpu.memory_space<vmem>>, vector<16xf32>,
        %add3A_624 = arith.addf %add3A_592, %get3A_623 : vector<16xf32>
        %add3A_625 = arith.constant 3 : i32
        %add3A_626 = arith.addi %mul3A_533, %add3A_625 : i32
        %get3A_627 = arith.constant 1 : i32
        %get3A_628 = arith.index_cast %get3A_627 : i32 to index
        %get3A_629 = arith.index_cast %add3A_626 : i32 to index
        %get3A_630 = arith.constant 16 : index
        %get3A_631 = tpu.vector_load %arg9[%get3A_628, %get3A_629, %get3A_630] {strides = array<i32>} : memref<2x640x64xf32, #tpu.memory_space<vmem>>, vector<16xf32>,
        %add3A_632 = arith.addf %add3A_600, %get3A_631 : vector<16xf32>
        %add3A_633 = arith.constant 3 : i32
        %add3A_634 = arith.addi %mul3A_533, %add3A_633 : i32
        %get3A_635 = arith.constant 1 : i32
        %get3A_636 = arith.index_cast %get3A_635 : i32 to index
        %get3A_637 = arith.index_cast %add3A_634 : i32 to index
        %get3A_638 = arith.constant 32 : index
        %get3A_639 = tpu.vector_load %arg9[%get3A_636, %get3A_637, %get3A_638] {strides = array<i32>} : memref<2x640x64xf32, #tpu.memory_space<vmem>>, vector<16xf32>,
        %add3A_640 = arith.addf %add3A_608, %get3A_639 : vector<16xf32>
        %add3A_641 = arith.constant 3 : i32
        %add3A_642 = arith.addi %mul3A_533, %add3A_641 : i32
        %get3A_643 = arith.constant 1 : i32
        %get3A_644 = arith.index_cast %get3A_643 : i32 to index
        %get3A_645 = arith.index_cast %add3A_642 : i32 to index
        %get3A_646 = arith.constant 48 : index
        %get3A_647 = tpu.vector_load %arg9[%get3A_644, %get3A_645, %get3A_646] {strides = array<i32>} : memref<2x640x64xf32, #tpu.memory_space<vmem>>, vector<16xf32>,
        %add3A_648 = arith.addf %add3A_616, %get3A_647 : vector<16xf32>
        %add3A_649 = arith.constant 4 : i32
        %add3A_650 = arith.addi %mul3A_533, %add3A_649 : i32
        %get3A_651 = arith.constant 1 : i32
        %get3A_652 = arith.index_cast %get3A_651 : i32 to index
        %get3A_653 = arith.index_cast %add3A_650 : i32 to index
        %get3A_654 = arith.constant 0 : index
        %get3A_655 = tpu.vector_load %arg9[%get3A_652, %get3A_653, %get3A_654] {strides = array<i32>} : memref<2x640x64xf32, #tpu.memory_space<vmem>>, vector<16xf32>,
        %add3A_656 = arith.addf %add3A_624, %get3A_655 : vector<16xf32>
        %add3A_657 = arith.constant 4 : i32
        %add3A_658 = arith.addi %mul3A_533, %add3A_657 : i32
        %get3A_659 = arith.constant 1 : i32
        %get3A_660 = arith.index_cast %get3A_659 : i32 to index
        %get3A_661 = arith.index_cast %add3A_658 : i32 to index
        %get3A_662 = arith.constant 16 : index
        %get3A_663 = tpu.vector_load %arg9[%get3A_660, %get3A_661, %get3A_662] {strides = array<i32>} : memref<2x640x64xf32, #tpu.memory_space<vmem>>, vector<16xf32>,
        %add3A_664 = arith.addf %add3A_632, %get3A_663 : vector<16xf32>
        %add3A_665 = arith.constant 4 : i32
        %add3A_666 = arith.addi %mul3A_533, %add3A_665 : i32
        %get3A_667 = arith.constant 1 : i32
        %get3A_668 = arith.index_cast %get3A_667 : i32 to index
        %get3A_669 = arith.index_cast %add3A_666 : i32 to index
        %get3A_670 = arith.constant 32 : index
        %get3A_671 = tpu.vector_load %arg9[%get3A_668, %get3A_669, %get3A_670] {strides = array<i32>} : memref<2x640x64xf32, #tpu.memory_space<vmem>>, vector<16xf32>,
        %add3A_672 = arith.addf %add3A_640, %get3A_671 : vector<16xf32>
        %add3A_673 = arith.constant 4 : i32
        %add3A_674 = arith.addi %mul3A_533, %add3A_673 : i32
        %get3A_675 = arith.constant 1 : i32
        %get3A_676 = arith.index_cast %get3A_675 : i32 to index
        %get3A_677 = arith.index_cast %add3A_674 : i32 to index
        %get3A_678 = arith.constant 48 : index
        %get3A_679 = tpu.vector_load %arg9[%get3A_676, %get3A_677, %get3A_678] {strides = array<i32>} : memref<2x640x64xf32, #tpu.memory_space<vmem>>, vector<16xf32>,
        %add3A_680 = arith.addf %add3A_648, %get3A_679 : vector<16xf32>
        %add3A_681 = arith.constant 5 : i32
        %add3A_682 = arith.addi %mul3A_533, %add3A_681 : i32
        %get3A_683 = arith.constant 1 : i32
        %get3A_684 = arith.index_cast %get3A_683 : i32 to index
        %get3A_685 = arith.index_cast %add3A_682 : i32 to index
        %get3A_686 = arith.constant 0 : index
        %get3A_687 = tpu.vector_load %arg9[%get3A_684, %get3A_685, %get3A_686] {strides = array<i32>} : memref<2x640x64xf32, #tpu.memory_space<vmem>>, vector<16xf32>,
        %add3A_688 = arith.addf %add3A_656, %get3A_687 : vector<16xf32>
        %add3A_689 = arith.constant 5 : i32
        %add3A_690 = arith.addi %mul3A_533, %add3A_689 : i32
        %get3A_691 = arith.constant 1 : i32
        %get3A_692 = arith.index_cast %get3A_691 : i32 to index
        %get3A_693 = arith.index_cast %add3A_690 : i32 to index
        %get3A_694 = arith.constant 16 : index
        %get3A_695 = tpu.vector_load %arg9[%get3A_692, %get3A_693, %get3A_694] {strides = array<i32>} : memref<2x640x64xf32, #tpu.memory_space<vmem>>, vector<16xf32>,
        %add3A_696 = arith.addf %add3A_664, %get3A_695 : vector<16xf32>
        %add3A_697 = arith.constant 5 : i32
        %add3A_698 = arith.addi %mul3A_533, %add3A_697 : i32
        %get3A_699 = arith.constant 1 : i32
        %get3A_700 = arith.index_cast %get3A_699 : i32 to index
        %get3A_701 = arith.index_cast %add3A_698 : i32 to index
        %get3A_702 = arith.constant 32 : index
        %get3A_703 = tpu.vector_load %arg9[%get3A_700, %get3A_701, %get3A_702] {strides = array<i32>} : memref<2x640x64xf32, #tpu.memory_space<vmem>>, vector<16xf32>,
        %add3A_704 = arith.addf %add3A_672, %get3A_703 : vector<16xf32>
        %add3A_705 = arith.constant 5 : i32
        %add3A_706 = arith.addi %mul3A_533, %add3A_705 : i32
        %get3A_707 = arith.constant 1 : i32
        %get3A_708 = arith.index_cast %get3A_707 : i32 to index
        %get3A_709 = arith.index_cast %add3A_706 : i32 to index
        %get3A_710 = arith.constant 48 : index
        %get3A_711 = tpu.vector_load %arg9[%get3A_708, %get3A_709, %get3A_710] {strides = array<i32>} : memref<2x640x64xf32, #tpu.memory_space<vmem>>, vector<16xf32>,
        %add3A_712 = arith.addf %add3A_680, %get3A_711 : vector<16xf32>
        %add3A_713 = arith.constant 6 : i32
        %add3A_714 = arith.addi %mul3A_533, %add3A_713 : i32
        %get3A_715 = arith.constant 1 : i32
        %get3A_716 = arith.index_cast %get3A_715 : i32 to index
        %get3A_717 = arith.index_cast %add3A_714 : i32 to index
        %get3A_718 = arith.constant 0 : index
        %get3A_719 = tpu.vector_load %arg9[%get3A_716, %get3A_717, %get3A_718] {strides = array<i32>} : memref<2x640x64xf32, #tpu.memory_space<vmem>>, vector<16xf32>,
        %add3A_720 = arith.addf %add3A_688, %get3A_719 : vector<16xf32>
        %add3A_721 = arith.constant 6 : i32
        %add3A_722 = arith.addi %mul3A_533, %add3A_721 : i32
        %get3A_723 = arith.constant 1 : i32
        %get3A_724 = arith.index_cast %get3A_723 : i32 to index
        %get3A_725 = arith.index_cast %add3A_722 : i32 to index
        %get3A_726 = arith.constant 16 : index
        %get3A_727 = tpu.vector_load %arg9[%get3A_724, %get3A_725, %get3A_726] {strides = array<i32>} : memref<2x640x64xf32, #tpu.memory_space<vmem>>, vector<16xf32>,
        %add3A_728 = arith.addf %add3A_696, %get3A_727 : vector<16xf32>
        %add3A_729 = arith.constant 6 : i32
        %add3A_730 = arith.addi %mul3A_533, %add3A_729 : i32
        %get3A_731 = arith.constant 1 : i32
        %get3A_732 = arith.index_cast %get3A_731 : i32 to index
        %get3A_733 = arith.index_cast %add3A_730 : i32 to index
        %get3A_734 = arith.constant 32 : index
        %get3A_735 = tpu.vector_load %arg9[%get3A_732, %get3A_733, %get3A_734] {strides = array<i32>} : memref<2x640x64xf32, #tpu.memory_space<vmem>>, vector<16xf32>,
        %add3A_736 = arith.addf %add3A_704, %get3A_735 : vector<16xf32>
        %add3A_737 = arith.constant 6 : i32
        %add3A_738 = arith.addi %mul3A_533, %add3A_737 : i32
        %get3A_739 = arith.constant 1 : i32
        %get3A_740 = arith.index_cast %get3A_739 : i32 to index
        %get3A_741 = arith.index_cast %add3A_738 : i32 to index
        %get3A_742 = arith.constant 48 : index
        %get3A_743 = tpu.vector_load %arg9[%get3A_740, %get3A_741, %get3A_742] {strides = array<i32>} : memref<2x640x64xf32, #tpu.memory_space<vmem>>, vector<16xf32>,
        %add3A_744 = arith.addf %add3A_712, %get3A_743 : vector<16xf32>
        %add3A_745 = arith.constant 7 : i32
        %add3A_746 = arith.addi %mul3A_533, %add3A_745 : i32
        %get3A_747 = arith.constant 1 : i32
        %get3A_748 = arith.index_cast %get3A_747 : i32 to index
        %get3A_749 = arith.index_cast %add3A_746 : i32 to index
        %get3A_750 = arith.constant 0 : index
        %get3A_751 = tpu.vector_load %arg9[%get3A_748, %get3A_749, %get3A_750] {strides = array<i32>} : memref<2x640x64xf32, #tpu.memory_space<vmem>>, vector<16xf32>,
        %add3A_752 = arith.addf %add3A_720, %get3A_751 : vector<16xf32>
        %add3A_753 = arith.constant 7 : i32
        %add3A_754 = arith.addi %mul3A_533, %add3A_753 : i32
        %get3A_755 = arith.constant 1 : i32
        %get3A_756 = arith.index_cast %get3A_755 : i32 to index
        %get3A_757 = arith.index_cast %add3A_754 : i32 to index
        %get3A_758 = arith.constant 16 : index
        %get3A_759 = tpu.vector_load %arg9[%get3A_756, %get3A_757, %get3A_758] {strides = array<i32>} : memref<2x640x64xf32, #tpu.memory_space<vmem>>, vector<16xf32>,
        %add3A_760 = arith.addf %add3A_728, %get3A_759 : vector<16xf32>
        %add3A_761 = arith.constant 7 : i32
        %add3A_762 = arith.addi %mul3A_533, %add3A_761 : i32
        %get3A_763 = arith.constant 1 : i32
        %get3A_764 = arith.index_cast %get3A_763 : i32 to index
        %get3A_765 = arith.index_cast %add3A_762 : i32 to index
        %get3A_766 = arith.constant 32 : index
        %get3A_767 = tpu.vector_load %arg9[%get3A_764, %get3A_765, %get3A_766] {strides = array<i32>} : memref<2x640x64xf32, #tpu.memory_space<vmem>>, vector<16xf32>,
        %add3A_768 = arith.addf %add3A_736, %get3A_767 : vector<16xf32>
        %add3A_769 = arith.constant 7 : i32
        %add3A_770 = arith.addi %mul3A_533, %add3A_769 : i32
        %get3A_771 = arith.constant 1 : i32
        %get3A_772 = arith.index_cast %get3A_771 : i32 to index
        %get3A_773 = arith.index_cast %add3A_770 : i32 to index
        %get3A_774 = arith.constant 48 : index
        %get3A_775 = tpu.vector_load %arg9[%get3A_772, %get3A_773, %get3A_774] {strides = array<i32>} : memref<2x640x64xf32, #tpu.memory_space<vmem>>, vector<16xf32>,
        %add3A_776 = arith.addf %add3A_744, %get3A_775 : vector<16xf32>
        %add3A_777 = arith.constant 8 : i32
        %add3A_778 = arith.addi %mul3A_533, %add3A_777 : i32
        %get3A_779 = arith.constant 1 : i32
        %get3A_780 = arith.index_cast %get3A_779 : i32 to index
        %get3A_781 = arith.index_cast %add3A_778 : i32 to index
        %get3A_782 = arith.constant 0 : index
        %get3A_783 = tpu.vector_load %arg9[%get3A_780, %get3A_781, %get3A_782] {strides = array<i32>} : memref<2x640x64xf32, #tpu.memory_space<vmem>>, vector<16xf32>,
        %add3A_784 = arith.addf %add3A_752, %get3A_783 : vector<16xf32>
        %add3A_785 = arith.constant 8 : i32
        %add3A_786 = arith.addi %mul3A_533, %add3A_785 : i32
        %get3A_787 = arith.constant 1 : i32
        %get3A_788 = arith.index_cast %get3A_787 : i32 to index
        %get3A_789 = arith.index_cast %add3A_786 : i32 to index
        %get3A_790 = arith.constant 16 : index
        %get3A_791 = tpu.vector_load %arg9[%get3A_788, %get3A_789, %get3A_790] {strides = array<i32>} : memref<2x640x64xf32, #tpu.memory_space<vmem>>, vector<16xf32>,
        %add3A_792 = arith.addf %add3A_760, %get3A_791 : vector<16xf32>
        %add3A_793 = arith.constant 8 : i32
        %add3A_794 = arith.addi %mul3A_533, %add3A_793 : i32
        %get3A_795 = arith.constant 1 : i32
        %get3A_796 = arith.index_cast %get3A_795 : i32 to index
        %get3A_797 = arith.index_cast %add3A_794 : i32 to index
        %get3A_798 = arith.constant 32 : index
        %get3A_799 = tpu.vector_load %arg9[%get3A_796, %get3A_797, %get3A_798] {strides = array<i32>} : memref<2x640x64xf32, #tpu.memory_space<vmem>>, vector<16xf32>,
        %add3A_800 = arith.addf %add3A_768, %get3A_799 : vector<16xf32>
        %add3A_801 = arith.constant 8 : i32
        %add3A_802 = arith.addi %mul3A_533, %add3A_801 : i32
        %get3A_803 = arith.constant 1 : i32
        %get3A_804 = arith.index_cast %get3A_803 : i32 to index
        %get3A_805 = arith.index_cast %add3A_802 : i32 to index
        %get3A_806 = arith.constant 48 : index
        %get3A_807 = tpu.vector_load %arg9[%get3A_804, %get3A_805, %get3A_806] {strides = array<i32>} : memref<2x640x64xf32, #tpu.memory_space<vmem>>, vector<16xf32>,
        %add3A_808 = arith.addf %add3A_776, %get3A_807 : vector<16xf32>
        %add3A_809 = arith.constant 9 : i32
        %add3A_810 = arith.addi %mul3A_533, %add3A_809 : i32
        %get3A_811 = arith.constant 1 : i32
        %get3A_812 = arith.index_cast %get3A_811 : i32 to index
        %get3A_813 = arith.index_cast %add3A_810 : i32 to index
        %get3A_814 = arith.constant 0 : index
        %get3A_815 = tpu.vector_load %arg9[%get3A_812, %get3A_813, %get3A_814] {strides = array<i32>} : memref<2x640x64xf32, #tpu.memory_space<vmem>>, vector<16xf32>,
        %add3A_816 = arith.addf %add3A_784, %get3A_815 : vector<16xf32>
        %add3A_817 = arith.constant 9 : i32
        %add3A_818 = arith.addi %mul3A_533, %add3A_817 : i32
        %get3A_819 = arith.constant 1 : i32
        %get3A_820 = arith.index_cast %get3A_819 : i32 to index
        %get3A_821 = arith.index_cast %add3A_818 : i32 to index
        %get3A_822 = arith.constant 16 : index
        %get3A_823 = tpu.vector_load %arg9[%get3A_820, %get3A_821, %get3A_822] {strides = array<i32>} : memref<2x640x64xf32, #tpu.memory_space<vmem>>, vector<16xf32>,
        %add3A_824 = arith.addf %add3A_792, %get3A_823 : vector<16xf32>
        %add3A_825 = arith.constant 9 : i32
        %add3A_826 = arith.addi %mul3A_533, %add3A_825 : i32
        %get3A_827 = arith.constant 1 : i32
        %get3A_828 = arith.index_cast %get3A_827 : i32 to index
        %get3A_829 = arith.index_cast %add3A_826 : i32 to index
        %get3A_830 = arith.constant 32 : index
        %get3A_831 = tpu.vector_load %arg9[%get3A_828, %get3A_829, %get3A_830] {strides = array<i32>} : memref<2x640x64xf32, #tpu.memory_space<vmem>>, vector<16xf32>,
        %add3A_832 = arith.addf %add3A_800, %get3A_831 : vector<16xf32>
        %add3A_833 = arith.constant 9 : i32
        %add3A_834 = arith.addi %mul3A_533, %add3A_833 : i32
        %get3A_835 = arith.constant 1 : i32
        %get3A_836 = arith.index_cast %get3A_835 : i32 to index
        %get3A_837 = arith.index_cast %add3A_834 : i32 to index
        %get3A_838 = arith.constant 48 : index
        %get3A_839 = tpu.vector_load %arg9[%get3A_836, %get3A_837, %get3A_838] {strides = array<i32>} : memref<2x640x64xf32, #tpu.memory_space<vmem>>, vector<16xf32>,
        %add3A_840 = arith.addf %add3A_808, %get3A_839 : vector<16xf32>
        %add3A_841 = arith.constant 10 : i32
        %add3A_842 = arith.addi %mul3A_533, %add3A_841 : i32
        %get3A_843 = arith.constant 1 : i32
        %get3A_844 = arith.index_cast %get3A_843 : i32 to index
        %get3A_845 = arith.index_cast %add3A_842 : i32 to index
        %get3A_846 = arith.constant 0 : index
        %get3A_847 = tpu.vector_load %arg9[%get3A_844, %get3A_845, %get3A_846] {strides = array<i32>} : memref<2x640x64xf32, #tpu.memory_space<vmem>>, vector<16xf32>,
        %add3A_848 = arith.addf %add3A_816, %get3A_847 : vector<16xf32>
        %add3A_849 = arith.constant 10 : i32
        %add3A_850 = arith.addi %mul3A_533, %add3A_849 : i32
        %get3A_851 = arith.constant 1 : i32
        %get3A_852 = arith.index_cast %get3A_851 : i32 to index
        %get3A_853 = arith.index_cast %add3A_850 : i32 to index
        %get3A_854 = arith.constant 16 : index
        %get3A_855 = tpu.vector_load %arg9[%get3A_852, %get3A_853, %get3A_854] {strides = array<i32>} : memref<2x640x64xf32, #tpu.memory_space<vmem>>, vector<16xf32>,
        %add3A_856 = arith.addf %add3A_824, %get3A_855 : vector<16xf32>
        %add3A_857 = arith.constant 10 : i32
        %add3A_858 = arith.addi %mul3A_533, %add3A_857 : i32
        %get3A_859 = arith.constant 1 : i32
        %get3A_860 = arith.index_cast %get3A_859 : i32 to index
        %get3A_861 = arith.index_cast %add3A_858 : i32 to index
        %get3A_862 = arith.constant 32 : index
        %get3A_863 = tpu.vector_load %arg9[%get3A_860, %get3A_861, %get3A_862] {strides = array<i32>} : memref<2x640x64xf32, #tpu.memory_space<vmem>>, vector<16xf32>,
        %add3A_864 = arith.addf %add3A_832, %get3A_863 : vector<16xf32>
        %add3A_865 = arith.constant 10 : i32
        %add3A_866 = arith.addi %mul3A_533, %add3A_865 : i32
        %get3A_867 = arith.constant 1 : i32
        %get3A_868 = arith.index_cast %get3A_867 : i32 to index
        %get3A_869 = arith.index_cast %add3A_866 : i32 to index
        %get3A_870 = arith.constant 48 : index
        %get3A_871 = tpu.vector_load %arg9[%get3A_868, %get3A_869, %get3A_870] {strides = array<i32>} : memref<2x640x64xf32, #tpu.memory_space<vmem>>, vector<16xf32>,
        %add3A_872 = arith.addf %add3A_840, %get3A_871 : vector<16xf32>
        %add3A_873 = arith.constant 11 : i32
        %add3A_874 = arith.addi %mul3A_533, %add3A_873 : i32
        %get3A_875 = arith.constant 1 : i32
        %get3A_876 = arith.index_cast %get3A_875 : i32 to index
        %get3A_877 = arith.index_cast %add3A_874 : i32 to index
        %get3A_878 = arith.constant 0 : index
        %get3A_879 = tpu.vector_load %arg9[%get3A_876, %get3A_877, %get3A_878] {strides = array<i32>} : memref<2x640x64xf32, #tpu.memory_space<vmem>>, vector<16xf32>,
        %add3A_880 = arith.addf %add3A_848, %get3A_879 : vector<16xf32>
        %add3A_881 = arith.constant 11 : i32
        %add3A_882 = arith.addi %mul3A_533, %add3A_881 : i32
        %get3A_883 = arith.constant 1 : i32
        %get3A_884 = arith.index_cast %get3A_883 : i32 to index
        %get3A_885 = arith.index_cast %add3A_882 : i32 to index
        %get3A_886 = arith.constant 16 : index
        %get3A_887 = tpu.vector_load %arg9[%get3A_884, %get3A_885, %get3A_886] {strides = array<i32>} : memref<2x640x64xf32, #tpu.memory_space<vmem>>, vector<16xf32>,
        %add3A_888 = arith.addf %add3A_856, %get3A_887 : vector<16xf32>
        %add3A_889 = arith.constant 11 : i32
        %add3A_890 = arith.addi %mul3A_533, %add3A_889 : i32
        %get3A_891 = arith.constant 1 : i32
        %get3A_892 = arith.index_cast %get3A_891 : i32 to index
        %get3A_893 = arith.index_cast %add3A_890 : i32 to index
        %get3A_894 = arith.constant 32 : index
        %get3A_895 = tpu.vector_load %arg9[%get3A_892, %get3A_893, %get3A_894] {strides = array<i32>} : memref<2x640x64xf32, #tpu.memory_space<vmem>>, vector<16xf32>,
        %add3A_896 = arith.addf %add3A_864, %get3A_895 : vector<16xf32>
        %add3A_897 = arith.constant 11 : i32
        %add3A_898 = arith.addi %mul3A_533, %add3A_897 : i32
        %get3A_899 = arith.constant 1 : i32
        %get3A_900 = arith.index_cast %get3A_899 : i32 to index
        %get3A_901 = arith.index_cast %add3A_898 : i32 to index
        %get3A_902 = arith.constant 48 : index
        %get3A_903 = tpu.vector_load %arg9[%get3A_900, %get3A_901, %get3A_902] {strides = array<i32>} : memref<2x640x64xf32, #tpu.memory_space<vmem>>, vector<16xf32>,
        %add3A_904 = arith.addf %add3A_872, %get3A_903 : vector<16xf32>
        %add3A_905 = arith.constant 12 : i32
        %add3A_906 = arith.addi %mul3A_533, %add3A_905 : i32
        %get3A_907 = arith.constant 1 : i32
        %get3A_908 = arith.index_cast %get3A_907 : i32 to index
        %get3A_909 = arith.index_cast %add3A_906 : i32 to index
        %get3A_910 = arith.constant 0 : index
        %get3A_911 = tpu.vector_load %arg9[%get3A_908, %get3A_909, %get3A_910] {strides = array<i32>} : memref<2x640x64xf32, #tpu.memory_space<vmem>>, vector<16xf32>,
        %add3A_912 = arith.addf %add3A_880, %get3A_911 : vector<16xf32>
        %add3A_913 = arith.constant 12 : i32
        %add3A_914 = arith.addi %mul3A_533, %add3A_913 : i32
        %get3A_915 = arith.constant 1 : i32
        %get3A_916 = arith.index_cast %get3A_915 : i32 to index
        %get3A_917 = arith.index_cast %add3A_914 : i32 to index
        %get3A_918 = arith.constant 16 : index
        %get3A_919 = tpu.vector_load %arg9[%get3A_916, %get3A_917, %get3A_918] {strides = array<i32>} : memref<2x640x64xf32, #tpu.memory_space<vmem>>, vector<16xf32>,
        %add3A_920 = arith.addf %add3A_888, %get3A_919 : vector<16xf32>
        %add3A_921 = arith.constant 12 : i32
        %add3A_922 = arith.addi %mul3A_533, %add3A_921 : i32
        %get3A_923 = arith.constant 1 : i32
        %get3A_924 = arith.index_cast %get3A_923 : i32 to index
        %get3A_925 = arith.index_cast %add3A_922 : i32 to index
        %get3A_926 = arith.constant 32 : index
        %get3A_927 = tpu.vector_load %arg9[%get3A_924, %get3A_925, %get3A_926] {strides = array<i32>} : memref<2x640x64xf32, #tpu.memory_space<vmem>>, vector<16xf32>,
        %add3A_928 = arith.addf %add3A_896, %get3A_927 : vector<16xf32>
        %add3A_929 = arith.constant 12 : i32
        %add3A_930 = arith.addi %mul3A_533, %add3A_929 : i32
        %get3A_931 = arith.constant 1 : i32
        %get3A_932 = arith.index_cast %get3A_931 : i32 to index
        %get3A_933 = arith.index_cast %add3A_930 : i32 to index
        %get3A_934 = arith.constant 48 : index
        %get3A_935 = tpu.vector_load %arg9[%get3A_932, %get3A_933, %get3A_934] {strides = array<i32>} : memref<2x640x64xf32, #tpu.memory_space<vmem>>, vector<16xf32>,
        %add3A_936 = arith.addf %add3A_904, %get3A_935 : vector<16xf32>
        %add3A_937 = arith.constant 13 : i32
        %add3A_938 = arith.addi %mul3A_533, %add3A_937 : i32
        %get3A_939 = arith.constant 1 : i32
        %get3A_940 = arith.index_cast %get3A_939 : i32 to index
        %get3A_941 = arith.index_cast %add3A_938 : i32 to index
        %get3A_942 = arith.constant 0 : index
        %get3A_943 = tpu.vector_load %arg9[%get3A_940, %get3A_941, %get3A_942] {strides = array<i32>} : memref<2x640x64xf32, #tpu.memory_space<vmem>>, vector<16xf32>,
        %add3A_944 = arith.addf %add3A_912, %get3A_943 : vector<16xf32>
        %add3A_945 = arith.constant 13 : i32
        %add3A_946 = arith.addi %mul3A_533, %add3A_945 : i32
        %get3A_947 = arith.constant 1 : i32
        %get3A_948 = arith.index_cast %get3A_947 : i32 to index
        %get3A_949 = arith.index_cast %add3A_946 : i32 to index
        %get3A_950 = arith.constant 16 : index
        %get3A_951 = tpu.vector_load %arg9[%get3A_948, %get3A_949, %get3A_950] {strides = array<i32>} : memref<2x640x64xf32, #tpu.memory_space<vmem>>, vector<16xf32>,
        %add3A_952 = arith.addf %add3A_920, %get3A_951 : vector<16xf32>
        %add3A_953 = arith.constant 13 : i32
        %add3A_954 = arith.addi %mul3A_533, %add3A_953 : i32
        %get3A_955 = arith.constant 1 : i32
        %get3A_956 = arith.index_cast %get3A_955 : i32 to index
        %get3A_957 = arith.index_cast %add3A_954 : i32 to index
        %get3A_958 = arith.constant 32 : index
        %get3A_959 = tpu.vector_load %arg9[%get3A_956, %get3A_957, %get3A_958] {strides = array<i32>} : memref<2x640x64xf32, #tpu.memory_space<vmem>>, vector<16xf32>,
        %add3A_960 = arith.addf %add3A_928, %get3A_959 : vector<16xf32>
        %add3A_961 = arith.constant 13 : i32
        %add3A_962 = arith.addi %mul3A_533, %add3A_961 : i32
        %get3A_963 = arith.constant 1 : i32
        %get3A_964 = arith.index_cast %get3A_963 : i32 to index
        %get3A_965 = arith.index_cast %add3A_962 : i32 to index
        %get3A_966 = arith.constant 48 : index
        %get3A_967 = tpu.vector_load %arg9[%get3A_964, %get3A_965, %get3A_966] {strides = array<i32>} : memref<2x640x64xf32, #tpu.memory_space<vmem>>, vector<16xf32>,
        %add3A_968 = arith.addf %add3A_936, %get3A_967 : vector<16xf32>
        %add3A_969 = arith.constant 14 : i32
        %add3A_970 = arith.addi %mul3A_533, %add3A_969 : i32
        %get3A_971 = arith.constant 1 : i32
        %get3A_972 = arith.index_cast %get3A_971 : i32 to index
        %get3A_973 = arith.index_cast %add3A_970 : i32 to index
        %get3A_974 = arith.constant 0 : index
        %get3A_975 = tpu.vector_load %arg9[%get3A_972, %get3A_973, %get3A_974] {strides = array<i32>} : memref<2x640x64xf32, #tpu.memory_space<vmem>>, vector<16xf32>,
        %add3A_976 = arith.addf %add3A_944, %get3A_975 : vector<16xf32>
        %add3A_977 = arith.constant 14 : i32
        %add3A_978 = arith.addi %mul3A_533, %add3A_977 : i32
        %get3A_979 = arith.constant 1 : i32
        %get3A_980 = arith.index_cast %get3A_979 : i32 to index
        %get3A_981 = arith.index_cast %add3A_978 : i32 to index
        %get3A_982 = arith.constant 16 : index
        %get3A_983 = tpu.vector_load %arg9[%get3A_980, %get3A_981, %get3A_982] {strides = array<i32>} : memref<2x640x64xf32, #tpu.memory_space<vmem>>, vector<16xf32>,
        %add3A_984 = arith.addf %add3A_952, %get3A_983 : vector<16xf32>
        %add3A_985 = arith.constant 14 : i32
        %add3A_986 = arith.addi %mul3A_533, %add3A_985 : i32
        %get3A_987 = arith.constant 1 : i32
        %get3A_988 = arith.index_cast %get3A_987 : i32 to index
        %get3A_989 = arith.index_cast %add3A_986 : i32 to index
        %get3A_990 = arith.constant 32 : index
        %get3A_991 = tpu.vector_load %arg9[%get3A_988, %get3A_989, %get3A_990] {strides = array<i32>} : memref<2x640x64xf32, #tpu.memory_space<vmem>>, vector<16xf32>,
        %add3A_992 = arith.addf %add3A_960, %get3A_991 : vector<16xf32>
        %add3A_993 = arith.constant 14 : i32
        %add3A_994 = arith.addi %mul3A_533, %add3A_993 : i32
        %get3A_995 = arith.constant 1 : i32
        %get3A_996 = arith.index_cast %get3A_995 : i32 to index
        %get3A_997 = arith.index_cast %add3A_994 : i32 to index
        %get3A_998 = arith.constant 48 : index
        %get3A_999 = tpu.vector_load %arg9[%get3A_996, %get3A_997, %get3A_998] {strides = array<i32>} : memref<2x640x64xf32, #tpu.memory_space<vmem>>, vector<16xf32>,
        %add3A_1000 = arith.addf %add3A_968, %get3A_999 : vector<16xf32>
        %add3A_1001 = arith.constant 15 : i32
        %add3A_1002 = arith.addi %mul3A_533, %add3A_1001 : i32
        %get3A_1003 = arith.constant 1 : i32
        %get3A_1004 = arith.index_cast %get3A_1003 : i32 to index
        %get3A_1005 = arith.index_cast %add3A_1002 : i32 to index
        %get3A_1006 = arith.constant 0 : index
        %get3A_1007 = tpu.vector_load %arg9[%get3A_1004, %get3A_1005, %get3A_1006] {strides = array<i32>} : memref<2x640x64xf32, #tpu.memory_space<vmem>>, vector<16xf32>,
        %add3A_1008 = arith.addf %add3A_976, %get3A_1007 : vector<16xf32>
        %add3A_1009 = arith.constant 15 : i32
        %add3A_1010 = arith.addi %mul3A_533, %add3A_1009 : i32
        %get3A_1011 = arith.constant 1 : i32
        %get3A_1012 = arith.index_cast %get3A_1011 : i32 to index
        %get3A_1013 = arith.index_cast %add3A_1010 : i32 to index
        %get3A_1014 = arith.constant 16 : index
        %get3A_1015 = tpu.vector_load %arg9[%get3A_1012, %get3A_1013, %get3A_1014] {strides = array<i32>} : memref<2x640x64xf32, #tpu.memory_space<vmem>>, vector<16xf32>,
        %add3A_1016 = arith.addf %add3A_984, %get3A_1015 : vector<16xf32>
        %add3A_1017 = arith.constant 15 : i32
        %add3A_1018 = arith.addi %mul3A_533, %add3A_1017 : i32
        %get3A_1019 = arith.constant 1 : i32
        %get3A_1020 = arith.index_cast %get3A_1019 : i32 to index
        %get3A_1021 = arith.index_cast %add3A_1018 : i32 to index
        %get3A_1022 = arith.constant 32 : index
        %get3A_1023 = tpu.vector_load %arg9[%get3A_1020, %get3A_1021, %get3A_1022] {strides = array<i32>} : memref<2x640x64xf32, #tpu.memory_space<vmem>>, vector<16xf32>,
        %add3A_1024 = arith.addf %add3A_992, %get3A_1023 : vector<16xf32>
        %add3A_1025 = arith.constant 15 : i32
        %add3A_1026 = arith.addi %mul3A_533, %add3A_1025 : i32
        %get3A_1027 = arith.constant 1 : i32
        %get3A_1028 = arith.index_cast %get3A_1027 : i32 to index
        %get3A_1029 = arith.index_cast %add3A_1026 : i32 to index
        %get3A_1030 = arith.constant 48 : index
        %get3A_1031 = tpu.vector_load %arg9[%get3A_1028, %get3A_1029, %get3A_1030] {strides = array<i32>} : memref<2x640x64xf32, #tpu.memory_space<vmem>>, vector<16xf32>,
        %add3A_1032 = arith.addf %add3A_1000, %get3A_1031 : vector<16xf32>
        %add3A_1033 = arith.constant 16 : i32
        %add3A_1034 = arith.addi %mul3A_533, %add3A_1033 : i32
        %get3A_1035 = arith.constant 1 : i32
        %get3A_1036 = arith.index_cast %get3A_1035 : i32 to index
        %get3A_1037 = arith.index_cast %add3A_1034 : i32 to index
        %get3A_1038 = arith.constant 0 : index
        %get3A_1039 = tpu.vector_load %arg9[%get3A_1036, %get3A_1037, %get3A_1038] {strides = array<i32>} : memref<2x640x64xf32, #tpu.memory_space<vmem>>, vector<16xf32>,
        %add3A_1040 = arith.addf %add3A_1008, %get3A_1039 : vector<16xf32>
        %add3A_1041 = arith.constant 16 : i32
        %add3A_1042 = arith.addi %mul3A_533, %add3A_1041 : i32
        %get3A_1043 = arith.constant 1 : i32
        %get3A_1044 = arith.index_cast %get3A_1043 : i32 to index
        %get3A_1045 = arith.index_cast %add3A_1042 : i32 to index
        %get3A_1046 = arith.constant 16 : index
        %get3A_1047 = tpu.vector_load %arg9[%get3A_1044, %get3A_1045, %get3A_1046] {strides = array<i32>} : memref<2x640x64xf32, #tpu.memory_space<vmem>>, vector<16xf32>,
        %add3A_1048 = arith.addf %add3A_1016, %get3A_1047 : vector<16xf32>
        %add3A_1049 = arith.constant 16 : i32
        %add3A_1050 = arith.addi %mul3A_533, %add3A_1049 : i32
        %get3A_1051 = arith.constant 1 : i32
        %get3A_1052 = arith.index_cast %get3A_1051 : i32 to index
        %get3A_1053 = arith.index_cast %add3A_1050 : i32 to index
        %get3A_1054 = arith.constant 32 : index
        %get3A_1055 = tpu.vector_load %arg9[%get3A_1052, %get3A_1053, %get3A_1054] {strides = array<i32>} : memref<2x640x64xf32, #tpu.memory_space<vmem>>, vector<16xf32>,
        %add3A_1056 = arith.addf %add3A_1024, %get3A_1055 : vector<16xf32>
        %add3A_1057 = arith.constant 16 : i32
        %add3A_1058 = arith.addi %mul3A_533, %add3A_1057 : i32
        %get3A_1059 = arith.constant 1 : i32
        %get3A_1060 = arith.index_cast %get3A_1059 : i32 to index
        %get3A_1061 = arith.index_cast %add3A_1058 : i32 to index
        %get3A_1062 = arith.constant 48 : index
        %get3A_1063 = tpu.vector_load %arg9[%get3A_1060, %get3A_1061, %get3A_1062] {strides = array<i32>} : memref<2x640x64xf32, #tpu.memory_space<vmem>>, vector<16xf32>,
        %add3A_1064 = arith.addf %add3A_1032, %get3A_1063 : vector<16xf32>
        %add3A_1065 = arith.constant 17 : i32
        %add3A_1066 = arith.addi %mul3A_533, %add3A_1065 : i32
        %get3A_1067 = arith.constant 1 : i32
        %get3A_1068 = arith.index_cast %get3A_1067 : i32 to index
        %get3A_1069 = arith.index_cast %add3A_1066 : i32 to index
        %get3A_1070 = arith.constant 0 : index
        %get3A_1071 = tpu.vector_load %arg9[%get3A_1068, %get3A_1069, %get3A_1070] {strides = array<i32>} : memref<2x640x64xf32, #tpu.memory_space<vmem>>, vector<16xf32>,
        %add3A_1072 = arith.addf %add3A_1040, %get3A_1071 : vector<16xf32>
        %add3A_1073 = arith.constant 17 : i32
        %add3A_1074 = arith.addi %mul3A_533, %add3A_1073 : i32
        %get3A_1075 = arith.constant 1 : i32
        %get3A_1076 = arith.index_cast %get3A_1075 : i32 to index
        %get3A_1077 = arith.index_cast %add3A_1074 : i32 to index
        %get3A_1078 = arith.constant 16 : index
        %get3A_1079 = tpu.vector_load %arg9[%get3A_1076, %get3A_1077, %get3A_1078] {strides = array<i32>} : memref<2x640x64xf32, #tpu.memory_space<vmem>>, vector<16xf32>,
        %add3A_1080 = arith.addf %add3A_1048, %get3A_1079 : vector<16xf32>
        %add3A_1081 = arith.constant 17 : i32
        %add3A_1082 = arith.addi %mul3A_533, %add3A_1081 : i32
        %get3A_1083 = arith.constant 1 : i32
        %get3A_1084 = arith.index_cast %get3A_1083 : i32 to index
        %get3A_1085 = arith.index_cast %add3A_1082 : i32 to index
        %get3A_1086 = arith.constant 32 : index
        %get3A_1087 = tpu.vector_load %arg9[%get3A_1084, %get3A_1085, %get3A_1086] {strides = array<i32>} : memref<2x640x64xf32, #tpu.memory_space<vmem>>, vector<16xf32>,
        %add3A_1088 = arith.addf %add3A_1056, %get3A_1087 : vector<16xf32>
        %add3A_1089 = arith.constant 17 : i32
        %add3A_1090 = arith.addi %mul3A_533, %add3A_1089 : i32
        %get3A_1091 = arith.constant 1 : i32
        %get3A_1092 = arith.index_cast %get3A_1091 : i32 to index
        %get3A_1093 = arith.index_cast %add3A_1090 : i32 to index
        %get3A_1094 = arith.constant 48 : index
        %get3A_1095 = tpu.vector_load %arg9[%get3A_1092, %get3A_1093, %get3A_1094] {strides = array<i32>} : memref<2x640x64xf32, #tpu.memory_space<vmem>>, vector<16xf32>,
        %add3A_1096 = arith.addf %add3A_1064, %get3A_1095 : vector<16xf32>
        %add3A_1097 = arith.constant 18 : i32
        %add3A_1098 = arith.addi %mul3A_533, %add3A_1097 : i32
        %get3A_1099 = arith.constant 1 : i32
        %get3A_1100 = arith.index_cast %get3A_1099 : i32 to index
        %get3A_1101 = arith.index_cast %add3A_1098 : i32 to index
        %get3A_1102 = arith.constant 0 : index
        %get3A_1103 = tpu.vector_load %arg9[%get3A_1100, %get3A_1101, %get3A_1102] {strides = array<i32>} : memref<2x640x64xf32, #tpu.memory_space<vmem>>, vector<16xf32>,
        %add3A_1104 = arith.addf %add3A_1072, %get3A_1103 : vector<16xf32>
        %add3A_1105 = arith.constant 18 : i32
        %add3A_1106 = arith.addi %mul3A_533, %add3A_1105 : i32
        %get3A_1107 = arith.constant 1 : i32
        %get3A_1108 = arith.index_cast %get3A_1107 : i32 to index
        %get3A_1109 = arith.index_cast %add3A_1106 : i32 to index
        %get3A_1110 = arith.constant 16 : index
        %get3A_1111 = tpu.vector_load %arg9[%get3A_1108, %get3A_1109, %get3A_1110] {strides = array<i32>} : memref<2x640x64xf32, #tpu.memory_space<vmem>>, vector<16xf32>,
        %add3A_1112 = arith.addf %add3A_1080, %get3A_1111 : vector<16xf32>
        %add3A_1113 = arith.constant 18 : i32
        %add3A_1114 = arith.addi %mul3A_533, %add3A_1113 : i32
        %get3A_1115 = arith.constant 1 : i32
        %get3A_1116 = arith.index_cast %get3A_1115 : i32 to index
        %get3A_1117 = arith.index_cast %add3A_1114 : i32 to index
        %get3A_1118 = arith.constant 32 : index
        %get3A_1119 = tpu.vector_load %arg9[%get3A_1116, %get3A_1117, %get3A_1118] {strides = array<i32>} : memref<2x640x64xf32, #tpu.memory_space<vmem>>, vector<16xf32>,
        %add3A_1120 = arith.addf %add3A_1088, %get3A_1119 : vector<16xf32>
        %add3A_1121 = arith.constant 18 : i32
        %add3A_1122 = arith.addi %mul3A_533, %add3A_1121 : i32
        %get3A_1123 = arith.constant 1 : i32
        %get3A_1124 = arith.index_cast %get3A_1123 : i32 to index
        %get3A_1125 = arith.index_cast %add3A_1122 : i32 to index
        %get3A_1126 = arith.constant 48 : index
        %get3A_1127 = tpu.vector_load %arg9[%get3A_1124, %get3A_1125, %get3A_1126] {strides = array<i32>} : memref<2x640x64xf32, #tpu.memory_space<vmem>>, vector<16xf32>,
        %add3A_1128 = arith.addf %add3A_1096, %get3A_1127 : vector<16xf32>
        %add3A_1129 = arith.constant 19 : i32
        %add3A_1130 = arith.addi %mul3A_533, %add3A_1129 : i32
        %get3A_1131 = arith.constant 1 : i32
        %get3A_1132 = arith.index_cast %get3A_1131 : i32 to index
        %get3A_1133 = arith.index_cast %add3A_1130 : i32 to index
        %get3A_1134 = arith.constant 0 : index
        %get3A_1135 = tpu.vector_load %arg9[%get3A_1132, %get3A_1133, %get3A_1134] {strides = array<i32>} : memref<2x640x64xf32, #tpu.memory_space<vmem>>, vector<16xf32>,
        %add3A_1136 = arith.addf %add3A_1104, %get3A_1135 : vector<16xf32>
        %add3A_1137 = arith.constant 19 : i32
        %add3A_1138 = arith.addi %mul3A_533, %add3A_1137 : i32
        %get3A_1139 = arith.constant 1 : i32
        %get3A_1140 = arith.index_cast %get3A_1139 : i32 to index
        %get3A_1141 = arith.index_cast %add3A_1138 : i32 to index
        %get3A_1142 = arith.constant 16 : index
        %get3A_1143 = tpu.vector_load %arg9[%get3A_1140, %get3A_1141, %get3A_1142] {strides = array<i32>} : memref<2x640x64xf32, #tpu.memory_space<vmem>>, vector<16xf32>,
        %add3A_1144 = arith.addf %add3A_1112, %get3A_1143 : vector<16xf32>
        %add3A_1145 = arith.constant 19 : i32
        %add3A_1146 = arith.addi %mul3A_533, %add3A_1145 : i32
        %get3A_1147 = arith.constant 1 : i32
        %get3A_1148 = arith.index_cast %get3A_1147 : i32 to index
        %get3A_1149 = arith.index_cast %add3A_1146 : i32 to index
        %get3A_1150 = arith.constant 32 : index
        %get3A_1151 = tpu.vector_load %arg9[%get3A_1148, %get3A_1149, %get3A_1150] {strides = array<i32>} : memref<2x640x64xf32, #tpu.memory_space<vmem>>, vector<16xf32>,
        %add3A_1152 = arith.addf %add3A_1120, %get3A_1151 : vector<16xf32>
        %add3A_1153 = arith.constant 19 : i32
        %add3A_1154 = arith.addi %mul3A_533, %add3A_1153 : i32
        %get3A_1155 = arith.constant 1 : i32
        %get3A_1156 = arith.index_cast %get3A_1155 : i32 to index
        %get3A_1157 = arith.index_cast %add3A_1154 : i32 to index
        %get3A_1158 = arith.constant 48 : index
        %get3A_1159 = tpu.vector_load %arg9[%get3A_1156, %get3A_1157, %get3A_1158] {strides = array<i32>} : memref<2x640x64xf32, #tpu.memory_space<vmem>>, vector<16xf32>,
        %add3A_1160 = arith.addf %add3A_1128, %get3A_1159 : vector<16xf32>
        %add3A_1161 = arith.addi %mul3A_521, %scan3A_530 : i32
        %swap3A = arith.index_cast %add3A_1161 : i32 to index
        %swap3A_1162 = arith.constant 0 : index
        %swap3A_1163 = tpu.vector_load %arg10[%swap3A, %swap3A_1162] {strides = array<i32>} : memref<256x64xf32, #tpu.memory_space<vmem>>, vector<16xf32>,
        tpu.vector_store %arg10[%swap3A, %swap3A_1162], %add3A_1136 {strides = array<i32>} : memref<256x64xf32, #tpu.memory_space<vmem>>, vector<16xf32>,
        %add3A_1164 = arith.addi %mul3A_521, %scan3A_530 : i32
        %swap3A_1165 = arith.index_cast %add3A_1164 : i32 to index
        %swap3A_1166 = arith.constant 16 : index
        %swap3A_1167 = tpu.vector_load %arg10[%swap3A_1165, %swap3A_1166] {strides = array<i32>} : memref<256x64xf32, #tpu.memory_space<vmem>>, vector<16xf32>,
        tpu.vector_store %arg10[%swap3A_1165, %swap3A_1166], %add3A_1144 {strides = array<i32>} : memref<256x64xf32, #tpu.memory_space<vmem>>, vector<16xf32>,
        %add3A_1168 = arith.addi %mul3A_521, %scan3A_530 : i32
        %swap3A_1169 = arith.index_cast %add3A_1168 : i32 to index
        %swap3A_1170 = arith.constant 32 : index
        %swap3A_1171 = tpu.vector_load %arg10[%swap3A_1169, %swap3A_1170] {strides = array<i32>} : memref<256x64xf32, #tpu.memory_space<vmem>>, vector<16xf32>,
        tpu.vector_store %arg10[%swap3A_1169, %swap3A_1170], %add3A_1152 {strides = array<i32>} : memref<256x64xf32, #tpu.memory_space<vmem>>, vector<16xf32>,
        %add3A_1172 = arith.addi %mul3A_521, %scan3A_530 : i32
        %swap3A_1173 = arith.index_cast %add3A_1172 : i32 to index
        %swap3A_1174 = arith.constant 48 : index
        %swap3A_1175 = tpu.vector_load %arg10[%swap3A_1173, %swap3A_1174] {strides = array<i32>} : memref<256x64xf32, #tpu.memory_space<vmem>>, vector<16xf32>,
        tpu.vector_store %arg10[%swap3A_1173, %swap3A_1174], %add3A_1160 {strides = array<i32>} : memref<256x64xf32, #tpu.memory_space<vmem>>, vector<16xf32>,
        %scan3A_1176 = arith.constant 0 : i32
        scf.yield %scan3A_1176 : i32
      }
      %scan3A_528 = arith.constant 32 : i32
      %scan3A_529 = arith.constant 0 : i32
      scf.yield %scan3A_529 : i32
    }
    %scan3A_65 = arith.constant 4 : i32
    %dma_start3A_66 = arith.constant 0 : i32
    %dma_start3A_67 = arith.constant 0 : i32
    %dma_start3A_68 = arith.constant 0 : i32
    %dma_start3A_69 = arith.constant 0 : i32
    %dma_start3A_70 = tpu.memref_slice %arg9[%dma_start3A_67, %dma_start3A_68, %dma_start3A_69] : memref<2x640x64xf32, #tpu.memory_space<vmem>> -> memref<1x128x64xf32, #tpu.memory_space<vmem>>
    %dma_start3A_71 = tpu.memref_squeeze %dma_start3A_70 : memref<1x128x64xf32, #tpu.memory_space<vmem>> -> memref<128x64xf32, #tpu.memory_space<vmem>>
    %dma_start3A_72 = arith.constant 0 : i32
    %dma_start3A_73 = tpu.memref_slice %arg8[%dma_start3A_66, %dma_start3A_72] : memref<20x128xi32, #tpu.memory_space<vmem>> -> memref<1x128xi32, #tpu.memory_space<vmem>>
    %dma_start3A_74 = tpu.memref_squeeze %dma_start3A_73 : memref<1x128xi32, #tpu.memory_space<vmem>> -> memref<128xi32, #tpu.memory_space<vmem>>
    %dma_start3A_75 = arith.constant 0 : i32
    %dma_start3A_76 = arith.constant 0 : i32
    %dma_start3A_77 = tpu.memref_slice %arg5[%dma_start3A_75, %dma_start3A_76] : memref<1000000x64xf32, #tpu.memory_space<hbm>> -> memref<1000000x64xf32, #tpu.memory_space<hbm>>
    tpu.enqueue_indirect_dma source(%dma_start3A_77 : memref<1000000x64xf32, #tpu.memory_space<hbm>>) target(%dma_start3A_71 : memref<128x64xf32, #tpu.memory_space<vmem>>) offsets(%dma_start3A_74 : memref<128xi32, #tpu.memory_space<vmem>>) semaphore(%arg12 : memref<!tpu.dma_semaphore, #tpu.memory_space<semaphore_mem>>)
    %dma_start3A_78 = arith.constant 1 : i32
    %dma_start3A_79 = arith.constant 0 : i32
    %dma_start3A_80 = arith.constant 128 : i32
    %dma_start3A_81 = arith.constant 0 : i32
    %dma_start3A_82 = tpu.memref_slice %arg9[%dma_start3A_79, %dma_start3A_80, %dma_start3A_81] : memref<2x640x64xf32, #tpu.memory_space<vmem>> -> memref<1x128x64xf32, #tpu.memory_space<vmem>>
    %dma_start3A_83 = tpu.memref_squeeze %dma_start3A_82 : memref<1x128x64xf32, #tpu.memory_space<vmem>> -> memref<128x64xf32, #tpu.memory_space<vmem>>
    %dma_start3A_84 = arith.constant 0 : i32
    %dma_start3A_85 = tpu.memref_slice %arg8[%dma_start3A_78, %dma_start3A_84] : memref<20x128xi32, #tpu.memory_space<vmem>> -> memref<1x128xi32, #tpu.memory_space<vmem>>
    %dma_start3A_86 = tpu.memref_squeeze %dma_start3A_85 : memref<1x128xi32, #tpu.memory_space<vmem>> -> memref<128xi32, #tpu.memory_space<vmem>>
    %dma_start3A_87 = arith.constant 0 : i32
    %dma_start3A_88 = arith.constant 0 : i32
    %dma_start3A_89 = tpu.memref_slice %arg5[%dma_start3A_87, %dma_start3A_88] : memref<1000000x64xf32, #tpu.memory_space<hbm>> -> memref<1000000x64xf32, #tpu.memory_space<hbm>>
    tpu.enqueue_indirect_dma source(%dma_start3A_89 : memref<1000000x64xf32, #tpu.memory_space<hbm>>) target(%dma_start3A_83 : memref<128x64xf32, #tpu.memory_space<vmem>>) offsets(%dma_start3A_86 : memref<128xi32, #tpu.memory_space<vmem>>) semaphore(%arg12 : memref<!tpu.dma_semaphore, #tpu.memory_space<semaphore_mem>>)
    %dma_start3A_90 = arith.constant 2 : i32
    %dma_start3A_91 = arith.constant 0 : i32
    %dma_start3A_92 = arith.constant 256 : i32
    %dma_start3A_93 = arith.constant 0 : i32
    %dma_start3A_94 = tpu.memref_slice %arg9[%dma_start3A_91, %dma_start3A_92, %dma_start3A_93] : memref<2x640x64xf32, #tpu.memory_space<vmem>> -> memref<1x128x64xf32, #tpu.memory_space<vmem>>
    %dma_start3A_95 = tpu.memref_squeeze %dma_start3A_94 : memref<1x128x64xf32, #tpu.memory_space<vmem>> -> memref<128x64xf32, #tpu.memory_space<vmem>>
    %dma_start3A_96 = arith.constant 0 : i32
    %dma_start3A_97 = tpu.memref_slice %arg8[%dma_start3A_90, %dma_start3A_96] : memref<20x128xi32, #tpu.memory_space<vmem>> -> memref<1x128xi32, #tpu.memory_space<vmem>>
    %dma_start3A_98 = tpu.memref_squeeze %dma_start3A_97 : memref<1x128xi32, #tpu.memory_space<vmem>> -> memref<128xi32, #tpu.memory_space<vmem>>
    %dma_start3A_99 = arith.constant 0 : i32
    %dma_start3A_100 = arith.constant 0 : i32
    %dma_start3A_101 = tpu.memref_slice %arg5[%dma_start3A_99, %dma_start3A_100] : memref<1000000x64xf32, #tpu.memory_space<hbm>> -> memref<1000000x64xf32, #tpu.memory_space<hbm>>
    tpu.enqueue_indirect_dma source(%dma_start3A_101 : memref<1000000x64xf32, #tpu.memory_space<hbm>>) target(%dma_start3A_95 : memref<128x64xf32, #tpu.memory_space<vmem>>) offsets(%dma_start3A_98 : memref<128xi32, #tpu.memory_space<vmem>>) semaphore(%arg12 : memref<!tpu.dma_semaphore, #tpu.memory_space<semaphore_mem>>)
    %dma_start3A_102 = arith.constant 3 : i32
    %dma_start3A_103 = arith.constant 0 : i32
    %dma_start3A_104 = arith.constant 384 : i32
    %dma_start3A_105 = arith.constant 0 : i32
    %dma_start3A_106 = tpu.memref_slice %arg9[%dma_start3A_103, %dma_start3A_104, %dma_start3A_105] : memref<2x640x64xf32, #tpu.memory_space<vmem>> -> memref<1x128x64xf32, #tpu.memory_space<vmem>>
    %dma_start3A_107 = tpu.memref_squeeze %dma_start3A_106 : memref<1x128x64xf32, #tpu.memory_space<vmem>> -> memref<128x64xf32, #tpu.memory_space<vmem>>
    %dma_start3A_108 = arith.constant 0 : i32
    %dma_start3A_109 = tpu.memref_slice %arg8[%dma_start3A_102, %dma_start3A_108] : memref<20x128xi32, #tpu.memory_space<vmem>> -> memref<1x128xi32, #tpu.memory_space<vmem>>
    %dma_start3A_110 = tpu.memref_squeeze %dma_start3A_109 : memref<1x128xi32, #tpu.memory_space<vmem>> -> memref<128xi32, #tpu.memory_space<vmem>>
    %dma_start3A_111 = arith.constant 0 : i32
    %dma_start3A_112 = arith.constant 0 : i32
    %dma_start3A_113 = tpu.memref_slice %arg5[%dma_start3A_111, %dma_start3A_112] : memref<1000000x64xf32, #tpu.memory_space<hbm>> -> memref<1000000x64xf32, #tpu.memory_space<hbm>>
    tpu.enqueue_indirect_dma source(%dma_start3A_113 : memref<1000000x64xf32, #tpu.memory_space<hbm>>) target(%dma_start3A_107 : memref<128x64xf32, #tpu.memory_space<vmem>>) offsets(%dma_start3A_110 : memref<128xi32, #tpu.memory_space<vmem>>) semaphore(%arg12 : memref<!tpu.dma_semaphore, #tpu.memory_space<semaphore_mem>>)
    %dma_start3A_114 = arith.constant 4 : i32
    %dma_start3A_115 = arith.constant 0 : i32
    %dma_start3A_116 = arith.constant 512 : i32
    %dma_start3A_117 = arith.constant 0 : i32
    %dma_start3A_118 = tpu.memref_slice %arg9[%dma_start3A_115, %dma_start3A_116, %dma_start3A_117] : memref<2x640x64xf32, #tpu.memory_space<vmem>> -> memref<1x128x64xf32, #tpu.memory_space<vmem>>
    %dma_start3A_119 = tpu.memref_squeeze %dma_start3A_118 : memref<1x128x64xf32, #tpu.memory_space<vmem>> -> memref<128x64xf32, #tpu.memory_space<vmem>>
    %dma_start3A_120 = arith.constant 0 : i32
    %dma_start3A_121 = tpu.memref_slice %arg8[%dma_start3A_114, %dma_start3A_120] : memref<20x128xi32, #tpu.memory_space<vmem>> -> memref<1x128xi32, #tpu.memory_space<vmem>>
    %dma_start3A_122 = tpu.memref_squeeze %dma_start3A_121 : memref<1x128xi32, #tpu.memory_space<vmem>> -> memref<128xi32, #tpu.memory_space<vmem>>
    %dma_start3A_123 = arith.constant 0 : i32
    %dma_start3A_124 = arith.constant 0 : i32
    %dma_start3A_125 = tpu.memref_slice %arg5[%dma_start3A_123, %dma_start3A_124] : memref<1000000x64xf32, #tpu.memory_space<hbm>> -> memref<1000000x64xf32, #tpu.memory_space<hbm>>
    tpu.enqueue_indirect_dma source(%dma_start3A_125 : memref<1000000x64xf32, #tpu.memory_space<hbm>>) target(%dma_start3A_119 : memref<128x64xf32, #tpu.memory_space<vmem>>) offsets(%dma_start3A_122 : memref<128xi32, #tpu.memory_space<vmem>>) semaphore(%arg12 : memref<!tpu.dma_semaphore, #tpu.memory_space<semaphore_mem>>)
    %dma_wait3A = arith.constant 0 : i32
    %dma_wait3A_126 = arith.constant 0 : i32
    %dma_wait3A_127 = arith.constant 0 : i32
    %dma_wait3A_128 = tpu.memref_slice %arg9[%dma_wait3A, %dma_wait3A_126, %dma_wait3A_127] : memref<2x640x64xf32, #tpu.memory_space<vmem>> -> memref<1x640x64xf32, #tpu.memory_space<vmem>>
    %dma_wait3A_129 = tpu.memref_squeeze %dma_wait3A_128 : memref<1x640x64xf32, #tpu.memory_space<vmem>> -> memref<640x64xf32, #tpu.memory_space<vmem>>
    %dma_wait3A_130 = arith.constant 0 : i32
    %dma_wait3A_131 = arith.constant 0 : i32
    %dma_wait3A_132 = tpu.memref_slice %arg4[%dma_wait3A_130, %dma_wait3A_131] : memref<1000000x64xf32, #tpu.memory_space<hbm>> -> memref<640x64xf32, #tpu.memory_space<hbm>>
    %dma_wait3A_133 = arith.constant 0 : i32
    %dma_wait3A_134 = arith.constant 0 : i32
    %dma_wait3A_135 = tpu.memref_slice %arg9[%dma_wait3A, %dma_wait3A_133, %dma_wait3A_134] : memref<2x640x64xf32, #tpu.memory_space<vmem>> -> memref<1x640x64xf32, #tpu.memory_space<vmem>>
    %dma_wait3A_136 = tpu.memref_squeeze %dma_wait3A_135 : memref<1x640x64xf32, #tpu.memory_space<vmem>> -> memref<640x64xf32, #tpu.memory_space<vmem>>
    %dma_wait3A_137 = arith.constant 0 : i32
    %dma_wait3A_138 = arith.constant 0 : i32
    %dma_wait3A_139 = tpu.memref_slice %arg4[%dma_wait3A_137, %dma_wait3A_138] : memref<1000000x64xf32, #tpu.memory_space<hbm>> -> memref<640x64xf32, #tpu.memory_space<hbm>>
    tpu.wait_dma2 semaphore(%arg12 : memref<!tpu.dma_semaphore, #tpu.memory_space<semaphore_mem>>) src(%dma_wait3A_139 : memref<640x64xf32, #tpu.memory_space<hbm>>) dst(%dma_wait3A_136 : memref<640x64xf32, #tpu.memory_space<vmem>>)
    %dma_start3A_140 = arith.constant 5 : i32
    %dma_start3A_141 = arith.constant 1 : i32
    %dma_start3A_142 = arith.constant 0 : i32
    %dma_start3A_143 = arith.constant 0 : i32
    %dma_start3A_144 = tpu.memref_slice %arg9[%dma_start3A_141, %dma_start3A_142, %dma_start3A_143] : memref<2x640x64xf32, #tpu.memory_space<vmem>> -> memref<1x128x64xf32, #tpu.memory_space<vmem>>
    %dma_start3A_145 = tpu.memref_squeeze %dma_start3A_144 : memref<1x128x64xf32, #tpu.memory_space<vmem>> -> memref<128x64xf32, #tpu.memory_space<vmem>>
    %dma_start3A_146 = arith.constant 0 : i32
    %dma_start3A_147 = tpu.memref_slice %arg8[%dma_start3A_140, %dma_start3A_146] : memref<20x128xi32, #tpu.memory_space<vmem>> -> memref<1x128xi32, #tpu.memory_space<vmem>>
    %dma_start3A_148 = tpu.memref_squeeze %dma_start3A_147 : memref<1x128xi32, #tpu.memory_space<vmem>> -> memref<128xi32, #tpu.memory_space<vmem>>
    %dma_start3A_149 = arith.constant 0 : i32
    %dma_start3A_150 = arith.constant 0 : i32
    %dma_start3A_151 = tpu.memref_slice %arg5[%dma_start3A_149, %dma_start3A_150] : memref<1000000x64xf32, #tpu.memory_space<hbm>> -> memref<1000000x64xf32, #tpu.memory_space<hbm>>
    tpu.enqueue_indirect_dma source(%dma_start3A_151 : memref<1000000x64xf32, #tpu.memory_space<hbm>>) target(%dma_start3A_145 : memref<128x64xf32, #tpu.memory_space<vmem>>) offsets(%dma_start3A_148 : memref<128xi32, #tpu.memory_space<vmem>>) semaphore(%arg13 : memref<!tpu.dma_semaphore, #tpu.memory_space<semaphore_mem>>)
    %dma_start3A_152 = arith.constant 6 : i32
    %dma_start3A_153 = arith.constant 1 : i32
    %dma_start3A_154 = arith.constant 128 : i32
    %dma_start3A_155 = arith.constant 0 : i32
    %dma_start3A_156 = tpu.memref_slice %arg9[%dma_start3A_153, %dma_start3A_154, %dma_start3A_155] : memref<2x640x64xf32, #tpu.memory_space<vmem>> -> memref<1x128x64xf32, #tpu.memory_space<vmem>>
    %dma_start3A_157 = tpu.memref_squeeze %dma_start3A_156 : memref<1x128x64xf32, #tpu.memory_space<vmem>> -> memref<128x64xf32, #tpu.memory_space<vmem>>
    %dma_start3A_158 = arith.constant 0 : i32
    %dma_start3A_159 = tpu.memref_slice %arg8[%dma_start3A_152, %dma_start3A_158] : memref<20x128xi32, #tpu.memory_space<vmem>> -> memref<1x128xi32, #tpu.memory_space<vmem>>
    %dma_start3A_160 = tpu.memref_squeeze %dma_start3A_159 : memref<1x128xi32, #tpu.memory_space<vmem>> -> memref<128xi32, #tpu.memory_space<vmem>>
    %dma_start3A_161 = arith.constant 0 : i32
    %dma_start3A_162 = arith.constant 0 : i32
    %dma_start3A_163 = tpu.memref_slice %arg5[%dma_start3A_161, %dma_start3A_162] : memref<1000000x64xf32, #tpu.memory_space<hbm>> -> memref<1000000x64xf32, #tpu.memory_space<hbm>>
    tpu.enqueue_indirect_dma source(%dma_start3A_163 : memref<1000000x64xf32, #tpu.memory_space<hbm>>) target(%dma_start3A_157 : memref<128x64xf32, #tpu.memory_space<vmem>>) offsets(%dma_start3A_160 : memref<128xi32, #tpu.memory_space<vmem>>) semaphore(%arg13 : memref<!tpu.dma_semaphore, #tpu.memory_space<semaphore_mem>>)
    %dma_start3A_164 = arith.constant 7 : i32
    %dma_start3A_165 = arith.constant 1 : i32
    %dma_start3A_166 = arith.constant 256 : i32
    %dma_start3A_167 = arith.constant 0 : i32
    %dma_start3A_168 = tpu.memref_slice %arg9[%dma_start3A_165, %dma_start3A_166, %dma_start3A_167] : memref<2x640x64xf32, #tpu.memory_space<vmem>> -> memref<1x128x64xf32, #tpu.memory_space<vmem>>
    %dma_start3A_169 = tpu.memref_squeeze %dma_start3A_168 : memref<1x128x64xf32, #tpu.memory_space<vmem>> -> memref<128x64xf32, #tpu.memory_space<vmem>>
    %dma_start3A_170 = arith.constant 0 : i32
    %dma_start3A_171 = tpu.memref_slice %arg8[%dma_start3A_164, %dma_start3A_170] : memref<20x128xi32, #tpu.memory_space<vmem>> -> memref<1x128xi32, #tpu.memory_space<vmem>>
    %dma_start3A_172 = tpu.memref_squeeze %dma_start3A_171 : memref<1x128xi32, #tpu.memory_space<vmem>> -> memref<128xi32, #tpu.memory_space<vmem>>
    %dma_start3A_173 = arith.constant 0 : i32
    %dma_start3A_174 = arith.constant 0 : i32
    %dma_start3A_175 = tpu.memref_slice %arg5[%dma_start3A_173, %dma_start3A_174] : memref<1000000x64xf32, #tpu.memory_space<hbm>> -> memref<1000000x64xf32, #tpu.memory_space<hbm>>
    tpu.enqueue_indirect_dma source(%dma_start3A_175 : memref<1000000x64xf32, #tpu.memory_space<hbm>>) target(%dma_start3A_169 : memref<128x64xf32, #tpu.memory_space<vmem>>) offsets(%dma_start3A_172 : memref<128xi32, #tpu.memory_space<vmem>>) semaphore(%arg13 : memref<!tpu.dma_semaphore, #tpu.memory_space<semaphore_mem>>)
    %dma_start3A_176 = arith.constant 8 : i32
    %dma_start3A_177 = arith.constant 1 : i32
    %dma_start3A_178 = arith.constant 384 : i32
    %dma_start3A_179 = arith.constant 0 : i32
    %dma_start3A_180 = tpu.memref_slice %arg9[%dma_start3A_177, %dma_start3A_178, %dma_start3A_179] : memref<2x640x64xf32, #tpu.memory_space<vmem>> -> memref<1x128x64xf32, #tpu.memory_space<vmem>>
    %dma_start3A_181 = tpu.memref_squeeze %dma_start3A_180 : memref<1x128x64xf32, #tpu.memory_space<vmem>> -> memref<128x64xf32, #tpu.memory_space<vmem>>
    %dma_start3A_182 = arith.constant 0 : i32
    %dma_start3A_183 = tpu.memref_slice %arg8[%dma_start3A_176, %dma_start3A_182] : memref<20x128xi32, #tpu.memory_space<vmem>> -> memref<1x128xi32, #tpu.memory_space<vmem>>
    %dma_start3A_184 = tpu.memref_squeeze %dma_start3A_183 : memref<1x128xi32, #tpu.memory_space<vmem>> -> memref<128xi32, #tpu.memory_space<vmem>>
    %dma_start3A_185 = arith.constant 0 : i32
    %dma_start3A_186 = arith.constant 0 : i32
    %dma_start3A_187 = tpu.memref_slice %arg5[%dma_start3A_185, %dma_start3A_186] : memref<1000000x64xf32, #tpu.memory_space<hbm>> -> memref<1000000x64xf32, #tpu.memory_space<hbm>>
    tpu.enqueue_indirect_dma source(%dma_start3A_187 : memref<1000000x64xf32, #tpu.memory_space<hbm>>) target(%dma_start3A_181 : memref<128x64xf32, #tpu.memory_space<vmem>>) offsets(%dma_start3A_184 : memref<128xi32, #tpu.memory_space<vmem>>) semaphore(%arg13 : memref<!tpu.dma_semaphore, #tpu.memory_space<semaphore_mem>>)
    %dma_start3A_188 = arith.constant 9 : i32
    %dma_start3A_189 = arith.constant 1 : i32
    %dma_start3A_190 = arith.constant 512 : i32
    %dma_start3A_191 = arith.constant 0 : i32
    %dma_start3A_192 = tpu.memref_slice %arg9[%dma_start3A_189, %dma_start3A_190, %dma_start3A_191] : memref<2x640x64xf32, #tpu.memory_space<vmem>> -> memref<1x128x64xf32, #tpu.memory_space<vmem>>
    %dma_start3A_193 = tpu.memref_squeeze %dma_start3A_192 : memref<1x128x64xf32, #tpu.memory_space<vmem>> -> memref<128x64xf32, #tpu.memory_space<vmem>>
    %dma_start3A_194 = arith.constant 0 : i32
    %dma_start3A_195 = tpu.memref_slice %arg8[%dma_start3A_188, %dma_start3A_194] : memref<20x128xi32, #tpu.memory_space<vmem>> -> memref<1x128xi32, #tpu.memory_space<vmem>>
    %dma_start3A_196 = tpu.memref_squeeze %dma_start3A_195 : memref<1x128xi32, #tpu.memory_space<vmem>> -> memref<128xi32, #tpu.memory_space<vmem>>
    %dma_start3A_197 = arith.constant 0 : i32
    %dma_start3A_198 = arith.constant 0 : i32
    %dma_start3A_199 = tpu.memref_slice %arg5[%dma_start3A_197, %dma_start3A_198] : memref<1000000x64xf32, #tpu.memory_space<hbm>> -> memref<1000000x64xf32, #tpu.memory_space<hbm>>
    tpu.enqueue_indirect_dma source(%dma_start3A_199 : memref<1000000x64xf32, #tpu.memory_space<hbm>>) target(%dma_start3A_193 : memref<128x64xf32, #tpu.memory_space<vmem>>) offsets(%dma_start3A_196 : memref<128xi32, #tpu.memory_space<vmem>>) semaphore(%arg13 : memref<!tpu.dma_semaphore, #tpu.memory_space<semaphore_mem>>)
    %scan3A_200 = arith.constant 0 : i32
    %scan3A_201 = arith.constant 0 : i32
    %scan3A_202 = arith.constant 8 : i32
    %scan3A_203 = arith.addi %scan3A_201, %scan3A_202 : i32
    %scan3A_204 = arith.constant 1 : i32
    %scan3A_205 = scf.for %scan3A_460 = %scan3A_201 to %scan3A_203 step %scan3A_204 iter_args(%scan3A_461 = %scan3A_200) -> (i32)  : i32 {
      %mul3A_462 = arith.constant 16 : i32
      %mul3A_463 = arith.muli %scan3A_460, %mul3A_462 : i32
      %add3A_464 = arith.constant 0 : i32
      %add3A_465 = arith.addi %add3A_464, %mul3A_463 : i32
      %broadcast_in_dim3A = arith.constant 0.000000e+00 : f32
      %broadcast_in_dim3A_466 = vector.broadcast %broadcast_in_dim3A : f32 to vector<16xf32>
      %scan3A_467 = arith.constant 0 : i32
      %scan3A_468 = arith.constant 16 : i32
      %scan3A_469 = arith.addi %scan3A_467, %scan3A_468 : i32
      %scan3A_470 = arith.constant 1 : i32
      %scan3A_471:5 = scf.for %scan3A_513 = %scan3A_467 to %scan3A_469 step %scan3A_470 iter_args(%scan3A_514 = %broadcast_in_dim3A_466, %scan3A_515 = %broadcast_in_dim3A_466, %scan3A_516 = %broadcast_in_dim3A_466, %scan3A_517 = %broadcast_in_dim3A_466, %scan3A_518 = %broadcast_in_dim3A_466) -> (vector<16xf32>, vector<16xf32>, vector<16xf32>, vector<16xf32>, vector<16xf32>)  : i32 {
        %add3A_519 = arith.addi %add3A_465, %scan3A_513 : i32
        %get3A = arith.index_cast %add3A_519 : i32 to index
        %get3A_520 = arith.constant 0 : index
        %get3A_521 = tpu.vector_load %arg10[%get3A, %get3A_520] {strides = array<i32>} : memref<256x64xf32, #tpu.memory_space<vmem>>, vector<16xf32>,
        %get3A_522 = arith.index_cast %add3A_519 : i32 to index
        %get3A_523 = arith.constant 16 : index
        %get3A_524 = tpu.vector_load %arg10[%get3A_522, %get3A_523] {strides = array<i32>} : memref<256x64xf32, #tpu.memory_space<vmem>>, vector<16xf32>,
        %get3A_525 = arith.index_cast %add3A_519 : i32 to index
        %get3A_526 = arith.constant 32 : index
        %get3A_527 = tpu.vector_load %arg10[%get3A_525, %get3A_526] {strides = array<i32>} : memref<256x64xf32, #tpu.memory_space<vmem>>, vector<16xf32>,
        %get3A_528 = arith.index_cast %add3A_519 : i32 to index
        %get3A_529 = arith.constant 48 : index
        %get3A_530 = tpu.vector_load %arg10[%get3A_528, %get3A_529] {strides = array<i32>} : memref<256x64xf32, #tpu.memory_space<vmem>>, vector<16xf32>,
        %mul3A_531 = arith.constant 16 : i32
        %mul3A_532 = arith.muli %scan3A_460, %mul3A_531 : i32
        %add3A_533 = arith.addi %mul3A_532, %scan3A_513 : i32
        %mul3A_534 = arith.constant 5 : i32
        %mul3A_535 = arith.muli %add3A_533, %mul3A_534 : i32
        %add3A_536 = arith.constant 0 : i32
        %add3A_537 = arith.addi %mul3A_535, %add3A_536 : i32
        %get3A_538 = arith.constant 0 : i32
        %get3A_539 = arith.index_cast %get3A_538 : i32 to index
        %get3A_540 = arith.index_cast %add3A_537 : i32 to index
        %get3A_541 = arith.constant 0 : index
        %get3A_542 = tpu.vector_load %arg9[%get3A_539, %get3A_540, %get3A_541] {strides = array<i32>} : memref<2x640x64xf32, #tpu.memory_space<vmem>>, vector<16xf32>,
        %mul3A_543 = arith.mulf %get3A_521, %get3A_542 : vector<16xf32>
        %add3A_544 = arith.constant 0 : i32
        %add3A_545 = arith.addi %mul3A_535, %add3A_544 : i32
        %get3A_546 = arith.constant 0 : i32
        %get3A_547 = arith.index_cast %get3A_546 : i32 to index
        %get3A_548 = arith.index_cast %add3A_545 : i32 to index
        %get3A_549 = arith.constant 16 : index
        %get3A_550 = tpu.vector_load %arg9[%get3A_547, %get3A_548, %get3A_549] {strides = array<i32>} : memref<2x640x64xf32, #tpu.memory_space<vmem>>, vector<16xf32>,
        %mul3A_551 = arith.mulf %get3A_524, %get3A_550 : vector<16xf32>
        %add3A_552 = arith.addf %mul3A_543, %mul3A_551 : vector<16xf32>
        %add3A_553 = arith.constant 0 : i32
        %add3A_554 = arith.addi %mul3A_535, %add3A_553 : i32
        %get3A_555 = arith.constant 0 : i32
        %get3A_556 = arith.index_cast %get3A_555 : i32 to index
        %get3A_557 = arith.index_cast %add3A_554 : i32 to index
        %get3A_558 = arith.constant 32 : index
        %get3A_559 = tpu.vector_load %arg9[%get3A_556, %get3A_557, %get3A_558] {strides = array<i32>} : memref<2x640x64xf32, #tpu.memory_space<vmem>>, vector<16xf32>,
        %mul3A_560 = arith.mulf %get3A_527, %get3A_559 : vector<16xf32>
        %add3A_561 = arith.addf %add3A_552, %mul3A_560 : vector<16xf32>
        %add3A_562 = arith.constant 0 : i32
        %add3A_563 = arith.addi %mul3A_535, %add3A_562 : i32
        %get3A_564 = arith.constant 0 : i32
        %get3A_565 = arith.index_cast %get3A_564 : i32 to index
        %get3A_566 = arith.index_cast %add3A_563 : i32 to index
        %get3A_567 = arith.constant 48 : index
        %get3A_568 = tpu.vector_load %arg9[%get3A_565, %get3A_566, %get3A_567] {strides = array<i32>} : memref<2x640x64xf32, #tpu.memory_space<vmem>>, vector<16xf32>,
        %mul3A_569 = arith.mulf %get3A_530, %get3A_568 : vector<16xf32>
        %add3A_570 = arith.addf %add3A_561, %mul3A_569 : vector<16xf32>
        %reduce_sum3A = arith.constant true
        %reduce_sum3A_571 = vector.broadcast %reduce_sum3A : i1 to vector<16xi1>
        %reduce_sum3A_572 = tpu.scan <sum>, %add3A_570 masked %reduce_sum3A_571 : vector<16xf32>, vector<16xi1> -> vector<16xf32>
        %reduce_sum3A_573 = vector.extract %reduce_sum3A_572[15] : f32 from vector<16xf32>
        %eq3A = vector.broadcast %scan3A_513 : i32 to vector<16xi32>
        %eq3A_574 = arith.cmpi eq, %iota3A, %eq3A : vector<16xi32>
        %broadcast_in_dim3A_575 = vector.broadcast %reduce_sum3A_573 : f32 to vector<16xf32>
        %select_n3A = arith.select %eq3A_574, %broadcast_in_dim3A_575, %scan3A_514 : vector<16xi1>, vector<16xf32>
        %add3A_576 = arith.constant 1 : i32
        %add3A_577 = arith.addi %mul3A_535, %add3A_576 : i32
        %get3A_578 = arith.constant 0 : i32
        %get3A_579 = arith.index_cast %get3A_578 : i32 to index
        %get3A_580 = arith.index_cast %add3A_577 : i32 to index
        %get3A_581 = arith.constant 0 : index
        %get3A_582 = tpu.vector_load %arg9[%get3A_579, %get3A_580, %get3A_581] {strides = array<i32>} : memref<2x640x64xf32, #tpu.memory_space<vmem>>, vector<16xf32>,
        %mul3A_583 = arith.mulf %get3A_521, %get3A_582 : vector<16xf32>
        %add3A_584 = arith.constant 1 : i32
        %add3A_585 = arith.addi %mul3A_535, %add3A_584 : i32
        %get3A_586 = arith.constant 0 : i32
        %get3A_587 = arith.index_cast %get3A_586 : i32 to index
        %get3A_588 = arith.index_cast %add3A_585 : i32 to index
        %get3A_589 = arith.constant 16 : index
        %get3A_590 = tpu.vector_load %arg9[%get3A_587, %get3A_588, %get3A_589] {strides = array<i32>} : memref<2x640x64xf32, #tpu.memory_space<vmem>>, vector<16xf32>,
        %mul3A_591 = arith.mulf %get3A_524, %get3A_590 : vector<16xf32>
        %add3A_592 = arith.addf %mul3A_583, %mul3A_591 : vector<16xf32>
        %add3A_593 = arith.constant 1 : i32
        %add3A_594 = arith.addi %mul3A_535, %add3A_593 : i32
        %get3A_595 = arith.constant 0 : i32
        %get3A_596 = arith.index_cast %get3A_595 : i32 to index
        %get3A_597 = arith.index_cast %add3A_594 : i32 to index
        %get3A_598 = arith.constant 32 : index
        %get3A_599 = tpu.vector_load %arg9[%get3A_596, %get3A_597, %get3A_598] {strides = array<i32>} : memref<2x640x64xf32, #tpu.memory_space<vmem>>, vector<16xf32>,
        %mul3A_600 = arith.mulf %get3A_527, %get3A_599 : vector<16xf32>
        %add3A_601 = arith.addf %add3A_592, %mul3A_600 : vector<16xf32>
        %add3A_602 = arith.constant 1 : i32
        %add3A_603 = arith.addi %mul3A_535, %add3A_602 : i32
        %get3A_604 = arith.constant 0 : i32
        %get3A_605 = arith.index_cast %get3A_604 : i32 to index
        %get3A_606 = arith.index_cast %add3A_603 : i32 to index
        %get3A_607 = arith.constant 48 : index
        %get3A_608 = tpu.vector_load %arg9[%get3A_605, %get3A_606, %get3A_607] {strides = array<i32>} : memref<2x640x64xf32, #tpu.memory_space<vmem>>, vector<16xf32>,
        %mul3A_609 = arith.mulf %get3A_530, %get3A_608 : vector<16xf32>
        %add3A_610 = arith.addf %add3A_601, %mul3A_609 : vector<16xf32>
        %reduce_sum3A_611 = arith.constant true
        %reduce_sum3A_612 = vector.broadcast %reduce_sum3A_611 : i1 to vector<16xi1>
        %reduce_sum3A_613 = tpu.scan <sum>, %add3A_610 masked %reduce_sum3A_612 : vector<16xf32>, vector<16xi1> -> vector<16xf32>
        %reduce_sum3A_614 = vector.extract %reduce_sum3A_613[15] : f32 from vector<16xf32>
        %eq3A_615 = vector.broadcast %scan3A_513 : i32 to vector<16xi32>
        %eq3A_616 = arith.cmpi eq, %iota3A, %eq3A_615 : vector<16xi32>
        %broadcast_in_dim3A_617 = vector.broadcast %reduce_sum3A_614 : f32 to vector<16xf32>
        %select_n3A_618 = arith.select %eq3A_616, %broadcast_in_dim3A_617, %scan3A_515 : vector<16xi1>, vector<16xf32>
        %add3A_619 = arith.constant 2 : i32
        %add3A_620 = arith.addi %mul3A_535, %add3A_619 : i32
        %get3A_621 = arith.constant 0 : i32
        %get3A_622 = arith.index_cast %get3A_621 : i32 to index
        %get3A_623 = arith.index_cast %add3A_620 : i32 to index
        %get3A_624 = arith.constant 0 : index
        %get3A_625 = tpu.vector_load %arg9[%get3A_622, %get3A_623, %get3A_624] {strides = array<i32>} : memref<2x640x64xf32, #tpu.memory_space<vmem>>, vector<16xf32>,
        %mul3A_626 = arith.mulf %get3A_521, %get3A_625 : vector<16xf32>
        %add3A_627 = arith.constant 2 : i32
        %add3A_628 = arith.addi %mul3A_535, %add3A_627 : i32
        %get3A_629 = arith.constant 0 : i32
        %get3A_630 = arith.index_cast %get3A_629 : i32 to index
        %get3A_631 = arith.index_cast %add3A_628 : i32 to index
        %get3A_632 = arith.constant 16 : index
        %get3A_633 = tpu.vector_load %arg9[%get3A_630, %get3A_631, %get3A_632] {strides = array<i32>} : memref<2x640x64xf32, #tpu.memory_space<vmem>>, vector<16xf32>,
        %mul3A_634 = arith.mulf %get3A_524, %get3A_633 : vector<16xf32>
        %add3A_635 = arith.addf %mul3A_626, %mul3A_634 : vector<16xf32>
        %add3A_636 = arith.constant 2 : i32
        %add3A_637 = arith.addi %mul3A_535, %add3A_636 : i32
        %get3A_638 = arith.constant 0 : i32
        %get3A_639 = arith.index_cast %get3A_638 : i32 to index
        %get3A_640 = arith.index_cast %add3A_637 : i32 to index
        %get3A_641 = arith.constant 32 : index
        %get3A_642 = tpu.vector_load %arg9[%get3A_639, %get3A_640, %get3A_641] {strides = array<i32>} : memref<2x640x64xf32, #tpu.memory_space<vmem>>, vector<16xf32>,
        %mul3A_643 = arith.mulf %get3A_527, %get3A_642 : vector<16xf32>
        %add3A_644 = arith.addf %add3A_635, %mul3A_643 : vector<16xf32>
        %add3A_645 = arith.constant 2 : i32
        %add3A_646 = arith.addi %mul3A_535, %add3A_645 : i32
        %get3A_647 = arith.constant 0 : i32
        %get3A_648 = arith.index_cast %get3A_647 : i32 to index
        %get3A_649 = arith.index_cast %add3A_646 : i32 to index
        %get3A_650 = arith.constant 48 : index
        %get3A_651 = tpu.vector_load %arg9[%get3A_648, %get3A_649, %get3A_650] {strides = array<i32>} : memref<2x640x64xf32, #tpu.memory_space<vmem>>, vector<16xf32>,
        %mul3A_652 = arith.mulf %get3A_530, %get3A_651 : vector<16xf32>
        %add3A_653 = arith.addf %add3A_644, %mul3A_652 : vector<16xf32>
        %reduce_sum3A_654 = arith.constant true
        %reduce_sum3A_655 = vector.broadcast %reduce_sum3A_654 : i1 to vector<16xi1>
        %reduce_sum3A_656 = tpu.scan <sum>, %add3A_653 masked %reduce_sum3A_655 : vector<16xf32>, vector<16xi1> -> vector<16xf32>
        %reduce_sum3A_657 = vector.extract %reduce_sum3A_656[15] : f32 from vector<16xf32>
        %eq3A_658 = vector.broadcast %scan3A_513 : i32 to vector<16xi32>
        %eq3A_659 = arith.cmpi eq, %iota3A, %eq3A_658 : vector<16xi32>
        %broadcast_in_dim3A_660 = vector.broadcast %reduce_sum3A_657 : f32 to vector<16xf32>
        %select_n3A_661 = arith.select %eq3A_659, %broadcast_in_dim3A_660, %scan3A_516 : vector<16xi1>, vector<16xf32>
        %add3A_662 = arith.constant 3 : i32
        %add3A_663 = arith.addi %mul3A_535, %add3A_662 : i32
        %get3A_664 = arith.constant 0 : i32
        %get3A_665 = arith.index_cast %get3A_664 : i32 to index
        %get3A_666 = arith.index_cast %add3A_663 : i32 to index
        %get3A_667 = arith.constant 0 : index
        %get3A_668 = tpu.vector_load %arg9[%get3A_665, %get3A_666, %get3A_667] {strides = array<i32>} : memref<2x640x64xf32, #tpu.memory_space<vmem>>, vector<16xf32>,
        %mul3A_669 = arith.mulf %get3A_521, %get3A_668 : vector<16xf32>
        %add3A_670 = arith.constant 3 : i32
        %add3A_671 = arith.addi %mul3A_535, %add3A_670 : i32
        %get3A_672 = arith.constant 0 : i32
        %get3A_673 = arith.index_cast %get3A_672 : i32 to index
        %get3A_674 = arith.index_cast %add3A_671 : i32 to index
        %get3A_675 = arith.constant 16 : index
        %get3A_676 = tpu.vector_load %arg9[%get3A_673, %get3A_674, %get3A_675] {strides = array<i32>} : memref<2x640x64xf32, #tpu.memory_space<vmem>>, vector<16xf32>,
        %mul3A_677 = arith.mulf %get3A_524, %get3A_676 : vector<16xf32>
        %add3A_678 = arith.addf %mul3A_669, %mul3A_677 : vector<16xf32>
        %add3A_679 = arith.constant 3 : i32
        %add3A_680 = arith.addi %mul3A_535, %add3A_679 : i32
        %get3A_681 = arith.constant 0 : i32
        %get3A_682 = arith.index_cast %get3A_681 : i32 to index
        %get3A_683 = arith.index_cast %add3A_680 : i32 to index
        %get3A_684 = arith.constant 32 : index
        %get3A_685 = tpu.vector_load %arg9[%get3A_682, %get3A_683, %get3A_684] {strides = array<i32>} : memref<2x640x64xf32, #tpu.memory_space<vmem>>, vector<16xf32>,
        %mul3A_686 = arith.mulf %get3A_527, %get3A_685 : vector<16xf32>
        %add3A_687 = arith.addf %add3A_678, %mul3A_686 : vector<16xf32>
        %add3A_688 = arith.constant 3 : i32
        %add3A_689 = arith.addi %mul3A_535, %add3A_688 : i32
        %get3A_690 = arith.constant 0 : i32
        %get3A_691 = arith.index_cast %get3A_690 : i32 to index
        %get3A_692 = arith.index_cast %add3A_689 : i32 to index
        %get3A_693 = arith.constant 48 : index
        %get3A_694 = tpu.vector_load %arg9[%get3A_691, %get3A_692, %get3A_693] {strides = array<i32>} : memref<2x640x64xf32, #tpu.memory_space<vmem>>, vector<16xf32>,
        %mul3A_695 = arith.mulf %get3A_530, %get3A_694 : vector<16xf32>
        %add3A_696 = arith.addf %add3A_687, %mul3A_695 : vector<16xf32>
        %reduce_sum3A_697 = arith.constant true
        %reduce_sum3A_698 = vector.broadcast %reduce_sum3A_697 : i1 to vector<16xi1>
        %reduce_sum3A_699 = tpu.scan <sum>, %add3A_696 masked %reduce_sum3A_698 : vector<16xf32>, vector<16xi1> -> vector<16xf32>
        %reduce_sum3A_700 = vector.extract %reduce_sum3A_699[15] : f32 from vector<16xf32>
        %eq3A_701 = vector.broadcast %scan3A_513 : i32 to vector<16xi32>
        %eq3A_702 = arith.cmpi eq, %iota3A, %eq3A_701 : vector<16xi32>
        %broadcast_in_dim3A_703 = vector.broadcast %reduce_sum3A_700 : f32 to vector<16xf32>
        %select_n3A_704 = arith.select %eq3A_702, %broadcast_in_dim3A_703, %scan3A_517 : vector<16xi1>, vector<16xf32>
        %add3A_705 = arith.constant 4 : i32
        %add3A_706 = arith.addi %mul3A_535, %add3A_705 : i32
        %get3A_707 = arith.constant 0 : i32
        %get3A_708 = arith.index_cast %get3A_707 : i32 to index
        %get3A_709 = arith.index_cast %add3A_706 : i32 to index
        %get3A_710 = arith.constant 0 : index
        %get3A_711 = tpu.vector_load %arg9[%get3A_708, %get3A_709, %get3A_710] {strides = array<i32>} : memref<2x640x64xf32, #tpu.memory_space<vmem>>, vector<16xf32>,
        %mul3A_712 = arith.mulf %get3A_521, %get3A_711 : vector<16xf32>
        %add3A_713 = arith.constant 4 : i32
        %add3A_714 = arith.addi %mul3A_535, %add3A_713 : i32
        %get3A_715 = arith.constant 0 : i32
        %get3A_716 = arith.index_cast %get3A_715 : i32 to index
        %get3A_717 = arith.index_cast %add3A_714 : i32 to index
        %get3A_718 = arith.constant 16 : index
        %get3A_719 = tpu.vector_load %arg9[%get3A_716, %get3A_717, %get3A_718] {strides = array<i32>} : memref<2x640x64xf32, #tpu.memory_space<vmem>>, vector<16xf32>,
        %mul3A_720 = arith.mulf %get3A_524, %get3A_719 : vector<16xf32>
        %add3A_721 = arith.addf %mul3A_712, %mul3A_720 : vector<16xf32>
        %add3A_722 = arith.constant 4 : i32
        %add3A_723 = arith.addi %mul3A_535, %add3A_722 : i32
        %get3A_724 = arith.constant 0 : i32
        %get3A_725 = arith.index_cast %get3A_724 : i32 to index
        %get3A_726 = arith.index_cast %add3A_723 : i32 to index
        %get3A_727 = arith.constant 32 : index
        %get3A_728 = tpu.vector_load %arg9[%get3A_725, %get3A_726, %get3A_727] {strides = array<i32>} : memref<2x640x64xf32, #tpu.memory_space<vmem>>, vector<16xf32>,
        %mul3A_729 = arith.mulf %get3A_527, %get3A_728 : vector<16xf32>
        %add3A_730 = arith.addf %add3A_721, %mul3A_729 : vector<16xf32>
        %add3A_731 = arith.constant 4 : i32
        %add3A_732 = arith.addi %mul3A_535, %add3A_731 : i32
        %get3A_733 = arith.constant 0 : i32
        %get3A_734 = arith.index_cast %get3A_733 : i32 to index
        %get3A_735 = arith.index_cast %add3A_732 : i32 to index
        %get3A_736 = arith.constant 48 : index
        %get3A_737 = tpu.vector_load %arg9[%get3A_734, %get3A_735, %get3A_736] {strides = array<i32>} : memref<2x640x64xf32, #tpu.memory_space<vmem>>, vector<16xf32>,
        %mul3A_738 = arith.mulf %get3A_530, %get3A_737 : vector<16xf32>
        %add3A_739 = arith.addf %add3A_730, %mul3A_738 : vector<16xf32>
        %reduce_sum3A_740 = arith.constant true
        %reduce_sum3A_741 = vector.broadcast %reduce_sum3A_740 : i1 to vector<16xi1>
        %reduce_sum3A_742 = tpu.scan <sum>, %add3A_739 masked %reduce_sum3A_741 : vector<16xf32>, vector<16xi1> -> vector<16xf32>
        %reduce_sum3A_743 = vector.extract %reduce_sum3A_742[15] : f32 from vector<16xf32>
        %eq3A_744 = vector.broadcast %scan3A_513 : i32 to vector<16xi32>
        %eq3A_745 = arith.cmpi eq, %iota3A, %eq3A_744 : vector<16xi32>
        %broadcast_in_dim3A_746 = vector.broadcast %reduce_sum3A_743 : f32 to vector<16xf32>
        %select_n3A_747 = arith.select %eq3A_745, %broadcast_in_dim3A_746, %scan3A_518 : vector<16xi1>, vector<16xf32>
        scf.yield %select_n3A, %select_n3A_618, %select_n3A_661, %select_n3A_704, %select_n3A_747 : vector<16xf32>, vector<16xf32>, vector<16xf32>, vector<16xf32>, vector<16xf32>
      }
      %scan3A_472 = arith.constant 16 : i32
      %add3A_473 = arith.constant 0 : i32
      %add3A_474 = arith.addi %add3A_473, %add3A_465 : i32
      %mul3A_475 = arith.constant 5 : i32
      %mul3A_476 = arith.muli %add3A_474, %mul3A_475 : i32
      %mul3A_477 = arith.constant 5 : i32
      %mul3A_478 = vector.broadcast %mul3A_477 : i32 to vector<16xi32>
      %mul3A_479 = arith.muli %iota3A, %mul3A_478 : vector<16xi32>
      %add3A_480 = arith.constant 0 : i32
      %add3A_481 = arith.addi %mul3A_476, %add3A_480 : i32
      %add3A_482 = vector.broadcast %add3A_481 : i32 to vector<16xi32>
      %add3A_483 = arith.addi %mul3A_479, %add3A_482 : vector<16xi32>
      tpu.vector_store_idx %arg11[%add3A_483], %scan3A_471#0 : memref<2560xf32, #tpu.memory_space<vmem>>[vector<16xi32>], vector<16xf32>,
      %mul3A_484 = arith.constant 5 : i32
      %mul3A_485 = vector.broadcast %mul3A_484 : i32 to vector<16xi32>
      %mul3A_486 = arith.muli %iota3A, %mul3A_485 : vector<16xi32>
      %add3A_487 = arith.constant 1 : i32
      %add3A_488 = arith.addi %mul3A_476, %add3A_487 : i32
      %add3A_489 = vector.broadcast %add3A_488 : i32 to vector<16xi32>
      %add3A_490 = arith.addi %mul3A_486, %add3A_489 : vector<16xi32>
      tpu.vector_store_idx %arg11[%add3A_490], %scan3A_471#1 : memref<2560xf32, #tpu.memory_space<vmem>>[vector<16xi32>], vector<16xf32>,
      %mul3A_491 = arith.constant 5 : i32
      %mul3A_492 = vector.broadcast %mul3A_491 : i32 to vector<16xi32>
      %mul3A_493 = arith.muli %iota3A, %mul3A_492 : vector<16xi32>
      %add3A_494 = arith.constant 2 : i32
      %add3A_495 = arith.addi %mul3A_476, %add3A_494 : i32
      %add3A_496 = vector.broadcast %add3A_495 : i32 to vector<16xi32>
      %add3A_497 = arith.addi %mul3A_493, %add3A_496 : vector<16xi32>
      tpu.vector_store_idx %arg11[%add3A_497], %scan3A_471#2 : memref<2560xf32, #tpu.memory_space<vmem>>[vector<16xi32>], vector<16xf32>,
      %mul3A_498 = arith.constant 5 : i32
      %mul3A_499 = vector.broadcast %mul3A_498 : i32 to vector<16xi32>
      %mul3A_500 = arith.muli %iota3A, %mul3A_499 : vector<16xi32>
      %add3A_501 = arith.constant 3 : i32
      %add3A_502 = arith.addi %mul3A_476, %add3A_501 : i32
      %add3A_503 = vector.broadcast %add3A_502 : i32 to vector<16xi32>
      %add3A_504 = arith.addi %mul3A_500, %add3A_503 : vector<16xi32>
      tpu.vector_store_idx %arg11[%add3A_504], %scan3A_471#3 : memref<2560xf32, #tpu.memory_space<vmem>>[vector<16xi32>], vector<16xf32>,
      %mul3A_505 = arith.constant 5 : i32
      %mul3A_506 = vector.broadcast %mul3A_505 : i32 to vector<16xi32>
      %mul3A_507 = arith.muli %iota3A, %mul3A_506 : vector<16xi32>
      %add3A_508 = arith.constant 4 : i32
      %add3A_509 = arith.addi %mul3A_476, %add3A_508 : i32
      %add3A_510 = vector.broadcast %add3A_509 : i32 to vector<16xi32>
      %add3A_511 = arith.addi %mul3A_507, %add3A_510 : vector<16xi32>
      tpu.vector_store_idx %arg11[%add3A_511], %scan3A_471#4 : memref<2560xf32, #tpu.memory_space<vmem>>[vector<16xi32>], vector<16xf32>,
      %scan3A_512 = arith.constant 0 : i32
      scf.yield %scan3A_512 : i32
    }
    %scan3A_206 = arith.constant 8 : i32
    %dma_wait3A_207 = arith.constant 1 : i32
    %dma_wait3A_208 = arith.constant 0 : i32
    %dma_wait3A_209 = arith.constant 0 : i32
    %dma_wait3A_210 = tpu.memref_slice %arg9[%dma_wait3A_207, %dma_wait3A_208, %dma_wait3A_209] : memref<2x640x64xf32, #tpu.memory_space<vmem>> -> memref<1x640x64xf32, #tpu.memory_space<vmem>>
    %dma_wait3A_211 = tpu.memref_squeeze %dma_wait3A_210 : memref<1x640x64xf32, #tpu.memory_space<vmem>> -> memref<640x64xf32, #tpu.memory_space<vmem>>
    %dma_wait3A_212 = arith.constant 0 : i32
    %dma_wait3A_213 = arith.constant 0 : i32
    %dma_wait3A_214 = tpu.memref_slice %arg4[%dma_wait3A_212, %dma_wait3A_213] : memref<1000000x64xf32, #tpu.memory_space<hbm>> -> memref<640x64xf32, #tpu.memory_space<hbm>>
    %dma_wait3A_215 = arith.constant 0 : i32
    %dma_wait3A_216 = arith.constant 0 : i32
    %dma_wait3A_217 = tpu.memref_slice %arg9[%dma_wait3A_207, %dma_wait3A_215, %dma_wait3A_216] : memref<2x640x64xf32, #tpu.memory_space<vmem>> -> memref<1x640x64xf32, #tpu.memory_space<vmem>>
    %dma_wait3A_218 = tpu.memref_squeeze %dma_wait3A_217 : memref<1x640x64xf32, #tpu.memory_space<vmem>> -> memref<640x64xf32, #tpu.memory_space<vmem>>
    %dma_wait3A_219 = arith.constant 0 : i32
    %dma_wait3A_220 = arith.constant 0 : i32
    %dma_wait3A_221 = tpu.memref_slice %arg4[%dma_wait3A_219, %dma_wait3A_220] : memref<1000000x64xf32, #tpu.memory_space<hbm>> -> memref<640x64xf32, #tpu.memory_space<hbm>>
    tpu.wait_dma2 semaphore(%arg13 : memref<!tpu.dma_semaphore, #tpu.memory_space<semaphore_mem>>) src(%dma_wait3A_221 : memref<640x64xf32, #tpu.memory_space<hbm>>) dst(%dma_wait3A_218 : memref<640x64xf32, #tpu.memory_space<vmem>>)
    %scan3A_222 = arith.constant 0 : i32
    %scan3A_223 = arith.constant 0 : i32
    %scan3A_224 = arith.constant 8 : i32
    %scan3A_225 = arith.addi %scan3A_223, %scan3A_224 : i32
    %scan3A_226 = arith.constant 1 : i32
    %scan3A_227 = scf.for %scan3A_460 = %scan3A_223 to %scan3A_225 step %scan3A_226 iter_args(%scan3A_461 = %scan3A_222) -> (i32)  : i32 {
      %mul3A_462 = arith.constant 16 : i32
      %mul3A_463 = arith.muli %scan3A_460, %mul3A_462 : i32
      %add3A_464 = arith.constant 128 : i32
      %add3A_465 = arith.addi %add3A_464, %mul3A_463 : i32
      %broadcast_in_dim3A = arith.constant 0.000000e+00 : f32
      %broadcast_in_dim3A_466 = vector.broadcast %broadcast_in_dim3A : f32 to vector<16xf32>
      %scan3A_467 = arith.constant 0 : i32
      %scan3A_468 = arith.constant 16 : i32
      %scan3A_469 = arith.addi %scan3A_467, %scan3A_468 : i32
      %scan3A_470 = arith.constant 1 : i32
      %scan3A_471:5 = scf.for %scan3A_513 = %scan3A_467 to %scan3A_469 step %scan3A_470 iter_args(%scan3A_514 = %broadcast_in_dim3A_466, %scan3A_515 = %broadcast_in_dim3A_466, %scan3A_516 = %broadcast_in_dim3A_466, %scan3A_517 = %broadcast_in_dim3A_466, %scan3A_518 = %broadcast_in_dim3A_466) -> (vector<16xf32>, vector<16xf32>, vector<16xf32>, vector<16xf32>, vector<16xf32>)  : i32 {
        %add3A_519 = arith.addi %add3A_465, %scan3A_513 : i32
        %get3A = arith.index_cast %add3A_519 : i32 to index
        %get3A_520 = arith.constant 0 : index
        %get3A_521 = tpu.vector_load %arg10[%get3A, %get3A_520] {strides = array<i32>} : memref<256x64xf32, #tpu.memory_space<vmem>>, vector<16xf32>,
        %get3A_522 = arith.index_cast %add3A_519 : i32 to index
        %get3A_523 = arith.constant 16 : index
        %get3A_524 = tpu.vector_load %arg10[%get3A_522, %get3A_523] {strides = array<i32>} : memref<256x64xf32, #tpu.memory_space<vmem>>, vector<16xf32>,
        %get3A_525 = arith.index_cast %add3A_519 : i32 to index
        %get3A_526 = arith.constant 32 : index
        %get3A_527 = tpu.vector_load %arg10[%get3A_525, %get3A_526] {strides = array<i32>} : memref<256x64xf32, #tpu.memory_space<vmem>>, vector<16xf32>,
        %get3A_528 = arith.index_cast %add3A_519 : i32 to index
        %get3A_529 = arith.constant 48 : index
        %get3A_530 = tpu.vector_load %arg10[%get3A_528, %get3A_529] {strides = array<i32>} : memref<256x64xf32, #tpu.memory_space<vmem>>, vector<16xf32>,
        %mul3A_531 = arith.constant 16 : i32
        %mul3A_532 = arith.muli %scan3A_460, %mul3A_531 : i32
        %add3A_533 = arith.addi %mul3A_532, %scan3A_513 : i32
        %mul3A_534 = arith.constant 5 : i32
        %mul3A_535 = arith.muli %add3A_533, %mul3A_534 : i32
        %add3A_536 = arith.constant 0 : i32
        %add3A_537 = arith.addi %mul3A_535, %add3A_536 : i32
        %get3A_538 = arith.constant 1 : i32
        %get3A_539 = arith.index_cast %get3A_538 : i32 to index
        %get3A_540 = arith.index_cast %add3A_537 : i32 to index
        %get3A_541 = arith.constant 0 : index
        %get3A_542 = tpu.vector_load %arg9[%get3A_539, %get3A_540, %get3A_541] {strides = array<i32>} : memref<2x640x64xf32, #tpu.memory_space<vmem>>, vector<16xf32>,
        %mul3A_543 = arith.mulf %get3A_521, %get3A_542 : vector<16xf32>
        %add3A_544 = arith.constant 0 : i32
        %add3A_545 = arith.addi %mul3A_535, %add3A_544 : i32
        %get3A_546 = arith.constant 1 : i32
        %get3A_547 = arith.index_cast %get3A_546 : i32 to index
        %get3A_548 = arith.index_cast %add3A_545 : i32 to index
        %get3A_549 = arith.constant 16 : index
        %get3A_550 = tpu.vector_load %arg9[%get3A_547, %get3A_548, %get3A_549] {strides = array<i32>} : memref<2x640x64xf32, #tpu.memory_space<vmem>>, vector<16xf32>,
        %mul3A_551 = arith.mulf %get3A_524, %get3A_550 : vector<16xf32>
        %add3A_552 = arith.addf %mul3A_543, %mul3A_551 : vector<16xf32>
        %add3A_553 = arith.constant 0 : i32
        %add3A_554 = arith.addi %mul3A_535, %add3A_553 : i32
        %get3A_555 = arith.constant 1 : i32
        %get3A_556 = arith.index_cast %get3A_555 : i32 to index
        %get3A_557 = arith.index_cast %add3A_554 : i32 to index
        %get3A_558 = arith.constant 32 : index
        %get3A_559 = tpu.vector_load %arg9[%get3A_556, %get3A_557, %get3A_558] {strides = array<i32>} : memref<2x640x64xf32, #tpu.memory_space<vmem>>, vector<16xf32>,
        %mul3A_560 = arith.mulf %get3A_527, %get3A_559 : vector<16xf32>
        %add3A_561 = arith.addf %add3A_552, %mul3A_560 : vector<16xf32>
        %add3A_562 = arith.constant 0 : i32
        %add3A_563 = arith.addi %mul3A_535, %add3A_562 : i32
        %get3A_564 = arith.constant 1 : i32
        %get3A_565 = arith.index_cast %get3A_564 : i32 to index
        %get3A_566 = arith.index_cast %add3A_563 : i32 to index
        %get3A_567 = arith.constant 48 : index
        %get3A_568 = tpu.vector_load %arg9[%get3A_565, %get3A_566, %get3A_567] {strides = array<i32>} : memref<2x640x64xf32, #tpu.memory_space<vmem>>, vector<16xf32>,
        %mul3A_569 = arith.mulf %get3A_530, %get3A_568 : vector<16xf32>
        %add3A_570 = arith.addf %add3A_561, %mul3A_569 : vector<16xf32>
        %reduce_sum3A = arith.constant true
        %reduce_sum3A_571 = vector.broadcast %reduce_sum3A : i1 to vector<16xi1>
        %reduce_sum3A_572 = tpu.scan <sum>, %add3A_570 masked %reduce_sum3A_571 : vector<16xf32>, vector<16xi1> -> vector<16xf32>
        %reduce_sum3A_573 = vector.extract %reduce_sum3A_572[15] : f32 from vector<16xf32>
        %eq3A = vector.broadcast %scan3A_513 : i32 to vector<16xi32>
        %eq3A_574 = arith.cmpi eq, %iota3A, %eq3A : vector<16xi32>
        %broadcast_in_dim3A_575 = vector.broadcast %reduce_sum3A_573 : f32 to vector<16xf32>
        %select_n3A = arith.select %eq3A_574, %broadcast_in_dim3A_575, %scan3A_514 : vector<16xi1>, vector<16xf32>
        %add3A_576 = arith.constant 1 : i32
        %add3A_577 = arith.addi %mul3A_535, %add3A_576 : i32
        %get3A_578 = arith.constant 1 : i32
        %get3A_579 = arith.index_cast %get3A_578 : i32 to index
        %get3A_580 = arith.index_cast %add3A_577 : i32 to index
        %get3A_581 = arith.constant 0 : index
        %get3A_582 = tpu.vector_load %arg9[%get3A_579, %get3A_580, %get3A_581] {strides = array<i32>} : memref<2x640x64xf32, #tpu.memory_space<vmem>>, vector<16xf32>,
        %mul3A_583 = arith.mulf %get3A_521, %get3A_582 : vector<16xf32>
        %add3A_584 = arith.constant 1 : i32
        %add3A_585 = arith.addi %mul3A_535, %add3A_584 : i32
        %get3A_586 = arith.constant 1 : i32
        %get3A_587 = arith.index_cast %get3A_586 : i32 to index
        %get3A_588 = arith.index_cast %add3A_585 : i32 to index
        %get3A_589 = arith.constant 16 : index
        %get3A_590 = tpu.vector_load %arg9[%get3A_587, %get3A_588, %get3A_589] {strides = array<i32>} : memref<2x640x64xf32, #tpu.memory_space<vmem>>, vector<16xf32>,
        %mul3A_591 = arith.mulf %get3A_524, %get3A_590 : vector<16xf32>
        %add3A_592 = arith.addf %mul3A_583, %mul3A_591 : vector<16xf32>
        %add3A_593 = arith.constant 1 : i32
        %add3A_594 = arith.addi %mul3A_535, %add3A_593 : i32
        %get3A_595 = arith.constant 1 : i32
        %get3A_596 = arith.index_cast %get3A_595 : i32 to index
        %get3A_597 = arith.index_cast %add3A_594 : i32 to index
        %get3A_598 = arith.constant 32 : index
        %get3A_599 = tpu.vector_load %arg9[%get3A_596, %get3A_597, %get3A_598] {strides = array<i32>} : memref<2x640x64xf32, #tpu.memory_space<vmem>>, vector<16xf32>,
        %mul3A_600 = arith.mulf %get3A_527, %get3A_599 : vector<16xf32>
        %add3A_601 = arith.addf %add3A_592, %mul3A_600 : vector<16xf32>
        %add3A_602 = arith.constant 1 : i32
        %add3A_603 = arith.addi %mul3A_535, %add3A_602 : i32
        %get3A_604 = arith.constant 1 : i32
        %get3A_605 = arith.index_cast %get3A_604 : i32 to index
        %get3A_606 = arith.index_cast %add3A_603 : i32 to index
        %get3A_607 = arith.constant 48 : index
        %get3A_608 = tpu.vector_load %arg9[%get3A_605, %get3A_606, %get3A_607] {strides = array<i32>} : memref<2x640x64xf32, #tpu.memory_space<vmem>>, vector<16xf32>,
        %mul3A_609 = arith.mulf %get3A_530, %get3A_608 : vector<16xf32>
        %add3A_610 = arith.addf %add3A_601, %mul3A_609 : vector<16xf32>
        %reduce_sum3A_611 = arith.constant true
        %reduce_sum3A_612 = vector.broadcast %reduce_sum3A_611 : i1 to vector<16xi1>
        %reduce_sum3A_613 = tpu.scan <sum>, %add3A_610 masked %reduce_sum3A_612 : vector<16xf32>, vector<16xi1> -> vector<16xf32>
        %reduce_sum3A_614 = vector.extract %reduce_sum3A_613[15] : f32 from vector<16xf32>
        %eq3A_615 = vector.broadcast %scan3A_513 : i32 to vector<16xi32>
        %eq3A_616 = arith.cmpi eq, %iota3A, %eq3A_615 : vector<16xi32>
        %broadcast_in_dim3A_617 = vector.broadcast %reduce_sum3A_614 : f32 to vector<16xf32>
        %select_n3A_618 = arith.select %eq3A_616, %broadcast_in_dim3A_617, %scan3A_515 : vector<16xi1>, vector<16xf32>
        %add3A_619 = arith.constant 2 : i32
        %add3A_620 = arith.addi %mul3A_535, %add3A_619 : i32
        %get3A_621 = arith.constant 1 : i32
        %get3A_622 = arith.index_cast %get3A_621 : i32 to index
        %get3A_623 = arith.index_cast %add3A_620 : i32 to index
        %get3A_624 = arith.constant 0 : index
        %get3A_625 = tpu.vector_load %arg9[%get3A_622, %get3A_623, %get3A_624] {strides = array<i32>} : memref<2x640x64xf32, #tpu.memory_space<vmem>>, vector<16xf32>,
        %mul3A_626 = arith.mulf %get3A_521, %get3A_625 : vector<16xf32>
        %add3A_627 = arith.constant 2 : i32
        %add3A_628 = arith.addi %mul3A_535, %add3A_627 : i32
        %get3A_629 = arith.constant 1 : i32
        %get3A_630 = arith.index_cast %get3A_629 : i32 to index
        %get3A_631 = arith.index_cast %add3A_628 : i32 to index
        %get3A_632 = arith.constant 16 : index
        %get3A_633 = tpu.vector_load %arg9[%get3A_630, %get3A_631, %get3A_632] {strides = array<i32>} : memref<2x640x64xf32, #tpu.memory_space<vmem>>, vector<16xf32>,
        %mul3A_634 = arith.mulf %get3A_524, %get3A_633 : vector<16xf32>
        %add3A_635 = arith.addf %mul3A_626, %mul3A_634 : vector<16xf32>
        %add3A_636 = arith.constant 2 : i32
        %add3A_637 = arith.addi %mul3A_535, %add3A_636 : i32
        %get3A_638 = arith.constant 1 : i32
        %get3A_639 = arith.index_cast %get3A_638 : i32 to index
        %get3A_640 = arith.index_cast %add3A_637 : i32 to index
        %get3A_641 = arith.constant 32 : index
        %get3A_642 = tpu.vector_load %arg9[%get3A_639, %get3A_640, %get3A_641] {strides = array<i32>} : memref<2x640x64xf32, #tpu.memory_space<vmem>>, vector<16xf32>,
        %mul3A_643 = arith.mulf %get3A_527, %get3A_642 : vector<16xf32>
        %add3A_644 = arith.addf %add3A_635, %mul3A_643 : vector<16xf32>
        %add3A_645 = arith.constant 2 : i32
        %add3A_646 = arith.addi %mul3A_535, %add3A_645 : i32
        %get3A_647 = arith.constant 1 : i32
        %get3A_648 = arith.index_cast %get3A_647 : i32 to index
        %get3A_649 = arith.index_cast %add3A_646 : i32 to index
        %get3A_650 = arith.constant 48 : index
        %get3A_651 = tpu.vector_load %arg9[%get3A_648, %get3A_649, %get3A_650] {strides = array<i32>} : memref<2x640x64xf32, #tpu.memory_space<vmem>>, vector<16xf32>,
        %mul3A_652 = arith.mulf %get3A_530, %get3A_651 : vector<16xf32>
        %add3A_653 = arith.addf %add3A_644, %mul3A_652 : vector<16xf32>
        %reduce_sum3A_654 = arith.constant true
        %reduce_sum3A_655 = vector.broadcast %reduce_sum3A_654 : i1 to vector<16xi1>
        %reduce_sum3A_656 = tpu.scan <sum>, %add3A_653 masked %reduce_sum3A_655 : vector<16xf32>, vector<16xi1> -> vector<16xf32>
        %reduce_sum3A_657 = vector.extract %reduce_sum3A_656[15] : f32 from vector<16xf32>
        %eq3A_658 = vector.broadcast %scan3A_513 : i32 to vector<16xi32>
        %eq3A_659 = arith.cmpi eq, %iota3A, %eq3A_658 : vector<16xi32>
        %broadcast_in_dim3A_660 = vector.broadcast %reduce_sum3A_657 : f32 to vector<16xf32>
        %select_n3A_661 = arith.select %eq3A_659, %broadcast_in_dim3A_660, %scan3A_516 : vector<16xi1>, vector<16xf32>
        %add3A_662 = arith.constant 3 : i32
        %add3A_663 = arith.addi %mul3A_535, %add3A_662 : i32
        %get3A_664 = arith.constant 1 : i32
        %get3A_665 = arith.index_cast %get3A_664 : i32 to index
        %get3A_666 = arith.index_cast %add3A_663 : i32 to index
        %get3A_667 = arith.constant 0 : index
        %get3A_668 = tpu.vector_load %arg9[%get3A_665, %get3A_666, %get3A_667] {strides = array<i32>} : memref<2x640x64xf32, #tpu.memory_space<vmem>>, vector<16xf32>,
        %mul3A_669 = arith.mulf %get3A_521, %get3A_668 : vector<16xf32>
        %add3A_670 = arith.constant 3 : i32
        %add3A_671 = arith.addi %mul3A_535, %add3A_670 : i32
        %get3A_672 = arith.constant 1 : i32
        %get3A_673 = arith.index_cast %get3A_672 : i32 to index
        %get3A_674 = arith.index_cast %add3A_671 : i32 to index
        %get3A_675 = arith.constant 16 : index
        %get3A_676 = tpu.vector_load %arg9[%get3A_673, %get3A_674, %get3A_675] {strides = array<i32>} : memref<2x640x64xf32, #tpu.memory_space<vmem>>, vector<16xf32>,
        %mul3A_677 = arith.mulf %get3A_524, %get3A_676 : vector<16xf32>
        %add3A_678 = arith.addf %mul3A_669, %mul3A_677 : vector<16xf32>
        %add3A_679 = arith.constant 3 : i32
        %add3A_680 = arith.addi %mul3A_535, %add3A_679 : i32
        %get3A_681 = arith.constant 1 : i32
        %get3A_682 = arith.index_cast %get3A_681 : i32 to index
        %get3A_683 = arith.index_cast %add3A_680 : i32 to index
        %get3A_684 = arith.constant 32 : index
        %get3A_685 = tpu.vector_load %arg9[%get3A_682, %get3A_683, %get3A_684] {strides = array<i32>} : memref<2x640x64xf32, #tpu.memory_space<vmem>>, vector<16xf32>,
        %mul3A_686 = arith.mulf %get3A_527, %get3A_685 : vector<16xf32>
        %add3A_687 = arith.addf %add3A_678, %mul3A_686 : vector<16xf32>
        %add3A_688 = arith.constant 3 : i32
        %add3A_689 = arith.addi %mul3A_535, %add3A_688 : i32
        %get3A_690 = arith.constant 1 : i32
        %get3A_691 = arith.index_cast %get3A_690 : i32 to index
        %get3A_692 = arith.index_cast %add3A_689 : i32 to index
        %get3A_693 = arith.constant 48 : index
        %get3A_694 = tpu.vector_load %arg9[%get3A_691, %get3A_692, %get3A_693] {strides = array<i32>} : memref<2x640x64xf32, #tpu.memory_space<vmem>>, vector<16xf32>,
        %mul3A_695 = arith.mulf %get3A_530, %get3A_694 : vector<16xf32>
        %add3A_696 = arith.addf %add3A_687, %mul3A_695 : vector<16xf32>
        %reduce_sum3A_697 = arith.constant true
        %reduce_sum3A_698 = vector.broadcast %reduce_sum3A_697 : i1 to vector<16xi1>
        %reduce_sum3A_699 = tpu.scan <sum>, %add3A_696 masked %reduce_sum3A_698 : vector<16xf32>, vector<16xi1> -> vector<16xf32>
        %reduce_sum3A_700 = vector.extract %reduce_sum3A_699[15] : f32 from vector<16xf32>
        %eq3A_701 = vector.broadcast %scan3A_513 : i32 to vector<16xi32>
        %eq3A_702 = arith.cmpi eq, %iota3A, %eq3A_701 : vector<16xi32>
        %broadcast_in_dim3A_703 = vector.broadcast %reduce_sum3A_700 : f32 to vector<16xf32>
        %select_n3A_704 = arith.select %eq3A_702, %broadcast_in_dim3A_703, %scan3A_517 : vector<16xi1>, vector<16xf32>
        %add3A_705 = arith.constant 4 : i32
        %add3A_706 = arith.addi %mul3A_535, %add3A_705 : i32
        %get3A_707 = arith.constant 1 : i32
        %get3A_708 = arith.index_cast %get3A_707 : i32 to index
        %get3A_709 = arith.index_cast %add3A_706 : i32 to index
        %get3A_710 = arith.constant 0 : index
        %get3A_711 = tpu.vector_load %arg9[%get3A_708, %get3A_709, %get3A_710] {strides = array<i32>} : memref<2x640x64xf32, #tpu.memory_space<vmem>>, vector<16xf32>,
        %mul3A_712 = arith.mulf %get3A_521, %get3A_711 : vector<16xf32>
        %add3A_713 = arith.constant 4 : i32
        %add3A_714 = arith.addi %mul3A_535, %add3A_713 : i32
        %get3A_715 = arith.constant 1 : i32
        %get3A_716 = arith.index_cast %get3A_715 : i32 to index
        %get3A_717 = arith.index_cast %add3A_714 : i32 to index
        %get3A_718 = arith.constant 16 : index
        %get3A_719 = tpu.vector_load %arg9[%get3A_716, %get3A_717, %get3A_718] {strides = array<i32>} : memref<2x640x64xf32, #tpu.memory_space<vmem>>, vector<16xf32>,
        %mul3A_720 = arith.mulf %get3A_524, %get3A_719 : vector<16xf32>
        %add3A_721 = arith.addf %mul3A_712, %mul3A_720 : vector<16xf32>
        %add3A_722 = arith.constant 4 : i32
        %add3A_723 = arith.addi %mul3A_535, %add3A_722 : i32
        %get3A_724 = arith.constant 1 : i32
        %get3A_725 = arith.index_cast %get3A_724 : i32 to index
        %get3A_726 = arith.index_cast %add3A_723 : i32 to index
        %get3A_727 = arith.constant 32 : index
        %get3A_728 = tpu.vector_load %arg9[%get3A_725, %get3A_726, %get3A_727] {strides = array<i32>} : memref<2x640x64xf32, #tpu.memory_space<vmem>>, vector<16xf32>,
        %mul3A_729 = arith.mulf %get3A_527, %get3A_728 : vector<16xf32>
        %add3A_730 = arith.addf %add3A_721, %mul3A_729 : vector<16xf32>
        %add3A_731 = arith.constant 4 : i32
        %add3A_732 = arith.addi %mul3A_535, %add3A_731 : i32
        %get3A_733 = arith.constant 1 : i32
        %get3A_734 = arith.index_cast %get3A_733 : i32 to index
        %get3A_735 = arith.index_cast %add3A_732 : i32 to index
        %get3A_736 = arith.constant 48 : index
        %get3A_737 = tpu.vector_load %arg9[%get3A_734, %get3A_735, %get3A_736] {strides = array<i32>} : memref<2x640x64xf32, #tpu.memory_space<vmem>>, vector<16xf32>,
        %mul3A_738 = arith.mulf %get3A_530, %get3A_737 : vector<16xf32>
        %add3A_739 = arith.addf %add3A_730, %mul3A_738 : vector<16xf32>
        %reduce_sum3A_740 = arith.constant true
        %reduce_sum3A_741 = vector.broadcast %reduce_sum3A_740 : i1 to vector<16xi1>
        %reduce_sum3A_742 = tpu.scan <sum>, %add3A_739 masked %reduce_sum3A_741 : vector<16xf32>, vector<16xi1> -> vector<16xf32>
        %reduce_sum3A_743 = vector.extract %reduce_sum3A_742[15] : f32 from vector<16xf32>
        %eq3A_744 = vector.broadcast %scan3A_513 : i32 to vector<16xi32>
        %eq3A_745 = arith.cmpi eq, %iota3A, %eq3A_744 : vector<16xi32>
        %broadcast_in_dim3A_746 = vector.broadcast %reduce_sum3A_743 : f32 to vector<16xf32>
        %select_n3A_747 = arith.select %eq3A_745, %broadcast_in_dim3A_746, %scan3A_518 : vector<16xi1>, vector<16xf32>
        scf.yield %select_n3A, %select_n3A_618, %select_n3A_661, %select_n3A_704, %select_n3A_747 : vector<16xf32>, vector<16xf32>, vector<16xf32>, vector<16xf32>, vector<16xf32>
      }
      %scan3A_472 = arith.constant 16 : i32
      %add3A_473 = arith.constant 0 : i32
      %add3A_474 = arith.addi %add3A_473, %add3A_465 : i32
      %mul3A_475 = arith.constant 5 : i32
      %mul3A_476 = arith.muli %add3A_474, %mul3A_475 : i32
      %mul3A_477 = arith.constant 5 : i32
      %mul3A_478 = vector.broadcast %mul3A_477 : i32 to vector<16xi32>
      %mul3A_479 = arith.muli %iota3A, %mul3A_478 : vector<16xi32>
      %add3A_480 = arith.constant 0 : i32
      %add3A_481 = arith.addi %mul3A_476, %add3A_480 : i32
      %add3A_482 = vector.broadcast %add3A_481 : i32 to vector<16xi32>
      %add3A_483 = arith.addi %mul3A_479, %add3A_482 : vector<16xi32>
      tpu.vector_store_idx %arg11[%add3A_483], %scan3A_471#0 : memref<2560xf32, #tpu.memory_space<vmem>>[vector<16xi32>], vector<16xf32>,
      %mul3A_484 = arith.constant 5 : i32
      %mul3A_485 = vector.broadcast %mul3A_484 : i32 to vector<16xi32>
      %mul3A_486 = arith.muli %iota3A, %mul3A_485 : vector<16xi32>
      %add3A_487 = arith.constant 1 : i32
      %add3A_488 = arith.addi %mul3A_476, %add3A_487 : i32
      %add3A_489 = vector.broadcast %add3A_488 : i32 to vector<16xi32>
      %add3A_490 = arith.addi %mul3A_486, %add3A_489 : vector<16xi32>
      tpu.vector_store_idx %arg11[%add3A_490], %scan3A_471#1 : memref<2560xf32, #tpu.memory_space<vmem>>[vector<16xi32>], vector<16xf32>,
      %mul3A_491 = arith.constant 5 : i32
      %mul3A_492 = vector.broadcast %mul3A_491 : i32 to vector<16xi32>
      %mul3A_493 = arith.muli %iota3A, %mul3A_492 : vector<16xi32>
      %add3A_494 = arith.constant 2 : i32
      %add3A_495 = arith.addi %mul3A_476, %add3A_494 : i32
      %add3A_496 = vector.broadcast %add3A_495 : i32 to vector<16xi32>
      %add3A_497 = arith.addi %mul3A_493, %add3A_496 : vector<16xi32>
      tpu.vector_store_idx %arg11[%add3A_497], %scan3A_471#2 : memref<2560xf32, #tpu.memory_space<vmem>>[vector<16xi32>], vector<16xf32>,
      %mul3A_498 = arith.constant 5 : i32
      %mul3A_499 = vector.broadcast %mul3A_498 : i32 to vector<16xi32>
      %mul3A_500 = arith.muli %iota3A, %mul3A_499 : vector<16xi32>
      %add3A_501 = arith.constant 3 : i32
      %add3A_502 = arith.addi %mul3A_476, %add3A_501 : i32
      %add3A_503 = vector.broadcast %add3A_502 : i32 to vector<16xi32>
      %add3A_504 = arith.addi %mul3A_500, %add3A_503 : vector<16xi32>
      tpu.vector_store_idx %arg11[%add3A_504], %scan3A_471#3 : memref<2560xf32, #tpu.memory_space<vmem>>[vector<16xi32>], vector<16xf32>,
      %mul3A_505 = arith.constant 5 : i32
      %mul3A_506 = vector.broadcast %mul3A_505 : i32 to vector<16xi32>
      %mul3A_507 = arith.muli %iota3A, %mul3A_506 : vector<16xi32>
      %add3A_508 = arith.constant 4 : i32
      %add3A_509 = arith.addi %mul3A_476, %add3A_508 : i32
      %add3A_510 = vector.broadcast %add3A_509 : i32 to vector<16xi32>
      %add3A_511 = arith.addi %mul3A_507, %add3A_510 : vector<16xi32>
      tpu.vector_store_idx %arg11[%add3A_511], %scan3A_471#4 : memref<2560xf32, #tpu.memory_space<vmem>>[vector<16xi32>], vector<16xf32>,
      %scan3A_512 = arith.constant 0 : i32
      scf.yield %scan3A_512 : i32
    }
    %scan3A_228 = arith.constant 8 : i32
    %dma_start3A_229 = arith.constant 40 : i32
    %dma_start3A_230 = arith.constant 0 : i32
    %dma_start3A_231 = arith.constant 0 : i32
    %dma_start3A_232 = arith.constant 0 : i32
    %dma_start3A_233 = tpu.memref_slice %arg9[%dma_start3A_230, %dma_start3A_231, %dma_start3A_232] : memref<2x640x64xf32, #tpu.memory_space<vmem>> -> memref<1x128x64xf32, #tpu.memory_space<vmem>>
    %dma_start3A_234 = tpu.memref_squeeze %dma_start3A_233 : memref<1x128x64xf32, #tpu.memory_space<vmem>> -> memref<128x64xf32, #tpu.memory_space<vmem>>
    %dma_start3A_235 = arith.constant 0 : i32
    %dma_start3A_236 = tpu.memref_slice %arg7[%dma_start3A_229, %dma_start3A_235] : memref<80x128xi32, #tpu.memory_space<vmem>> -> memref<1x128xi32, #tpu.memory_space<vmem>>
    %dma_start3A_237 = tpu.memref_squeeze %dma_start3A_236 : memref<1x128xi32, #tpu.memory_space<vmem>> -> memref<128xi32, #tpu.memory_space<vmem>>
    %dma_start3A_238 = arith.constant 0 : i32
    %dma_start3A_239 = arith.constant 0 : i32
    %dma_start3A_240 = tpu.memref_slice %arg4[%dma_start3A_238, %dma_start3A_239] : memref<1000000x64xf32, #tpu.memory_space<hbm>> -> memref<1000000x64xf32, #tpu.memory_space<hbm>>
    tpu.enqueue_indirect_dma source(%dma_start3A_240 : memref<1000000x64xf32, #tpu.memory_space<hbm>>) target(%dma_start3A_234 : memref<128x64xf32, #tpu.memory_space<vmem>>) offsets(%dma_start3A_237 : memref<128xi32, #tpu.memory_space<vmem>>) semaphore(%arg12 : memref<!tpu.dma_semaphore, #tpu.memory_space<semaphore_mem>>)
    %dma_start3A_241 = arith.constant 41 : i32
    %dma_start3A_242 = arith.constant 0 : i32
    %dma_start3A_243 = arith.constant 128 : i32
    %dma_start3A_244 = arith.constant 0 : i32
    %dma_start3A_245 = tpu.memref_slice %arg9[%dma_start3A_242, %dma_start3A_243, %dma_start3A_244] : memref<2x640x64xf32, #tpu.memory_space<vmem>> -> memref<1x128x64xf32, #tpu.memory_space<vmem>>
    %dma_start3A_246 = tpu.memref_squeeze %dma_start3A_245 : memref<1x128x64xf32, #tpu.memory_space<vmem>> -> memref<128x64xf32, #tpu.memory_space<vmem>>
    %dma_start3A_247 = arith.constant 0 : i32
    %dma_start3A_248 = tpu.memref_slice %arg7[%dma_start3A_241, %dma_start3A_247] : memref<80x128xi32, #tpu.memory_space<vmem>> -> memref<1x128xi32, #tpu.memory_space<vmem>>
    %dma_start3A_249 = tpu.memref_squeeze %dma_start3A_248 : memref<1x128xi32, #tpu.memory_space<vmem>> -> memref<128xi32, #tpu.memory_space<vmem>>
    %dma_start3A_250 = arith.constant 0 : i32
    %dma_start3A_251 = arith.constant 0 : i32
    %dma_start3A_252 = tpu.memref_slice %arg4[%dma_start3A_250, %dma_start3A_251] : memref<1000000x64xf32, #tpu.memory_space<hbm>> -> memref<1000000x64xf32, #tpu.memory_space<hbm>>
    tpu.enqueue_indirect_dma source(%dma_start3A_252 : memref<1000000x64xf32, #tpu.memory_space<hbm>>) target(%dma_start3A_246 : memref<128x64xf32, #tpu.memory_space<vmem>>) offsets(%dma_start3A_249 : memref<128xi32, #tpu.memory_space<vmem>>) semaphore(%arg12 : memref<!tpu.dma_semaphore, #tpu.memory_space<semaphore_mem>>)
    %dma_start3A_253 = arith.constant 42 : i32
    %dma_start3A_254 = arith.constant 0 : i32
    %dma_start3A_255 = arith.constant 256 : i32
    %dma_start3A_256 = arith.constant 0 : i32
    %dma_start3A_257 = tpu.memref_slice %arg9[%dma_start3A_254, %dma_start3A_255, %dma_start3A_256] : memref<2x640x64xf32, #tpu.memory_space<vmem>> -> memref<1x128x64xf32, #tpu.memory_space<vmem>>
    %dma_start3A_258 = tpu.memref_squeeze %dma_start3A_257 : memref<1x128x64xf32, #tpu.memory_space<vmem>> -> memref<128x64xf32, #tpu.memory_space<vmem>>
    %dma_start3A_259 = arith.constant 0 : i32
    %dma_start3A_260 = tpu.memref_slice %arg7[%dma_start3A_253, %dma_start3A_259] : memref<80x128xi32, #tpu.memory_space<vmem>> -> memref<1x128xi32, #tpu.memory_space<vmem>>
    %dma_start3A_261 = tpu.memref_squeeze %dma_start3A_260 : memref<1x128xi32, #tpu.memory_space<vmem>> -> memref<128xi32, #tpu.memory_space<vmem>>
    %dma_start3A_262 = arith.constant 0 : i32
    %dma_start3A_263 = arith.constant 0 : i32
    %dma_start3A_264 = tpu.memref_slice %arg4[%dma_start3A_262, %dma_start3A_263] : memref<1000000x64xf32, #tpu.memory_space<hbm>> -> memref<1000000x64xf32, #tpu.memory_space<hbm>>
    tpu.enqueue_indirect_dma source(%dma_start3A_264 : memref<1000000x64xf32, #tpu.memory_space<hbm>>) target(%dma_start3A_258 : memref<128x64xf32, #tpu.memory_space<vmem>>) offsets(%dma_start3A_261 : memref<128xi32, #tpu.memory_space<vmem>>) semaphore(%arg12 : memref<!tpu.dma_semaphore, #tpu.memory_space<semaphore_mem>>)
    %dma_start3A_265 = arith.constant 43 : i32
    %dma_start3A_266 = arith.constant 0 : i32
    %dma_start3A_267 = arith.constant 384 : i32
    %dma_start3A_268 = arith.constant 0 : i32
    %dma_start3A_269 = tpu.memref_slice %arg9[%dma_start3A_266, %dma_start3A_267, %dma_start3A_268] : memref<2x640x64xf32, #tpu.memory_space<vmem>> -> memref<1x128x64xf32, #tpu.memory_space<vmem>>
    %dma_start3A_270 = tpu.memref_squeeze %dma_start3A_269 : memref<1x128x64xf32, #tpu.memory_space<vmem>> -> memref<128x64xf32, #tpu.memory_space<vmem>>
    %dma_start3A_271 = arith.constant 0 : i32
    %dma_start3A_272 = tpu.memref_slice %arg7[%dma_start3A_265, %dma_start3A_271] : memref<80x128xi32, #tpu.memory_space<vmem>> -> memref<1x128xi32, #tpu.memory_space<vmem>>
    %dma_start3A_273 = tpu.memref_squeeze %dma_start3A_272 : memref<1x128xi32, #tpu.memory_space<vmem>> -> memref<128xi32, #tpu.memory_space<vmem>>
    %dma_start3A_274 = arith.constant 0 : i32
    %dma_start3A_275 = arith.constant 0 : i32
    %dma_start3A_276 = tpu.memref_slice %arg4[%dma_start3A_274, %dma_start3A_275] : memref<1000000x64xf32, #tpu.memory_space<hbm>> -> memref<1000000x64xf32, #tpu.memory_space<hbm>>
    tpu.enqueue_indirect_dma source(%dma_start3A_276 : memref<1000000x64xf32, #tpu.memory_space<hbm>>) target(%dma_start3A_270 : memref<128x64xf32, #tpu.memory_space<vmem>>) offsets(%dma_start3A_273 : memref<128xi32, #tpu.memory_space<vmem>>) semaphore(%arg12 : memref<!tpu.dma_semaphore, #tpu.memory_space<semaphore_mem>>)
    %dma_start3A_277 = arith.constant 44 : i32
    %dma_start3A_278 = arith.constant 0 : i32
    %dma_start3A_279 = arith.constant 512 : i32
    %dma_start3A_280 = arith.constant 0 : i32
    %dma_start3A_281 = tpu.memref_slice %arg9[%dma_start3A_278, %dma_start3A_279, %dma_start3A_280] : memref<2x640x64xf32, #tpu.memory_space<vmem>> -> memref<1x128x64xf32, #tpu.memory_space<vmem>>
    %dma_start3A_282 = tpu.memref_squeeze %dma_start3A_281 : memref<1x128x64xf32, #tpu.memory_space<vmem>> -> memref<128x64xf32, #tpu.memory_space<vmem>>
    %dma_start3A_283 = arith.constant 0 : i32
    %dma_start3A_284 = tpu.memref_slice %arg7[%dma_start3A_277, %dma_start3A_283] : memref<80x128xi32, #tpu.memory_space<vmem>> -> memref<1x128xi32, #tpu.memory_space<vmem>>
    %dma_start3A_285 = tpu.memref_squeeze %dma_start3A_284 : memref<1x128xi32, #tpu.memory_space<vmem>> -> memref<128xi32, #tpu.memory_space<vmem>>
    %dma_start3A_286 = arith.constant 0 : i32
    %dma_start3A_287 = arith.constant 0 : i32
    %dma_start3A_288 = tpu.memref_slice %arg4[%dma_start3A_286, %dma_start3A_287] : memref<1000000x64xf32, #tpu.memory_space<hbm>> -> memref<1000000x64xf32, #tpu.memory_space<hbm>>
    tpu.enqueue_indirect_dma source(%dma_start3A_288 : memref<1000000x64xf32, #tpu.memory_space<hbm>>) target(%dma_start3A_282 : memref<128x64xf32, #tpu.memory_space<vmem>>) offsets(%dma_start3A_285 : memref<128xi32, #tpu.memory_space<vmem>>) semaphore(%arg12 : memref<!tpu.dma_semaphore, #tpu.memory_space<semaphore_mem>>)
    %scan3A_289 = arith.constant 0 : i32
    %scan3A_290 = arith.constant 0 : i32
    %scan3A_291 = arith.constant 4 : i32
    %scan3A_292 = arith.addi %scan3A_290, %scan3A_291 : i32
    %scan3A_293 = arith.constant 1 : i32
    %scan3A_294 = scf.for %scan3A_460 = %scan3A_290 to %scan3A_292 step %scan3A_293 iter_args(%scan3A_461 = %scan3A_289) -> (i32)  : i32 {
      %mul3A_462 = arith.constant 2 : i32
      %mul3A_463 = arith.muli %scan3A_460, %mul3A_462 : i32
      %add3A_464 = arith.constant 0 : i32
      %add3A_465 = arith.addi %mul3A_463, %add3A_464 : i32
      %dma_wait3A_466 = arith.constant 0 : i32
      %dma_wait3A_467 = arith.constant 0 : i32
      %dma_wait3A_468 = arith.constant 0 : i32
      %dma_wait3A_469 = tpu.memref_slice %arg9[%dma_wait3A_466, %dma_wait3A_467, %dma_wait3A_468] : memref<2x640x64xf32, #tpu.memory_space<vmem>> -> memref<1x640x64xf32, #tpu.memory_space<vmem>>
      %dma_wait3A_470 = tpu.memref_squeeze %dma_wait3A_469 : memref<1x640x64xf32, #tpu.memory_space<vmem>> -> memref<640x64xf32, #tpu.memory_space<vmem>>
      %dma_wait3A_471 = arith.constant 0 : i32
      %dma_wait3A_472 = arith.constant 0 : i32
      %dma_wait3A_473 = tpu.memref_slice %arg4[%dma_wait3A_471, %dma_wait3A_472] : memref<1000000x64xf32, #tpu.memory_space<hbm>> -> memref<640x64xf32, #tpu.memory_space<hbm>>
      %dma_wait3A_474 = arith.constant 0 : i32
      %dma_wait3A_475 = arith.constant 0 : i32
      %dma_wait3A_476 = tpu.memref_slice %arg9[%dma_wait3A_466, %dma_wait3A_474, %dma_wait3A_475] : memref<2x640x64xf32, #tpu.memory_space<vmem>> -> memref<1x640x64xf32, #tpu.memory_space<vmem>>
      %dma_wait3A_477 = tpu.memref_squeeze %dma_wait3A_476 : memref<1x640x64xf32, #tpu.memory_space<vmem>> -> memref<640x64xf32, #tpu.memory_space<vmem>>
      %dma_wait3A_478 = arith.constant 0 : i32
      %dma_wait3A_479 = arith.constant 0 : i32
      %dma_wait3A_480 = tpu.memref_slice %arg4[%dma_wait3A_478, %dma_wait3A_479] : memref<1000000x64xf32, #tpu.memory_space<hbm>> -> memref<640x64xf32, #tpu.memory_space<hbm>>
      tpu.wait_dma2 semaphore(%arg12 : memref<!tpu.dma_semaphore, #tpu.memory_space<semaphore_mem>>) src(%dma_wait3A_480 : memref<640x64xf32, #tpu.memory_space<hbm>>) dst(%dma_wait3A_477 : memref<640x64xf32, #tpu.memory_space<vmem>>)
      %add3A_481 = arith.constant 1 : i32
      %add3A_482 = arith.addi %add3A_465, %add3A_481 : i32
      %lt3A = arith.constant 8 : i32
      %lt3A_483 = arith.cmpi slt, %add3A_482, %lt3A : i32
      %convert_element_type3A = arith.extui %lt3A_483 : i1 to i32
      %cond3A = arith.constant 0 : i32
      %cond3A_484 = arith.cmpi ne, %convert_element_type3A, %cond3A : i32
      scf.if %cond3A_484 {
        %add3A_530 = arith.constant 8 : i32
        %add3A_531 = arith.addi %add3A_530, %add3A_465 : i32
        %add3A_532 = arith.constant 1 : i32
        %add3A_533 = arith.addi %add3A_531, %add3A_532 : i32
        %mul3A_534 = arith.constant 5 : i32
        %mul3A_535 = arith.muli %add3A_533, %mul3A_534 : i32
        %add3A_536 = arith.constant 0 : i32
        %add3A_537 = arith.addi %mul3A_535, %add3A_536 : i32
        %dma_start3A_538 = arith.constant 1 : i32
        %dma_start3A_539 = arith.constant 0 : i32
        %dma_start3A_540 = arith.constant 0 : i32
        %dma_start3A_541 = tpu.memref_slice %arg9[%dma_start3A_538, %dma_start3A_539, %dma_start3A_540] : memref<2x640x64xf32, #tpu.memory_space<vmem>> -> memref<1x128x64xf32, #tpu.memory_space<vmem>>
        %dma_start3A_542 = tpu.memref_squeeze %dma_start3A_541 : memref<1x128x64xf32, #tpu.memory_space<vmem>> -> memref<128x64xf32, #tpu.memory_space<vmem>>
        %dma_start3A_543 = arith.constant 0 : i32
        %dma_start3A_544 = tpu.memref_slice %arg7[%add3A_537, %dma_start3A_543] : memref<80x128xi32, #tpu.memory_space<vmem>> -> memref<1x128xi32, #tpu.memory_space<vmem>>
        %dma_start3A_545 = tpu.memref_squeeze %dma_start3A_544 : memref<1x128xi32, #tpu.memory_space<vmem>> -> memref<128xi32, #tpu.memory_space<vmem>>
        %dma_start3A_546 = arith.constant 0 : i32
        %dma_start3A_547 = arith.constant 0 : i32
        %dma_start3A_548 = tpu.memref_slice %arg4[%dma_start3A_546, %dma_start3A_547] : memref<1000000x64xf32, #tpu.memory_space<hbm>> -> memref<1000000x64xf32, #tpu.memory_space<hbm>>
        tpu.enqueue_indirect_dma source(%dma_start3A_548 : memref<1000000x64xf32, #tpu.memory_space<hbm>>) target(%dma_start3A_542 : memref<128x64xf32, #tpu.memory_space<vmem>>) offsets(%dma_start3A_545 : memref<128xi32, #tpu.memory_space<vmem>>) semaphore(%arg13 : memref<!tpu.dma_semaphore, #tpu.memory_space<semaphore_mem>>)
        %mul3A_549 = arith.constant 5 : i32
        %mul3A_550 = arith.muli %add3A_533, %mul3A_549 : i32
        %add3A_551 = arith.constant 1 : i32
        %add3A_552 = arith.addi %mul3A_550, %add3A_551 : i32
        %dma_start3A_553 = arith.constant 1 : i32
        %dma_start3A_554 = arith.constant 128 : i32
        %dma_start3A_555 = arith.constant 0 : i32
        %dma_start3A_556 = tpu.memref_slice %arg9[%dma_start3A_553, %dma_start3A_554, %dma_start3A_555] : memref<2x640x64xf32, #tpu.memory_space<vmem>> -> memref<1x128x64xf32, #tpu.memory_space<vmem>>
        %dma_start3A_557 = tpu.memref_squeeze %dma_start3A_556 : memref<1x128x64xf32, #tpu.memory_space<vmem>> -> memref<128x64xf32, #tpu.memory_space<vmem>>
        %dma_start3A_558 = arith.constant 0 : i32
        %dma_start3A_559 = tpu.memref_slice %arg7[%add3A_552, %dma_start3A_558] : memref<80x128xi32, #tpu.memory_space<vmem>> -> memref<1x128xi32, #tpu.memory_space<vmem>>
        %dma_start3A_560 = tpu.memref_squeeze %dma_start3A_559 : memref<1x128xi32, #tpu.memory_space<vmem>> -> memref<128xi32, #tpu.memory_space<vmem>>
        %dma_start3A_561 = arith.constant 0 : i32
        %dma_start3A_562 = arith.constant 0 : i32
        %dma_start3A_563 = tpu.memref_slice %arg4[%dma_start3A_561, %dma_start3A_562] : memref<1000000x64xf32, #tpu.memory_space<hbm>> -> memref<1000000x64xf32, #tpu.memory_space<hbm>>
        tpu.enqueue_indirect_dma source(%dma_start3A_563 : memref<1000000x64xf32, #tpu.memory_space<hbm>>) target(%dma_start3A_557 : memref<128x64xf32, #tpu.memory_space<vmem>>) offsets(%dma_start3A_560 : memref<128xi32, #tpu.memory_space<vmem>>) semaphore(%arg13 : memref<!tpu.dma_semaphore, #tpu.memory_space<semaphore_mem>>)
        %mul3A_564 = arith.constant 5 : i32
        %mul3A_565 = arith.muli %add3A_533, %mul3A_564 : i32
        %add3A_566 = arith.constant 2 : i32
        %add3A_567 = arith.addi %mul3A_565, %add3A_566 : i32
        %dma_start3A_568 = arith.constant 1 : i32
        %dma_start3A_569 = arith.constant 256 : i32
        %dma_start3A_570 = arith.constant 0 : i32
        %dma_start3A_571 = tpu.memref_slice %arg9[%dma_start3A_568, %dma_start3A_569, %dma_start3A_570] : memref<2x640x64xf32, #tpu.memory_space<vmem>> -> memref<1x128x64xf32, #tpu.memory_space<vmem>>
        %dma_start3A_572 = tpu.memref_squeeze %dma_start3A_571 : memref<1x128x64xf32, #tpu.memory_space<vmem>> -> memref<128x64xf32, #tpu.memory_space<vmem>>
        %dma_start3A_573 = arith.constant 0 : i32
        %dma_start3A_574 = tpu.memref_slice %arg7[%add3A_567, %dma_start3A_573] : memref<80x128xi32, #tpu.memory_space<vmem>> -> memref<1x128xi32, #tpu.memory_space<vmem>>
        %dma_start3A_575 = tpu.memref_squeeze %dma_start3A_574 : memref<1x128xi32, #tpu.memory_space<vmem>> -> memref<128xi32, #tpu.memory_space<vmem>>
        %dma_start3A_576 = arith.constant 0 : i32
        %dma_start3A_577 = arith.constant 0 : i32
        %dma_start3A_578 = tpu.memref_slice %arg4[%dma_start3A_576, %dma_start3A_577] : memref<1000000x64xf32, #tpu.memory_space<hbm>> -> memref<1000000x64xf32, #tpu.memory_space<hbm>>
        tpu.enqueue_indirect_dma source(%dma_start3A_578 : memref<1000000x64xf32, #tpu.memory_space<hbm>>) target(%dma_start3A_572 : memref<128x64xf32, #tpu.memory_space<vmem>>) offsets(%dma_start3A_575 : memref<128xi32, #tpu.memory_space<vmem>>) semaphore(%arg13 : memref<!tpu.dma_semaphore, #tpu.memory_space<semaphore_mem>>)
        %mul3A_579 = arith.constant 5 : i32
        %mul3A_580 = arith.muli %add3A_533, %mul3A_579 : i32
        %add3A_581 = arith.constant 3 : i32
        %add3A_582 = arith.addi %mul3A_580, %add3A_581 : i32
        %dma_start3A_583 = arith.constant 1 : i32
        %dma_start3A_584 = arith.constant 384 : i32
        %dma_start3A_585 = arith.constant 0 : i32
        %dma_start3A_586 = tpu.memref_slice %arg9[%dma_start3A_583, %dma_start3A_584, %dma_start3A_585] : memref<2x640x64xf32, #tpu.memory_space<vmem>> -> memref<1x128x64xf32, #tpu.memory_space<vmem>>
        %dma_start3A_587 = tpu.memref_squeeze %dma_start3A_586 : memref<1x128x64xf32, #tpu.memory_space<vmem>> -> memref<128x64xf32, #tpu.memory_space<vmem>>
        %dma_start3A_588 = arith.constant 0 : i32
        %dma_start3A_589 = tpu.memref_slice %arg7[%add3A_582, %dma_start3A_588] : memref<80x128xi32, #tpu.memory_space<vmem>> -> memref<1x128xi32, #tpu.memory_space<vmem>>
        %dma_start3A_590 = tpu.memref_squeeze %dma_start3A_589 : memref<1x128xi32, #tpu.memory_space<vmem>> -> memref<128xi32, #tpu.memory_space<vmem>>
        %dma_start3A_591 = arith.constant 0 : i32
        %dma_start3A_592 = arith.constant 0 : i32
        %dma_start3A_593 = tpu.memref_slice %arg4[%dma_start3A_591, %dma_start3A_592] : memref<1000000x64xf32, #tpu.memory_space<hbm>> -> memref<1000000x64xf32, #tpu.memory_space<hbm>>
        tpu.enqueue_indirect_dma source(%dma_start3A_593 : memref<1000000x64xf32, #tpu.memory_space<hbm>>) target(%dma_start3A_587 : memref<128x64xf32, #tpu.memory_space<vmem>>) offsets(%dma_start3A_590 : memref<128xi32, #tpu.memory_space<vmem>>) semaphore(%arg13 : memref<!tpu.dma_semaphore, #tpu.memory_space<semaphore_mem>>)
        %mul3A_594 = arith.constant 5 : i32
        %mul3A_595 = arith.muli %add3A_533, %mul3A_594 : i32
        %add3A_596 = arith.constant 4 : i32
        %add3A_597 = arith.addi %mul3A_595, %add3A_596 : i32
        %dma_start3A_598 = arith.constant 1 : i32
        %dma_start3A_599 = arith.constant 512 : i32
        %dma_start3A_600 = arith.constant 0 : i32
        %dma_start3A_601 = tpu.memref_slice %arg9[%dma_start3A_598, %dma_start3A_599, %dma_start3A_600] : memref<2x640x64xf32, #tpu.memory_space<vmem>> -> memref<1x128x64xf32, #tpu.memory_space<vmem>>
        %dma_start3A_602 = tpu.memref_squeeze %dma_start3A_601 : memref<1x128x64xf32, #tpu.memory_space<vmem>> -> memref<128x64xf32, #tpu.memory_space<vmem>>
        %dma_start3A_603 = arith.constant 0 : i32
        %dma_start3A_604 = tpu.memref_slice %arg7[%add3A_597, %dma_start3A_603] : memref<80x128xi32, #tpu.memory_space<vmem>> -> memref<1x128xi32, #tpu.memory_space<vmem>>
        %dma_start3A_605 = tpu.memref_squeeze %dma_start3A_604 : memref<1x128xi32, #tpu.memory_space<vmem>> -> memref<128xi32, #tpu.memory_space<vmem>>
        %dma_start3A_606 = arith.constant 0 : i32
        %dma_start3A_607 = arith.constant 0 : i32
        %dma_start3A_608 = tpu.memref_slice %arg4[%dma_start3A_606, %dma_start3A_607] : memref<1000000x64xf32, #tpu.memory_space<hbm>> -> memref<1000000x64xf32, #tpu.memory_space<hbm>>
        tpu.enqueue_indirect_dma source(%dma_start3A_608 : memref<1000000x64xf32, #tpu.memory_space<hbm>>) target(%dma_start3A_602 : memref<128x64xf32, #tpu.memory_space<vmem>>) offsets(%dma_start3A_605 : memref<128xi32, #tpu.memory_space<vmem>>) semaphore(%arg13 : memref<!tpu.dma_semaphore, #tpu.memory_space<semaphore_mem>>)
      } else {
      }
      %mul3A_485 = arith.constant 32 : i32
      %mul3A_486 = arith.muli %add3A_465, %mul3A_485 : i32
      %scan3A_487 = arith.constant 0 : i32
      %scan3A_488 = arith.constant 0 : i32
      %scan3A_489 = arith.constant 32 : i32
      %scan3A_490 = arith.addi %scan3A_488, %scan3A_489 : i32
      %scan3A_491 = arith.constant 1 : i32
      %scan3A_492 = scf.for %scan3A_530 = %scan3A_488 to %scan3A_490 step %scan3A_491 iter_args(%scan3A_531 = %scan3A_487) -> (i32)  : i32 {
        %mul3A_532 = arith.constant 20 : i32
        %mul3A_533 = arith.muli %scan3A_530, %mul3A_532 : i32
        %get3A = arith.constant 0 : i32
        %get3A_534 = arith.index_cast %get3A : i32 to index
        %get3A_535 = arith.index_cast %mul3A_533 : i32 to index
        %get3A_536 = arith.constant 0 : index
        %get3A_537 = tpu.vector_load %arg9[%get3A_534, %get3A_535, %get3A_536] {strides = array<i32>} : memref<2x640x64xf32, #tpu.memory_space<vmem>>, vector<16xf32>,
        %get3A_538 = arith.constant 0 : i32
        %get3A_539 = arith.index_cast %get3A_538 : i32 to index
        %get3A_540 = arith.index_cast %mul3A_533 : i32 to index
        %get3A_541 = arith.constant 16 : index
        %get3A_542 = tpu.vector_load %arg9[%get3A_539, %get3A_540, %get3A_541] {strides = array<i32>} : memref<2x640x64xf32, #tpu.memory_space<vmem>>, vector<16xf32>,
        %get3A_543 = arith.constant 0 : i32
        %get3A_544 = arith.index_cast %get3A_543 : i32 to index
        %get3A_545 = arith.index_cast %mul3A_533 : i32 to index
        %get3A_546 = arith.constant 32 : index
        %get3A_547 = tpu.vector_load %arg9[%get3A_544, %get3A_545, %get3A_546] {strides = array<i32>} : memref<2x640x64xf32, #tpu.memory_space<vmem>>, vector<16xf32>,
        %get3A_548 = arith.constant 0 : i32
        %get3A_549 = arith.index_cast %get3A_548 : i32 to index
        %get3A_550 = arith.index_cast %mul3A_533 : i32 to index
        %get3A_551 = arith.constant 48 : index
        %get3A_552 = tpu.vector_load %arg9[%get3A_549, %get3A_550, %get3A_551] {strides = array<i32>} : memref<2x640x64xf32, #tpu.memory_space<vmem>>, vector<16xf32>,
        %add3A_553 = arith.constant 1 : i32
        %add3A_554 = arith.addi %mul3A_533, %add3A_553 : i32
        %get3A_555 = arith.constant 0 : i32
        %get3A_556 = arith.index_cast %get3A_555 : i32 to index
        %get3A_557 = arith.index_cast %add3A_554 : i32 to index
        %get3A_558 = arith.constant 0 : index
        %get3A_559 = tpu.vector_load %arg9[%get3A_556, %get3A_557, %get3A_558] {strides = array<i32>} : memref<2x640x64xf32, #tpu.memory_space<vmem>>, vector<16xf32>,
        %add3A_560 = arith.addf %get3A_537, %get3A_559 : vector<16xf32>
        %add3A_561 = arith.constant 1 : i32
        %add3A_562 = arith.addi %mul3A_533, %add3A_561 : i32
        %get3A_563 = arith.constant 0 : i32
        %get3A_564 = arith.index_cast %get3A_563 : i32 to index
        %get3A_565 = arith.index_cast %add3A_562 : i32 to index
        %get3A_566 = arith.constant 16 : index
        %get3A_567 = tpu.vector_load %arg9[%get3A_564, %get3A_565, %get3A_566] {strides = array<i32>} : memref<2x640x64xf32, #tpu.memory_space<vmem>>, vector<16xf32>,
        %add3A_568 = arith.addf %get3A_542, %get3A_567 : vector<16xf32>
        %add3A_569 = arith.constant 1 : i32
        %add3A_570 = arith.addi %mul3A_533, %add3A_569 : i32
        %get3A_571 = arith.constant 0 : i32
        %get3A_572 = arith.index_cast %get3A_571 : i32 to index
        %get3A_573 = arith.index_cast %add3A_570 : i32 to index
        %get3A_574 = arith.constant 32 : index
        %get3A_575 = tpu.vector_load %arg9[%get3A_572, %get3A_573, %get3A_574] {strides = array<i32>} : memref<2x640x64xf32, #tpu.memory_space<vmem>>, vector<16xf32>,
        %add3A_576 = arith.addf %get3A_547, %get3A_575 : vector<16xf32>
        %add3A_577 = arith.constant 1 : i32
        %add3A_578 = arith.addi %mul3A_533, %add3A_577 : i32
        %get3A_579 = arith.constant 0 : i32
        %get3A_580 = arith.index_cast %get3A_579 : i32 to index
        %get3A_581 = arith.index_cast %add3A_578 : i32 to index
        %get3A_582 = arith.constant 48 : index
        %get3A_583 = tpu.vector_load %arg9[%get3A_580, %get3A_581, %get3A_582] {strides = array<i32>} : memref<2x640x64xf32, #tpu.memory_space<vmem>>, vector<16xf32>,
        %add3A_584 = arith.addf %get3A_552, %get3A_583 : vector<16xf32>
        %add3A_585 = arith.constant 2 : i32
        %add3A_586 = arith.addi %mul3A_533, %add3A_585 : i32
        %get3A_587 = arith.constant 0 : i32
        %get3A_588 = arith.index_cast %get3A_587 : i32 to index
        %get3A_589 = arith.index_cast %add3A_586 : i32 to index
        %get3A_590 = arith.constant 0 : index
        %get3A_591 = tpu.vector_load %arg9[%get3A_588, %get3A_589, %get3A_590] {strides = array<i32>} : memref<2x640x64xf32, #tpu.memory_space<vmem>>, vector<16xf32>,
        %add3A_592 = arith.addf %add3A_560, %get3A_591 : vector<16xf32>
        %add3A_593 = arith.constant 2 : i32
        %add3A_594 = arith.addi %mul3A_533, %add3A_593 : i32
        %get3A_595 = arith.constant 0 : i32
        %get3A_596 = arith.index_cast %get3A_595 : i32 to index
        %get3A_597 = arith.index_cast %add3A_594 : i32 to index
        %get3A_598 = arith.constant 16 : index
        %get3A_599 = tpu.vector_load %arg9[%get3A_596, %get3A_597, %get3A_598] {strides = array<i32>} : memref<2x640x64xf32, #tpu.memory_space<vmem>>, vector<16xf32>,
        %add3A_600 = arith.addf %add3A_568, %get3A_599 : vector<16xf32>
        %add3A_601 = arith.constant 2 : i32
        %add3A_602 = arith.addi %mul3A_533, %add3A_601 : i32
        %get3A_603 = arith.constant 0 : i32
        %get3A_604 = arith.index_cast %get3A_603 : i32 to index
        %get3A_605 = arith.index_cast %add3A_602 : i32 to index
        %get3A_606 = arith.constant 32 : index
        %get3A_607 = tpu.vector_load %arg9[%get3A_604, %get3A_605, %get3A_606] {strides = array<i32>} : memref<2x640x64xf32, #tpu.memory_space<vmem>>, vector<16xf32>,
        %add3A_608 = arith.addf %add3A_576, %get3A_607 : vector<16xf32>
        %add3A_609 = arith.constant 2 : i32
        %add3A_610 = arith.addi %mul3A_533, %add3A_609 : i32
        %get3A_611 = arith.constant 0 : i32
        %get3A_612 = arith.index_cast %get3A_611 : i32 to index
        %get3A_613 = arith.index_cast %add3A_610 : i32 to index
        %get3A_614 = arith.constant 48 : index
        %get3A_615 = tpu.vector_load %arg9[%get3A_612, %get3A_613, %get3A_614] {strides = array<i32>} : memref<2x640x64xf32, #tpu.memory_space<vmem>>, vector<16xf32>,
        %add3A_616 = arith.addf %add3A_584, %get3A_615 : vector<16xf32>
        %add3A_617 = arith.constant 3 : i32
        %add3A_618 = arith.addi %mul3A_533, %add3A_617 : i32
        %get3A_619 = arith.constant 0 : i32
        %get3A_620 = arith.index_cast %get3A_619 : i32 to index
        %get3A_621 = arith.index_cast %add3A_618 : i32 to index
        %get3A_622 = arith.constant 0 : index
        %get3A_623 = tpu.vector_load %arg9[%get3A_620, %get3A_621, %get3A_622] {strides = array<i32>} : memref<2x640x64xf32, #tpu.memory_space<vmem>>, vector<16xf32>,
        %add3A_624 = arith.addf %add3A_592, %get3A_623 : vector<16xf32>
        %add3A_625 = arith.constant 3 : i32
        %add3A_626 = arith.addi %mul3A_533, %add3A_625 : i32
        %get3A_627 = arith.constant 0 : i32
        %get3A_628 = arith.index_cast %get3A_627 : i32 to index
        %get3A_629 = arith.index_cast %add3A_626 : i32 to index
        %get3A_630 = arith.constant 16 : index
        %get3A_631 = tpu.vector_load %arg9[%get3A_628, %get3A_629, %get3A_630] {strides = array<i32>} : memref<2x640x64xf32, #tpu.memory_space<vmem>>, vector<16xf32>,
        %add3A_632 = arith.addf %add3A_600, %get3A_631 : vector<16xf32>
        %add3A_633 = arith.constant 3 : i32
        %add3A_634 = arith.addi %mul3A_533, %add3A_633 : i32
        %get3A_635 = arith.constant 0 : i32
        %get3A_636 = arith.index_cast %get3A_635 : i32 to index
        %get3A_637 = arith.index_cast %add3A_634 : i32 to index
        %get3A_638 = arith.constant 32 : index
        %get3A_639 = tpu.vector_load %arg9[%get3A_636, %get3A_637, %get3A_638] {strides = array<i32>} : memref<2x640x64xf32, #tpu.memory_space<vmem>>, vector<16xf32>,
        %add3A_640 = arith.addf %add3A_608, %get3A_639 : vector<16xf32>
        %add3A_641 = arith.constant 3 : i32
        %add3A_642 = arith.addi %mul3A_533, %add3A_641 : i32
        %get3A_643 = arith.constant 0 : i32
        %get3A_644 = arith.index_cast %get3A_643 : i32 to index
        %get3A_645 = arith.index_cast %add3A_642 : i32 to index
        %get3A_646 = arith.constant 48 : index
        %get3A_647 = tpu.vector_load %arg9[%get3A_644, %get3A_645, %get3A_646] {strides = array<i32>} : memref<2x640x64xf32, #tpu.memory_space<vmem>>, vector<16xf32>,
        %add3A_648 = arith.addf %add3A_616, %get3A_647 : vector<16xf32>
        %add3A_649 = arith.constant 4 : i32
        %add3A_650 = arith.addi %mul3A_533, %add3A_649 : i32
        %get3A_651 = arith.constant 0 : i32
        %get3A_652 = arith.index_cast %get3A_651 : i32 to index
        %get3A_653 = arith.index_cast %add3A_650 : i32 to index
        %get3A_654 = arith.constant 0 : index
        %get3A_655 = tpu.vector_load %arg9[%get3A_652, %get3A_653, %get3A_654] {strides = array<i32>} : memref<2x640x64xf32, #tpu.memory_space<vmem>>, vector<16xf32>,
        %add3A_656 = arith.addf %add3A_624, %get3A_655 : vector<16xf32>
        %add3A_657 = arith.constant 4 : i32
        %add3A_658 = arith.addi %mul3A_533, %add3A_657 : i32
        %get3A_659 = arith.constant 0 : i32
        %get3A_660 = arith.index_cast %get3A_659 : i32 to index
        %get3A_661 = arith.index_cast %add3A_658 : i32 to index
        %get3A_662 = arith.constant 16 : index
        %get3A_663 = tpu.vector_load %arg9[%get3A_660, %get3A_661, %get3A_662] {strides = array<i32>} : memref<2x640x64xf32, #tpu.memory_space<vmem>>, vector<16xf32>,
        %add3A_664 = arith.addf %add3A_632, %get3A_663 : vector<16xf32>
        %add3A_665 = arith.constant 4 : i32
        %add3A_666 = arith.addi %mul3A_533, %add3A_665 : i32
        %get3A_667 = arith.constant 0 : i32
        %get3A_668 = arith.index_cast %get3A_667 : i32 to index
        %get3A_669 = arith.index_cast %add3A_666 : i32 to index
        %get3A_670 = arith.constant 32 : index
        %get3A_671 = tpu.vector_load %arg9[%get3A_668, %get3A_669, %get3A_670] {strides = array<i32>} : memref<2x640x64xf32, #tpu.memory_space<vmem>>, vector<16xf32>,
        %add3A_672 = arith.addf %add3A_640, %get3A_671 : vector<16xf32>
        %add3A_673 = arith.constant 4 : i32
        %add3A_674 = arith.addi %mul3A_533, %add3A_673 : i32
        %get3A_675 = arith.constant 0 : i32
        %get3A_676 = arith.index_cast %get3A_675 : i32 to index
        %get3A_677 = arith.index_cast %add3A_674 : i32 to index
        %get3A_678 = arith.constant 48 : index
        %get3A_679 = tpu.vector_load %arg9[%get3A_676, %get3A_677, %get3A_678] {strides = array<i32>} : memref<2x640x64xf32, #tpu.memory_space<vmem>>, vector<16xf32>,
        %add3A_680 = arith.addf %add3A_648, %get3A_679 : vector<16xf32>
        %add3A_681 = arith.constant 5 : i32
        %add3A_682 = arith.addi %mul3A_533, %add3A_681 : i32
        %get3A_683 = arith.constant 0 : i32
        %get3A_684 = arith.index_cast %get3A_683 : i32 to index
        %get3A_685 = arith.index_cast %add3A_682 : i32 to index
        %get3A_686 = arith.constant 0 : index
        %get3A_687 = tpu.vector_load %arg9[%get3A_684, %get3A_685, %get3A_686] {strides = array<i32>} : memref<2x640x64xf32, #tpu.memory_space<vmem>>, vector<16xf32>,
        %add3A_688 = arith.addf %add3A_656, %get3A_687 : vector<16xf32>
        %add3A_689 = arith.constant 5 : i32
        %add3A_690 = arith.addi %mul3A_533, %add3A_689 : i32
        %get3A_691 = arith.constant 0 : i32
        %get3A_692 = arith.index_cast %get3A_691 : i32 to index
        %get3A_693 = arith.index_cast %add3A_690 : i32 to index
        %get3A_694 = arith.constant 16 : index
        %get3A_695 = tpu.vector_load %arg9[%get3A_692, %get3A_693, %get3A_694] {strides = array<i32>} : memref<2x640x64xf32, #tpu.memory_space<vmem>>, vector<16xf32>,
        %add3A_696 = arith.addf %add3A_664, %get3A_695 : vector<16xf32>
        %add3A_697 = arith.constant 5 : i32
        %add3A_698 = arith.addi %mul3A_533, %add3A_697 : i32
        %get3A_699 = arith.constant 0 : i32
        %get3A_700 = arith.index_cast %get3A_699 : i32 to index
        %get3A_701 = arith.index_cast %add3A_698 : i32 to index
        %get3A_702 = arith.constant 32 : index
        %get3A_703 = tpu.vector_load %arg9[%get3A_700, %get3A_701, %get3A_702] {strides = array<i32>} : memref<2x640x64xf32, #tpu.memory_space<vmem>>, vector<16xf32>,
        %add3A_704 = arith.addf %add3A_672, %get3A_703 : vector<16xf32>
        %add3A_705 = arith.constant 5 : i32
        %add3A_706 = arith.addi %mul3A_533, %add3A_705 : i32
        %get3A_707 = arith.constant 0 : i32
        %get3A_708 = arith.index_cast %get3A_707 : i32 to index
        %get3A_709 = arith.index_cast %add3A_706 : i32 to index
        %get3A_710 = arith.constant 48 : index
        %get3A_711 = tpu.vector_load %arg9[%get3A_708, %get3A_709, %get3A_710] {strides = array<i32>} : memref<2x640x64xf32, #tpu.memory_space<vmem>>, vector<16xf32>,
        %add3A_712 = arith.addf %add3A_680, %get3A_711 : vector<16xf32>
        %add3A_713 = arith.constant 6 : i32
        %add3A_714 = arith.addi %mul3A_533, %add3A_713 : i32
        %get3A_715 = arith.constant 0 : i32
        %get3A_716 = arith.index_cast %get3A_715 : i32 to index
        %get3A_717 = arith.index_cast %add3A_714 : i32 to index
        %get3A_718 = arith.constant 0 : index
        %get3A_719 = tpu.vector_load %arg9[%get3A_716, %get3A_717, %get3A_718] {strides = array<i32>} : memref<2x640x64xf32, #tpu.memory_space<vmem>>, vector<16xf32>,
        %add3A_720 = arith.addf %add3A_688, %get3A_719 : vector<16xf32>
        %add3A_721 = arith.constant 6 : i32
        %add3A_722 = arith.addi %mul3A_533, %add3A_721 : i32
        %get3A_723 = arith.constant 0 : i32
        %get3A_724 = arith.index_cast %get3A_723 : i32 to index
        %get3A_725 = arith.index_cast %add3A_722 : i32 to index
        %get3A_726 = arith.constant 16 : index
        %get3A_727 = tpu.vector_load %arg9[%get3A_724, %get3A_725, %get3A_726] {strides = array<i32>} : memref<2x640x64xf32, #tpu.memory_space<vmem>>, vector<16xf32>,
        %add3A_728 = arith.addf %add3A_696, %get3A_727 : vector<16xf32>
        %add3A_729 = arith.constant 6 : i32
        %add3A_730 = arith.addi %mul3A_533, %add3A_729 : i32
        %get3A_731 = arith.constant 0 : i32
        %get3A_732 = arith.index_cast %get3A_731 : i32 to index
        %get3A_733 = arith.index_cast %add3A_730 : i32 to index
        %get3A_734 = arith.constant 32 : index
        %get3A_735 = tpu.vector_load %arg9[%get3A_732, %get3A_733, %get3A_734] {strides = array<i32>} : memref<2x640x64xf32, #tpu.memory_space<vmem>>, vector<16xf32>,
        %add3A_736 = arith.addf %add3A_704, %get3A_735 : vector<16xf32>
        %add3A_737 = arith.constant 6 : i32
        %add3A_738 = arith.addi %mul3A_533, %add3A_737 : i32
        %get3A_739 = arith.constant 0 : i32
        %get3A_740 = arith.index_cast %get3A_739 : i32 to index
        %get3A_741 = arith.index_cast %add3A_738 : i32 to index
        %get3A_742 = arith.constant 48 : index
        %get3A_743 = tpu.vector_load %arg9[%get3A_740, %get3A_741, %get3A_742] {strides = array<i32>} : memref<2x640x64xf32, #tpu.memory_space<vmem>>, vector<16xf32>,
        %add3A_744 = arith.addf %add3A_712, %get3A_743 : vector<16xf32>
        %add3A_745 = arith.constant 7 : i32
        %add3A_746 = arith.addi %mul3A_533, %add3A_745 : i32
        %get3A_747 = arith.constant 0 : i32
        %get3A_748 = arith.index_cast %get3A_747 : i32 to index
        %get3A_749 = arith.index_cast %add3A_746 : i32 to index
        %get3A_750 = arith.constant 0 : index
        %get3A_751 = tpu.vector_load %arg9[%get3A_748, %get3A_749, %get3A_750] {strides = array<i32>} : memref<2x640x64xf32, #tpu.memory_space<vmem>>, vector<16xf32>,
        %add3A_752 = arith.addf %add3A_720, %get3A_751 : vector<16xf32>
        %add3A_753 = arith.constant 7 : i32
        %add3A_754 = arith.addi %mul3A_533, %add3A_753 : i32
        %get3A_755 = arith.constant 0 : i32
        %get3A_756 = arith.index_cast %get3A_755 : i32 to index
        %get3A_757 = arith.index_cast %add3A_754 : i32 to index
        %get3A_758 = arith.constant 16 : index
        %get3A_759 = tpu.vector_load %arg9[%get3A_756, %get3A_757, %get3A_758] {strides = array<i32>} : memref<2x640x64xf32, #tpu.memory_space<vmem>>, vector<16xf32>,
        %add3A_760 = arith.addf %add3A_728, %get3A_759 : vector<16xf32>
        %add3A_761 = arith.constant 7 : i32
        %add3A_762 = arith.addi %mul3A_533, %add3A_761 : i32
        %get3A_763 = arith.constant 0 : i32
        %get3A_764 = arith.index_cast %get3A_763 : i32 to index
        %get3A_765 = arith.index_cast %add3A_762 : i32 to index
        %get3A_766 = arith.constant 32 : index
        %get3A_767 = tpu.vector_load %arg9[%get3A_764, %get3A_765, %get3A_766] {strides = array<i32>} : memref<2x640x64xf32, #tpu.memory_space<vmem>>, vector<16xf32>,
        %add3A_768 = arith.addf %add3A_736, %get3A_767 : vector<16xf32>
        %add3A_769 = arith.constant 7 : i32
        %add3A_770 = arith.addi %mul3A_533, %add3A_769 : i32
        %get3A_771 = arith.constant 0 : i32
        %get3A_772 = arith.index_cast %get3A_771 : i32 to index
        %get3A_773 = arith.index_cast %add3A_770 : i32 to index
        %get3A_774 = arith.constant 48 : index
        %get3A_775 = tpu.vector_load %arg9[%get3A_772, %get3A_773, %get3A_774] {strides = array<i32>} : memref<2x640x64xf32, #tpu.memory_space<vmem>>, vector<16xf32>,
        %add3A_776 = arith.addf %add3A_744, %get3A_775 : vector<16xf32>
        %add3A_777 = arith.constant 8 : i32
        %add3A_778 = arith.addi %mul3A_533, %add3A_777 : i32
        %get3A_779 = arith.constant 0 : i32
        %get3A_780 = arith.index_cast %get3A_779 : i32 to index
        %get3A_781 = arith.index_cast %add3A_778 : i32 to index
        %get3A_782 = arith.constant 0 : index
        %get3A_783 = tpu.vector_load %arg9[%get3A_780, %get3A_781, %get3A_782] {strides = array<i32>} : memref<2x640x64xf32, #tpu.memory_space<vmem>>, vector<16xf32>,
        %add3A_784 = arith.addf %add3A_752, %get3A_783 : vector<16xf32>
        %add3A_785 = arith.constant 8 : i32
        %add3A_786 = arith.addi %mul3A_533, %add3A_785 : i32
        %get3A_787 = arith.constant 0 : i32
        %get3A_788 = arith.index_cast %get3A_787 : i32 to index
        %get3A_789 = arith.index_cast %add3A_786 : i32 to index
        %get3A_790 = arith.constant 16 : index
        %get3A_791 = tpu.vector_load %arg9[%get3A_788, %get3A_789, %get3A_790] {strides = array<i32>} : memref<2x640x64xf32, #tpu.memory_space<vmem>>, vector<16xf32>,
        %add3A_792 = arith.addf %add3A_760, %get3A_791 : vector<16xf32>
        %add3A_793 = arith.constant 8 : i32
        %add3A_794 = arith.addi %mul3A_533, %add3A_793 : i32
        %get3A_795 = arith.constant 0 : i32
        %get3A_796 = arith.index_cast %get3A_795 : i32 to index
        %get3A_797 = arith.index_cast %add3A_794 : i32 to index
        %get3A_798 = arith.constant 32 : index
        %get3A_799 = tpu.vector_load %arg9[%get3A_796, %get3A_797, %get3A_798] {strides = array<i32>} : memref<2x640x64xf32, #tpu.memory_space<vmem>>, vector<16xf32>,
        %add3A_800 = arith.addf %add3A_768, %get3A_799 : vector<16xf32>
        %add3A_801 = arith.constant 8 : i32
        %add3A_802 = arith.addi %mul3A_533, %add3A_801 : i32
        %get3A_803 = arith.constant 0 : i32
        %get3A_804 = arith.index_cast %get3A_803 : i32 to index
        %get3A_805 = arith.index_cast %add3A_802 : i32 to index
        %get3A_806 = arith.constant 48 : index
        %get3A_807 = tpu.vector_load %arg9[%get3A_804, %get3A_805, %get3A_806] {strides = array<i32>} : memref<2x640x64xf32, #tpu.memory_space<vmem>>, vector<16xf32>,
        %add3A_808 = arith.addf %add3A_776, %get3A_807 : vector<16xf32>
        %add3A_809 = arith.constant 9 : i32
        %add3A_810 = arith.addi %mul3A_533, %add3A_809 : i32
        %get3A_811 = arith.constant 0 : i32
        %get3A_812 = arith.index_cast %get3A_811 : i32 to index
        %get3A_813 = arith.index_cast %add3A_810 : i32 to index
        %get3A_814 = arith.constant 0 : index
        %get3A_815 = tpu.vector_load %arg9[%get3A_812, %get3A_813, %get3A_814] {strides = array<i32>} : memref<2x640x64xf32, #tpu.memory_space<vmem>>, vector<16xf32>,
        %add3A_816 = arith.addf %add3A_784, %get3A_815 : vector<16xf32>
        %add3A_817 = arith.constant 9 : i32
        %add3A_818 = arith.addi %mul3A_533, %add3A_817 : i32
        %get3A_819 = arith.constant 0 : i32
        %get3A_820 = arith.index_cast %get3A_819 : i32 to index
        %get3A_821 = arith.index_cast %add3A_818 : i32 to index
        %get3A_822 = arith.constant 16 : index
        %get3A_823 = tpu.vector_load %arg9[%get3A_820, %get3A_821, %get3A_822] {strides = array<i32>} : memref<2x640x64xf32, #tpu.memory_space<vmem>>, vector<16xf32>,
        %add3A_824 = arith.addf %add3A_792, %get3A_823 : vector<16xf32>
        %add3A_825 = arith.constant 9 : i32
        %add3A_826 = arith.addi %mul3A_533, %add3A_825 : i32
        %get3A_827 = arith.constant 0 : i32
        %get3A_828 = arith.index_cast %get3A_827 : i32 to index
        %get3A_829 = arith.index_cast %add3A_826 : i32 to index
        %get3A_830 = arith.constant 32 : index
        %get3A_831 = tpu.vector_load %arg9[%get3A_828, %get3A_829, %get3A_830] {strides = array<i32>} : memref<2x640x64xf32, #tpu.memory_space<vmem>>, vector<16xf32>,
        %add3A_832 = arith.addf %add3A_800, %get3A_831 : vector<16xf32>
        %add3A_833 = arith.constant 9 : i32
        %add3A_834 = arith.addi %mul3A_533, %add3A_833 : i32
        %get3A_835 = arith.constant 0 : i32
        %get3A_836 = arith.index_cast %get3A_835 : i32 to index
        %get3A_837 = arith.index_cast %add3A_834 : i32 to index
        %get3A_838 = arith.constant 48 : index
        %get3A_839 = tpu.vector_load %arg9[%get3A_836, %get3A_837, %get3A_838] {strides = array<i32>} : memref<2x640x64xf32, #tpu.memory_space<vmem>>, vector<16xf32>,
        %add3A_840 = arith.addf %add3A_808, %get3A_839 : vector<16xf32>
        %add3A_841 = arith.constant 10 : i32
        %add3A_842 = arith.addi %mul3A_533, %add3A_841 : i32
        %get3A_843 = arith.constant 0 : i32
        %get3A_844 = arith.index_cast %get3A_843 : i32 to index
        %get3A_845 = arith.index_cast %add3A_842 : i32 to index
        %get3A_846 = arith.constant 0 : index
        %get3A_847 = tpu.vector_load %arg9[%get3A_844, %get3A_845, %get3A_846] {strides = array<i32>} : memref<2x640x64xf32, #tpu.memory_space<vmem>>, vector<16xf32>,
        %add3A_848 = arith.addf %add3A_816, %get3A_847 : vector<16xf32>
        %add3A_849 = arith.constant 10 : i32
        %add3A_850 = arith.addi %mul3A_533, %add3A_849 : i32
        %get3A_851 = arith.constant 0 : i32
        %get3A_852 = arith.index_cast %get3A_851 : i32 to index
        %get3A_853 = arith.index_cast %add3A_850 : i32 to index
        %get3A_854 = arith.constant 16 : index
        %get3A_855 = tpu.vector_load %arg9[%get3A_852, %get3A_853, %get3A_854] {strides = array<i32>} : memref<2x640x64xf32, #tpu.memory_space<vmem>>, vector<16xf32>,
        %add3A_856 = arith.addf %add3A_824, %get3A_855 : vector<16xf32>
        %add3A_857 = arith.constant 10 : i32
        %add3A_858 = arith.addi %mul3A_533, %add3A_857 : i32
        %get3A_859 = arith.constant 0 : i32
        %get3A_860 = arith.index_cast %get3A_859 : i32 to index
        %get3A_861 = arith.index_cast %add3A_858 : i32 to index
        %get3A_862 = arith.constant 32 : index
        %get3A_863 = tpu.vector_load %arg9[%get3A_860, %get3A_861, %get3A_862] {strides = array<i32>} : memref<2x640x64xf32, #tpu.memory_space<vmem>>, vector<16xf32>,
        %add3A_864 = arith.addf %add3A_832, %get3A_863 : vector<16xf32>
        %add3A_865 = arith.constant 10 : i32
        %add3A_866 = arith.addi %mul3A_533, %add3A_865 : i32
        %get3A_867 = arith.constant 0 : i32
        %get3A_868 = arith.index_cast %get3A_867 : i32 to index
        %get3A_869 = arith.index_cast %add3A_866 : i32 to index
        %get3A_870 = arith.constant 48 : index
        %get3A_871 = tpu.vector_load %arg9[%get3A_868, %get3A_869, %get3A_870] {strides = array<i32>} : memref<2x640x64xf32, #tpu.memory_space<vmem>>, vector<16xf32>,
        %add3A_872 = arith.addf %add3A_840, %get3A_871 : vector<16xf32>
        %add3A_873 = arith.constant 11 : i32
        %add3A_874 = arith.addi %mul3A_533, %add3A_873 : i32
        %get3A_875 = arith.constant 0 : i32
        %get3A_876 = arith.index_cast %get3A_875 : i32 to index
        %get3A_877 = arith.index_cast %add3A_874 : i32 to index
        %get3A_878 = arith.constant 0 : index
        %get3A_879 = tpu.vector_load %arg9[%get3A_876, %get3A_877, %get3A_878] {strides = array<i32>} : memref<2x640x64xf32, #tpu.memory_space<vmem>>, vector<16xf32>,
        %add3A_880 = arith.addf %add3A_848, %get3A_879 : vector<16xf32>
        %add3A_881 = arith.constant 11 : i32
        %add3A_882 = arith.addi %mul3A_533, %add3A_881 : i32
        %get3A_883 = arith.constant 0 : i32
        %get3A_884 = arith.index_cast %get3A_883 : i32 to index
        %get3A_885 = arith.index_cast %add3A_882 : i32 to index
        %get3A_886 = arith.constant 16 : index
        %get3A_887 = tpu.vector_load %arg9[%get3A_884, %get3A_885, %get3A_886] {strides = array<i32>} : memref<2x640x64xf32, #tpu.memory_space<vmem>>, vector<16xf32>,
        %add3A_888 = arith.addf %add3A_856, %get3A_887 : vector<16xf32>
        %add3A_889 = arith.constant 11 : i32
        %add3A_890 = arith.addi %mul3A_533, %add3A_889 : i32
        %get3A_891 = arith.constant 0 : i32
        %get3A_892 = arith.index_cast %get3A_891 : i32 to index
        %get3A_893 = arith.index_cast %add3A_890 : i32 to index
        %get3A_894 = arith.constant 32 : index
        %get3A_895 = tpu.vector_load %arg9[%get3A_892, %get3A_893, %get3A_894] {strides = array<i32>} : memref<2x640x64xf32, #tpu.memory_space<vmem>>, vector<16xf32>,
        %add3A_896 = arith.addf %add3A_864, %get3A_895 : vector<16xf32>
        %add3A_897 = arith.constant 11 : i32
        %add3A_898 = arith.addi %mul3A_533, %add3A_897 : i32
        %get3A_899 = arith.constant 0 : i32
        %get3A_900 = arith.index_cast %get3A_899 : i32 to index
        %get3A_901 = arith.index_cast %add3A_898 : i32 to index
        %get3A_902 = arith.constant 48 : index
        %get3A_903 = tpu.vector_load %arg9[%get3A_900, %get3A_901, %get3A_902] {strides = array<i32>} : memref<2x640x64xf32, #tpu.memory_space<vmem>>, vector<16xf32>,
        %add3A_904 = arith.addf %add3A_872, %get3A_903 : vector<16xf32>
        %add3A_905 = arith.constant 12 : i32
        %add3A_906 = arith.addi %mul3A_533, %add3A_905 : i32
        %get3A_907 = arith.constant 0 : i32
        %get3A_908 = arith.index_cast %get3A_907 : i32 to index
        %get3A_909 = arith.index_cast %add3A_906 : i32 to index
        %get3A_910 = arith.constant 0 : index
        %get3A_911 = tpu.vector_load %arg9[%get3A_908, %get3A_909, %get3A_910] {strides = array<i32>} : memref<2x640x64xf32, #tpu.memory_space<vmem>>, vector<16xf32>,
        %add3A_912 = arith.addf %add3A_880, %get3A_911 : vector<16xf32>
        %add3A_913 = arith.constant 12 : i32
        %add3A_914 = arith.addi %mul3A_533, %add3A_913 : i32
        %get3A_915 = arith.constant 0 : i32
        %get3A_916 = arith.index_cast %get3A_915 : i32 to index
        %get3A_917 = arith.index_cast %add3A_914 : i32 to index
        %get3A_918 = arith.constant 16 : index
        %get3A_919 = tpu.vector_load %arg9[%get3A_916, %get3A_917, %get3A_918] {strides = array<i32>} : memref<2x640x64xf32, #tpu.memory_space<vmem>>, vector<16xf32>,
        %add3A_920 = arith.addf %add3A_888, %get3A_919 : vector<16xf32>
        %add3A_921 = arith.constant 12 : i32
        %add3A_922 = arith.addi %mul3A_533, %add3A_921 : i32
        %get3A_923 = arith.constant 0 : i32
        %get3A_924 = arith.index_cast %get3A_923 : i32 to index
        %get3A_925 = arith.index_cast %add3A_922 : i32 to index
        %get3A_926 = arith.constant 32 : index
        %get3A_927 = tpu.vector_load %arg9[%get3A_924, %get3A_925, %get3A_926] {strides = array<i32>} : memref<2x640x64xf32, #tpu.memory_space<vmem>>, vector<16xf32>,
        %add3A_928 = arith.addf %add3A_896, %get3A_927 : vector<16xf32>
        %add3A_929 = arith.constant 12 : i32
        %add3A_930 = arith.addi %mul3A_533, %add3A_929 : i32
        %get3A_931 = arith.constant 0 : i32
        %get3A_932 = arith.index_cast %get3A_931 : i32 to index
        %get3A_933 = arith.index_cast %add3A_930 : i32 to index
        %get3A_934 = arith.constant 48 : index
        %get3A_935 = tpu.vector_load %arg9[%get3A_932, %get3A_933, %get3A_934] {strides = array<i32>} : memref<2x640x64xf32, #tpu.memory_space<vmem>>, vector<16xf32>,
        %add3A_936 = arith.addf %add3A_904, %get3A_935 : vector<16xf32>
        %add3A_937 = arith.constant 13 : i32
        %add3A_938 = arith.addi %mul3A_533, %add3A_937 : i32
        %get3A_939 = arith.constant 0 : i32
        %get3A_940 = arith.index_cast %get3A_939 : i32 to index
        %get3A_941 = arith.index_cast %add3A_938 : i32 to index
        %get3A_942 = arith.constant 0 : index
        %get3A_943 = tpu.vector_load %arg9[%get3A_940, %get3A_941, %get3A_942] {strides = array<i32>} : memref<2x640x64xf32, #tpu.memory_space<vmem>>, vector<16xf32>,
        %add3A_944 = arith.addf %add3A_912, %get3A_943 : vector<16xf32>
        %add3A_945 = arith.constant 13 : i32
        %add3A_946 = arith.addi %mul3A_533, %add3A_945 : i32
        %get3A_947 = arith.constant 0 : i32
        %get3A_948 = arith.index_cast %get3A_947 : i32 to index
        %get3A_949 = arith.index_cast %add3A_946 : i32 to index
        %get3A_950 = arith.constant 16 : index
        %get3A_951 = tpu.vector_load %arg9[%get3A_948, %get3A_949, %get3A_950] {strides = array<i32>} : memref<2x640x64xf32, #tpu.memory_space<vmem>>, vector<16xf32>,
        %add3A_952 = arith.addf %add3A_920, %get3A_951 : vector<16xf32>
        %add3A_953 = arith.constant 13 : i32
        %add3A_954 = arith.addi %mul3A_533, %add3A_953 : i32
        %get3A_955 = arith.constant 0 : i32
        %get3A_956 = arith.index_cast %get3A_955 : i32 to index
        %get3A_957 = arith.index_cast %add3A_954 : i32 to index
        %get3A_958 = arith.constant 32 : index
        %get3A_959 = tpu.vector_load %arg9[%get3A_956, %get3A_957, %get3A_958] {strides = array<i32>} : memref<2x640x64xf32, #tpu.memory_space<vmem>>, vector<16xf32>,
        %add3A_960 = arith.addf %add3A_928, %get3A_959 : vector<16xf32>
        %add3A_961 = arith.constant 13 : i32
        %add3A_962 = arith.addi %mul3A_533, %add3A_961 : i32
        %get3A_963 = arith.constant 0 : i32
        %get3A_964 = arith.index_cast %get3A_963 : i32 to index
        %get3A_965 = arith.index_cast %add3A_962 : i32 to index
        %get3A_966 = arith.constant 48 : index
        %get3A_967 = tpu.vector_load %arg9[%get3A_964, %get3A_965, %get3A_966] {strides = array<i32>} : memref<2x640x64xf32, #tpu.memory_space<vmem>>, vector<16xf32>,
        %add3A_968 = arith.addf %add3A_936, %get3A_967 : vector<16xf32>
        %add3A_969 = arith.constant 14 : i32
        %add3A_970 = arith.addi %mul3A_533, %add3A_969 : i32
        %get3A_971 = arith.constant 0 : i32
        %get3A_972 = arith.index_cast %get3A_971 : i32 to index
        %get3A_973 = arith.index_cast %add3A_970 : i32 to index
        %get3A_974 = arith.constant 0 : index
        %get3A_975 = tpu.vector_load %arg9[%get3A_972, %get3A_973, %get3A_974] {strides = array<i32>} : memref<2x640x64xf32, #tpu.memory_space<vmem>>, vector<16xf32>,
        %add3A_976 = arith.addf %add3A_944, %get3A_975 : vector<16xf32>
        %add3A_977 = arith.constant 14 : i32
        %add3A_978 = arith.addi %mul3A_533, %add3A_977 : i32
        %get3A_979 = arith.constant 0 : i32
        %get3A_980 = arith.index_cast %get3A_979 : i32 to index
        %get3A_981 = arith.index_cast %add3A_978 : i32 to index
        %get3A_982 = arith.constant 16 : index
        %get3A_983 = tpu.vector_load %arg9[%get3A_980, %get3A_981, %get3A_982] {strides = array<i32>} : memref<2x640x64xf32, #tpu.memory_space<vmem>>, vector<16xf32>,
        %add3A_984 = arith.addf %add3A_952, %get3A_983 : vector<16xf32>
        %add3A_985 = arith.constant 14 : i32
        %add3A_986 = arith.addi %mul3A_533, %add3A_985 : i32
        %get3A_987 = arith.constant 0 : i32
        %get3A_988 = arith.index_cast %get3A_987 : i32 to index
        %get3A_989 = arith.index_cast %add3A_986 : i32 to index
        %get3A_990 = arith.constant 32 : index
        %get3A_991 = tpu.vector_load %arg9[%get3A_988, %get3A_989, %get3A_990] {strides = array<i32>} : memref<2x640x64xf32, #tpu.memory_space<vmem>>, vector<16xf32>,
        %add3A_992 = arith.addf %add3A_960, %get3A_991 : vector<16xf32>
        %add3A_993 = arith.constant 14 : i32
        %add3A_994 = arith.addi %mul3A_533, %add3A_993 : i32
        %get3A_995 = arith.constant 0 : i32
        %get3A_996 = arith.index_cast %get3A_995 : i32 to index
        %get3A_997 = arith.index_cast %add3A_994 : i32 to index
        %get3A_998 = arith.constant 48 : index
        %get3A_999 = tpu.vector_load %arg9[%get3A_996, %get3A_997, %get3A_998] {strides = array<i32>} : memref<2x640x64xf32, #tpu.memory_space<vmem>>, vector<16xf32>,
        %add3A_1000 = arith.addf %add3A_968, %get3A_999 : vector<16xf32>
        %add3A_1001 = arith.constant 15 : i32
        %add3A_1002 = arith.addi %mul3A_533, %add3A_1001 : i32
        %get3A_1003 = arith.constant 0 : i32
        %get3A_1004 = arith.index_cast %get3A_1003 : i32 to index
        %get3A_1005 = arith.index_cast %add3A_1002 : i32 to index
        %get3A_1006 = arith.constant 0 : index
        %get3A_1007 = tpu.vector_load %arg9[%get3A_1004, %get3A_1005, %get3A_1006] {strides = array<i32>} : memref<2x640x64xf32, #tpu.memory_space<vmem>>, vector<16xf32>,
        %add3A_1008 = arith.addf %add3A_976, %get3A_1007 : vector<16xf32>
        %add3A_1009 = arith.constant 15 : i32
        %add3A_1010 = arith.addi %mul3A_533, %add3A_1009 : i32
        %get3A_1011 = arith.constant 0 : i32
        %get3A_1012 = arith.index_cast %get3A_1011 : i32 to index
        %get3A_1013 = arith.index_cast %add3A_1010 : i32 to index
        %get3A_1014 = arith.constant 16 : index
        %get3A_1015 = tpu.vector_load %arg9[%get3A_1012, %get3A_1013, %get3A_1014] {strides = array<i32>} : memref<2x640x64xf32, #tpu.memory_space<vmem>>, vector<16xf32>,
        %add3A_1016 = arith.addf %add3A_984, %get3A_1015 : vector<16xf32>
        %add3A_1017 = arith.constant 15 : i32
        %add3A_1018 = arith.addi %mul3A_533, %add3A_1017 : i32
        %get3A_1019 = arith.constant 0 : i32
        %get3A_1020 = arith.index_cast %get3A_1019 : i32 to index
        %get3A_1021 = arith.index_cast %add3A_1018 : i32 to index
        %get3A_1022 = arith.constant 32 : index
        %get3A_1023 = tpu.vector_load %arg9[%get3A_1020, %get3A_1021, %get3A_1022] {strides = array<i32>} : memref<2x640x64xf32, #tpu.memory_space<vmem>>, vector<16xf32>,
        %add3A_1024 = arith.addf %add3A_992, %get3A_1023 : vector<16xf32>
        %add3A_1025 = arith.constant 15 : i32
        %add3A_1026 = arith.addi %mul3A_533, %add3A_1025 : i32
        %get3A_1027 = arith.constant 0 : i32
        %get3A_1028 = arith.index_cast %get3A_1027 : i32 to index
        %get3A_1029 = arith.index_cast %add3A_1026 : i32 to index
        %get3A_1030 = arith.constant 48 : index
        %get3A_1031 = tpu.vector_load %arg9[%get3A_1028, %get3A_1029, %get3A_1030] {strides = array<i32>} : memref<2x640x64xf32, #tpu.memory_space<vmem>>, vector<16xf32>,
        %add3A_1032 = arith.addf %add3A_1000, %get3A_1031 : vector<16xf32>
        %add3A_1033 = arith.constant 16 : i32
        %add3A_1034 = arith.addi %mul3A_533, %add3A_1033 : i32
        %get3A_1035 = arith.constant 0 : i32
        %get3A_1036 = arith.index_cast %get3A_1035 : i32 to index
        %get3A_1037 = arith.index_cast %add3A_1034 : i32 to index
        %get3A_1038 = arith.constant 0 : index
        %get3A_1039 = tpu.vector_load %arg9[%get3A_1036, %get3A_1037, %get3A_1038] {strides = array<i32>} : memref<2x640x64xf32, #tpu.memory_space<vmem>>, vector<16xf32>,
        %add3A_1040 = arith.addf %add3A_1008, %get3A_1039 : vector<16xf32>
        %add3A_1041 = arith.constant 16 : i32
        %add3A_1042 = arith.addi %mul3A_533, %add3A_1041 : i32
        %get3A_1043 = arith.constant 0 : i32
        %get3A_1044 = arith.index_cast %get3A_1043 : i32 to index
        %get3A_1045 = arith.index_cast %add3A_1042 : i32 to index
        %get3A_1046 = arith.constant 16 : index
        %get3A_1047 = tpu.vector_load %arg9[%get3A_1044, %get3A_1045, %get3A_1046] {strides = array<i32>} : memref<2x640x64xf32, #tpu.memory_space<vmem>>, vector<16xf32>,
        %add3A_1048 = arith.addf %add3A_1016, %get3A_1047 : vector<16xf32>
        %add3A_1049 = arith.constant 16 : i32
        %add3A_1050 = arith.addi %mul3A_533, %add3A_1049 : i32
        %get3A_1051 = arith.constant 0 : i32
        %get3A_1052 = arith.index_cast %get3A_1051 : i32 to index
        %get3A_1053 = arith.index_cast %add3A_1050 : i32 to index
        %get3A_1054 = arith.constant 32 : index
        %get3A_1055 = tpu.vector_load %arg9[%get3A_1052, %get3A_1053, %get3A_1054] {strides = array<i32>} : memref<2x640x64xf32, #tpu.memory_space<vmem>>, vector<16xf32>,
        %add3A_1056 = arith.addf %add3A_1024, %get3A_1055 : vector<16xf32>
        %add3A_1057 = arith.constant 16 : i32
        %add3A_1058 = arith.addi %mul3A_533, %add3A_1057 : i32
        %get3A_1059 = arith.constant 0 : i32
        %get3A_1060 = arith.index_cast %get3A_1059 : i32 to index
        %get3A_1061 = arith.index_cast %add3A_1058 : i32 to index
        %get3A_1062 = arith.constant 48 : index
        %get3A_1063 = tpu.vector_load %arg9[%get3A_1060, %get3A_1061, %get3A_1062] {strides = array<i32>} : memref<2x640x64xf32, #tpu.memory_space<vmem>>, vector<16xf32>,
        %add3A_1064 = arith.addf %add3A_1032, %get3A_1063 : vector<16xf32>
        %add3A_1065 = arith.constant 17 : i32
        %add3A_1066 = arith.addi %mul3A_533, %add3A_1065 : i32
        %get3A_1067 = arith.constant 0 : i32
        %get3A_1068 = arith.index_cast %get3A_1067 : i32 to index
        %get3A_1069 = arith.index_cast %add3A_1066 : i32 to index
        %get3A_1070 = arith.constant 0 : index
        %get3A_1071 = tpu.vector_load %arg9[%get3A_1068, %get3A_1069, %get3A_1070] {strides = array<i32>} : memref<2x640x64xf32, #tpu.memory_space<vmem>>, vector<16xf32>,
        %add3A_1072 = arith.addf %add3A_1040, %get3A_1071 : vector<16xf32>
        %add3A_1073 = arith.constant 17 : i32
        %add3A_1074 = arith.addi %mul3A_533, %add3A_1073 : i32
        %get3A_1075 = arith.constant 0 : i32
        %get3A_1076 = arith.index_cast %get3A_1075 : i32 to index
        %get3A_1077 = arith.index_cast %add3A_1074 : i32 to index
        %get3A_1078 = arith.constant 16 : index
        %get3A_1079 = tpu.vector_load %arg9[%get3A_1076, %get3A_1077, %get3A_1078] {strides = array<i32>} : memref<2x640x64xf32, #tpu.memory_space<vmem>>, vector<16xf32>,
        %add3A_1080 = arith.addf %add3A_1048, %get3A_1079 : vector<16xf32>
        %add3A_1081 = arith.constant 17 : i32
        %add3A_1082 = arith.addi %mul3A_533, %add3A_1081 : i32
        %get3A_1083 = arith.constant 0 : i32
        %get3A_1084 = arith.index_cast %get3A_1083 : i32 to index
        %get3A_1085 = arith.index_cast %add3A_1082 : i32 to index
        %get3A_1086 = arith.constant 32 : index
        %get3A_1087 = tpu.vector_load %arg9[%get3A_1084, %get3A_1085, %get3A_1086] {strides = array<i32>} : memref<2x640x64xf32, #tpu.memory_space<vmem>>, vector<16xf32>,
        %add3A_1088 = arith.addf %add3A_1056, %get3A_1087 : vector<16xf32>
        %add3A_1089 = arith.constant 17 : i32
        %add3A_1090 = arith.addi %mul3A_533, %add3A_1089 : i32
        %get3A_1091 = arith.constant 0 : i32
        %get3A_1092 = arith.index_cast %get3A_1091 : i32 to index
        %get3A_1093 = arith.index_cast %add3A_1090 : i32 to index
        %get3A_1094 = arith.constant 48 : index
        %get3A_1095 = tpu.vector_load %arg9[%get3A_1092, %get3A_1093, %get3A_1094] {strides = array<i32>} : memref<2x640x64xf32, #tpu.memory_space<vmem>>, vector<16xf32>,
        %add3A_1096 = arith.addf %add3A_1064, %get3A_1095 : vector<16xf32>
        %add3A_1097 = arith.constant 18 : i32
        %add3A_1098 = arith.addi %mul3A_533, %add3A_1097 : i32
        %get3A_1099 = arith.constant 0 : i32
        %get3A_1100 = arith.index_cast %get3A_1099 : i32 to index
        %get3A_1101 = arith.index_cast %add3A_1098 : i32 to index
        %get3A_1102 = arith.constant 0 : index
        %get3A_1103 = tpu.vector_load %arg9[%get3A_1100, %get3A_1101, %get3A_1102] {strides = array<i32>} : memref<2x640x64xf32, #tpu.memory_space<vmem>>, vector<16xf32>,
        %add3A_1104 = arith.addf %add3A_1072, %get3A_1103 : vector<16xf32>
        %add3A_1105 = arith.constant 18 : i32
        %add3A_1106 = arith.addi %mul3A_533, %add3A_1105 : i32
        %get3A_1107 = arith.constant 0 : i32
        %get3A_1108 = arith.index_cast %get3A_1107 : i32 to index
        %get3A_1109 = arith.index_cast %add3A_1106 : i32 to index
        %get3A_1110 = arith.constant 16 : index
        %get3A_1111 = tpu.vector_load %arg9[%get3A_1108, %get3A_1109, %get3A_1110] {strides = array<i32>} : memref<2x640x64xf32, #tpu.memory_space<vmem>>, vector<16xf32>,
        %add3A_1112 = arith.addf %add3A_1080, %get3A_1111 : vector<16xf32>
        %add3A_1113 = arith.constant 18 : i32
        %add3A_1114 = arith.addi %mul3A_533, %add3A_1113 : i32
        %get3A_1115 = arith.constant 0 : i32
        %get3A_1116 = arith.index_cast %get3A_1115 : i32 to index
        %get3A_1117 = arith.index_cast %add3A_1114 : i32 to index
        %get3A_1118 = arith.constant 32 : index
        %get3A_1119 = tpu.vector_load %arg9[%get3A_1116, %get3A_1117, %get3A_1118] {strides = array<i32>} : memref<2x640x64xf32, #tpu.memory_space<vmem>>, vector<16xf32>,
        %add3A_1120 = arith.addf %add3A_1088, %get3A_1119 : vector<16xf32>
        %add3A_1121 = arith.constant 18 : i32
        %add3A_1122 = arith.addi %mul3A_533, %add3A_1121 : i32
        %get3A_1123 = arith.constant 0 : i32
        %get3A_1124 = arith.index_cast %get3A_1123 : i32 to index
        %get3A_1125 = arith.index_cast %add3A_1122 : i32 to index
        %get3A_1126 = arith.constant 48 : index
        %get3A_1127 = tpu.vector_load %arg9[%get3A_1124, %get3A_1125, %get3A_1126] {strides = array<i32>} : memref<2x640x64xf32, #tpu.memory_space<vmem>>, vector<16xf32>,
        %add3A_1128 = arith.addf %add3A_1096, %get3A_1127 : vector<16xf32>
        %add3A_1129 = arith.constant 19 : i32
        %add3A_1130 = arith.addi %mul3A_533, %add3A_1129 : i32
        %get3A_1131 = arith.constant 0 : i32
        %get3A_1132 = arith.index_cast %get3A_1131 : i32 to index
        %get3A_1133 = arith.index_cast %add3A_1130 : i32 to index
        %get3A_1134 = arith.constant 0 : index
        %get3A_1135 = tpu.vector_load %arg9[%get3A_1132, %get3A_1133, %get3A_1134] {strides = array<i32>} : memref<2x640x64xf32, #tpu.memory_space<vmem>>, vector<16xf32>,
        %add3A_1136 = arith.addf %add3A_1104, %get3A_1135 : vector<16xf32>
        %add3A_1137 = arith.constant 19 : i32
        %add3A_1138 = arith.addi %mul3A_533, %add3A_1137 : i32
        %get3A_1139 = arith.constant 0 : i32
        %get3A_1140 = arith.index_cast %get3A_1139 : i32 to index
        %get3A_1141 = arith.index_cast %add3A_1138 : i32 to index
        %get3A_1142 = arith.constant 16 : index
        %get3A_1143 = tpu.vector_load %arg9[%get3A_1140, %get3A_1141, %get3A_1142] {strides = array<i32>} : memref<2x640x64xf32, #tpu.memory_space<vmem>>, vector<16xf32>,
        %add3A_1144 = arith.addf %add3A_1112, %get3A_1143 : vector<16xf32>
        %add3A_1145 = arith.constant 19 : i32
        %add3A_1146 = arith.addi %mul3A_533, %add3A_1145 : i32
        %get3A_1147 = arith.constant 0 : i32
        %get3A_1148 = arith.index_cast %get3A_1147 : i32 to index
        %get3A_1149 = arith.index_cast %add3A_1146 : i32 to index
        %get3A_1150 = arith.constant 32 : index
        %get3A_1151 = tpu.vector_load %arg9[%get3A_1148, %get3A_1149, %get3A_1150] {strides = array<i32>} : memref<2x640x64xf32, #tpu.memory_space<vmem>>, vector<16xf32>,
        %add3A_1152 = arith.addf %add3A_1120, %get3A_1151 : vector<16xf32>
        %add3A_1153 = arith.constant 19 : i32
        %add3A_1154 = arith.addi %mul3A_533, %add3A_1153 : i32
        %get3A_1155 = arith.constant 0 : i32
        %get3A_1156 = arith.index_cast %get3A_1155 : i32 to index
        %get3A_1157 = arith.index_cast %add3A_1154 : i32 to index
        %get3A_1158 = arith.constant 48 : index
        %get3A_1159 = tpu.vector_load %arg9[%get3A_1156, %get3A_1157, %get3A_1158] {strides = array<i32>} : memref<2x640x64xf32, #tpu.memory_space<vmem>>, vector<16xf32>,
        %add3A_1160 = arith.addf %add3A_1128, %get3A_1159 : vector<16xf32>
        %add3A_1161 = arith.addi %mul3A_486, %scan3A_530 : i32
        %swap3A = arith.index_cast %add3A_1161 : i32 to index
        %swap3A_1162 = arith.constant 0 : index
        %swap3A_1163 = tpu.vector_load %arg10[%swap3A, %swap3A_1162] {strides = array<i32>} : memref<256x64xf32, #tpu.memory_space<vmem>>, vector<16xf32>,
        tpu.vector_store %arg10[%swap3A, %swap3A_1162], %add3A_1136 {strides = array<i32>} : memref<256x64xf32, #tpu.memory_space<vmem>>, vector<16xf32>,
        %add3A_1164 = arith.addi %mul3A_486, %scan3A_530 : i32
        %swap3A_1165 = arith.index_cast %add3A_1164 : i32 to index
        %swap3A_1166 = arith.constant 16 : index
        %swap3A_1167 = tpu.vector_load %arg10[%swap3A_1165, %swap3A_1166] {strides = array<i32>} : memref<256x64xf32, #tpu.memory_space<vmem>>, vector<16xf32>,
        tpu.vector_store %arg10[%swap3A_1165, %swap3A_1166], %add3A_1144 {strides = array<i32>} : memref<256x64xf32, #tpu.memory_space<vmem>>, vector<16xf32>,
        %add3A_1168 = arith.addi %mul3A_486, %scan3A_530 : i32
        %swap3A_1169 = arith.index_cast %add3A_1168 : i32 to index
        %swap3A_1170 = arith.constant 32 : index
        %swap3A_1171 = tpu.vector_load %arg10[%swap3A_1169, %swap3A_1170] {strides = array<i32>} : memref<256x64xf32, #tpu.memory_space<vmem>>, vector<16xf32>,
        tpu.vector_store %arg10[%swap3A_1169, %swap3A_1170], %add3A_1152 {strides = array<i32>} : memref<256x64xf32, #tpu.memory_space<vmem>>, vector<16xf32>,
        %add3A_1172 = arith.addi %mul3A_486, %scan3A_530 : i32
        %swap3A_1173 = arith.index_cast %add3A_1172 : i32 to index
        %swap3A_1174 = arith.constant 48 : index
        %swap3A_1175 = tpu.vector_load %arg10[%swap3A_1173, %swap3A_1174] {strides = array<i32>} : memref<256x64xf32, #tpu.memory_space<vmem>>, vector<16xf32>,
        tpu.vector_store %arg10[%swap3A_1173, %swap3A_1174], %add3A_1160 {strides = array<i32>} : memref<256x64xf32, #tpu.memory_space<vmem>>, vector<16xf32>,
        %scan3A_1176 = arith.constant 0 : i32
        scf.yield %scan3A_1176 : i32
      }
      %scan3A_493 = arith.constant 32 : i32
      %mul3A_494 = arith.constant 2 : i32
      %mul3A_495 = arith.muli %scan3A_460, %mul3A_494 : i32
      %add3A_496 = arith.constant 1 : i32
      %add3A_497 = arith.addi %mul3A_495, %add3A_496 : i32
      %dma_wait3A_498 = arith.constant 1 : i32
      %dma_wait3A_499 = arith.constant 0 : i32
      %dma_wait3A_500 = arith.constant 0 : i32
      %dma_wait3A_501 = tpu.memref_slice %arg9[%dma_wait3A_498, %dma_wait3A_499, %dma_wait3A_500] : memref<2x640x64xf32, #tpu.memory_space<vmem>> -> memref<1x640x64xf32, #tpu.memory_space<vmem>>
      %dma_wait3A_502 = tpu.memref_squeeze %dma_wait3A_501 : memref<1x640x64xf32, #tpu.memory_space<vmem>> -> memref<640x64xf32, #tpu.memory_space<vmem>>
      %dma_wait3A_503 = arith.constant 0 : i32
      %dma_wait3A_504 = arith.constant 0 : i32
      %dma_wait3A_505 = tpu.memref_slice %arg4[%dma_wait3A_503, %dma_wait3A_504] : memref<1000000x64xf32, #tpu.memory_space<hbm>> -> memref<640x64xf32, #tpu.memory_space<hbm>>
      %dma_wait3A_506 = arith.constant 0 : i32
      %dma_wait3A_507 = arith.constant 0 : i32
      %dma_wait3A_508 = tpu.memref_slice %arg9[%dma_wait3A_498, %dma_wait3A_506, %dma_wait3A_507] : memref<2x640x64xf32, #tpu.memory_space<vmem>> -> memref<1x640x64xf32, #tpu.memory_space<vmem>>
      %dma_wait3A_509 = tpu.memref_squeeze %dma_wait3A_508 : memref<1x640x64xf32, #tpu.memory_space<vmem>> -> memref<640x64xf32, #tpu.memory_space<vmem>>
      %dma_wait3A_510 = arith.constant 0 : i32
      %dma_wait3A_511 = arith.constant 0 : i32
      %dma_wait3A_512 = tpu.memref_slice %arg4[%dma_wait3A_510, %dma_wait3A_511] : memref<1000000x64xf32, #tpu.memory_space<hbm>> -> memref<640x64xf32, #tpu.memory_space<hbm>>
      tpu.wait_dma2 semaphore(%arg13 : memref<!tpu.dma_semaphore, #tpu.memory_space<semaphore_mem>>) src(%dma_wait3A_512 : memref<640x64xf32, #tpu.memory_space<hbm>>) dst(%dma_wait3A_509 : memref<640x64xf32, #tpu.memory_space<vmem>>)
      %add3A_513 = arith.constant 1 : i32
      %add3A_514 = arith.addi %add3A_497, %add3A_513 : i32
      %lt3A_515 = arith.constant 8 : i32
      %lt3A_516 = arith.cmpi slt, %add3A_514, %lt3A_515 : i32
      %convert_element_type3A_517 = arith.extui %lt3A_516 : i1 to i32
      %cond3A_518 = arith.constant 0 : i32
      %cond3A_519 = arith.cmpi ne, %convert_element_type3A_517, %cond3A_518 : i32
      scf.if %cond3A_519 {
        %add3A_530 = arith.constant 8 : i32
        %add3A_531 = arith.addi %add3A_530, %add3A_497 : i32
        %add3A_532 = arith.constant 1 : i32
        %add3A_533 = arith.addi %add3A_531, %add3A_532 : i32
        %mul3A_534 = arith.constant 5 : i32
        %mul3A_535 = arith.muli %add3A_533, %mul3A_534 : i32
        %add3A_536 = arith.constant 0 : i32
        %add3A_537 = arith.addi %mul3A_535, %add3A_536 : i32
        %dma_start3A_538 = arith.constant 0 : i32
        %dma_start3A_539 = arith.constant 0 : i32
        %dma_start3A_540 = arith.constant 0 : i32
        %dma_start3A_541 = tpu.memref_slice %arg9[%dma_start3A_538, %dma_start3A_539, %dma_start3A_540] : memref<2x640x64xf32, #tpu.memory_space<vmem>> -> memref<1x128x64xf32, #tpu.memory_space<vmem>>
        %dma_start3A_542 = tpu.memref_squeeze %dma_start3A_541 : memref<1x128x64xf32, #tpu.memory_space<vmem>> -> memref<128x64xf32, #tpu.memory_space<vmem>>
        %dma_start3A_543 = arith.constant 0 : i32
        %dma_start3A_544 = tpu.memref_slice %arg7[%add3A_537, %dma_start3A_543] : memref<80x128xi32, #tpu.memory_space<vmem>> -> memref<1x128xi32, #tpu.memory_space<vmem>>
        %dma_start3A_545 = tpu.memref_squeeze %dma_start3A_544 : memref<1x128xi32, #tpu.memory_space<vmem>> -> memref<128xi32, #tpu.memory_space<vmem>>
        %dma_start3A_546 = arith.constant 0 : i32
        %dma_start3A_547 = arith.constant 0 : i32
        %dma_start3A_548 = tpu.memref_slice %arg4[%dma_start3A_546, %dma_start3A_547] : memref<1000000x64xf32, #tpu.memory_space<hbm>> -> memref<1000000x64xf32, #tpu.memory_space<hbm>>
        tpu.enqueue_indirect_dma source(%dma_start3A_548 : memref<1000000x64xf32, #tpu.memory_space<hbm>>) target(%dma_start3A_542 : memref<128x64xf32, #tpu.memory_space<vmem>>) offsets(%dma_start3A_545 : memref<128xi32, #tpu.memory_space<vmem>>) semaphore(%arg12 : memref<!tpu.dma_semaphore, #tpu.memory_space<semaphore_mem>>)
        %mul3A_549 = arith.constant 5 : i32
        %mul3A_550 = arith.muli %add3A_533, %mul3A_549 : i32
        %add3A_551 = arith.constant 1 : i32
        %add3A_552 = arith.addi %mul3A_550, %add3A_551 : i32
        %dma_start3A_553 = arith.constant 0 : i32
        %dma_start3A_554 = arith.constant 128 : i32
        %dma_start3A_555 = arith.constant 0 : i32
        %dma_start3A_556 = tpu.memref_slice %arg9[%dma_start3A_553, %dma_start3A_554, %dma_start3A_555] : memref<2x640x64xf32, #tpu.memory_space<vmem>> -> memref<1x128x64xf32, #tpu.memory_space<vmem>>
        %dma_start3A_557 = tpu.memref_squeeze %dma_start3A_556 : memref<1x128x64xf32, #tpu.memory_space<vmem>> -> memref<128x64xf32, #tpu.memory_space<vmem>>
        %dma_start3A_558 = arith.constant 0 : i32
        %dma_start3A_559 = tpu.memref_slice %arg7[%add3A_552, %dma_start3A_558] : memref<80x128xi32, #tpu.memory_space<vmem>> -> memref<1x128xi32, #tpu.memory_space<vmem>>
        %dma_start3A_560 = tpu.memref_squeeze %dma_start3A_559 : memref<1x128xi32, #tpu.memory_space<vmem>> -> memref<128xi32, #tpu.memory_space<vmem>>
        %dma_start3A_561 = arith.constant 0 : i32
        %dma_start3A_562 = arith.constant 0 : i32
        %dma_start3A_563 = tpu.memref_slice %arg4[%dma_start3A_561, %dma_start3A_562] : memref<1000000x64xf32, #tpu.memory_space<hbm>> -> memref<1000000x64xf32, #tpu.memory_space<hbm>>
        tpu.enqueue_indirect_dma source(%dma_start3A_563 : memref<1000000x64xf32, #tpu.memory_space<hbm>>) target(%dma_start3A_557 : memref<128x64xf32, #tpu.memory_space<vmem>>) offsets(%dma_start3A_560 : memref<128xi32, #tpu.memory_space<vmem>>) semaphore(%arg12 : memref<!tpu.dma_semaphore, #tpu.memory_space<semaphore_mem>>)
        %mul3A_564 = arith.constant 5 : i32
        %mul3A_565 = arith.muli %add3A_533, %mul3A_564 : i32
        %add3A_566 = arith.constant 2 : i32
        %add3A_567 = arith.addi %mul3A_565, %add3A_566 : i32
        %dma_start3A_568 = arith.constant 0 : i32
        %dma_start3A_569 = arith.constant 256 : i32
        %dma_start3A_570 = arith.constant 0 : i32
        %dma_start3A_571 = tpu.memref_slice %arg9[%dma_start3A_568, %dma_start3A_569, %dma_start3A_570] : memref<2x640x64xf32, #tpu.memory_space<vmem>> -> memref<1x128x64xf32, #tpu.memory_space<vmem>>
        %dma_start3A_572 = tpu.memref_squeeze %dma_start3A_571 : memref<1x128x64xf32, #tpu.memory_space<vmem>> -> memref<128x64xf32, #tpu.memory_space<vmem>>
        %dma_start3A_573 = arith.constant 0 : i32
        %dma_start3A_574 = tpu.memref_slice %arg7[%add3A_567, %dma_start3A_573] : memref<80x128xi32, #tpu.memory_space<vmem>> -> memref<1x128xi32, #tpu.memory_space<vmem>>
        %dma_start3A_575 = tpu.memref_squeeze %dma_start3A_574 : memref<1x128xi32, #tpu.memory_space<vmem>> -> memref<128xi32, #tpu.memory_space<vmem>>
        %dma_start3A_576 = arith.constant 0 : i32
        %dma_start3A_577 = arith.constant 0 : i32
        %dma_start3A_578 = tpu.memref_slice %arg4[%dma_start3A_576, %dma_start3A_577] : memref<1000000x64xf32, #tpu.memory_space<hbm>> -> memref<1000000x64xf32, #tpu.memory_space<hbm>>
        tpu.enqueue_indirect_dma source(%dma_start3A_578 : memref<1000000x64xf32, #tpu.memory_space<hbm>>) target(%dma_start3A_572 : memref<128x64xf32, #tpu.memory_space<vmem>>) offsets(%dma_start3A_575 : memref<128xi32, #tpu.memory_space<vmem>>) semaphore(%arg12 : memref<!tpu.dma_semaphore, #tpu.memory_space<semaphore_mem>>)
        %mul3A_579 = arith.constant 5 : i32
        %mul3A_580 = arith.muli %add3A_533, %mul3A_579 : i32
        %add3A_581 = arith.constant 3 : i32
        %add3A_582 = arith.addi %mul3A_580, %add3A_581 : i32
        %dma_start3A_583 = arith.constant 0 : i32
        %dma_start3A_584 = arith.constant 384 : i32
        %dma_start3A_585 = arith.constant 0 : i32
        %dma_start3A_586 = tpu.memref_slice %arg9[%dma_start3A_583, %dma_start3A_584, %dma_start3A_585] : memref<2x640x64xf32, #tpu.memory_space<vmem>> -> memref<1x128x64xf32, #tpu.memory_space<vmem>>
        %dma_start3A_587 = tpu.memref_squeeze %dma_start3A_586 : memref<1x128x64xf32, #tpu.memory_space<vmem>> -> memref<128x64xf32, #tpu.memory_space<vmem>>
        %dma_start3A_588 = arith.constant 0 : i32
        %dma_start3A_589 = tpu.memref_slice %arg7[%add3A_582, %dma_start3A_588] : memref<80x128xi32, #tpu.memory_space<vmem>> -> memref<1x128xi32, #tpu.memory_space<vmem>>
        %dma_start3A_590 = tpu.memref_squeeze %dma_start3A_589 : memref<1x128xi32, #tpu.memory_space<vmem>> -> memref<128xi32, #tpu.memory_space<vmem>>
        %dma_start3A_591 = arith.constant 0 : i32
        %dma_start3A_592 = arith.constant 0 : i32
        %dma_start3A_593 = tpu.memref_slice %arg4[%dma_start3A_591, %dma_start3A_592] : memref<1000000x64xf32, #tpu.memory_space<hbm>> -> memref<1000000x64xf32, #tpu.memory_space<hbm>>
        tpu.enqueue_indirect_dma source(%dma_start3A_593 : memref<1000000x64xf32, #tpu.memory_space<hbm>>) target(%dma_start3A_587 : memref<128x64xf32, #tpu.memory_space<vmem>>) offsets(%dma_start3A_590 : memref<128xi32, #tpu.memory_space<vmem>>) semaphore(%arg12 : memref<!tpu.dma_semaphore, #tpu.memory_space<semaphore_mem>>)
        %mul3A_594 = arith.constant 5 : i32
        %mul3A_595 = arith.muli %add3A_533, %mul3A_594 : i32
        %add3A_596 = arith.constant 4 : i32
        %add3A_597 = arith.addi %mul3A_595, %add3A_596 : i32
        %dma_start3A_598 = arith.constant 0 : i32
        %dma_start3A_599 = arith.constant 512 : i32
        %dma_start3A_600 = arith.constant 0 : i32
        %dma_start3A_601 = tpu.memref_slice %arg9[%dma_start3A_598, %dma_start3A_599, %dma_start3A_600] : memref<2x640x64xf32, #tpu.memory_space<vmem>> -> memref<1x128x64xf32, #tpu.memory_space<vmem>>
        %dma_start3A_602 = tpu.memref_squeeze %dma_start3A_601 : memref<1x128x64xf32, #tpu.memory_space<vmem>> -> memref<128x64xf32, #tpu.memory_space<vmem>>
        %dma_start3A_603 = arith.constant 0 : i32
        %dma_start3A_604 = tpu.memref_slice %arg7[%add3A_597, %dma_start3A_603] : memref<80x128xi32, #tpu.memory_space<vmem>> -> memref<1x128xi32, #tpu.memory_space<vmem>>
        %dma_start3A_605 = tpu.memref_squeeze %dma_start3A_604 : memref<1x128xi32, #tpu.memory_space<vmem>> -> memref<128xi32, #tpu.memory_space<vmem>>
        %dma_start3A_606 = arith.constant 0 : i32
        %dma_start3A_607 = arith.constant 0 : i32
        %dma_start3A_608 = tpu.memref_slice %arg4[%dma_start3A_606, %dma_start3A_607] : memref<1000000x64xf32, #tpu.memory_space<hbm>> -> memref<1000000x64xf32, #tpu.memory_space<hbm>>
        tpu.enqueue_indirect_dma source(%dma_start3A_608 : memref<1000000x64xf32, #tpu.memory_space<hbm>>) target(%dma_start3A_602 : memref<128x64xf32, #tpu.memory_space<vmem>>) offsets(%dma_start3A_605 : memref<128xi32, #tpu.memory_space<vmem>>) semaphore(%arg12 : memref<!tpu.dma_semaphore, #tpu.memory_space<semaphore_mem>>)
      } else {
      }
      %mul3A_520 = arith.constant 32 : i32
      %mul3A_521 = arith.muli %add3A_497, %mul3A_520 : i32
      %scan3A_522 = arith.constant 0 : i32
      %scan3A_523 = arith.constant 0 : i32
      %scan3A_524 = arith.constant 32 : i32
      %scan3A_525 = arith.addi %scan3A_523, %scan3A_524 : i32
      %scan3A_526 = arith.constant 1 : i32
      %scan3A_527 = scf.for %scan3A_530 = %scan3A_523 to %scan3A_525 step %scan3A_526 iter_args(%scan3A_531 = %scan3A_522) -> (i32)  : i32 {
        %mul3A_532 = arith.constant 20 : i32
        %mul3A_533 = arith.muli %scan3A_530, %mul3A_532 : i32
        %get3A = arith.constant 1 : i32
        %get3A_534 = arith.index_cast %get3A : i32 to index
        %get3A_535 = arith.index_cast %mul3A_533 : i32 to index
        %get3A_536 = arith.constant 0 : index
        %get3A_537 = tpu.vector_load %arg9[%get3A_534, %get3A_535, %get3A_536] {strides = array<i32>} : memref<2x640x64xf32, #tpu.memory_space<vmem>>, vector<16xf32>,
        %get3A_538 = arith.constant 1 : i32
        %get3A_539 = arith.index_cast %get3A_538 : i32 to index
        %get3A_540 = arith.index_cast %mul3A_533 : i32 to index
        %get3A_541 = arith.constant 16 : index
        %get3A_542 = tpu.vector_load %arg9[%get3A_539, %get3A_540, %get3A_541] {strides = array<i32>} : memref<2x640x64xf32, #tpu.memory_space<vmem>>, vector<16xf32>,
        %get3A_543 = arith.constant 1 : i32
        %get3A_544 = arith.index_cast %get3A_543 : i32 to index
        %get3A_545 = arith.index_cast %mul3A_533 : i32 to index
        %get3A_546 = arith.constant 32 : index
        %get3A_547 = tpu.vector_load %arg9[%get3A_544, %get3A_545, %get3A_546] {strides = array<i32>} : memref<2x640x64xf32, #tpu.memory_space<vmem>>, vector<16xf32>,
        %get3A_548 = arith.constant 1 : i32
        %get3A_549 = arith.index_cast %get3A_548 : i32 to index
        %get3A_550 = arith.index_cast %mul3A_533 : i32 to index
        %get3A_551 = arith.constant 48 : index
        %get3A_552 = tpu.vector_load %arg9[%get3A_549, %get3A_550, %get3A_551] {strides = array<i32>} : memref<2x640x64xf32, #tpu.memory_space<vmem>>, vector<16xf32>,
        %add3A_553 = arith.constant 1 : i32
        %add3A_554 = arith.addi %mul3A_533, %add3A_553 : i32
        %get3A_555 = arith.constant 1 : i32
        %get3A_556 = arith.index_cast %get3A_555 : i32 to index
        %get3A_557 = arith.index_cast %add3A_554 : i32 to index
        %get3A_558 = arith.constant 0 : index
        %get3A_559 = tpu.vector_load %arg9[%get3A_556, %get3A_557, %get3A_558] {strides = array<i32>} : memref<2x640x64xf32, #tpu.memory_space<vmem>>, vector<16xf32>,
        %add3A_560 = arith.addf %get3A_537, %get3A_559 : vector<16xf32>
        %add3A_561 = arith.constant 1 : i32
        %add3A_562 = arith.addi %mul3A_533, %add3A_561 : i32
        %get3A_563 = arith.constant 1 : i32
        %get3A_564 = arith.index_cast %get3A_563 : i32 to index
        %get3A_565 = arith.index_cast %add3A_562 : i32 to index
        %get3A_566 = arith.constant 16 : index
        %get3A_567 = tpu.vector_load %arg9[%get3A_564, %get3A_565, %get3A_566] {strides = array<i32>} : memref<2x640x64xf32, #tpu.memory_space<vmem>>, vector<16xf32>,
        %add3A_568 = arith.addf %get3A_542, %get3A_567 : vector<16xf32>
        %add3A_569 = arith.constant 1 : i32
        %add3A_570 = arith.addi %mul3A_533, %add3A_569 : i32
        %get3A_571 = arith.constant 1 : i32
        %get3A_572 = arith.index_cast %get3A_571 : i32 to index
        %get3A_573 = arith.index_cast %add3A_570 : i32 to index
        %get3A_574 = arith.constant 32 : index
        %get3A_575 = tpu.vector_load %arg9[%get3A_572, %get3A_573, %get3A_574] {strides = array<i32>} : memref<2x640x64xf32, #tpu.memory_space<vmem>>, vector<16xf32>,
        %add3A_576 = arith.addf %get3A_547, %get3A_575 : vector<16xf32>
        %add3A_577 = arith.constant 1 : i32
        %add3A_578 = arith.addi %mul3A_533, %add3A_577 : i32
        %get3A_579 = arith.constant 1 : i32
        %get3A_580 = arith.index_cast %get3A_579 : i32 to index
        %get3A_581 = arith.index_cast %add3A_578 : i32 to index
        %get3A_582 = arith.constant 48 : index
        %get3A_583 = tpu.vector_load %arg9[%get3A_580, %get3A_581, %get3A_582] {strides = array<i32>} : memref<2x640x64xf32, #tpu.memory_space<vmem>>, vector<16xf32>,
        %add3A_584 = arith.addf %get3A_552, %get3A_583 : vector<16xf32>
        %add3A_585 = arith.constant 2 : i32
        %add3A_586 = arith.addi %mul3A_533, %add3A_585 : i32
        %get3A_587 = arith.constant 1 : i32
        %get3A_588 = arith.index_cast %get3A_587 : i32 to index
        %get3A_589 = arith.index_cast %add3A_586 : i32 to index
        %get3A_590 = arith.constant 0 : index
        %get3A_591 = tpu.vector_load %arg9[%get3A_588, %get3A_589, %get3A_590] {strides = array<i32>} : memref<2x640x64xf32, #tpu.memory_space<vmem>>, vector<16xf32>,
        %add3A_592 = arith.addf %add3A_560, %get3A_591 : vector<16xf32>
        %add3A_593 = arith.constant 2 : i32
        %add3A_594 = arith.addi %mul3A_533, %add3A_593 : i32
        %get3A_595 = arith.constant 1 : i32
        %get3A_596 = arith.index_cast %get3A_595 : i32 to index
        %get3A_597 = arith.index_cast %add3A_594 : i32 to index
        %get3A_598 = arith.constant 16 : index
        %get3A_599 = tpu.vector_load %arg9[%get3A_596, %get3A_597, %get3A_598] {strides = array<i32>} : memref<2x640x64xf32, #tpu.memory_space<vmem>>, vector<16xf32>,
        %add3A_600 = arith.addf %add3A_568, %get3A_599 : vector<16xf32>
        %add3A_601 = arith.constant 2 : i32
        %add3A_602 = arith.addi %mul3A_533, %add3A_601 : i32
        %get3A_603 = arith.constant 1 : i32
        %get3A_604 = arith.index_cast %get3A_603 : i32 to index
        %get3A_605 = arith.index_cast %add3A_602 : i32 to index
        %get3A_606 = arith.constant 32 : index
        %get3A_607 = tpu.vector_load %arg9[%get3A_604, %get3A_605, %get3A_606] {strides = array<i32>} : memref<2x640x64xf32, #tpu.memory_space<vmem>>, vector<16xf32>,
        %add3A_608 = arith.addf %add3A_576, %get3A_607 : vector<16xf32>
        %add3A_609 = arith.constant 2 : i32
        %add3A_610 = arith.addi %mul3A_533, %add3A_609 : i32
        %get3A_611 = arith.constant 1 : i32
        %get3A_612 = arith.index_cast %get3A_611 : i32 to index
        %get3A_613 = arith.index_cast %add3A_610 : i32 to index
        %get3A_614 = arith.constant 48 : index
        %get3A_615 = tpu.vector_load %arg9[%get3A_612, %get3A_613, %get3A_614] {strides = array<i32>} : memref<2x640x64xf32, #tpu.memory_space<vmem>>, vector<16xf32>,
        %add3A_616 = arith.addf %add3A_584, %get3A_615 : vector<16xf32>
        %add3A_617 = arith.constant 3 : i32
        %add3A_618 = arith.addi %mul3A_533, %add3A_617 : i32
        %get3A_619 = arith.constant 1 : i32
        %get3A_620 = arith.index_cast %get3A_619 : i32 to index
        %get3A_621 = arith.index_cast %add3A_618 : i32 to index
        %get3A_622 = arith.constant 0 : index
        %get3A_623 = tpu.vector_load %arg9[%get3A_620, %get3A_621, %get3A_622] {strides = array<i32>} : memref<2x640x64xf32, #tpu.memory_space<vmem>>, vector<16xf32>,
        %add3A_624 = arith.addf %add3A_592, %get3A_623 : vector<16xf32>
        %add3A_625 = arith.constant 3 : i32
        %add3A_626 = arith.addi %mul3A_533, %add3A_625 : i32
        %get3A_627 = arith.constant 1 : i32
        %get3A_628 = arith.index_cast %get3A_627 : i32 to index
        %get3A_629 = arith.index_cast %add3A_626 : i32 to index
        %get3A_630 = arith.constant 16 : index
        %get3A_631 = tpu.vector_load %arg9[%get3A_628, %get3A_629, %get3A_630] {strides = array<i32>} : memref<2x640x64xf32, #tpu.memory_space<vmem>>, vector<16xf32>,
        %add3A_632 = arith.addf %add3A_600, %get3A_631 : vector<16xf32>
        %add3A_633 = arith.constant 3 : i32
        %add3A_634 = arith.addi %mul3A_533, %add3A_633 : i32
        %get3A_635 = arith.constant 1 : i32
        %get3A_636 = arith.index_cast %get3A_635 : i32 to index
        %get3A_637 = arith.index_cast %add3A_634 : i32 to index
        %get3A_638 = arith.constant 32 : index
        %get3A_639 = tpu.vector_load %arg9[%get3A_636, %get3A_637, %get3A_638] {strides = array<i32>} : memref<2x640x64xf32, #tpu.memory_space<vmem>>, vector<16xf32>,
        %add3A_640 = arith.addf %add3A_608, %get3A_639 : vector<16xf32>
        %add3A_641 = arith.constant 3 : i32
        %add3A_642 = arith.addi %mul3A_533, %add3A_641 : i32
        %get3A_643 = arith.constant 1 : i32
        %get3A_644 = arith.index_cast %get3A_643 : i32 to index
        %get3A_645 = arith.index_cast %add3A_642 : i32 to index
        %get3A_646 = arith.constant 48 : index
        %get3A_647 = tpu.vector_load %arg9[%get3A_644, %get3A_645, %get3A_646] {strides = array<i32>} : memref<2x640x64xf32, #tpu.memory_space<vmem>>, vector<16xf32>,
        %add3A_648 = arith.addf %add3A_616, %get3A_647 : vector<16xf32>
        %add3A_649 = arith.constant 4 : i32
        %add3A_650 = arith.addi %mul3A_533, %add3A_649 : i32
        %get3A_651 = arith.constant 1 : i32
        %get3A_652 = arith.index_cast %get3A_651 : i32 to index
        %get3A_653 = arith.index_cast %add3A_650 : i32 to index
        %get3A_654 = arith.constant 0 : index
        %get3A_655 = tpu.vector_load %arg9[%get3A_652, %get3A_653, %get3A_654] {strides = array<i32>} : memref<2x640x64xf32, #tpu.memory_space<vmem>>, vector<16xf32>,
        %add3A_656 = arith.addf %add3A_624, %get3A_655 : vector<16xf32>
        %add3A_657 = arith.constant 4 : i32
        %add3A_658 = arith.addi %mul3A_533, %add3A_657 : i32
        %get3A_659 = arith.constant 1 : i32
        %get3A_660 = arith.index_cast %get3A_659 : i32 to index
        %get3A_661 = arith.index_cast %add3A_658 : i32 to index
        %get3A_662 = arith.constant 16 : index
        %get3A_663 = tpu.vector_load %arg9[%get3A_660, %get3A_661, %get3A_662] {strides = array<i32>} : memref<2x640x64xf32, #tpu.memory_space<vmem>>, vector<16xf32>,
        %add3A_664 = arith.addf %add3A_632, %get3A_663 : vector<16xf32>
        %add3A_665 = arith.constant 4 : i32
        %add3A_666 = arith.addi %mul3A_533, %add3A_665 : i32
        %get3A_667 = arith.constant 1 : i32
        %get3A_668 = arith.index_cast %get3A_667 : i32 to index
        %get3A_669 = arith.index_cast %add3A_666 : i32 to index
        %get3A_670 = arith.constant 32 : index
        %get3A_671 = tpu.vector_load %arg9[%get3A_668, %get3A_669, %get3A_670] {strides = array<i32>} : memref<2x640x64xf32, #tpu.memory_space<vmem>>, vector<16xf32>,
        %add3A_672 = arith.addf %add3A_640, %get3A_671 : vector<16xf32>
        %add3A_673 = arith.constant 4 : i32
        %add3A_674 = arith.addi %mul3A_533, %add3A_673 : i32
        %get3A_675 = arith.constant 1 : i32
        %get3A_676 = arith.index_cast %get3A_675 : i32 to index
        %get3A_677 = arith.index_cast %add3A_674 : i32 to index
        %get3A_678 = arith.constant 48 : index
        %get3A_679 = tpu.vector_load %arg9[%get3A_676, %get3A_677, %get3A_678] {strides = array<i32>} : memref<2x640x64xf32, #tpu.memory_space<vmem>>, vector<16xf32>,
        %add3A_680 = arith.addf %add3A_648, %get3A_679 : vector<16xf32>
        %add3A_681 = arith.constant 5 : i32
        %add3A_682 = arith.addi %mul3A_533, %add3A_681 : i32
        %get3A_683 = arith.constant 1 : i32
        %get3A_684 = arith.index_cast %get3A_683 : i32 to index
        %get3A_685 = arith.index_cast %add3A_682 : i32 to index
        %get3A_686 = arith.constant 0 : index
        %get3A_687 = tpu.vector_load %arg9[%get3A_684, %get3A_685, %get3A_686] {strides = array<i32>} : memref<2x640x64xf32, #tpu.memory_space<vmem>>, vector<16xf32>,
        %add3A_688 = arith.addf %add3A_656, %get3A_687 : vector<16xf32>
        %add3A_689 = arith.constant 5 : i32
        %add3A_690 = arith.addi %mul3A_533, %add3A_689 : i32
        %get3A_691 = arith.constant 1 : i32
        %get3A_692 = arith.index_cast %get3A_691 : i32 to index
        %get3A_693 = arith.index_cast %add3A_690 : i32 to index
        %get3A_694 = arith.constant 16 : index
        %get3A_695 = tpu.vector_load %arg9[%get3A_692, %get3A_693, %get3A_694] {strides = array<i32>} : memref<2x640x64xf32, #tpu.memory_space<vmem>>, vector<16xf32>,
        %add3A_696 = arith.addf %add3A_664, %get3A_695 : vector<16xf32>
        %add3A_697 = arith.constant 5 : i32
        %add3A_698 = arith.addi %mul3A_533, %add3A_697 : i32
        %get3A_699 = arith.constant 1 : i32
        %get3A_700 = arith.index_cast %get3A_699 : i32 to index
        %get3A_701 = arith.index_cast %add3A_698 : i32 to index
        %get3A_702 = arith.constant 32 : index
        %get3A_703 = tpu.vector_load %arg9[%get3A_700, %get3A_701, %get3A_702] {strides = array<i32>} : memref<2x640x64xf32, #tpu.memory_space<vmem>>, vector<16xf32>,
        %add3A_704 = arith.addf %add3A_672, %get3A_703 : vector<16xf32>
        %add3A_705 = arith.constant 5 : i32
        %add3A_706 = arith.addi %mul3A_533, %add3A_705 : i32
        %get3A_707 = arith.constant 1 : i32
        %get3A_708 = arith.index_cast %get3A_707 : i32 to index
        %get3A_709 = arith.index_cast %add3A_706 : i32 to index
        %get3A_710 = arith.constant 48 : index
        %get3A_711 = tpu.vector_load %arg9[%get3A_708, %get3A_709, %get3A_710] {strides = array<i32>} : memref<2x640x64xf32, #tpu.memory_space<vmem>>, vector<16xf32>,
        %add3A_712 = arith.addf %add3A_680, %get3A_711 : vector<16xf32>
        %add3A_713 = arith.constant 6 : i32
        %add3A_714 = arith.addi %mul3A_533, %add3A_713 : i32
        %get3A_715 = arith.constant 1 : i32
        %get3A_716 = arith.index_cast %get3A_715 : i32 to index
        %get3A_717 = arith.index_cast %add3A_714 : i32 to index
        %get3A_718 = arith.constant 0 : index
        %get3A_719 = tpu.vector_load %arg9[%get3A_716, %get3A_717, %get3A_718] {strides = array<i32>} : memref<2x640x64xf32, #tpu.memory_space<vmem>>, vector<16xf32>,
        %add3A_720 = arith.addf %add3A_688, %get3A_719 : vector<16xf32>
        %add3A_721 = arith.constant 6 : i32
        %add3A_722 = arith.addi %mul3A_533, %add3A_721 : i32
        %get3A_723 = arith.constant 1 : i32
        %get3A_724 = arith.index_cast %get3A_723 : i32 to index
        %get3A_725 = arith.index_cast %add3A_722 : i32 to index
        %get3A_726 = arith.constant 16 : index
        %get3A_727 = tpu.vector_load %arg9[%get3A_724, %get3A_725, %get3A_726] {strides = array<i32>} : memref<2x640x64xf32, #tpu.memory_space<vmem>>, vector<16xf32>,
        %add3A_728 = arith.addf %add3A_696, %get3A_727 : vector<16xf32>
        %add3A_729 = arith.constant 6 : i32
        %add3A_730 = arith.addi %mul3A_533, %add3A_729 : i32
        %get3A_731 = arith.constant 1 : i32
        %get3A_732 = arith.index_cast %get3A_731 : i32 to index
        %get3A_733 = arith.index_cast %add3A_730 : i32 to index
        %get3A_734 = arith.constant 32 : index
        %get3A_735 = tpu.vector_load %arg9[%get3A_732, %get3A_733, %get3A_734] {strides = array<i32>} : memref<2x640x64xf32, #tpu.memory_space<vmem>>, vector<16xf32>,
        %add3A_736 = arith.addf %add3A_704, %get3A_735 : vector<16xf32>
        %add3A_737 = arith.constant 6 : i32
        %add3A_738 = arith.addi %mul3A_533, %add3A_737 : i32
        %get3A_739 = arith.constant 1 : i32
        %get3A_740 = arith.index_cast %get3A_739 : i32 to index
        %get3A_741 = arith.index_cast %add3A_738 : i32 to index
        %get3A_742 = arith.constant 48 : index
        %get3A_743 = tpu.vector_load %arg9[%get3A_740, %get3A_741, %get3A_742] {strides = array<i32>} : memref<2x640x64xf32, #tpu.memory_space<vmem>>, vector<16xf32>,
        %add3A_744 = arith.addf %add3A_712, %get3A_743 : vector<16xf32>
        %add3A_745 = arith.constant 7 : i32
        %add3A_746 = arith.addi %mul3A_533, %add3A_745 : i32
        %get3A_747 = arith.constant 1 : i32
        %get3A_748 = arith.index_cast %get3A_747 : i32 to index
        %get3A_749 = arith.index_cast %add3A_746 : i32 to index
        %get3A_750 = arith.constant 0 : index
        %get3A_751 = tpu.vector_load %arg9[%get3A_748, %get3A_749, %get3A_750] {strides = array<i32>} : memref<2x640x64xf32, #tpu.memory_space<vmem>>, vector<16xf32>,
        %add3A_752 = arith.addf %add3A_720, %get3A_751 : vector<16xf32>
        %add3A_753 = arith.constant 7 : i32
        %add3A_754 = arith.addi %mul3A_533, %add3A_753 : i32
        %get3A_755 = arith.constant 1 : i32
        %get3A_756 = arith.index_cast %get3A_755 : i32 to index
        %get3A_757 = arith.index_cast %add3A_754 : i32 to index
        %get3A_758 = arith.constant 16 : index
        %get3A_759 = tpu.vector_load %arg9[%get3A_756, %get3A_757, %get3A_758] {strides = array<i32>} : memref<2x640x64xf32, #tpu.memory_space<vmem>>, vector<16xf32>,
        %add3A_760 = arith.addf %add3A_728, %get3A_759 : vector<16xf32>
        %add3A_761 = arith.constant 7 : i32
        %add3A_762 = arith.addi %mul3A_533, %add3A_761 : i32
        %get3A_763 = arith.constant 1 : i32
        %get3A_764 = arith.index_cast %get3A_763 : i32 to index
        %get3A_765 = arith.index_cast %add3A_762 : i32 to index
        %get3A_766 = arith.constant 32 : index
        %get3A_767 = tpu.vector_load %arg9[%get3A_764, %get3A_765, %get3A_766] {strides = array<i32>} : memref<2x640x64xf32, #tpu.memory_space<vmem>>, vector<16xf32>,
        %add3A_768 = arith.addf %add3A_736, %get3A_767 : vector<16xf32>
        %add3A_769 = arith.constant 7 : i32
        %add3A_770 = arith.addi %mul3A_533, %add3A_769 : i32
        %get3A_771 = arith.constant 1 : i32
        %get3A_772 = arith.index_cast %get3A_771 : i32 to index
        %get3A_773 = arith.index_cast %add3A_770 : i32 to index
        %get3A_774 = arith.constant 48 : index
        %get3A_775 = tpu.vector_load %arg9[%get3A_772, %get3A_773, %get3A_774] {strides = array<i32>} : memref<2x640x64xf32, #tpu.memory_space<vmem>>, vector<16xf32>,
        %add3A_776 = arith.addf %add3A_744, %get3A_775 : vector<16xf32>
        %add3A_777 = arith.constant 8 : i32
        %add3A_778 = arith.addi %mul3A_533, %add3A_777 : i32
        %get3A_779 = arith.constant 1 : i32
        %get3A_780 = arith.index_cast %get3A_779 : i32 to index
        %get3A_781 = arith.index_cast %add3A_778 : i32 to index
        %get3A_782 = arith.constant 0 : index
        %get3A_783 = tpu.vector_load %arg9[%get3A_780, %get3A_781, %get3A_782] {strides = array<i32>} : memref<2x640x64xf32, #tpu.memory_space<vmem>>, vector<16xf32>,
        %add3A_784 = arith.addf %add3A_752, %get3A_783 : vector<16xf32>
        %add3A_785 = arith.constant 8 : i32
        %add3A_786 = arith.addi %mul3A_533, %add3A_785 : i32
        %get3A_787 = arith.constant 1 : i32
        %get3A_788 = arith.index_cast %get3A_787 : i32 to index
        %get3A_789 = arith.index_cast %add3A_786 : i32 to index
        %get3A_790 = arith.constant 16 : index
        %get3A_791 = tpu.vector_load %arg9[%get3A_788, %get3A_789, %get3A_790] {strides = array<i32>} : memref<2x640x64xf32, #tpu.memory_space<vmem>>, vector<16xf32>,
        %add3A_792 = arith.addf %add3A_760, %get3A_791 : vector<16xf32>
        %add3A_793 = arith.constant 8 : i32
        %add3A_794 = arith.addi %mul3A_533, %add3A_793 : i32
        %get3A_795 = arith.constant 1 : i32
        %get3A_796 = arith.index_cast %get3A_795 : i32 to index
        %get3A_797 = arith.index_cast %add3A_794 : i32 to index
        %get3A_798 = arith.constant 32 : index
        %get3A_799 = tpu.vector_load %arg9[%get3A_796, %get3A_797, %get3A_798] {strides = array<i32>} : memref<2x640x64xf32, #tpu.memory_space<vmem>>, vector<16xf32>,
        %add3A_800 = arith.addf %add3A_768, %get3A_799 : vector<16xf32>
        %add3A_801 = arith.constant 8 : i32
        %add3A_802 = arith.addi %mul3A_533, %add3A_801 : i32
        %get3A_803 = arith.constant 1 : i32
        %get3A_804 = arith.index_cast %get3A_803 : i32 to index
        %get3A_805 = arith.index_cast %add3A_802 : i32 to index
        %get3A_806 = arith.constant 48 : index
        %get3A_807 = tpu.vector_load %arg9[%get3A_804, %get3A_805, %get3A_806] {strides = array<i32>} : memref<2x640x64xf32, #tpu.memory_space<vmem>>, vector<16xf32>,
        %add3A_808 = arith.addf %add3A_776, %get3A_807 : vector<16xf32>
        %add3A_809 = arith.constant 9 : i32
        %add3A_810 = arith.addi %mul3A_533, %add3A_809 : i32
        %get3A_811 = arith.constant 1 : i32
        %get3A_812 = arith.index_cast %get3A_811 : i32 to index
        %get3A_813 = arith.index_cast %add3A_810 : i32 to index
        %get3A_814 = arith.constant 0 : index
        %get3A_815 = tpu.vector_load %arg9[%get3A_812, %get3A_813, %get3A_814] {strides = array<i32>} : memref<2x640x64xf32, #tpu.memory_space<vmem>>, vector<16xf32>,
        %add3A_816 = arith.addf %add3A_784, %get3A_815 : vector<16xf32>
        %add3A_817 = arith.constant 9 : i32
        %add3A_818 = arith.addi %mul3A_533, %add3A_817 : i32
        %get3A_819 = arith.constant 1 : i32
        %get3A_820 = arith.index_cast %get3A_819 : i32 to index
        %get3A_821 = arith.index_cast %add3A_818 : i32 to index
        %get3A_822 = arith.constant 16 : index
        %get3A_823 = tpu.vector_load %arg9[%get3A_820, %get3A_821, %get3A_822] {strides = array<i32>} : memref<2x640x64xf32, #tpu.memory_space<vmem>>, vector<16xf32>,
        %add3A_824 = arith.addf %add3A_792, %get3A_823 : vector<16xf32>
        %add3A_825 = arith.constant 9 : i32
        %add3A_826 = arith.addi %mul3A_533, %add3A_825 : i32
        %get3A_827 = arith.constant 1 : i32
        %get3A_828 = arith.index_cast %get3A_827 : i32 to index
        %get3A_829 = arith.index_cast %add3A_826 : i32 to index
        %get3A_830 = arith.constant 32 : index
        %get3A_831 = tpu.vector_load %arg9[%get3A_828, %get3A_829, %get3A_830] {strides = array<i32>} : memref<2x640x64xf32, #tpu.memory_space<vmem>>, vector<16xf32>,
        %add3A_832 = arith.addf %add3A_800, %get3A_831 : vector<16xf32>
        %add3A_833 = arith.constant 9 : i32
        %add3A_834 = arith.addi %mul3A_533, %add3A_833 : i32
        %get3A_835 = arith.constant 1 : i32
        %get3A_836 = arith.index_cast %get3A_835 : i32 to index
        %get3A_837 = arith.index_cast %add3A_834 : i32 to index
        %get3A_838 = arith.constant 48 : index
        %get3A_839 = tpu.vector_load %arg9[%get3A_836, %get3A_837, %get3A_838] {strides = array<i32>} : memref<2x640x64xf32, #tpu.memory_space<vmem>>, vector<16xf32>,
        %add3A_840 = arith.addf %add3A_808, %get3A_839 : vector<16xf32>
        %add3A_841 = arith.constant 10 : i32
        %add3A_842 = arith.addi %mul3A_533, %add3A_841 : i32
        %get3A_843 = arith.constant 1 : i32
        %get3A_844 = arith.index_cast %get3A_843 : i32 to index
        %get3A_845 = arith.index_cast %add3A_842 : i32 to index
        %get3A_846 = arith.constant 0 : index
        %get3A_847 = tpu.vector_load %arg9[%get3A_844, %get3A_845, %get3A_846] {strides = array<i32>} : memref<2x640x64xf32, #tpu.memory_space<vmem>>, vector<16xf32>,
        %add3A_848 = arith.addf %add3A_816, %get3A_847 : vector<16xf32>
        %add3A_849 = arith.constant 10 : i32
        %add3A_850 = arith.addi %mul3A_533, %add3A_849 : i32
        %get3A_851 = arith.constant 1 : i32
        %get3A_852 = arith.index_cast %get3A_851 : i32 to index
        %get3A_853 = arith.index_cast %add3A_850 : i32 to index
        %get3A_854 = arith.constant 16 : index
        %get3A_855 = tpu.vector_load %arg9[%get3A_852, %get3A_853, %get3A_854] {strides = array<i32>} : memref<2x640x64xf32, #tpu.memory_space<vmem>>, vector<16xf32>,
        %add3A_856 = arith.addf %add3A_824, %get3A_855 : vector<16xf32>
        %add3A_857 = arith.constant 10 : i32
        %add3A_858 = arith.addi %mul3A_533, %add3A_857 : i32
        %get3A_859 = arith.constant 1 : i32
        %get3A_860 = arith.index_cast %get3A_859 : i32 to index
        %get3A_861 = arith.index_cast %add3A_858 : i32 to index
        %get3A_862 = arith.constant 32 : index
        %get3A_863 = tpu.vector_load %arg9[%get3A_860, %get3A_861, %get3A_862] {strides = array<i32>} : memref<2x640x64xf32, #tpu.memory_space<vmem>>, vector<16xf32>,
        %add3A_864 = arith.addf %add3A_832, %get3A_863 : vector<16xf32>
        %add3A_865 = arith.constant 10 : i32
        %add3A_866 = arith.addi %mul3A_533, %add3A_865 : i32
        %get3A_867 = arith.constant 1 : i32
        %get3A_868 = arith.index_cast %get3A_867 : i32 to index
        %get3A_869 = arith.index_cast %add3A_866 : i32 to index
        %get3A_870 = arith.constant 48 : index
        %get3A_871 = tpu.vector_load %arg9[%get3A_868, %get3A_869, %get3A_870] {strides = array<i32>} : memref<2x640x64xf32, #tpu.memory_space<vmem>>, vector<16xf32>,
        %add3A_872 = arith.addf %add3A_840, %get3A_871 : vector<16xf32>
        %add3A_873 = arith.constant 11 : i32
        %add3A_874 = arith.addi %mul3A_533, %add3A_873 : i32
        %get3A_875 = arith.constant 1 : i32
        %get3A_876 = arith.index_cast %get3A_875 : i32 to index
        %get3A_877 = arith.index_cast %add3A_874 : i32 to index
        %get3A_878 = arith.constant 0 : index
        %get3A_879 = tpu.vector_load %arg9[%get3A_876, %get3A_877, %get3A_878] {strides = array<i32>} : memref<2x640x64xf32, #tpu.memory_space<vmem>>, vector<16xf32>,
        %add3A_880 = arith.addf %add3A_848, %get3A_879 : vector<16xf32>
        %add3A_881 = arith.constant 11 : i32
        %add3A_882 = arith.addi %mul3A_533, %add3A_881 : i32
        %get3A_883 = arith.constant 1 : i32
        %get3A_884 = arith.index_cast %get3A_883 : i32 to index
        %get3A_885 = arith.index_cast %add3A_882 : i32 to index
        %get3A_886 = arith.constant 16 : index
        %get3A_887 = tpu.vector_load %arg9[%get3A_884, %get3A_885, %get3A_886] {strides = array<i32>} : memref<2x640x64xf32, #tpu.memory_space<vmem>>, vector<16xf32>,
        %add3A_888 = arith.addf %add3A_856, %get3A_887 : vector<16xf32>
        %add3A_889 = arith.constant 11 : i32
        %add3A_890 = arith.addi %mul3A_533, %add3A_889 : i32
        %get3A_891 = arith.constant 1 : i32
        %get3A_892 = arith.index_cast %get3A_891 : i32 to index
        %get3A_893 = arith.index_cast %add3A_890 : i32 to index
        %get3A_894 = arith.constant 32 : index
        %get3A_895 = tpu.vector_load %arg9[%get3A_892, %get3A_893, %get3A_894] {strides = array<i32>} : memref<2x640x64xf32, #tpu.memory_space<vmem>>, vector<16xf32>,
        %add3A_896 = arith.addf %add3A_864, %get3A_895 : vector<16xf32>
        %add3A_897 = arith.constant 11 : i32
        %add3A_898 = arith.addi %mul3A_533, %add3A_897 : i32
        %get3A_899 = arith.constant 1 : i32
        %get3A_900 = arith.index_cast %get3A_899 : i32 to index
        %get3A_901 = arith.index_cast %add3A_898 : i32 to index
        %get3A_902 = arith.constant 48 : index
        %get3A_903 = tpu.vector_load %arg9[%get3A_900, %get3A_901, %get3A_902] {strides = array<i32>} : memref<2x640x64xf32, #tpu.memory_space<vmem>>, vector<16xf32>,
        %add3A_904 = arith.addf %add3A_872, %get3A_903 : vector<16xf32>
        %add3A_905 = arith.constant 12 : i32
        %add3A_906 = arith.addi %mul3A_533, %add3A_905 : i32
        %get3A_907 = arith.constant 1 : i32
        %get3A_908 = arith.index_cast %get3A_907 : i32 to index
        %get3A_909 = arith.index_cast %add3A_906 : i32 to index
        %get3A_910 = arith.constant 0 : index
        %get3A_911 = tpu.vector_load %arg9[%get3A_908, %get3A_909, %get3A_910] {strides = array<i32>} : memref<2x640x64xf32, #tpu.memory_space<vmem>>, vector<16xf32>,
        %add3A_912 = arith.addf %add3A_880, %get3A_911 : vector<16xf32>
        %add3A_913 = arith.constant 12 : i32
        %add3A_914 = arith.addi %mul3A_533, %add3A_913 : i32
        %get3A_915 = arith.constant 1 : i32
        %get3A_916 = arith.index_cast %get3A_915 : i32 to index
        %get3A_917 = arith.index_cast %add3A_914 : i32 to index
        %get3A_918 = arith.constant 16 : index
        %get3A_919 = tpu.vector_load %arg9[%get3A_916, %get3A_917, %get3A_918] {strides = array<i32>} : memref<2x640x64xf32, #tpu.memory_space<vmem>>, vector<16xf32>,
        %add3A_920 = arith.addf %add3A_888, %get3A_919 : vector<16xf32>
        %add3A_921 = arith.constant 12 : i32
        %add3A_922 = arith.addi %mul3A_533, %add3A_921 : i32
        %get3A_923 = arith.constant 1 : i32
        %get3A_924 = arith.index_cast %get3A_923 : i32 to index
        %get3A_925 = arith.index_cast %add3A_922 : i32 to index
        %get3A_926 = arith.constant 32 : index
        %get3A_927 = tpu.vector_load %arg9[%get3A_924, %get3A_925, %get3A_926] {strides = array<i32>} : memref<2x640x64xf32, #tpu.memory_space<vmem>>, vector<16xf32>,
        %add3A_928 = arith.addf %add3A_896, %get3A_927 : vector<16xf32>
        %add3A_929 = arith.constant 12 : i32
        %add3A_930 = arith.addi %mul3A_533, %add3A_929 : i32
        %get3A_931 = arith.constant 1 : i32
        %get3A_932 = arith.index_cast %get3A_931 : i32 to index
        %get3A_933 = arith.index_cast %add3A_930 : i32 to index
        %get3A_934 = arith.constant 48 : index
        %get3A_935 = tpu.vector_load %arg9[%get3A_932, %get3A_933, %get3A_934] {strides = array<i32>} : memref<2x640x64xf32, #tpu.memory_space<vmem>>, vector<16xf32>,
        %add3A_936 = arith.addf %add3A_904, %get3A_935 : vector<16xf32>
        %add3A_937 = arith.constant 13 : i32
        %add3A_938 = arith.addi %mul3A_533, %add3A_937 : i32
        %get3A_939 = arith.constant 1 : i32
        %get3A_940 = arith.index_cast %get3A_939 : i32 to index
        %get3A_941 = arith.index_cast %add3A_938 : i32 to index
        %get3A_942 = arith.constant 0 : index
        %get3A_943 = tpu.vector_load %arg9[%get3A_940, %get3A_941, %get3A_942] {strides = array<i32>} : memref<2x640x64xf32, #tpu.memory_space<vmem>>, vector<16xf32>,
        %add3A_944 = arith.addf %add3A_912, %get3A_943 : vector<16xf32>
        %add3A_945 = arith.constant 13 : i32
        %add3A_946 = arith.addi %mul3A_533, %add3A_945 : i32
        %get3A_947 = arith.constant 1 : i32
        %get3A_948 = arith.index_cast %get3A_947 : i32 to index
        %get3A_949 = arith.index_cast %add3A_946 : i32 to index
        %get3A_950 = arith.constant 16 : index
        %get3A_951 = tpu.vector_load %arg9[%get3A_948, %get3A_949, %get3A_950] {strides = array<i32>} : memref<2x640x64xf32, #tpu.memory_space<vmem>>, vector<16xf32>,
        %add3A_952 = arith.addf %add3A_920, %get3A_951 : vector<16xf32>
        %add3A_953 = arith.constant 13 : i32
        %add3A_954 = arith.addi %mul3A_533, %add3A_953 : i32
        %get3A_955 = arith.constant 1 : i32
        %get3A_956 = arith.index_cast %get3A_955 : i32 to index
        %get3A_957 = arith.index_cast %add3A_954 : i32 to index
        %get3A_958 = arith.constant 32 : index
        %get3A_959 = tpu.vector_load %arg9[%get3A_956, %get3A_957, %get3A_958] {strides = array<i32>} : memref<2x640x64xf32, #tpu.memory_space<vmem>>, vector<16xf32>,
        %add3A_960 = arith.addf %add3A_928, %get3A_959 : vector<16xf32>
        %add3A_961 = arith.constant 13 : i32
        %add3A_962 = arith.addi %mul3A_533, %add3A_961 : i32
        %get3A_963 = arith.constant 1 : i32
        %get3A_964 = arith.index_cast %get3A_963 : i32 to index
        %get3A_965 = arith.index_cast %add3A_962 : i32 to index
        %get3A_966 = arith.constant 48 : index
        %get3A_967 = tpu.vector_load %arg9[%get3A_964, %get3A_965, %get3A_966] {strides = array<i32>} : memref<2x640x64xf32, #tpu.memory_space<vmem>>, vector<16xf32>,
        %add3A_968 = arith.addf %add3A_936, %get3A_967 : vector<16xf32>
        %add3A_969 = arith.constant 14 : i32
        %add3A_970 = arith.addi %mul3A_533, %add3A_969 : i32
        %get3A_971 = arith.constant 1 : i32
        %get3A_972 = arith.index_cast %get3A_971 : i32 to index
        %get3A_973 = arith.index_cast %add3A_970 : i32 to index
        %get3A_974 = arith.constant 0 : index
        %get3A_975 = tpu.vector_load %arg9[%get3A_972, %get3A_973, %get3A_974] {strides = array<i32>} : memref<2x640x64xf32, #tpu.memory_space<vmem>>, vector<16xf32>,
        %add3A_976 = arith.addf %add3A_944, %get3A_975 : vector<16xf32>
        %add3A_977 = arith.constant 14 : i32
        %add3A_978 = arith.addi %mul3A_533, %add3A_977 : i32
        %get3A_979 = arith.constant 1 : i32
        %get3A_980 = arith.index_cast %get3A_979 : i32 to index
        %get3A_981 = arith.index_cast %add3A_978 : i32 to index
        %get3A_982 = arith.constant 16 : index
        %get3A_983 = tpu.vector_load %arg9[%get3A_980, %get3A_981, %get3A_982] {strides = array<i32>} : memref<2x640x64xf32, #tpu.memory_space<vmem>>, vector<16xf32>,
        %add3A_984 = arith.addf %add3A_952, %get3A_983 : vector<16xf32>
        %add3A_985 = arith.constant 14 : i32
        %add3A_986 = arith.addi %mul3A_533, %add3A_985 : i32
        %get3A_987 = arith.constant 1 : i32
        %get3A_988 = arith.index_cast %get3A_987 : i32 to index
        %get3A_989 = arith.index_cast %add3A_986 : i32 to index
        %get3A_990 = arith.constant 32 : index
        %get3A_991 = tpu.vector_load %arg9[%get3A_988, %get3A_989, %get3A_990] {strides = array<i32>} : memref<2x640x64xf32, #tpu.memory_space<vmem>>, vector<16xf32>,
        %add3A_992 = arith.addf %add3A_960, %get3A_991 : vector<16xf32>
        %add3A_993 = arith.constant 14 : i32
        %add3A_994 = arith.addi %mul3A_533, %add3A_993 : i32
        %get3A_995 = arith.constant 1 : i32
        %get3A_996 = arith.index_cast %get3A_995 : i32 to index
        %get3A_997 = arith.index_cast %add3A_994 : i32 to index
        %get3A_998 = arith.constant 48 : index
        %get3A_999 = tpu.vector_load %arg9[%get3A_996, %get3A_997, %get3A_998] {strides = array<i32>} : memref<2x640x64xf32, #tpu.memory_space<vmem>>, vector<16xf32>,
        %add3A_1000 = arith.addf %add3A_968, %get3A_999 : vector<16xf32>
        %add3A_1001 = arith.constant 15 : i32
        %add3A_1002 = arith.addi %mul3A_533, %add3A_1001 : i32
        %get3A_1003 = arith.constant 1 : i32
        %get3A_1004 = arith.index_cast %get3A_1003 : i32 to index
        %get3A_1005 = arith.index_cast %add3A_1002 : i32 to index
        %get3A_1006 = arith.constant 0 : index
        %get3A_1007 = tpu.vector_load %arg9[%get3A_1004, %get3A_1005, %get3A_1006] {strides = array<i32>} : memref<2x640x64xf32, #tpu.memory_space<vmem>>, vector<16xf32>,
        %add3A_1008 = arith.addf %add3A_976, %get3A_1007 : vector<16xf32>
        %add3A_1009 = arith.constant 15 : i32
        %add3A_1010 = arith.addi %mul3A_533, %add3A_1009 : i32
        %get3A_1011 = arith.constant 1 : i32
        %get3A_1012 = arith.index_cast %get3A_1011 : i32 to index
        %get3A_1013 = arith.index_cast %add3A_1010 : i32 to index
        %get3A_1014 = arith.constant 16 : index
        %get3A_1015 = tpu.vector_load %arg9[%get3A_1012, %get3A_1013, %get3A_1014] {strides = array<i32>} : memref<2x640x64xf32, #tpu.memory_space<vmem>>, vector<16xf32>,
        %add3A_1016 = arith.addf %add3A_984, %get3A_1015 : vector<16xf32>
        %add3A_1017 = arith.constant 15 : i32
        %add3A_1018 = arith.addi %mul3A_533, %add3A_1017 : i32
        %get3A_1019 = arith.constant 1 : i32
        %get3A_1020 = arith.index_cast %get3A_1019 : i32 to index
        %get3A_1021 = arith.index_cast %add3A_1018 : i32 to index
        %get3A_1022 = arith.constant 32 : index
        %get3A_1023 = tpu.vector_load %arg9[%get3A_1020, %get3A_1021, %get3A_1022] {strides = array<i32>} : memref<2x640x64xf32, #tpu.memory_space<vmem>>, vector<16xf32>,
        %add3A_1024 = arith.addf %add3A_992, %get3A_1023 : vector<16xf32>
        %add3A_1025 = arith.constant 15 : i32
        %add3A_1026 = arith.addi %mul3A_533, %add3A_1025 : i32
        %get3A_1027 = arith.constant 1 : i32
        %get3A_1028 = arith.index_cast %get3A_1027 : i32 to index
        %get3A_1029 = arith.index_cast %add3A_1026 : i32 to index
        %get3A_1030 = arith.constant 48 : index
        %get3A_1031 = tpu.vector_load %arg9[%get3A_1028, %get3A_1029, %get3A_1030] {strides = array<i32>} : memref<2x640x64xf32, #tpu.memory_space<vmem>>, vector<16xf32>,
        %add3A_1032 = arith.addf %add3A_1000, %get3A_1031 : vector<16xf32>
        %add3A_1033 = arith.constant 16 : i32
        %add3A_1034 = arith.addi %mul3A_533, %add3A_1033 : i32
        %get3A_1035 = arith.constant 1 : i32
        %get3A_1036 = arith.index_cast %get3A_1035 : i32 to index
        %get3A_1037 = arith.index_cast %add3A_1034 : i32 to index
        %get3A_1038 = arith.constant 0 : index
        %get3A_1039 = tpu.vector_load %arg9[%get3A_1036, %get3A_1037, %get3A_1038] {strides = array<i32>} : memref<2x640x64xf32, #tpu.memory_space<vmem>>, vector<16xf32>,
        %add3A_1040 = arith.addf %add3A_1008, %get3A_1039 : vector<16xf32>
        %add3A_1041 = arith.constant 16 : i32
        %add3A_1042 = arith.addi %mul3A_533, %add3A_1041 : i32
        %get3A_1043 = arith.constant 1 : i32
        %get3A_1044 = arith.index_cast %get3A_1043 : i32 to index
        %get3A_1045 = arith.index_cast %add3A_1042 : i32 to index
        %get3A_1046 = arith.constant 16 : index
        %get3A_1047 = tpu.vector_load %arg9[%get3A_1044, %get3A_1045, %get3A_1046] {strides = array<i32>} : memref<2x640x64xf32, #tpu.memory_space<vmem>>, vector<16xf32>,
        %add3A_1048 = arith.addf %add3A_1016, %get3A_1047 : vector<16xf32>
        %add3A_1049 = arith.constant 16 : i32
        %add3A_1050 = arith.addi %mul3A_533, %add3A_1049 : i32
        %get3A_1051 = arith.constant 1 : i32
        %get3A_1052 = arith.index_cast %get3A_1051 : i32 to index
        %get3A_1053 = arith.index_cast %add3A_1050 : i32 to index
        %get3A_1054 = arith.constant 32 : index
        %get3A_1055 = tpu.vector_load %arg9[%get3A_1052, %get3A_1053, %get3A_1054] {strides = array<i32>} : memref<2x640x64xf32, #tpu.memory_space<vmem>>, vector<16xf32>,
        %add3A_1056 = arith.addf %add3A_1024, %get3A_1055 : vector<16xf32>
        %add3A_1057 = arith.constant 16 : i32
        %add3A_1058 = arith.addi %mul3A_533, %add3A_1057 : i32
        %get3A_1059 = arith.constant 1 : i32
        %get3A_1060 = arith.index_cast %get3A_1059 : i32 to index
        %get3A_1061 = arith.index_cast %add3A_1058 : i32 to index
        %get3A_1062 = arith.constant 48 : index
        %get3A_1063 = tpu.vector_load %arg9[%get3A_1060, %get3A_1061, %get3A_1062] {strides = array<i32>} : memref<2x640x64xf32, #tpu.memory_space<vmem>>, vector<16xf32>,
        %add3A_1064 = arith.addf %add3A_1032, %get3A_1063 : vector<16xf32>
        %add3A_1065 = arith.constant 17 : i32
        %add3A_1066 = arith.addi %mul3A_533, %add3A_1065 : i32
        %get3A_1067 = arith.constant 1 : i32
        %get3A_1068 = arith.index_cast %get3A_1067 : i32 to index
        %get3A_1069 = arith.index_cast %add3A_1066 : i32 to index
        %get3A_1070 = arith.constant 0 : index
        %get3A_1071 = tpu.vector_load %arg9[%get3A_1068, %get3A_1069, %get3A_1070] {strides = array<i32>} : memref<2x640x64xf32, #tpu.memory_space<vmem>>, vector<16xf32>,
        %add3A_1072 = arith.addf %add3A_1040, %get3A_1071 : vector<16xf32>
        %add3A_1073 = arith.constant 17 : i32
        %add3A_1074 = arith.addi %mul3A_533, %add3A_1073 : i32
        %get3A_1075 = arith.constant 1 : i32
        %get3A_1076 = arith.index_cast %get3A_1075 : i32 to index
        %get3A_1077 = arith.index_cast %add3A_1074 : i32 to index
        %get3A_1078 = arith.constant 16 : index
        %get3A_1079 = tpu.vector_load %arg9[%get3A_1076, %get3A_1077, %get3A_1078] {strides = array<i32>} : memref<2x640x64xf32, #tpu.memory_space<vmem>>, vector<16xf32>,
        %add3A_1080 = arith.addf %add3A_1048, %get3A_1079 : vector<16xf32>
        %add3A_1081 = arith.constant 17 : i32
        %add3A_1082 = arith.addi %mul3A_533, %add3A_1081 : i32
        %get3A_1083 = arith.constant 1 : i32
        %get3A_1084 = arith.index_cast %get3A_1083 : i32 to index
        %get3A_1085 = arith.index_cast %add3A_1082 : i32 to index
        %get3A_1086 = arith.constant 32 : index
        %get3A_1087 = tpu.vector_load %arg9[%get3A_1084, %get3A_1085, %get3A_1086] {strides = array<i32>} : memref<2x640x64xf32, #tpu.memory_space<vmem>>, vector<16xf32>,
        %add3A_1088 = arith.addf %add3A_1056, %get3A_1087 : vector<16xf32>
        %add3A_1089 = arith.constant 17 : i32
        %add3A_1090 = arith.addi %mul3A_533, %add3A_1089 : i32
        %get3A_1091 = arith.constant 1 : i32
        %get3A_1092 = arith.index_cast %get3A_1091 : i32 to index
        %get3A_1093 = arith.index_cast %add3A_1090 : i32 to index
        %get3A_1094 = arith.constant 48 : index
        %get3A_1095 = tpu.vector_load %arg9[%get3A_1092, %get3A_1093, %get3A_1094] {strides = array<i32>} : memref<2x640x64xf32, #tpu.memory_space<vmem>>, vector<16xf32>,
        %add3A_1096 = arith.addf %add3A_1064, %get3A_1095 : vector<16xf32>
        %add3A_1097 = arith.constant 18 : i32
        %add3A_1098 = arith.addi %mul3A_533, %add3A_1097 : i32
        %get3A_1099 = arith.constant 1 : i32
        %get3A_1100 = arith.index_cast %get3A_1099 : i32 to index
        %get3A_1101 = arith.index_cast %add3A_1098 : i32 to index
        %get3A_1102 = arith.constant 0 : index
        %get3A_1103 = tpu.vector_load %arg9[%get3A_1100, %get3A_1101, %get3A_1102] {strides = array<i32>} : memref<2x640x64xf32, #tpu.memory_space<vmem>>, vector<16xf32>,
        %add3A_1104 = arith.addf %add3A_1072, %get3A_1103 : vector<16xf32>
        %add3A_1105 = arith.constant 18 : i32
        %add3A_1106 = arith.addi %mul3A_533, %add3A_1105 : i32
        %get3A_1107 = arith.constant 1 : i32
        %get3A_1108 = arith.index_cast %get3A_1107 : i32 to index
        %get3A_1109 = arith.index_cast %add3A_1106 : i32 to index
        %get3A_1110 = arith.constant 16 : index
        %get3A_1111 = tpu.vector_load %arg9[%get3A_1108, %get3A_1109, %get3A_1110] {strides = array<i32>} : memref<2x640x64xf32, #tpu.memory_space<vmem>>, vector<16xf32>,
        %add3A_1112 = arith.addf %add3A_1080, %get3A_1111 : vector<16xf32>
        %add3A_1113 = arith.constant 18 : i32
        %add3A_1114 = arith.addi %mul3A_533, %add3A_1113 : i32
        %get3A_1115 = arith.constant 1 : i32
        %get3A_1116 = arith.index_cast %get3A_1115 : i32 to index
        %get3A_1117 = arith.index_cast %add3A_1114 : i32 to index
        %get3A_1118 = arith.constant 32 : index
        %get3A_1119 = tpu.vector_load %arg9[%get3A_1116, %get3A_1117, %get3A_1118] {strides = array<i32>} : memref<2x640x64xf32, #tpu.memory_space<vmem>>, vector<16xf32>,
        %add3A_1120 = arith.addf %add3A_1088, %get3A_1119 : vector<16xf32>
        %add3A_1121 = arith.constant 18 : i32
        %add3A_1122 = arith.addi %mul3A_533, %add3A_1121 : i32
        %get3A_1123 = arith.constant 1 : i32
        %get3A_1124 = arith.index_cast %get3A_1123 : i32 to index
        %get3A_1125 = arith.index_cast %add3A_1122 : i32 to index
        %get3A_1126 = arith.constant 48 : index
        %get3A_1127 = tpu.vector_load %arg9[%get3A_1124, %get3A_1125, %get3A_1126] {strides = array<i32>} : memref<2x640x64xf32, #tpu.memory_space<vmem>>, vector<16xf32>,
        %add3A_1128 = arith.addf %add3A_1096, %get3A_1127 : vector<16xf32>
        %add3A_1129 = arith.constant 19 : i32
        %add3A_1130 = arith.addi %mul3A_533, %add3A_1129 : i32
        %get3A_1131 = arith.constant 1 : i32
        %get3A_1132 = arith.index_cast %get3A_1131 : i32 to index
        %get3A_1133 = arith.index_cast %add3A_1130 : i32 to index
        %get3A_1134 = arith.constant 0 : index
        %get3A_1135 = tpu.vector_load %arg9[%get3A_1132, %get3A_1133, %get3A_1134] {strides = array<i32>} : memref<2x640x64xf32, #tpu.memory_space<vmem>>, vector<16xf32>,
        %add3A_1136 = arith.addf %add3A_1104, %get3A_1135 : vector<16xf32>
        %add3A_1137 = arith.constant 19 : i32
        %add3A_1138 = arith.addi %mul3A_533, %add3A_1137 : i32
        %get3A_1139 = arith.constant 1 : i32
        %get3A_1140 = arith.index_cast %get3A_1139 : i32 to index
        %get3A_1141 = arith.index_cast %add3A_1138 : i32 to index
        %get3A_1142 = arith.constant 16 : index
        %get3A_1143 = tpu.vector_load %arg9[%get3A_1140, %get3A_1141, %get3A_1142] {strides = array<i32>} : memref<2x640x64xf32, #tpu.memory_space<vmem>>, vector<16xf32>,
        %add3A_1144 = arith.addf %add3A_1112, %get3A_1143 : vector<16xf32>
        %add3A_1145 = arith.constant 19 : i32
        %add3A_1146 = arith.addi %mul3A_533, %add3A_1145 : i32
        %get3A_1147 = arith.constant 1 : i32
        %get3A_1148 = arith.index_cast %get3A_1147 : i32 to index
        %get3A_1149 = arith.index_cast %add3A_1146 : i32 to index
        %get3A_1150 = arith.constant 32 : index
        %get3A_1151 = tpu.vector_load %arg9[%get3A_1148, %get3A_1149, %get3A_1150] {strides = array<i32>} : memref<2x640x64xf32, #tpu.memory_space<vmem>>, vector<16xf32>,
        %add3A_1152 = arith.addf %add3A_1120, %get3A_1151 : vector<16xf32>
        %add3A_1153 = arith.constant 19 : i32
        %add3A_1154 = arith.addi %mul3A_533, %add3A_1153 : i32
        %get3A_1155 = arith.constant 1 : i32
        %get3A_1156 = arith.index_cast %get3A_1155 : i32 to index
        %get3A_1157 = arith.index_cast %add3A_1154 : i32 to index
        %get3A_1158 = arith.constant 48 : index
        %get3A_1159 = tpu.vector_load %arg9[%get3A_1156, %get3A_1157, %get3A_1158] {strides = array<i32>} : memref<2x640x64xf32, #tpu.memory_space<vmem>>, vector<16xf32>,
        %add3A_1160 = arith.addf %add3A_1128, %get3A_1159 : vector<16xf32>
        %add3A_1161 = arith.addi %mul3A_521, %scan3A_530 : i32
        %swap3A = arith.index_cast %add3A_1161 : i32 to index
        %swap3A_1162 = arith.constant 0 : index
        %swap3A_1163 = tpu.vector_load %arg10[%swap3A, %swap3A_1162] {strides = array<i32>} : memref<256x64xf32, #tpu.memory_space<vmem>>, vector<16xf32>,
        tpu.vector_store %arg10[%swap3A, %swap3A_1162], %add3A_1136 {strides = array<i32>} : memref<256x64xf32, #tpu.memory_space<vmem>>, vector<16xf32>,
        %add3A_1164 = arith.addi %mul3A_521, %scan3A_530 : i32
        %swap3A_1165 = arith.index_cast %add3A_1164 : i32 to index
        %swap3A_1166 = arith.constant 16 : index
        %swap3A_1167 = tpu.vector_load %arg10[%swap3A_1165, %swap3A_1166] {strides = array<i32>} : memref<256x64xf32, #tpu.memory_space<vmem>>, vector<16xf32>,
        tpu.vector_store %arg10[%swap3A_1165, %swap3A_1166], %add3A_1144 {strides = array<i32>} : memref<256x64xf32, #tpu.memory_space<vmem>>, vector<16xf32>,
        %add3A_1168 = arith.addi %mul3A_521, %scan3A_530 : i32
        %swap3A_1169 = arith.index_cast %add3A_1168 : i32 to index
        %swap3A_1170 = arith.constant 32 : index
        %swap3A_1171 = tpu.vector_load %arg10[%swap3A_1169, %swap3A_1170] {strides = array<i32>} : memref<256x64xf32, #tpu.memory_space<vmem>>, vector<16xf32>,
        tpu.vector_store %arg10[%swap3A_1169, %swap3A_1170], %add3A_1152 {strides = array<i32>} : memref<256x64xf32, #tpu.memory_space<vmem>>, vector<16xf32>,
        %add3A_1172 = arith.addi %mul3A_521, %scan3A_530 : i32
        %swap3A_1173 = arith.index_cast %add3A_1172 : i32 to index
        %swap3A_1174 = arith.constant 48 : index
        %swap3A_1175 = tpu.vector_load %arg10[%swap3A_1173, %swap3A_1174] {strides = array<i32>} : memref<256x64xf32, #tpu.memory_space<vmem>>, vector<16xf32>,
        tpu.vector_store %arg10[%swap3A_1173, %swap3A_1174], %add3A_1160 {strides = array<i32>} : memref<256x64xf32, #tpu.memory_space<vmem>>, vector<16xf32>,
        %scan3A_1176 = arith.constant 0 : i32
        scf.yield %scan3A_1176 : i32
      }
      %scan3A_528 = arith.constant 32 : i32
      %scan3A_529 = arith.constant 0 : i32
      scf.yield %scan3A_529 : i32
    }
    %scan3A_295 = arith.constant 4 : i32
    %dma_start3A_296 = arith.constant 10 : i32
    %dma_start3A_297 = arith.constant 0 : i32
    %dma_start3A_298 = arith.constant 0 : i32
    %dma_start3A_299 = arith.constant 0 : i32
    %dma_start3A_300 = tpu.memref_slice %arg9[%dma_start3A_297, %dma_start3A_298, %dma_start3A_299] : memref<2x640x64xf32, #tpu.memory_space<vmem>> -> memref<1x128x64xf32, #tpu.memory_space<vmem>>
    %dma_start3A_301 = tpu.memref_squeeze %dma_start3A_300 : memref<1x128x64xf32, #tpu.memory_space<vmem>> -> memref<128x64xf32, #tpu.memory_space<vmem>>
    %dma_start3A_302 = arith.constant 0 : i32
    %dma_start3A_303 = tpu.memref_slice %arg8[%dma_start3A_296, %dma_start3A_302] : memref<20x128xi32, #tpu.memory_space<vmem>> -> memref<1x128xi32, #tpu.memory_space<vmem>>
    %dma_start3A_304 = tpu.memref_squeeze %dma_start3A_303 : memref<1x128xi32, #tpu.memory_space<vmem>> -> memref<128xi32, #tpu.memory_space<vmem>>
    %dma_start3A_305 = arith.constant 0 : i32
    %dma_start3A_306 = arith.constant 0 : i32
    %dma_start3A_307 = tpu.memref_slice %arg5[%dma_start3A_305, %dma_start3A_306] : memref<1000000x64xf32, #tpu.memory_space<hbm>> -> memref<1000000x64xf32, #tpu.memory_space<hbm>>
    tpu.enqueue_indirect_dma source(%dma_start3A_307 : memref<1000000x64xf32, #tpu.memory_space<hbm>>) target(%dma_start3A_301 : memref<128x64xf32, #tpu.memory_space<vmem>>) offsets(%dma_start3A_304 : memref<128xi32, #tpu.memory_space<vmem>>) semaphore(%arg12 : memref<!tpu.dma_semaphore, #tpu.memory_space<semaphore_mem>>)
    %dma_start3A_308 = arith.constant 11 : i32
    %dma_start3A_309 = arith.constant 0 : i32
    %dma_start3A_310 = arith.constant 128 : i32
    %dma_start3A_311 = arith.constant 0 : i32
    %dma_start3A_312 = tpu.memref_slice %arg9[%dma_start3A_309, %dma_start3A_310, %dma_start3A_311] : memref<2x640x64xf32, #tpu.memory_space<vmem>> -> memref<1x128x64xf32, #tpu.memory_space<vmem>>
    %dma_start3A_313 = tpu.memref_squeeze %dma_start3A_312 : memref<1x128x64xf32, #tpu.memory_space<vmem>> -> memref<128x64xf32, #tpu.memory_space<vmem>>
    %dma_start3A_314 = arith.constant 0 : i32
    %dma_start3A_315 = tpu.memref_slice %arg8[%dma_start3A_308, %dma_start3A_314] : memref<20x128xi32, #tpu.memory_space<vmem>> -> memref<1x128xi32, #tpu.memory_space<vmem>>
    %dma_start3A_316 = tpu.memref_squeeze %dma_start3A_315 : memref<1x128xi32, #tpu.memory_space<vmem>> -> memref<128xi32, #tpu.memory_space<vmem>>
    %dma_start3A_317 = arith.constant 0 : i32
    %dma_start3A_318 = arith.constant 0 : i32
    %dma_start3A_319 = tpu.memref_slice %arg5[%dma_start3A_317, %dma_start3A_318] : memref<1000000x64xf32, #tpu.memory_space<hbm>> -> memref<1000000x64xf32, #tpu.memory_space<hbm>>
    tpu.enqueue_indirect_dma source(%dma_start3A_319 : memref<1000000x64xf32, #tpu.memory_space<hbm>>) target(%dma_start3A_313 : memref<128x64xf32, #tpu.memory_space<vmem>>) offsets(%dma_start3A_316 : memref<128xi32, #tpu.memory_space<vmem>>) semaphore(%arg12 : memref<!tpu.dma_semaphore, #tpu.memory_space<semaphore_mem>>)
    %dma_start3A_320 = arith.constant 12 : i32
    %dma_start3A_321 = arith.constant 0 : i32
    %dma_start3A_322 = arith.constant 256 : i32
    %dma_start3A_323 = arith.constant 0 : i32
    %dma_start3A_324 = tpu.memref_slice %arg9[%dma_start3A_321, %dma_start3A_322, %dma_start3A_323] : memref<2x640x64xf32, #tpu.memory_space<vmem>> -> memref<1x128x64xf32, #tpu.memory_space<vmem>>
    %dma_start3A_325 = tpu.memref_squeeze %dma_start3A_324 : memref<1x128x64xf32, #tpu.memory_space<vmem>> -> memref<128x64xf32, #tpu.memory_space<vmem>>
    %dma_start3A_326 = arith.constant 0 : i32
    %dma_start3A_327 = tpu.memref_slice %arg8[%dma_start3A_320, %dma_start3A_326] : memref<20x128xi32, #tpu.memory_space<vmem>> -> memref<1x128xi32, #tpu.memory_space<vmem>>
    %dma_start3A_328 = tpu.memref_squeeze %dma_start3A_327 : memref<1x128xi32, #tpu.memory_space<vmem>> -> memref<128xi32, #tpu.memory_space<vmem>>
    %dma_start3A_329 = arith.constant 0 : i32
    %dma_start3A_330 = arith.constant 0 : i32
    %dma_start3A_331 = tpu.memref_slice %arg5[%dma_start3A_329, %dma_start3A_330] : memref<1000000x64xf32, #tpu.memory_space<hbm>> -> memref<1000000x64xf32, #tpu.memory_space<hbm>>
    tpu.enqueue_indirect_dma source(%dma_start3A_331 : memref<1000000x64xf32, #tpu.memory_space<hbm>>) target(%dma_start3A_325 : memref<128x64xf32, #tpu.memory_space<vmem>>) offsets(%dma_start3A_328 : memref<128xi32, #tpu.memory_space<vmem>>) semaphore(%arg12 : memref<!tpu.dma_semaphore, #tpu.memory_space<semaphore_mem>>)
    %dma_start3A_332 = arith.constant 13 : i32
    %dma_start3A_333 = arith.constant 0 : i32
    %dma_start3A_334 = arith.constant 384 : i32
    %dma_start3A_335 = arith.constant 0 : i32
    %dma_start3A_336 = tpu.memref_slice %arg9[%dma_start3A_333, %dma_start3A_334, %dma_start3A_335] : memref<2x640x64xf32, #tpu.memory_space<vmem>> -> memref<1x128x64xf32, #tpu.memory_space<vmem>>
    %dma_start3A_337 = tpu.memref_squeeze %dma_start3A_336 : memref<1x128x64xf32, #tpu.memory_space<vmem>> -> memref<128x64xf32, #tpu.memory_space<vmem>>
    %dma_start3A_338 = arith.constant 0 : i32
    %dma_start3A_339 = tpu.memref_slice %arg8[%dma_start3A_332, %dma_start3A_338] : memref<20x128xi32, #tpu.memory_space<vmem>> -> memref<1x128xi32, #tpu.memory_space<vmem>>
    %dma_start3A_340 = tpu.memref_squeeze %dma_start3A_339 : memref<1x128xi32, #tpu.memory_space<vmem>> -> memref<128xi32, #tpu.memory_space<vmem>>
    %dma_start3A_341 = arith.constant 0 : i32
    %dma_start3A_342 = arith.constant 0 : i32
    %dma_start3A_343 = tpu.memref_slice %arg5[%dma_start3A_341, %dma_start3A_342] : memref<1000000x64xf32, #tpu.memory_space<hbm>> -> memref<1000000x64xf32, #tpu.memory_space<hbm>>
    tpu.enqueue_indirect_dma source(%dma_start3A_343 : memref<1000000x64xf32, #tpu.memory_space<hbm>>) target(%dma_start3A_337 : memref<128x64xf32, #tpu.memory_space<vmem>>) offsets(%dma_start3A_340 : memref<128xi32, #tpu.memory_space<vmem>>) semaphore(%arg12 : memref<!tpu.dma_semaphore, #tpu.memory_space<semaphore_mem>>)
    %dma_start3A_344 = arith.constant 14 : i32
    %dma_start3A_345 = arith.constant 0 : i32
    %dma_start3A_346 = arith.constant 512 : i32
    %dma_start3A_347 = arith.constant 0 : i32
    %dma_start3A_348 = tpu.memref_slice %arg9[%dma_start3A_345, %dma_start3A_346, %dma_start3A_347] : memref<2x640x64xf32, #tpu.memory_space<vmem>> -> memref<1x128x64xf32, #tpu.memory_space<vmem>>
    %dma_start3A_349 = tpu.memref_squeeze %dma_start3A_348 : memref<1x128x64xf32, #tpu.memory_space<vmem>> -> memref<128x64xf32, #tpu.memory_space<vmem>>
    %dma_start3A_350 = arith.constant 0 : i32
    %dma_start3A_351 = tpu.memref_slice %arg8[%dma_start3A_344, %dma_start3A_350] : memref<20x128xi32, #tpu.memory_space<vmem>> -> memref<1x128xi32, #tpu.memory_space<vmem>>
    %dma_start3A_352 = tpu.memref_squeeze %dma_start3A_351 : memref<1x128xi32, #tpu.memory_space<vmem>> -> memref<128xi32, #tpu.memory_space<vmem>>
    %dma_start3A_353 = arith.constant 0 : i32
    %dma_start3A_354 = arith.constant 0 : i32
    %dma_start3A_355 = tpu.memref_slice %arg5[%dma_start3A_353, %dma_start3A_354] : memref<1000000x64xf32, #tpu.memory_space<hbm>> -> memref<1000000x64xf32, #tpu.memory_space<hbm>>
    tpu.enqueue_indirect_dma source(%dma_start3A_355 : memref<1000000x64xf32, #tpu.memory_space<hbm>>) target(%dma_start3A_349 : memref<128x64xf32, #tpu.memory_space<vmem>>) offsets(%dma_start3A_352 : memref<128xi32, #tpu.memory_space<vmem>>) semaphore(%arg12 : memref<!tpu.dma_semaphore, #tpu.memory_space<semaphore_mem>>)
    %dma_wait3A_356 = arith.constant 0 : i32
    %dma_wait3A_357 = arith.constant 0 : i32
    %dma_wait3A_358 = arith.constant 0 : i32
    %dma_wait3A_359 = tpu.memref_slice %arg9[%dma_wait3A_356, %dma_wait3A_357, %dma_wait3A_358] : memref<2x640x64xf32, #tpu.memory_space<vmem>> -> memref<1x640x64xf32, #tpu.memory_space<vmem>>
    %dma_wait3A_360 = tpu.memref_squeeze %dma_wait3A_359 : memref<1x640x64xf32, #tpu.memory_space<vmem>> -> memref<640x64xf32, #tpu.memory_space<vmem>>
    %dma_wait3A_361 = arith.constant 0 : i32
    %dma_wait3A_362 = arith.constant 0 : i32
    %dma_wait3A_363 = tpu.memref_slice %arg4[%dma_wait3A_361, %dma_wait3A_362] : memref<1000000x64xf32, #tpu.memory_space<hbm>> -> memref<640x64xf32, #tpu.memory_space<hbm>>
    %dma_wait3A_364 = arith.constant 0 : i32
    %dma_wait3A_365 = arith.constant 0 : i32
    %dma_wait3A_366 = tpu.memref_slice %arg9[%dma_wait3A_356, %dma_wait3A_364, %dma_wait3A_365] : memref<2x640x64xf32, #tpu.memory_space<vmem>> -> memref<1x640x64xf32, #tpu.memory_space<vmem>>
    %dma_wait3A_367 = tpu.memref_squeeze %dma_wait3A_366 : memref<1x640x64xf32, #tpu.memory_space<vmem>> -> memref<640x64xf32, #tpu.memory_space<vmem>>
    %dma_wait3A_368 = arith.constant 0 : i32
    %dma_wait3A_369 = arith.constant 0 : i32
    %dma_wait3A_370 = tpu.memref_slice %arg4[%dma_wait3A_368, %dma_wait3A_369] : memref<1000000x64xf32, #tpu.memory_space<hbm>> -> memref<640x64xf32, #tpu.memory_space<hbm>>
    tpu.wait_dma2 semaphore(%arg12 : memref<!tpu.dma_semaphore, #tpu.memory_space<semaphore_mem>>) src(%dma_wait3A_370 : memref<640x64xf32, #tpu.memory_space<hbm>>) dst(%dma_wait3A_367 : memref<640x64xf32, #tpu.memory_space<vmem>>)
    %dma_start3A_371 = arith.constant 15 : i32
    %dma_start3A_372 = arith.constant 1 : i32
    %dma_start3A_373 = arith.constant 0 : i32
    %dma_start3A_374 = arith.constant 0 : i32
    %dma_start3A_375 = tpu.memref_slice %arg9[%dma_start3A_372, %dma_start3A_373, %dma_start3A_374] : memref<2x640x64xf32, #tpu.memory_space<vmem>> -> memref<1x128x64xf32, #tpu.memory_space<vmem>>
    %dma_start3A_376 = tpu.memref_squeeze %dma_start3A_375 : memref<1x128x64xf32, #tpu.memory_space<vmem>> -> memref<128x64xf32, #tpu.memory_space<vmem>>
    %dma_start3A_377 = arith.constant 0 : i32
    %dma_start3A_378 = tpu.memref_slice %arg8[%dma_start3A_371, %dma_start3A_377] : memref<20x128xi32, #tpu.memory_space<vmem>> -> memref<1x128xi32, #tpu.memory_space<vmem>>
    %dma_start3A_379 = tpu.memref_squeeze %dma_start3A_378 : memref<1x128xi32, #tpu.memory_space<vmem>> -> memref<128xi32, #tpu.memory_space<vmem>>
    %dma_start3A_380 = arith.constant 0 : i32
    %dma_start3A_381 = arith.constant 0 : i32
    %dma_start3A_382 = tpu.memref_slice %arg5[%dma_start3A_380, %dma_start3A_381] : memref<1000000x64xf32, #tpu.memory_space<hbm>> -> memref<1000000x64xf32, #tpu.memory_space<hbm>>
    tpu.enqueue_indirect_dma source(%dma_start3A_382 : memref<1000000x64xf32, #tpu.memory_space<hbm>>) target(%dma_start3A_376 : memref<128x64xf32, #tpu.memory_space<vmem>>) offsets(%dma_start3A_379 : memref<128xi32, #tpu.memory_space<vmem>>) semaphore(%arg13 : memref<!tpu.dma_semaphore, #tpu.memory_space<semaphore_mem>>)
    %dma_start3A_383 = arith.constant 16 : i32
    %dma_start3A_384 = arith.constant 1 : i32
    %dma_start3A_385 = arith.constant 128 : i32
    %dma_start3A_386 = arith.constant 0 : i32
    %dma_start3A_387 = tpu.memref_slice %arg9[%dma_start3A_384, %dma_start3A_385, %dma_start3A_386] : memref<2x640x64xf32, #tpu.memory_space<vmem>> -> memref<1x128x64xf32, #tpu.memory_space<vmem>>
    %dma_start3A_388 = tpu.memref_squeeze %dma_start3A_387 : memref<1x128x64xf32, #tpu.memory_space<vmem>> -> memref<128x64xf32, #tpu.memory_space<vmem>>
    %dma_start3A_389 = arith.constant 0 : i32
    %dma_start3A_390 = tpu.memref_slice %arg8[%dma_start3A_383, %dma_start3A_389] : memref<20x128xi32, #tpu.memory_space<vmem>> -> memref<1x128xi32, #tpu.memory_space<vmem>>
    %dma_start3A_391 = tpu.memref_squeeze %dma_start3A_390 : memref<1x128xi32, #tpu.memory_space<vmem>> -> memref<128xi32, #tpu.memory_space<vmem>>
    %dma_start3A_392 = arith.constant 0 : i32
    %dma_start3A_393 = arith.constant 0 : i32
    %dma_start3A_394 = tpu.memref_slice %arg5[%dma_start3A_392, %dma_start3A_393] : memref<1000000x64xf32, #tpu.memory_space<hbm>> -> memref<1000000x64xf32, #tpu.memory_space<hbm>>
    tpu.enqueue_indirect_dma source(%dma_start3A_394 : memref<1000000x64xf32, #tpu.memory_space<hbm>>) target(%dma_start3A_388 : memref<128x64xf32, #tpu.memory_space<vmem>>) offsets(%dma_start3A_391 : memref<128xi32, #tpu.memory_space<vmem>>) semaphore(%arg13 : memref<!tpu.dma_semaphore, #tpu.memory_space<semaphore_mem>>)
    %dma_start3A_395 = arith.constant 17 : i32
    %dma_start3A_396 = arith.constant 1 : i32
    %dma_start3A_397 = arith.constant 256 : i32
    %dma_start3A_398 = arith.constant 0 : i32
    %dma_start3A_399 = tpu.memref_slice %arg9[%dma_start3A_396, %dma_start3A_397, %dma_start3A_398] : memref<2x640x64xf32, #tpu.memory_space<vmem>> -> memref<1x128x64xf32, #tpu.memory_space<vmem>>
    %dma_start3A_400 = tpu.memref_squeeze %dma_start3A_399 : memref<1x128x64xf32, #tpu.memory_space<vmem>> -> memref<128x64xf32, #tpu.memory_space<vmem>>
    %dma_start3A_401 = arith.constant 0 : i32
    %dma_start3A_402 = tpu.memref_slice %arg8[%dma_start3A_395, %dma_start3A_401] : memref<20x128xi32, #tpu.memory_space<vmem>> -> memref<1x128xi32, #tpu.memory_space<vmem>>
    %dma_start3A_403 = tpu.memref_squeeze %dma_start3A_402 : memref<1x128xi32, #tpu.memory_space<vmem>> -> memref<128xi32, #tpu.memory_space<vmem>>
    %dma_start3A_404 = arith.constant 0 : i32
    %dma_start3A_405 = arith.constant 0 : i32
    %dma_start3A_406 = tpu.memref_slice %arg5[%dma_start3A_404, %dma_start3A_405] : memref<1000000x64xf32, #tpu.memory_space<hbm>> -> memref<1000000x64xf32, #tpu.memory_space<hbm>>
    tpu.enqueue_indirect_dma source(%dma_start3A_406 : memref<1000000x64xf32, #tpu.memory_space<hbm>>) target(%dma_start3A_400 : memref<128x64xf32, #tpu.memory_space<vmem>>) offsets(%dma_start3A_403 : memref<128xi32, #tpu.memory_space<vmem>>) semaphore(%arg13 : memref<!tpu.dma_semaphore, #tpu.memory_space<semaphore_mem>>)
    %dma_start3A_407 = arith.constant 18 : i32
    %dma_start3A_408 = arith.constant 1 : i32
    %dma_start3A_409 = arith.constant 384 : i32
    %dma_start3A_410 = arith.constant 0 : i32
    %dma_start3A_411 = tpu.memref_slice %arg9[%dma_start3A_408, %dma_start3A_409, %dma_start3A_410] : memref<2x640x64xf32, #tpu.memory_space<vmem>> -> memref<1x128x64xf32, #tpu.memory_space<vmem>>
    %dma_start3A_412 = tpu.memref_squeeze %dma_start3A_411 : memref<1x128x64xf32, #tpu.memory_space<vmem>> -> memref<128x64xf32, #tpu.memory_space<vmem>>
    %dma_start3A_413 = arith.constant 0 : i32
    %dma_start3A_414 = tpu.memref_slice %arg8[%dma_start3A_407, %dma_start3A_413] : memref<20x128xi32, #tpu.memory_space<vmem>> -> memref<1x128xi32, #tpu.memory_space<vmem>>
    %dma_start3A_415 = tpu.memref_squeeze %dma_start3A_414 : memref<1x128xi32, #tpu.memory_space<vmem>> -> memref<128xi32, #tpu.memory_space<vmem>>
    %dma_start3A_416 = arith.constant 0 : i32
    %dma_start3A_417 = arith.constant 0 : i32
    %dma_start3A_418 = tpu.memref_slice %arg5[%dma_start3A_416, %dma_start3A_417] : memref<1000000x64xf32, #tpu.memory_space<hbm>> -> memref<1000000x64xf32, #tpu.memory_space<hbm>>
    tpu.enqueue_indirect_dma source(%dma_start3A_418 : memref<1000000x64xf32, #tpu.memory_space<hbm>>) target(%dma_start3A_412 : memref<128x64xf32, #tpu.memory_space<vmem>>) offsets(%dma_start3A_415 : memref<128xi32, #tpu.memory_space<vmem>>) semaphore(%arg13 : memref<!tpu.dma_semaphore, #tpu.memory_space<semaphore_mem>>)
    %dma_start3A_419 = arith.constant 19 : i32
    %dma_start3A_420 = arith.constant 1 : i32
    %dma_start3A_421 = arith.constant 512 : i32
    %dma_start3A_422 = arith.constant 0 : i32
    %dma_start3A_423 = tpu.memref_slice %arg9[%dma_start3A_420, %dma_start3A_421, %dma_start3A_422] : memref<2x640x64xf32, #tpu.memory_space<vmem>> -> memref<1x128x64xf32, #tpu.memory_space<vmem>>
    %dma_start3A_424 = tpu.memref_squeeze %dma_start3A_423 : memref<1x128x64xf32, #tpu.memory_space<vmem>> -> memref<128x64xf32, #tpu.memory_space<vmem>>
    %dma_start3A_425 = arith.constant 0 : i32
    %dma_start3A_426 = tpu.memref_slice %arg8[%dma_start3A_419, %dma_start3A_425] : memref<20x128xi32, #tpu.memory_space<vmem>> -> memref<1x128xi32, #tpu.memory_space<vmem>>
    %dma_start3A_427 = tpu.memref_squeeze %dma_start3A_426 : memref<1x128xi32, #tpu.memory_space<vmem>> -> memref<128xi32, #tpu.memory_space<vmem>>
    %dma_start3A_428 = arith.constant 0 : i32
    %dma_start3A_429 = arith.constant 0 : i32
    %dma_start3A_430 = tpu.memref_slice %arg5[%dma_start3A_428, %dma_start3A_429] : memref<1000000x64xf32, #tpu.memory_space<hbm>> -> memref<1000000x64xf32, #tpu.memory_space<hbm>>
    tpu.enqueue_indirect_dma source(%dma_start3A_430 : memref<1000000x64xf32, #tpu.memory_space<hbm>>) target(%dma_start3A_424 : memref<128x64xf32, #tpu.memory_space<vmem>>) offsets(%dma_start3A_427 : memref<128xi32, #tpu.memory_space<vmem>>) semaphore(%arg13 : memref<!tpu.dma_semaphore, #tpu.memory_space<semaphore_mem>>)
    %scan3A_431 = arith.constant 0 : i32
    %scan3A_432 = arith.constant 0 : i32
    %scan3A_433 = arith.constant 8 : i32
    %scan3A_434 = arith.addi %scan3A_432, %scan3A_433 : i32
    %scan3A_435 = arith.constant 1 : i32
    %scan3A_436 = scf.for %scan3A_460 = %scan3A_432 to %scan3A_434 step %scan3A_435 iter_args(%scan3A_461 = %scan3A_431) -> (i32)  : i32 {
      %mul3A_462 = arith.constant 16 : i32
      %mul3A_463 = arith.muli %scan3A_460, %mul3A_462 : i32
      %add3A_464 = arith.constant 0 : i32
      %add3A_465 = arith.addi %add3A_464, %mul3A_463 : i32
      %broadcast_in_dim3A = arith.constant 0.000000e+00 : f32
      %broadcast_in_dim3A_466 = vector.broadcast %broadcast_in_dim3A : f32 to vector<16xf32>
      %scan3A_467 = arith.constant 0 : i32
      %scan3A_468 = arith.constant 16 : i32
      %scan3A_469 = arith.addi %scan3A_467, %scan3A_468 : i32
      %scan3A_470 = arith.constant 1 : i32
      %scan3A_471:5 = scf.for %scan3A_513 = %scan3A_467 to %scan3A_469 step %scan3A_470 iter_args(%scan3A_514 = %broadcast_in_dim3A_466, %scan3A_515 = %broadcast_in_dim3A_466, %scan3A_516 = %broadcast_in_dim3A_466, %scan3A_517 = %broadcast_in_dim3A_466, %scan3A_518 = %broadcast_in_dim3A_466) -> (vector<16xf32>, vector<16xf32>, vector<16xf32>, vector<16xf32>, vector<16xf32>)  : i32 {
        %add3A_519 = arith.addi %add3A_465, %scan3A_513 : i32
        %get3A = arith.index_cast %add3A_519 : i32 to index
        %get3A_520 = arith.constant 0 : index
        %get3A_521 = tpu.vector_load %arg10[%get3A, %get3A_520] {strides = array<i32>} : memref<256x64xf32, #tpu.memory_space<vmem>>, vector<16xf32>,
        %get3A_522 = arith.index_cast %add3A_519 : i32 to index
        %get3A_523 = arith.constant 16 : index
        %get3A_524 = tpu.vector_load %arg10[%get3A_522, %get3A_523] {strides = array<i32>} : memref<256x64xf32, #tpu.memory_space<vmem>>, vector<16xf32>,
        %get3A_525 = arith.index_cast %add3A_519 : i32 to index
        %get3A_526 = arith.constant 32 : index
        %get3A_527 = tpu.vector_load %arg10[%get3A_525, %get3A_526] {strides = array<i32>} : memref<256x64xf32, #tpu.memory_space<vmem>>, vector<16xf32>,
        %get3A_528 = arith.index_cast %add3A_519 : i32 to index
        %get3A_529 = arith.constant 48 : index
        %get3A_530 = tpu.vector_load %arg10[%get3A_528, %get3A_529] {strides = array<i32>} : memref<256x64xf32, #tpu.memory_space<vmem>>, vector<16xf32>,
        %mul3A_531 = arith.constant 16 : i32
        %mul3A_532 = arith.muli %scan3A_460, %mul3A_531 : i32
        %add3A_533 = arith.addi %mul3A_532, %scan3A_513 : i32
        %mul3A_534 = arith.constant 5 : i32
        %mul3A_535 = arith.muli %add3A_533, %mul3A_534 : i32
        %add3A_536 = arith.constant 0 : i32
        %add3A_537 = arith.addi %mul3A_535, %add3A_536 : i32
        %get3A_538 = arith.constant 0 : i32
        %get3A_539 = arith.index_cast %get3A_538 : i32 to index
        %get3A_540 = arith.index_cast %add3A_537 : i32 to index
        %get3A_541 = arith.constant 0 : index
        %get3A_542 = tpu.vector_load %arg9[%get3A_539, %get3A_540, %get3A_541] {strides = array<i32>} : memref<2x640x64xf32, #tpu.memory_space<vmem>>, vector<16xf32>,
        %mul3A_543 = arith.mulf %get3A_521, %get3A_542 : vector<16xf32>
        %add3A_544 = arith.constant 0 : i32
        %add3A_545 = arith.addi %mul3A_535, %add3A_544 : i32
        %get3A_546 = arith.constant 0 : i32
        %get3A_547 = arith.index_cast %get3A_546 : i32 to index
        %get3A_548 = arith.index_cast %add3A_545 : i32 to index
        %get3A_549 = arith.constant 16 : index
        %get3A_550 = tpu.vector_load %arg9[%get3A_547, %get3A_548, %get3A_549] {strides = array<i32>} : memref<2x640x64xf32, #tpu.memory_space<vmem>>, vector<16xf32>,
        %mul3A_551 = arith.mulf %get3A_524, %get3A_550 : vector<16xf32>
        %add3A_552 = arith.addf %mul3A_543, %mul3A_551 : vector<16xf32>
        %add3A_553 = arith.constant 0 : i32
        %add3A_554 = arith.addi %mul3A_535, %add3A_553 : i32
        %get3A_555 = arith.constant 0 : i32
        %get3A_556 = arith.index_cast %get3A_555 : i32 to index
        %get3A_557 = arith.index_cast %add3A_554 : i32 to index
        %get3A_558 = arith.constant 32 : index
        %get3A_559 = tpu.vector_load %arg9[%get3A_556, %get3A_557, %get3A_558] {strides = array<i32>} : memref<2x640x64xf32, #tpu.memory_space<vmem>>, vector<16xf32>,
        %mul3A_560 = arith.mulf %get3A_527, %get3A_559 : vector<16xf32>
        %add3A_561 = arith.addf %add3A_552, %mul3A_560 : vector<16xf32>
        %add3A_562 = arith.constant 0 : i32
        %add3A_563 = arith.addi %mul3A_535, %add3A_562 : i32
        %get3A_564 = arith.constant 0 : i32
        %get3A_565 = arith.index_cast %get3A_564 : i32 to index
        %get3A_566 = arith.index_cast %add3A_563 : i32 to index
        %get3A_567 = arith.constant 48 : index
        %get3A_568 = tpu.vector_load %arg9[%get3A_565, %get3A_566, %get3A_567] {strides = array<i32>} : memref<2x640x64xf32, #tpu.memory_space<vmem>>, vector<16xf32>,
        %mul3A_569 = arith.mulf %get3A_530, %get3A_568 : vector<16xf32>
        %add3A_570 = arith.addf %add3A_561, %mul3A_569 : vector<16xf32>
        %reduce_sum3A = arith.constant true
        %reduce_sum3A_571 = vector.broadcast %reduce_sum3A : i1 to vector<16xi1>
        %reduce_sum3A_572 = tpu.scan <sum>, %add3A_570 masked %reduce_sum3A_571 : vector<16xf32>, vector<16xi1> -> vector<16xf32>
        %reduce_sum3A_573 = vector.extract %reduce_sum3A_572[15] : f32 from vector<16xf32>
        %eq3A = vector.broadcast %scan3A_513 : i32 to vector<16xi32>
        %eq3A_574 = arith.cmpi eq, %iota3A, %eq3A : vector<16xi32>
        %broadcast_in_dim3A_575 = vector.broadcast %reduce_sum3A_573 : f32 to vector<16xf32>
        %select_n3A = arith.select %eq3A_574, %broadcast_in_dim3A_575, %scan3A_514 : vector<16xi1>, vector<16xf32>
        %add3A_576 = arith.constant 1 : i32
        %add3A_577 = arith.addi %mul3A_535, %add3A_576 : i32
        %get3A_578 = arith.constant 0 : i32
        %get3A_579 = arith.index_cast %get3A_578 : i32 to index
        %get3A_580 = arith.index_cast %add3A_577 : i32 to index
        %get3A_581 = arith.constant 0 : index
        %get3A_582 = tpu.vector_load %arg9[%get3A_579, %get3A_580, %get3A_581] {strides = array<i32>} : memref<2x640x64xf32, #tpu.memory_space<vmem>>, vector<16xf32>,
        %mul3A_583 = arith.mulf %get3A_521, %get3A_582 : vector<16xf32>
        %add3A_584 = arith.constant 1 : i32
        %add3A_585 = arith.addi %mul3A_535, %add3A_584 : i32
        %get3A_586 = arith.constant 0 : i32
        %get3A_587 = arith.index_cast %get3A_586 : i32 to index
        %get3A_588 = arith.index_cast %add3A_585 : i32 to index
        %get3A_589 = arith.constant 16 : index
        %get3A_590 = tpu.vector_load %arg9[%get3A_587, %get3A_588, %get3A_589] {strides = array<i32>} : memref<2x640x64xf32, #tpu.memory_space<vmem>>, vector<16xf32>,
        %mul3A_591 = arith.mulf %get3A_524, %get3A_590 : vector<16xf32>
        %add3A_592 = arith.addf %mul3A_583, %mul3A_591 : vector<16xf32>
        %add3A_593 = arith.constant 1 : i32
        %add3A_594 = arith.addi %mul3A_535, %add3A_593 : i32
        %get3A_595 = arith.constant 0 : i32
        %get3A_596 = arith.index_cast %get3A_595 : i32 to index
        %get3A_597 = arith.index_cast %add3A_594 : i32 to index
        %get3A_598 = arith.constant 32 : index
        %get3A_599 = tpu.vector_load %arg9[%get3A_596, %get3A_597, %get3A_598] {strides = array<i32>} : memref<2x640x64xf32, #tpu.memory_space<vmem>>, vector<16xf32>,
        %mul3A_600 = arith.mulf %get3A_527, %get3A_599 : vector<16xf32>
        %add3A_601 = arith.addf %add3A_592, %mul3A_600 : vector<16xf32>
        %add3A_602 = arith.constant 1 : i32
        %add3A_603 = arith.addi %mul3A_535, %add3A_602 : i32
        %get3A_604 = arith.constant 0 : i32
        %get3A_605 = arith.index_cast %get3A_604 : i32 to index
        %get3A_606 = arith.index_cast %add3A_603 : i32 to index
        %get3A_607 = arith.constant 48 : index
        %get3A_608 = tpu.vector_load %arg9[%get3A_605, %get3A_606, %get3A_607] {strides = array<i32>} : memref<2x640x64xf32, #tpu.memory_space<vmem>>, vector<16xf32>,
        %mul3A_609 = arith.mulf %get3A_530, %get3A_608 : vector<16xf32>
        %add3A_610 = arith.addf %add3A_601, %mul3A_609 : vector<16xf32>
        %reduce_sum3A_611 = arith.constant true
        %reduce_sum3A_612 = vector.broadcast %reduce_sum3A_611 : i1 to vector<16xi1>
        %reduce_sum3A_613 = tpu.scan <sum>, %add3A_610 masked %reduce_sum3A_612 : vector<16xf32>, vector<16xi1> -> vector<16xf32>
        %reduce_sum3A_614 = vector.extract %reduce_sum3A_613[15] : f32 from vector<16xf32>
        %eq3A_615 = vector.broadcast %scan3A_513 : i32 to vector<16xi32>
        %eq3A_616 = arith.cmpi eq, %iota3A, %eq3A_615 : vector<16xi32>
        %broadcast_in_dim3A_617 = vector.broadcast %reduce_sum3A_614 : f32 to vector<16xf32>
        %select_n3A_618 = arith.select %eq3A_616, %broadcast_in_dim3A_617, %scan3A_515 : vector<16xi1>, vector<16xf32>
        %add3A_619 = arith.constant 2 : i32
        %add3A_620 = arith.addi %mul3A_535, %add3A_619 : i32
        %get3A_621 = arith.constant 0 : i32
        %get3A_622 = arith.index_cast %get3A_621 : i32 to index
        %get3A_623 = arith.index_cast %add3A_620 : i32 to index
        %get3A_624 = arith.constant 0 : index
        %get3A_625 = tpu.vector_load %arg9[%get3A_622, %get3A_623, %get3A_624] {strides = array<i32>} : memref<2x640x64xf32, #tpu.memory_space<vmem>>, vector<16xf32>,
        %mul3A_626 = arith.mulf %get3A_521, %get3A_625 : vector<16xf32>
        %add3A_627 = arith.constant 2 : i32
        %add3A_628 = arith.addi %mul3A_535, %add3A_627 : i32
        %get3A_629 = arith.constant 0 : i32
        %get3A_630 = arith.index_cast %get3A_629 : i32 to index
        %get3A_631 = arith.index_cast %add3A_628 : i32 to index
        %get3A_632 = arith.constant 16 : index
        %get3A_633 = tpu.vector_load %arg9[%get3A_630, %get3A_631, %get3A_632] {strides = array<i32>} : memref<2x640x64xf32, #tpu.memory_space<vmem>>, vector<16xf32>,
        %mul3A_634 = arith.mulf %get3A_524, %get3A_633 : vector<16xf32>
        %add3A_635 = arith.addf %mul3A_626, %mul3A_634 : vector<16xf32>
        %add3A_636 = arith.constant 2 : i32
        %add3A_637 = arith.addi %mul3A_535, %add3A_636 : i32
        %get3A_638 = arith.constant 0 : i32
        %get3A_639 = arith.index_cast %get3A_638 : i32 to index
        %get3A_640 = arith.index_cast %add3A_637 : i32 to index
        %get3A_641 = arith.constant 32 : index
        %get3A_642 = tpu.vector_load %arg9[%get3A_639, %get3A_640, %get3A_641] {strides = array<i32>} : memref<2x640x64xf32, #tpu.memory_space<vmem>>, vector<16xf32>,
        %mul3A_643 = arith.mulf %get3A_527, %get3A_642 : vector<16xf32>
        %add3A_644 = arith.addf %add3A_635, %mul3A_643 : vector<16xf32>
        %add3A_645 = arith.constant 2 : i32
        %add3A_646 = arith.addi %mul3A_535, %add3A_645 : i32
        %get3A_647 = arith.constant 0 : i32
        %get3A_648 = arith.index_cast %get3A_647 : i32 to index
        %get3A_649 = arith.index_cast %add3A_646 : i32 to index
        %get3A_650 = arith.constant 48 : index
        %get3A_651 = tpu.vector_load %arg9[%get3A_648, %get3A_649, %get3A_650] {strides = array<i32>} : memref<2x640x64xf32, #tpu.memory_space<vmem>>, vector<16xf32>,
        %mul3A_652 = arith.mulf %get3A_530, %get3A_651 : vector<16xf32>
        %add3A_653 = arith.addf %add3A_644, %mul3A_652 : vector<16xf32>
        %reduce_sum3A_654 = arith.constant true
        %reduce_sum3A_655 = vector.broadcast %reduce_sum3A_654 : i1 to vector<16xi1>
        %reduce_sum3A_656 = tpu.scan <sum>, %add3A_653 masked %reduce_sum3A_655 : vector<16xf32>, vector<16xi1> -> vector<16xf32>
        %reduce_sum3A_657 = vector.extract %reduce_sum3A_656[15] : f32 from vector<16xf32>
        %eq3A_658 = vector.broadcast %scan3A_513 : i32 to vector<16xi32>
        %eq3A_659 = arith.cmpi eq, %iota3A, %eq3A_658 : vector<16xi32>
        %broadcast_in_dim3A_660 = vector.broadcast %reduce_sum3A_657 : f32 to vector<16xf32>
        %select_n3A_661 = arith.select %eq3A_659, %broadcast_in_dim3A_660, %scan3A_516 : vector<16xi1>, vector<16xf32>
        %add3A_662 = arith.constant 3 : i32
        %add3A_663 = arith.addi %mul3A_535, %add3A_662 : i32
        %get3A_664 = arith.constant 0 : i32
        %get3A_665 = arith.index_cast %get3A_664 : i32 to index
        %get3A_666 = arith.index_cast %add3A_663 : i32 to index
        %get3A_667 = arith.constant 0 : index
        %get3A_668 = tpu.vector_load %arg9[%get3A_665, %get3A_666, %get3A_667] {strides = array<i32>} : memref<2x640x64xf32, #tpu.memory_space<vmem>>, vector<16xf32>,
        %mul3A_669 = arith.mulf %get3A_521, %get3A_668 : vector<16xf32>
        %add3A_670 = arith.constant 3 : i32
        %add3A_671 = arith.addi %mul3A_535, %add3A_670 : i32
        %get3A_672 = arith.constant 0 : i32
        %get3A_673 = arith.index_cast %get3A_672 : i32 to index
        %get3A_674 = arith.index_cast %add3A_671 : i32 to index
        %get3A_675 = arith.constant 16 : index
        %get3A_676 = tpu.vector_load %arg9[%get3A_673, %get3A_674, %get3A_675] {strides = array<i32>} : memref<2x640x64xf32, #tpu.memory_space<vmem>>, vector<16xf32>,
        %mul3A_677 = arith.mulf %get3A_524, %get3A_676 : vector<16xf32>
        %add3A_678 = arith.addf %mul3A_669, %mul3A_677 : vector<16xf32>
        %add3A_679 = arith.constant 3 : i32
        %add3A_680 = arith.addi %mul3A_535, %add3A_679 : i32
        %get3A_681 = arith.constant 0 : i32
        %get3A_682 = arith.index_cast %get3A_681 : i32 to index
        %get3A_683 = arith.index_cast %add3A_680 : i32 to index
        %get3A_684 = arith.constant 32 : index
        %get3A_685 = tpu.vector_load %arg9[%get3A_682, %get3A_683, %get3A_684] {strides = array<i32>} : memref<2x640x64xf32, #tpu.memory_space<vmem>>, vector<16xf32>,
        %mul3A_686 = arith.mulf %get3A_527, %get3A_685 : vector<16xf32>
        %add3A_687 = arith.addf %add3A_678, %mul3A_686 : vector<16xf32>
        %add3A_688 = arith.constant 3 : i32
        %add3A_689 = arith.addi %mul3A_535, %add3A_688 : i32
        %get3A_690 = arith.constant 0 : i32
        %get3A_691 = arith.index_cast %get3A_690 : i32 to index
        %get3A_692 = arith.index_cast %add3A_689 : i32 to index
        %get3A_693 = arith.constant 48 : index
        %get3A_694 = tpu.vector_load %arg9[%get3A_691, %get3A_692, %get3A_693] {strides = array<i32>} : memref<2x640x64xf32, #tpu.memory_space<vmem>>, vector<16xf32>,
        %mul3A_695 = arith.mulf %get3A_530, %get3A_694 : vector<16xf32>
        %add3A_696 = arith.addf %add3A_687, %mul3A_695 : vector<16xf32>
        %reduce_sum3A_697 = arith.constant true
        %reduce_sum3A_698 = vector.broadcast %reduce_sum3A_697 : i1 to vector<16xi1>
        %reduce_sum3A_699 = tpu.scan <sum>, %add3A_696 masked %reduce_sum3A_698 : vector<16xf32>, vector<16xi1> -> vector<16xf32>
        %reduce_sum3A_700 = vector.extract %reduce_sum3A_699[15] : f32 from vector<16xf32>
        %eq3A_701 = vector.broadcast %scan3A_513 : i32 to vector<16xi32>
        %eq3A_702 = arith.cmpi eq, %iota3A, %eq3A_701 : vector<16xi32>
        %broadcast_in_dim3A_703 = vector.broadcast %reduce_sum3A_700 : f32 to vector<16xf32>
        %select_n3A_704 = arith.select %eq3A_702, %broadcast_in_dim3A_703, %scan3A_517 : vector<16xi1>, vector<16xf32>
        %add3A_705 = arith.constant 4 : i32
        %add3A_706 = arith.addi %mul3A_535, %add3A_705 : i32
        %get3A_707 = arith.constant 0 : i32
        %get3A_708 = arith.index_cast %get3A_707 : i32 to index
        %get3A_709 = arith.index_cast %add3A_706 : i32 to index
        %get3A_710 = arith.constant 0 : index
        %get3A_711 = tpu.vector_load %arg9[%get3A_708, %get3A_709, %get3A_710] {strides = array<i32>} : memref<2x640x64xf32, #tpu.memory_space<vmem>>, vector<16xf32>,
        %mul3A_712 = arith.mulf %get3A_521, %get3A_711 : vector<16xf32>
        %add3A_713 = arith.constant 4 : i32
        %add3A_714 = arith.addi %mul3A_535, %add3A_713 : i32
        %get3A_715 = arith.constant 0 : i32
        %get3A_716 = arith.index_cast %get3A_715 : i32 to index
        %get3A_717 = arith.index_cast %add3A_714 : i32 to index
        %get3A_718 = arith.constant 16 : index
        %get3A_719 = tpu.vector_load %arg9[%get3A_716, %get3A_717, %get3A_718] {strides = array<i32>} : memref<2x640x64xf32, #tpu.memory_space<vmem>>, vector<16xf32>,
        %mul3A_720 = arith.mulf %get3A_524, %get3A_719 : vector<16xf32>
        %add3A_721 = arith.addf %mul3A_712, %mul3A_720 : vector<16xf32>
        %add3A_722 = arith.constant 4 : i32
        %add3A_723 = arith.addi %mul3A_535, %add3A_722 : i32
        %get3A_724 = arith.constant 0 : i32
        %get3A_725 = arith.index_cast %get3A_724 : i32 to index
        %get3A_726 = arith.index_cast %add3A_723 : i32 to index
        %get3A_727 = arith.constant 32 : index
        %get3A_728 = tpu.vector_load %arg9[%get3A_725, %get3A_726, %get3A_727] {strides = array<i32>} : memref<2x640x64xf32, #tpu.memory_space<vmem>>, vector<16xf32>,
        %mul3A_729 = arith.mulf %get3A_527, %get3A_728 : vector<16xf32>
        %add3A_730 = arith.addf %add3A_721, %mul3A_729 : vector<16xf32>
        %add3A_731 = arith.constant 4 : i32
        %add3A_732 = arith.addi %mul3A_535, %add3A_731 : i32
        %get3A_733 = arith.constant 0 : i32
        %get3A_734 = arith.index_cast %get3A_733 : i32 to index
        %get3A_735 = arith.index_cast %add3A_732 : i32 to index
        %get3A_736 = arith.constant 48 : index
        %get3A_737 = tpu.vector_load %arg9[%get3A_734, %get3A_735, %get3A_736] {strides = array<i32>} : memref<2x640x64xf32, #tpu.memory_space<vmem>>, vector<16xf32>,
        %mul3A_738 = arith.mulf %get3A_530, %get3A_737 : vector<16xf32>
        %add3A_739 = arith.addf %add3A_730, %mul3A_738 : vector<16xf32>
        %reduce_sum3A_740 = arith.constant true
        %reduce_sum3A_741 = vector.broadcast %reduce_sum3A_740 : i1 to vector<16xi1>
        %reduce_sum3A_742 = tpu.scan <sum>, %add3A_739 masked %reduce_sum3A_741 : vector<16xf32>, vector<16xi1> -> vector<16xf32>
        %reduce_sum3A_743 = vector.extract %reduce_sum3A_742[15] : f32 from vector<16xf32>
        %eq3A_744 = vector.broadcast %scan3A_513 : i32 to vector<16xi32>
        %eq3A_745 = arith.cmpi eq, %iota3A, %eq3A_744 : vector<16xi32>
        %broadcast_in_dim3A_746 = vector.broadcast %reduce_sum3A_743 : f32 to vector<16xf32>
        %select_n3A_747 = arith.select %eq3A_745, %broadcast_in_dim3A_746, %scan3A_518 : vector<16xi1>, vector<16xf32>
        scf.yield %select_n3A, %select_n3A_618, %select_n3A_661, %select_n3A_704, %select_n3A_747 : vector<16xf32>, vector<16xf32>, vector<16xf32>, vector<16xf32>, vector<16xf32>
      }
      %scan3A_472 = arith.constant 16 : i32
      %add3A_473 = arith.constant 256 : i32
      %add3A_474 = arith.addi %add3A_473, %add3A_465 : i32
      %mul3A_475 = arith.constant 5 : i32
      %mul3A_476 = arith.muli %add3A_474, %mul3A_475 : i32
      %mul3A_477 = arith.constant 5 : i32
      %mul3A_478 = vector.broadcast %mul3A_477 : i32 to vector<16xi32>
      %mul3A_479 = arith.muli %iota3A, %mul3A_478 : vector<16xi32>
      %add3A_480 = arith.constant 0 : i32
      %add3A_481 = arith.addi %mul3A_476, %add3A_480 : i32
      %add3A_482 = vector.broadcast %add3A_481 : i32 to vector<16xi32>
      %add3A_483 = arith.addi %mul3A_479, %add3A_482 : vector<16xi32>
      tpu.vector_store_idx %arg11[%add3A_483], %scan3A_471#0 : memref<2560xf32, #tpu.memory_space<vmem>>[vector<16xi32>], vector<16xf32>,
      %mul3A_484 = arith.constant 5 : i32
      %mul3A_485 = vector.broadcast %mul3A_484 : i32 to vector<16xi32>
      %mul3A_486 = arith.muli %iota3A, %mul3A_485 : vector<16xi32>
      %add3A_487 = arith.constant 1 : i32
      %add3A_488 = arith.addi %mul3A_476, %add3A_487 : i32
      %add3A_489 = vector.broadcast %add3A_488 : i32 to vector<16xi32>
      %add3A_490 = arith.addi %mul3A_486, %add3A_489 : vector<16xi32>
      tpu.vector_store_idx %arg11[%add3A_490], %scan3A_471#1 : memref<2560xf32, #tpu.memory_space<vmem>>[vector<16xi32>], vector<16xf32>,
      %mul3A_491 = arith.constant 5 : i32
      %mul3A_492 = vector.broadcast %mul3A_491 : i32 to vector<16xi32>
      %mul3A_493 = arith.muli %iota3A, %mul3A_492 : vector<16xi32>
      %add3A_494 = arith.constant 2 : i32
      %add3A_495 = arith.addi %mul3A_476, %add3A_494 : i32
      %add3A_496 = vector.broadcast %add3A_495 : i32 to vector<16xi32>
      %add3A_497 = arith.addi %mul3A_493, %add3A_496 : vector<16xi32>
      tpu.vector_store_idx %arg11[%add3A_497], %scan3A_471#2 : memref<2560xf32, #tpu.memory_space<vmem>>[vector<16xi32>], vector<16xf32>,
      %mul3A_498 = arith.constant 5 : i32
      %mul3A_499 = vector.broadcast %mul3A_498 : i32 to vector<16xi32>
      %mul3A_500 = arith.muli %iota3A, %mul3A_499 : vector<16xi32>
      %add3A_501 = arith.constant 3 : i32
      %add3A_502 = arith.addi %mul3A_476, %add3A_501 : i32
      %add3A_503 = vector.broadcast %add3A_502 : i32 to vector<16xi32>
      %add3A_504 = arith.addi %mul3A_500, %add3A_503 : vector<16xi32>
      tpu.vector_store_idx %arg11[%add3A_504], %scan3A_471#3 : memref<2560xf32, #tpu.memory_space<vmem>>[vector<16xi32>], vector<16xf32>,
      %mul3A_505 = arith.constant 5 : i32
      %mul3A_506 = vector.broadcast %mul3A_505 : i32 to vector<16xi32>
      %mul3A_507 = arith.muli %iota3A, %mul3A_506 : vector<16xi32>
      %add3A_508 = arith.constant 4 : i32
      %add3A_509 = arith.addi %mul3A_476, %add3A_508 : i32
      %add3A_510 = vector.broadcast %add3A_509 : i32 to vector<16xi32>
      %add3A_511 = arith.addi %mul3A_507, %add3A_510 : vector<16xi32>
      tpu.vector_store_idx %arg11[%add3A_511], %scan3A_471#4 : memref<2560xf32, #tpu.memory_space<vmem>>[vector<16xi32>], vector<16xf32>,
      %scan3A_512 = arith.constant 0 : i32
      scf.yield %scan3A_512 : i32
    }
    %scan3A_437 = arith.constant 8 : i32
    %dma_wait3A_438 = arith.constant 1 : i32
    %dma_wait3A_439 = arith.constant 0 : i32
    %dma_wait3A_440 = arith.constant 0 : i32
    %dma_wait3A_441 = tpu.memref_slice %arg9[%dma_wait3A_438, %dma_wait3A_439, %dma_wait3A_440] : memref<2x640x64xf32, #tpu.memory_space<vmem>> -> memref<1x640x64xf32, #tpu.memory_space<vmem>>
    %dma_wait3A_442 = tpu.memref_squeeze %dma_wait3A_441 : memref<1x640x64xf32, #tpu.memory_space<vmem>> -> memref<640x64xf32, #tpu.memory_space<vmem>>
    %dma_wait3A_443 = arith.constant 0 : i32
    %dma_wait3A_444 = arith.constant 0 : i32
    %dma_wait3A_445 = tpu.memref_slice %arg4[%dma_wait3A_443, %dma_wait3A_444] : memref<1000000x64xf32, #tpu.memory_space<hbm>> -> memref<640x64xf32, #tpu.memory_space<hbm>>
    %dma_wait3A_446 = arith.constant 0 : i32
    %dma_wait3A_447 = arith.constant 0 : i32
    %dma_wait3A_448 = tpu.memref_slice %arg9[%dma_wait3A_438, %dma_wait3A_446, %dma_wait3A_447] : memref<2x640x64xf32, #tpu.memory_space<vmem>> -> memref<1x640x64xf32, #tpu.memory_space<vmem>>
    %dma_wait3A_449 = tpu.memref_squeeze %dma_wait3A_448 : memref<1x640x64xf32, #tpu.memory_space<vmem>> -> memref<640x64xf32, #tpu.memory_space<vmem>>
    %dma_wait3A_450 = arith.constant 0 : i32
    %dma_wait3A_451 = arith.constant 0 : i32
    %dma_wait3A_452 = tpu.memref_slice %arg4[%dma_wait3A_450, %dma_wait3A_451] : memref<1000000x64xf32, #tpu.memory_space<hbm>> -> memref<640x64xf32, #tpu.memory_space<hbm>>
    tpu.wait_dma2 semaphore(%arg13 : memref<!tpu.dma_semaphore, #tpu.memory_space<semaphore_mem>>) src(%dma_wait3A_452 : memref<640x64xf32, #tpu.memory_space<hbm>>) dst(%dma_wait3A_449 : memref<640x64xf32, #tpu.memory_space<vmem>>)
    %scan3A_453 = arith.constant 0 : i32
    %scan3A_454 = arith.constant 0 : i32
    %scan3A_455 = arith.constant 8 : i32
    %scan3A_456 = arith.addi %scan3A_454, %scan3A_455 : i32
    %scan3A_457 = arith.constant 1 : i32
    %scan3A_458 = scf.for %scan3A_460 = %scan3A_454 to %scan3A_456 step %scan3A_457 iter_args(%scan3A_461 = %scan3A_453) -> (i32)  : i32 {
      %mul3A_462 = arith.constant 16 : i32
      %mul3A_463 = arith.muli %scan3A_460, %mul3A_462 : i32
      %add3A_464 = arith.constant 128 : i32
      %add3A_465 = arith.addi %add3A_464, %mul3A_463 : i32
      %broadcast_in_dim3A = arith.constant 0.000000e+00 : f32
      %broadcast_in_dim3A_466 = vector.broadcast %broadcast_in_dim3A : f32 to vector<16xf32>
      %scan3A_467 = arith.constant 0 : i32
      %scan3A_468 = arith.constant 16 : i32
      %scan3A_469 = arith.addi %scan3A_467, %scan3A_468 : i32
      %scan3A_470 = arith.constant 1 : i32
      %scan3A_471:5 = scf.for %scan3A_513 = %scan3A_467 to %scan3A_469 step %scan3A_470 iter_args(%scan3A_514 = %broadcast_in_dim3A_466, %scan3A_515 = %broadcast_in_dim3A_466, %scan3A_516 = %broadcast_in_dim3A_466, %scan3A_517 = %broadcast_in_dim3A_466, %scan3A_518 = %broadcast_in_dim3A_466) -> (vector<16xf32>, vector<16xf32>, vector<16xf32>, vector<16xf32>, vector<16xf32>)  : i32 {
        %add3A_519 = arith.addi %add3A_465, %scan3A_513 : i32
        %get3A = arith.index_cast %add3A_519 : i32 to index
        %get3A_520 = arith.constant 0 : index
        %get3A_521 = tpu.vector_load %arg10[%get3A, %get3A_520] {strides = array<i32>} : memref<256x64xf32, #tpu.memory_space<vmem>>, vector<16xf32>,
        %get3A_522 = arith.index_cast %add3A_519 : i32 to index
        %get3A_523 = arith.constant 16 : index
        %get3A_524 = tpu.vector_load %arg10[%get3A_522, %get3A_523] {strides = array<i32>} : memref<256x64xf32, #tpu.memory_space<vmem>>, vector<16xf32>,
        %get3A_525 = arith.index_cast %add3A_519 : i32 to index
        %get3A_526 = arith.constant 32 : index
        %get3A_527 = tpu.vector_load %arg10[%get3A_525, %get3A_526] {strides = array<i32>} : memref<256x64xf32, #tpu.memory_space<vmem>>, vector<16xf32>,
        %get3A_528 = arith.index_cast %add3A_519 : i32 to index
        %get3A_529 = arith.constant 48 : index
        %get3A_530 = tpu.vector_load %arg10[%get3A_528, %get3A_529] {strides = array<i32>} : memref<256x64xf32, #tpu.memory_space<vmem>>, vector<16xf32>,
        %mul3A_531 = arith.constant 16 : i32
        %mul3A_532 = arith.muli %scan3A_460, %mul3A_531 : i32
        %add3A_533 = arith.addi %mul3A_532, %scan3A_513 : i32
        %mul3A_534 = arith.constant 5 : i32
        %mul3A_535 = arith.muli %add3A_533, %mul3A_534 : i32
        %add3A_536 = arith.constant 0 : i32
        %add3A_537 = arith.addi %mul3A_535, %add3A_536 : i32
        %get3A_538 = arith.constant 1 : i32
        %get3A_539 = arith.index_cast %get3A_538 : i32 to index
        %get3A_540 = arith.index_cast %add3A_537 : i32 to index
        %get3A_541 = arith.constant 0 : index
        %get3A_542 = tpu.vector_load %arg9[%get3A_539, %get3A_540, %get3A_541] {strides = array<i32>} : memref<2x640x64xf32, #tpu.memory_space<vmem>>, vector<16xf32>,
        %mul3A_543 = arith.mulf %get3A_521, %get3A_542 : vector<16xf32>
        %add3A_544 = arith.constant 0 : i32
        %add3A_545 = arith.addi %mul3A_535, %add3A_544 : i32
        %get3A_546 = arith.constant 1 : i32
        %get3A_547 = arith.index_cast %get3A_546 : i32 to index
        %get3A_548 = arith.index_cast %add3A_545 : i32 to index
        %get3A_549 = arith.constant 16 : index
        %get3A_550 = tpu.vector_load %arg9[%get3A_547, %get3A_548, %get3A_549] {strides = array<i32>} : memref<2x640x64xf32, #tpu.memory_space<vmem>>, vector<16xf32>,
        %mul3A_551 = arith.mulf %get3A_524, %get3A_550 : vector<16xf32>
        %add3A_552 = arith.addf %mul3A_543, %mul3A_551 : vector<16xf32>
        %add3A_553 = arith.constant 0 : i32
        %add3A_554 = arith.addi %mul3A_535, %add3A_553 : i32
        %get3A_555 = arith.constant 1 : i32
        %get3A_556 = arith.index_cast %get3A_555 : i32 to index
        %get3A_557 = arith.index_cast %add3A_554 : i32 to index
        %get3A_558 = arith.constant 32 : index
        %get3A_559 = tpu.vector_load %arg9[%get3A_556, %get3A_557, %get3A_558] {strides = array<i32>} : memref<2x640x64xf32, #tpu.memory_space<vmem>>, vector<16xf32>,
        %mul3A_560 = arith.mulf %get3A_527, %get3A_559 : vector<16xf32>
        %add3A_561 = arith.addf %add3A_552, %mul3A_560 : vector<16xf32>
        %add3A_562 = arith.constant 0 : i32
        %add3A_563 = arith.addi %mul3A_535, %add3A_562 : i32
        %get3A_564 = arith.constant 1 : i32
        %get3A_565 = arith.index_cast %get3A_564 : i32 to index
        %get3A_566 = arith.index_cast %add3A_563 : i32 to index
        %get3A_567 = arith.constant 48 : index
        %get3A_568 = tpu.vector_load %arg9[%get3A_565, %get3A_566, %get3A_567] {strides = array<i32>} : memref<2x640x64xf32, #tpu.memory_space<vmem>>, vector<16xf32>,
        %mul3A_569 = arith.mulf %get3A_530, %get3A_568 : vector<16xf32>
        %add3A_570 = arith.addf %add3A_561, %mul3A_569 : vector<16xf32>
        %reduce_sum3A = arith.constant true
        %reduce_sum3A_571 = vector.broadcast %reduce_sum3A : i1 to vector<16xi1>
        %reduce_sum3A_572 = tpu.scan <sum>, %add3A_570 masked %reduce_sum3A_571 : vector<16xf32>, vector<16xi1> -> vector<16xf32>
        %reduce_sum3A_573 = vector.extract %reduce_sum3A_572[15] : f32 from vector<16xf32>
        %eq3A = vector.broadcast %scan3A_513 : i32 to vector<16xi32>
        %eq3A_574 = arith.cmpi eq, %iota3A, %eq3A : vector<16xi32>
        %broadcast_in_dim3A_575 = vector.broadcast %reduce_sum3A_573 : f32 to vector<16xf32>
        %select_n3A = arith.select %eq3A_574, %broadcast_in_dim3A_575, %scan3A_514 : vector<16xi1>, vector<16xf32>
        %add3A_576 = arith.constant 1 : i32
        %add3A_577 = arith.addi %mul3A_535, %add3A_576 : i32
        %get3A_578 = arith.constant 1 : i32
        %get3A_579 = arith.index_cast %get3A_578 : i32 to index
        %get3A_580 = arith.index_cast %add3A_577 : i32 to index
        %get3A_581 = arith.constant 0 : index
        %get3A_582 = tpu.vector_load %arg9[%get3A_579, %get3A_580, %get3A_581] {strides = array<i32>} : memref<2x640x64xf32, #tpu.memory_space<vmem>>, vector<16xf32>,
        %mul3A_583 = arith.mulf %get3A_521, %get3A_582 : vector<16xf32>
        %add3A_584 = arith.constant 1 : i32
        %add3A_585 = arith.addi %mul3A_535, %add3A_584 : i32
        %get3A_586 = arith.constant 1 : i32
        %get3A_587 = arith.index_cast %get3A_586 : i32 to index
        %get3A_588 = arith.index_cast %add3A_585 : i32 to index
        %get3A_589 = arith.constant 16 : index
        %get3A_590 = tpu.vector_load %arg9[%get3A_587, %get3A_588, %get3A_589] {strides = array<i32>} : memref<2x640x64xf32, #tpu.memory_space<vmem>>, vector<16xf32>,
        %mul3A_591 = arith.mulf %get3A_524, %get3A_590 : vector<16xf32>
        %add3A_592 = arith.addf %mul3A_583, %mul3A_591 : vector<16xf32>
        %add3A_593 = arith.constant 1 : i32
        %add3A_594 = arith.addi %mul3A_535, %add3A_593 : i32
        %get3A_595 = arith.constant 1 : i32
        %get3A_596 = arith.index_cast %get3A_595 : i32 to index
        %get3A_597 = arith.index_cast %add3A_594 : i32 to index
        %get3A_598 = arith.constant 32 : index
        %get3A_599 = tpu.vector_load %arg9[%get3A_596, %get3A_597, %get3A_598] {strides = array<i32>} : memref<2x640x64xf32, #tpu.memory_space<vmem>>, vector<16xf32>,
        %mul3A_600 = arith.mulf %get3A_527, %get3A_599 : vector<16xf32>
        %add3A_601 = arith.addf %add3A_592, %mul3A_600 : vector<16xf32>
        %add3A_602 = arith.constant 1 : i32
        %add3A_603 = arith.addi %mul3A_535, %add3A_602 : i32
        %get3A_604 = arith.constant 1 : i32
        %get3A_605 = arith.index_cast %get3A_604 : i32 to index
        %get3A_606 = arith.index_cast %add3A_603 : i32 to index
        %get3A_607 = arith.constant 48 : index
        %get3A_608 = tpu.vector_load %arg9[%get3A_605, %get3A_606, %get3A_607] {strides = array<i32>} : memref<2x640x64xf32, #tpu.memory_space<vmem>>, vector<16xf32>,
        %mul3A_609 = arith.mulf %get3A_530, %get3A_608 : vector<16xf32>
        %add3A_610 = arith.addf %add3A_601, %mul3A_609 : vector<16xf32>
        %reduce_sum3A_611 = arith.constant true
        %reduce_sum3A_612 = vector.broadcast %reduce_sum3A_611 : i1 to vector<16xi1>
        %reduce_sum3A_613 = tpu.scan <sum>, %add3A_610 masked %reduce_sum3A_612 : vector<16xf32>, vector<16xi1> -> vector<16xf32>
        %reduce_sum3A_614 = vector.extract %reduce_sum3A_613[15] : f32 from vector<16xf32>
        %eq3A_615 = vector.broadcast %scan3A_513 : i32 to vector<16xi32>
        %eq3A_616 = arith.cmpi eq, %iota3A, %eq3A_615 : vector<16xi32>
        %broadcast_in_dim3A_617 = vector.broadcast %reduce_sum3A_614 : f32 to vector<16xf32>
        %select_n3A_618 = arith.select %eq3A_616, %broadcast_in_dim3A_617, %scan3A_515 : vector<16xi1>, vector<16xf32>
        %add3A_619 = arith.constant 2 : i32
        %add3A_620 = arith.addi %mul3A_535, %add3A_619 : i32
        %get3A_621 = arith.constant 1 : i32
        %get3A_622 = arith.index_cast %get3A_621 : i32 to index
        %get3A_623 = arith.index_cast %add3A_620 : i32 to index
        %get3A_624 = arith.constant 0 : index
        %get3A_625 = tpu.vector_load %arg9[%get3A_622, %get3A_623, %get3A_624] {strides = array<i32>} : memref<2x640x64xf32, #tpu.memory_space<vmem>>, vector<16xf32>,
        %mul3A_626 = arith.mulf %get3A_521, %get3A_625 : vector<16xf32>
        %add3A_627 = arith.constant 2 : i32
        %add3A_628 = arith.addi %mul3A_535, %add3A_627 : i32
        %get3A_629 = arith.constant 1 : i32
        %get3A_630 = arith.index_cast %get3A_629 : i32 to index
        %get3A_631 = arith.index_cast %add3A_628 : i32 to index
        %get3A_632 = arith.constant 16 : index
        %get3A_633 = tpu.vector_load %arg9[%get3A_630, %get3A_631, %get3A_632] {strides = array<i32>} : memref<2x640x64xf32, #tpu.memory_space<vmem>>, vector<16xf32>,
        %mul3A_634 = arith.mulf %get3A_524, %get3A_633 : vector<16xf32>
        %add3A_635 = arith.addf %mul3A_626, %mul3A_634 : vector<16xf32>
        %add3A_636 = arith.constant 2 : i32
        %add3A_637 = arith.addi %mul3A_535, %add3A_636 : i32
        %get3A_638 = arith.constant 1 : i32
        %get3A_639 = arith.index_cast %get3A_638 : i32 to index
        %get3A_640 = arith.index_cast %add3A_637 : i32 to index
        %get3A_641 = arith.constant 32 : index
        %get3A_642 = tpu.vector_load %arg9[%get3A_639, %get3A_640, %get3A_641] {strides = array<i32>} : memref<2x640x64xf32, #tpu.memory_space<vmem>>, vector<16xf32>,
        %mul3A_643 = arith.mulf %get3A_527, %get3A_642 : vector<16xf32>
        %add3A_644 = arith.addf %add3A_635, %mul3A_643 : vector<16xf32>
        %add3A_645 = arith.constant 2 : i32
        %add3A_646 = arith.addi %mul3A_535, %add3A_645 : i32
        %get3A_647 = arith.constant 1 : i32
        %get3A_648 = arith.index_cast %get3A_647 : i32 to index
        %get3A_649 = arith.index_cast %add3A_646 : i32 to index
        %get3A_650 = arith.constant 48 : index
        %get3A_651 = tpu.vector_load %arg9[%get3A_648, %get3A_649, %get3A_650] {strides = array<i32>} : memref<2x640x64xf32, #tpu.memory_space<vmem>>, vector<16xf32>,
        %mul3A_652 = arith.mulf %get3A_530, %get3A_651 : vector<16xf32>
        %add3A_653 = arith.addf %add3A_644, %mul3A_652 : vector<16xf32>
        %reduce_sum3A_654 = arith.constant true
        %reduce_sum3A_655 = vector.broadcast %reduce_sum3A_654 : i1 to vector<16xi1>
        %reduce_sum3A_656 = tpu.scan <sum>, %add3A_653 masked %reduce_sum3A_655 : vector<16xf32>, vector<16xi1> -> vector<16xf32>
        %reduce_sum3A_657 = vector.extract %reduce_sum3A_656[15] : f32 from vector<16xf32>
        %eq3A_658 = vector.broadcast %scan3A_513 : i32 to vector<16xi32>
        %eq3A_659 = arith.cmpi eq, %iota3A, %eq3A_658 : vector<16xi32>
        %broadcast_in_dim3A_660 = vector.broadcast %reduce_sum3A_657 : f32 to vector<16xf32>
        %select_n3A_661 = arith.select %eq3A_659, %broadcast_in_dim3A_660, %scan3A_516 : vector<16xi1>, vector<16xf32>
        %add3A_662 = arith.constant 3 : i32
        %add3A_663 = arith.addi %mul3A_535, %add3A_662 : i32
        %get3A_664 = arith.constant 1 : i32
        %get3A_665 = arith.index_cast %get3A_664 : i32 to index
        %get3A_666 = arith.index_cast %add3A_663 : i32 to index
        %get3A_667 = arith.constant 0 : index
        %get3A_668 = tpu.vector_load %arg9[%get3A_665, %get3A_666, %get3A_667] {strides = array<i32>} : memref<2x640x64xf32, #tpu.memory_space<vmem>>, vector<16xf32>,
        %mul3A_669 = arith.mulf %get3A_521, %get3A_668 : vector<16xf32>
        %add3A_670 = arith.constant 3 : i32
        %add3A_671 = arith.addi %mul3A_535, %add3A_670 : i32
        %get3A_672 = arith.constant 1 : i32
        %get3A_673 = arith.index_cast %get3A_672 : i32 to index
        %get3A_674 = arith.index_cast %add3A_671 : i32 to index
        %get3A_675 = arith.constant 16 : index
        %get3A_676 = tpu.vector_load %arg9[%get3A_673, %get3A_674, %get3A_675] {strides = array<i32>} : memref<2x640x64xf32, #tpu.memory_space<vmem>>, vector<16xf32>,
        %mul3A_677 = arith.mulf %get3A_524, %get3A_676 : vector<16xf32>
        %add3A_678 = arith.addf %mul3A_669, %mul3A_677 : vector<16xf32>
        %add3A_679 = arith.constant 3 : i32
        %add3A_680 = arith.addi %mul3A_535, %add3A_679 : i32
        %get3A_681 = arith.constant 1 : i32
        %get3A_682 = arith.index_cast %get3A_681 : i32 to index
        %get3A_683 = arith.index_cast %add3A_680 : i32 to index
        %get3A_684 = arith.constant 32 : index
        %get3A_685 = tpu.vector_load %arg9[%get3A_682, %get3A_683, %get3A_684] {strides = array<i32>} : memref<2x640x64xf32, #tpu.memory_space<vmem>>, vector<16xf32>,
        %mul3A_686 = arith.mulf %get3A_527, %get3A_685 : vector<16xf32>
        %add3A_687 = arith.addf %add3A_678, %mul3A_686 : vector<16xf32>
        %add3A_688 = arith.constant 3 : i32
        %add3A_689 = arith.addi %mul3A_535, %add3A_688 : i32
        %get3A_690 = arith.constant 1 : i32
        %get3A_691 = arith.index_cast %get3A_690 : i32 to index
        %get3A_692 = arith.index_cast %add3A_689 : i32 to index
        %get3A_693 = arith.constant 48 : index
        %get3A_694 = tpu.vector_load %arg9[%get3A_691, %get3A_692, %get3A_693] {strides = array<i32>} : memref<2x640x64xf32, #tpu.memory_space<vmem>>, vector<16xf32>,
        %mul3A_695 = arith.mulf %get3A_530, %get3A_694 : vector<16xf32>
        %add3A_696 = arith.addf %add3A_687, %mul3A_695 : vector<16xf32>
        %reduce_sum3A_697 = arith.constant true
        %reduce_sum3A_698 = vector.broadcast %reduce_sum3A_697 : i1 to vector<16xi1>
        %reduce_sum3A_699 = tpu.scan <sum>, %add3A_696 masked %reduce_sum3A_698 : vector<16xf32>, vector<16xi1> -> vector<16xf32>
        %reduce_sum3A_700 = vector.extract %reduce_sum3A_699[15] : f32 from vector<16xf32>
        %eq3A_701 = vector.broadcast %scan3A_513 : i32 to vector<16xi32>
        %eq3A_702 = arith.cmpi eq, %iota3A, %eq3A_701 : vector<16xi32>
        %broadcast_in_dim3A_703 = vector.broadcast %reduce_sum3A_700 : f32 to vector<16xf32>
        %select_n3A_704 = arith.select %eq3A_702, %broadcast_in_dim3A_703, %scan3A_517 : vector<16xi1>, vector<16xf32>
        %add3A_705 = arith.constant 4 : i32
        %add3A_706 = arith.addi %mul3A_535, %add3A_705 : i32
        %get3A_707 = arith.constant 1 : i32
        %get3A_708 = arith.index_cast %get3A_707 : i32 to index
        %get3A_709 = arith.index_cast %add3A_706 : i32 to index
        %get3A_710 = arith.constant 0 : index
        %get3A_711 = tpu.vector_load %arg9[%get3A_708, %get3A_709, %get3A_710] {strides = array<i32>} : memref<2x640x64xf32, #tpu.memory_space<vmem>>, vector<16xf32>,
        %mul3A_712 = arith.mulf %get3A_521, %get3A_711 : vector<16xf32>
        %add3A_713 = arith.constant 4 : i32
        %add3A_714 = arith.addi %mul3A_535, %add3A_713 : i32
        %get3A_715 = arith.constant 1 : i32
        %get3A_716 = arith.index_cast %get3A_715 : i32 to index
        %get3A_717 = arith.index_cast %add3A_714 : i32 to index
        %get3A_718 = arith.constant 16 : index
        %get3A_719 = tpu.vector_load %arg9[%get3A_716, %get3A_717, %get3A_718] {strides = array<i32>} : memref<2x640x64xf32, #tpu.memory_space<vmem>>, vector<16xf32>,
        %mul3A_720 = arith.mulf %get3A_524, %get3A_719 : vector<16xf32>
        %add3A_721 = arith.addf %mul3A_712, %mul3A_720 : vector<16xf32>
        %add3A_722 = arith.constant 4 : i32
        %add3A_723 = arith.addi %mul3A_535, %add3A_722 : i32
        %get3A_724 = arith.constant 1 : i32
        %get3A_725 = arith.index_cast %get3A_724 : i32 to index
        %get3A_726 = arith.index_cast %add3A_723 : i32 to index
        %get3A_727 = arith.constant 32 : index
        %get3A_728 = tpu.vector_load %arg9[%get3A_725, %get3A_726, %get3A_727] {strides = array<i32>} : memref<2x640x64xf32, #tpu.memory_space<vmem>>, vector<16xf32>,
        %mul3A_729 = arith.mulf %get3A_527, %get3A_728 : vector<16xf32>
        %add3A_730 = arith.addf %add3A_721, %mul3A_729 : vector<16xf32>
        %add3A_731 = arith.constant 4 : i32
        %add3A_732 = arith.addi %mul3A_535, %add3A_731 : i32
        %get3A_733 = arith.constant 1 : i32
        %get3A_734 = arith.index_cast %get3A_733 : i32 to index
        %get3A_735 = arith.index_cast %add3A_732 : i32 to index
        %get3A_736 = arith.constant 48 : index
        %get3A_737 = tpu.vector_load %arg9[%get3A_734, %get3A_735, %get3A_736] {strides = array<i32>} : memref<2x640x64xf32, #tpu.memory_space<vmem>>, vector<16xf32>,
        %mul3A_738 = arith.mulf %get3A_530, %get3A_737 : vector<16xf32>
        %add3A_739 = arith.addf %add3A_730, %mul3A_738 : vector<16xf32>
        %reduce_sum3A_740 = arith.constant true
        %reduce_sum3A_741 = vector.broadcast %reduce_sum3A_740 : i1 to vector<16xi1>
        %reduce_sum3A_742 = tpu.scan <sum>, %add3A_739 masked %reduce_sum3A_741 : vector<16xf32>, vector<16xi1> -> vector<16xf32>
        %reduce_sum3A_743 = vector.extract %reduce_sum3A_742[15] : f32 from vector<16xf32>
        %eq3A_744 = vector.broadcast %scan3A_513 : i32 to vector<16xi32>
        %eq3A_745 = arith.cmpi eq, %iota3A, %eq3A_744 : vector<16xi32>
        %broadcast_in_dim3A_746 = vector.broadcast %reduce_sum3A_743 : f32 to vector<16xf32>
        %select_n3A_747 = arith.select %eq3A_745, %broadcast_in_dim3A_746, %scan3A_518 : vector<16xi1>, vector<16xf32>
        scf.yield %select_n3A, %select_n3A_618, %select_n3A_661, %select_n3A_704, %select_n3A_747 : vector<16xf32>, vector<16xf32>, vector<16xf32>, vector<16xf32>, vector<16xf32>
      }
      %scan3A_472 = arith.constant 16 : i32
      %add3A_473 = arith.constant 256 : i32
      %add3A_474 = arith.addi %add3A_473, %add3A_465 : i32
      %mul3A_475 = arith.constant 5 : i32
      %mul3A_476 = arith.muli %add3A_474, %mul3A_475 : i32
      %mul3A_477 = arith.constant 5 : i32
      %mul3A_478 = vector.broadcast %mul3A_477 : i32 to vector<16xi32>
      %mul3A_479 = arith.muli %iota3A, %mul3A_478 : vector<16xi32>
      %add3A_480 = arith.constant 0 : i32
      %add3A_481 = arith.addi %mul3A_476, %add3A_480 : i32
      %add3A_482 = vector.broadcast %add3A_481 : i32 to vector<16xi32>
      %add3A_483 = arith.addi %mul3A_479, %add3A_482 : vector<16xi32>
      tpu.vector_store_idx %arg11[%add3A_483], %scan3A_471#0 : memref<2560xf32, #tpu.memory_space<vmem>>[vector<16xi32>], vector<16xf32>,
      %mul3A_484 = arith.constant 5 : i32
      %mul3A_485 = vector.broadcast %mul3A_484 : i32 to vector<16xi32>
      %mul3A_486 = arith.muli %iota3A, %mul3A_485 : vector<16xi32>
      %add3A_487 = arith.constant 1 : i32
      %add3A_488 = arith.addi %mul3A_476, %add3A_487 : i32
      %add3A_489 = vector.broadcast %add3A_488 : i32 to vector<16xi32>
      %add3A_490 = arith.addi %mul3A_486, %add3A_489 : vector<16xi32>
      tpu.vector_store_idx %arg11[%add3A_490], %scan3A_471#1 : memref<2560xf32, #tpu.memory_space<vmem>>[vector<16xi32>], vector<16xf32>,
      %mul3A_491 = arith.constant 5 : i32
      %mul3A_492 = vector.broadcast %mul3A_491 : i32 to vector<16xi32>
      %mul3A_493 = arith.muli %iota3A, %mul3A_492 : vector<16xi32>
      %add3A_494 = arith.constant 2 : i32
      %add3A_495 = arith.addi %mul3A_476, %add3A_494 : i32
      %add3A_496 = vector.broadcast %add3A_495 : i32 to vector<16xi32>
      %add3A_497 = arith.addi %mul3A_493, %add3A_496 : vector<16xi32>
      tpu.vector_store_idx %arg11[%add3A_497], %scan3A_471#2 : memref<2560xf32, #tpu.memory_space<vmem>>[vector<16xi32>], vector<16xf32>,
      %mul3A_498 = arith.constant 5 : i32
      %mul3A_499 = vector.broadcast %mul3A_498 : i32 to vector<16xi32>
      %mul3A_500 = arith.muli %iota3A, %mul3A_499 : vector<16xi32>
      %add3A_501 = arith.constant 3 : i32
      %add3A_502 = arith.addi %mul3A_476, %add3A_501 : i32
      %add3A_503 = vector.broadcast %add3A_502 : i32 to vector<16xi32>
      %add3A_504 = arith.addi %mul3A_500, %add3A_503 : vector<16xi32>
      tpu.vector_store_idx %arg11[%add3A_504], %scan3A_471#3 : memref<2560xf32, #tpu.memory_space<vmem>>[vector<16xi32>], vector<16xf32>,
      %mul3A_505 = arith.constant 5 : i32
      %mul3A_506 = vector.broadcast %mul3A_505 : i32 to vector<16xi32>
      %mul3A_507 = arith.muli %iota3A, %mul3A_506 : vector<16xi32>
      %add3A_508 = arith.constant 4 : i32
      %add3A_509 = arith.addi %mul3A_476, %add3A_508 : i32
      %add3A_510 = vector.broadcast %add3A_509 : i32 to vector<16xi32>
      %add3A_511 = arith.addi %mul3A_507, %add3A_510 : vector<16xi32>
      tpu.vector_store_idx %arg11[%add3A_511], %scan3A_471#4 : memref<2560xf32, #tpu.memory_space<vmem>>[vector<16xi32>], vector<16xf32>,
      %scan3A_512 = arith.constant 0 : i32
      scf.yield %scan3A_512 : i32
    }
    %scan3A_459 = arith.constant 8 : i32
    "tpu.region"() ({
      %run_scoped3A = tpu.sem_alloc : memref<!tpu.dma_semaphore, #tpu.memory_space<semaphore_mem>>
      %dma_start3A_460 = arith.constant 0 : i32
      %dma_start3A_461 = tpu.memref_slice %arg6[%add3A, %dma_start3A_460] : memref<32x2560xf32, #tpu.memory_space<hbm>> -> memref<1x2560xf32, #tpu.memory_space<hbm>>
      %dma_start3A_462 = tpu.memref_squeeze %dma_start3A_461 : memref<1x2560xf32, #tpu.memory_space<hbm>> -> memref<2560xf32, #tpu.memory_space<hbm>>
      %dma_start3A_463 = arith.constant 0 : i32
      %dma_start3A_464 = tpu.memref_slice %arg6[%add3A, %dma_start3A_463] : memref<32x2560xf32, #tpu.memory_space<hbm>> -> memref<1x2560xf32, #tpu.memory_space<hbm>>
      %dma_start3A_465 = tpu.memref_squeeze %dma_start3A_464 : memref<1x2560xf32, #tpu.memory_space<hbm>> -> memref<2560xf32, #tpu.memory_space<hbm>>
      tpu.enqueue_dma source(%arg11 : memref<2560xf32, #tpu.memory_space<vmem>>) target(%dma_start3A_465 : memref<2560xf32, #tpu.memory_space<hbm>>) target_semaphore(%run_scoped3A : memref<!tpu.dma_semaphore, #tpu.memory_space<semaphore_mem>>)
      %dma_wait3A_466 = arith.constant 0 : i32
      %dma_wait3A_467 = tpu.memref_slice %arg6[%add3A, %dma_wait3A_466] : memref<32x2560xf32, #tpu.memory_space<hbm>> -> memref<1x2560xf32, #tpu.memory_space<hbm>>
      %dma_wait3A_468 = tpu.memref_squeeze %dma_wait3A_467 : memref<1x2560xf32, #tpu.memory_space<hbm>> -> memref<2560xf32, #tpu.memory_space<hbm>>
      %dma_wait3A_469 = arith.constant 0 : i32
      %dma_wait3A_470 = tpu.memref_slice %arg6[%add3A, %dma_wait3A_469] : memref<32x2560xf32, #tpu.memory_space<hbm>> -> memref<1x2560xf32, #tpu.memory_space<hbm>>
      %dma_wait3A_471 = tpu.memref_squeeze %dma_wait3A_470 : memref<1x2560xf32, #tpu.memory_space<hbm>> -> memref<2560xf32, #tpu.memory_space<hbm>>
      tpu.wait_dma2 semaphore(%run_scoped3A : memref<!tpu.dma_semaphore, #tpu.memory_space<semaphore_mem>>) src(%arg11 : memref<2560xf32, #tpu.memory_space<vmem>>) dst(%dma_wait3A_471 : memref<2560xf32, #tpu.memory_space<hbm>>)
      tpu.yield
    }) : () -> ()
    return
  }
}

</mosaic_0001>

<sc_bundles>
// kernel: kernel.3.cloned.1.call-start
scs
__scs_entry_jumppad:
0x0: {  	(pc) =	sbr.rel $0x88, $3  }
0x1: {  	(tag) =	ssettag $0x0;
	lr =	simm.s32 $0x1  }
0x2: {  	[smem:$0x3F9D] =	sst lr;
	_ =	strace $0xD0000000  }
0x3: {  	_ = 	snop  }
0x4: {  	_ = 	snop  }
0x5: {  	_ = 	snop  }
0x6: {  	_ = 	snop  }
0x7: {  	_ = 	snop  }
__scs_overlays_trampoline_lowered:
0x8: {  	[smem:$0x3FAC] =	sst s0  }
0x9: {  	[smem:$0x3FAD] =	sst s1  }
0xa: {  	[smem:$0x3FAE] =	sst s2  }
0xb: {  	[smem:$0x3FAF] =	sst s3  }
0xc: {  	[smem:$0x3FB0] =	sst s4  }
0xd: {  	[smem:$0x3FB1] =	sst s5  }
0xe: {  	[smem:$0x3FB2] =	sst s6  }
0xf: {  	[smem:$0x3FB3] =	sst s7  }
0x10: {  	[smem:$0x3FB4] =	sst s8  }
0x11: {  	[smem:$0x3FB5] =	sst s9;
	s0 =	simm.s32 @!p0 $0x0  }
0x12: {  	s1 =	sld [smem:$0x3F9B];
	s0 =	simm.s32 @p0 $0x1  }
0x13: {  	[smem:$0x3FB6] =	sst s0;
	s0 =	simm.s32 @!p1 $0x0  }
0x14: {  	s2 =	sld [smem:$0x3F9A];
	s0 =	simm.s32 @p1 $0x1  }
0x15: {  	[smem:$0x3FB7] =	sst s0;
	s0 =	simm.s32 @!p2 $0x0  }
0x16: {  	s3 =	sld [smem:$0x3FDB];
	s0 =	simm.s32 @p2 $0x1  }
0x17: {  	s4 =	simm.s32 $0x1BF5;
	[smem:$0x3FB9] =	sst s0  }
0x18: {  	s0 =	sld [smem:$0x3F9C];
	_ =	swait.ge [sflag:s4], $0x0  }
0x19: {  	s7 =	sld [smem:$0x3F9D]  }
0x1a: {  	s8 =	sadd.s32 $0xFFFFE003, lr  }
0x1b: {  	s9 =	sadd.s32 $0xFFFFFEF7, lr;
	s5 =	simm.s32 $0xFFFFFFFF;
	p2 =	slt.u32 s8, $0xFFFFF086  }
0x1c: {  	p1 =	slt.u32 s9, $0xF7A;
	s5 =	simm.s32 @!p2 $0x0  }
0x1d: {  	s5 =	simm.s32 @p1 $0x1;
	p0 =	seq.s32 s7, s2  }
0x1e: {  	s7 =	smul.u32 @!p0 $0xF7A, s2;
	p2 =	seq.s32 @!p0 s5, $0x0  }
0x1f: {  	s9 =	smul.u32 $0xF7A, s1;
	s8 =	simm.s32 @!p0 $0x1BF5;
	p2 =	por !p2, p0  }
0x20: {  	[sflag:s8] =	ssyncset.s32 @!p0 $0xFFFFF086;
	s6 =	sadd.s32 @!p0 s3, s7;
	s7 =	simm.s32 @!p0 $0x108  }
0x21: {  	s3 =	sadd.s32 s3, s9;
	s6 =	sadd.s32 @!p0 $0x88, s6;
	s7 =	simm.s32 @p2 $0x1082  }
0x22: {  	[simem:s7], [sflag:s8] =	dma.local @!p0 [hbm:s6], $0xF7A  }
0x23: {  	s9 =	sor.u32 $0xD0000000, s2;
	s6 =	simm.s32 $0x108;
	_ =	swait.ge @!p0 [sflag:s8], $0x0  }
0x24: {  	s3 =	sadd.s32 $0x88, s3;
	s6 =	simm.s32 @!p1 $0x1082;
	[sflag:s4] =	ssyncset.s32 $0xFFFFF086  }
0x25: {  	[simem:s6], [sflag:s4] =	dma.local [hbm:s3], $0xF7A  }
0x26: {  	[smem:$0x3F9D] =	sst s1;
	(tag) =	ssettag s2;
	_ =	strace s9  }
0x27: {  	s1 =	sld [smem:$0x3FAD]  }
0x28: {  	s2 =	sld [smem:$0x3FAE]  }
0x29: {  	s4 =	sld [smem:$0x3FB0]  }
0x2a: {  	p0 =	seq.s32 s5, $0x0;
	s5 =	sld [smem:$0x3FB1]  }
0x2b: {  	s6 =	sld [smem:$0x3FB2]  }
0x2c: {  	s7 =	sld [smem:$0x3FB3]  }
0x2d: {  	s3 =	simm.s32 $0x108;
	s8 =	sld [smem:$0x3FB4]  }
0x2e: {  	s3 =	simm.s32 @!p0 $0x1082;
	s9 =	sld [smem:$0x3FB5]  }
0x2f: {  	lr =	sadd.s32 s0, s3;
	s0 =	sld [smem:$0x3FAC]  }
0x30: {  	s3 =	sld [smem:$0x3FAF]  }
0x31: {  	[smem:$0x3FB8] =	sst s10  }
0x32: {  	s10 =	sld [smem:$0x3FB6];
	_ =	sdelay $0x3  }
0x33: {  	p0 =	seq.s32 s10, $0x1;
	s10 =	sld [smem:$0x3FB8];
	_ =	sdelay $0x3  }
0x34: {  	[smem:$0x3FB8] =	sst s10  }
0x35: {  	s10 =	sld [smem:$0x3FB7];
	_ =	sdelay $0x3  }
0x36: {  	p1 =	seq.s32 s10, $0x1;
	s10 =	sld [smem:$0x3FB8];
	_ =	sdelay $0x3  }
0x37: {  	[smem:$0x3FB8] =	sst s10  }
0x38: {  	s10 =	sld [smem:$0x3FB9]  }
0x39: {  	_ = 	snop;
	(pc) =	sbr.ind lr, $3  }
0x3a: {  	_ = 	snop  }
0x3b: {  	_ = 	snop  }
0x3c: {  	p2 =	seq.s32 s10, $0x1;
	s10 =	sld [smem:$0x3FB8]  }
0x3d: {  	_ =	shalt  }
0x3e: {  	_ =	shalt  }
0x3f: {  	_ =	shalt  }
0x40: {  	_ =	shalt  }
0x41: {  	_ =	shalt  }
0x42: {  	_ =	shalt  }
0x43: {  	_ =	shalt  }
0x44: {  	_ =	shalt  }
0x45: {  	_ =	shalt  }
0x46: {  	_ =	shalt  }
0x47: {  	_ =	shalt  }
0x48: {  	_ =	shalt  }
0x49: {  	_ =	shalt  }
0x4a: {  	_ =	shalt  }
0x4b: {  	_ =	shalt  }
0x4c: {  	_ =	shalt  }
0x4d: {  	_ =	shalt  }
0x4e: {  	_ =	shalt  }
0x4f: {  	_ =	shalt  }
0x50: {  	_ =	shalt  }
0x51: {  	_ =	shalt  }
0x52: {  	_ =	shalt  }
0x53: {  	_ =	shalt  }
0x54: {  	_ =	shalt  }
0x55: {  	_ =	shalt  }
0x56: {  	_ =	shalt  }
0x57: {  	_ =	shalt  }
0x58: {  	_ =	shalt  }
0x59: {  	_ =	shalt  }
0x5a: {  	_ =	shalt  }
0x5b: {  	_ =	shalt  }
0x5c: {  	_ =	shalt  }
0x5d: {  	_ =	shalt  }
0x5e: {  	_ =	shalt  }
0x5f: {  	_ =	shalt  }
0x60: {  	_ =	shalt  }
0x61: {  	_ =	shalt  }
0x62: {  	_ =	shalt  }
0x63: {  	_ =	shalt  }
0x64: {  	_ =	shalt  }
0x65: {  	_ =	shalt  }
0x66: {  	_ =	shalt  }
0x67: {  	_ =	shalt  }
0x68: {  	_ =	shalt  }
0x69: {  	_ =	shalt  }
0x6a: {  	_ =	shalt  }
0x6b: {  	_ =	shalt  }
0x6c: {  	_ =	shalt  }
0x6d: {  	_ =	shalt  }
0x6e: {  	_ =	shalt  }
0x6f: {  	_ =	shalt  }
0x70: {  	_ =	shalt  }
0x71: {  	_ =	shalt  }
0x72: {  	_ =	shalt  }
0x73: {  	_ =	shalt  }
0x74: {  	_ =	shalt  }
0x75: {  	_ =	shalt  }
0x76: {  	_ =	shalt  }
0x77: {  	_ =	shalt  }
0x78: {  	_ =	shalt  }
0x79: {  	_ =	shalt  }
0x7a: {  	_ =	shalt  }
0x7b: {  	_ =	shalt  }
0x7c: {  	_ =	shalt  }
0x7d: {  	_ =	shalt  }
0x7e: {  	_ =	shalt  }
0x7f: {  	_ =	shalt  }
0x80: {  	_ =	shalt  }
0x81: {  	_ =	shalt  }
0x82: {  	_ =	shalt  }
0x83: {  	_ =	shalt  }
0x84: {  	_ =	shalt  }
0x85: {  	_ =	shalt  }
0x86: {  	_ =	shalt  }
0x87: {  	_ =	shalt  }
.Lfunc_end0:
.L_simem_size_0:
called_computation_lowered:
.L_overlay_start_0:
0x88: {  	s2 =	sld [smem:$0x3FD9]  }
0x89: {  	s3 =	sld [smem:$0x3FFE];
	_ =	sdelay $0x1  }
0x8a: {  	s1 =	srdreg.scid  }
0x8b: {  	s0 =	sand.u32 $0x1, s1  }
0x8c: {  	s17 =	sshll.u32 s0, $0xA;
	s2 =	sadd.s32 s3, s2  }
0x8d: {  	s2 =	sadd.s32 s2, s17  }
0x8e: {  	[smem:$0x3FC4] =	sst s2  }
0x8f: {  	_ = 	snop  }
0x90: {  	s2 =	sld [smem:$0x3FD0];
	(tm) =	ssettm $0x1  }
0x91: {  	s18 =	sld [smem:$0x3FFB];
	_ =	sdelay $0x3  }
0x92: {  	_ =	strace s18  }
0x93: {  	s3 =	sld [smem:$0x3FFC];
	_ =	sdelay $0x3  }
0x94: {  	_ =	strace s3  }
0x95: {  	s3 =	sld [smem:$0x3FFD];
	_ =	sdelay $0x3  }
0x96: {  	_ =	strace s3  }
0x97: {  	_ =	strace $0x8FFFFFFF  }
0x98: {  	s19 =	sld [smem:$0x3FDB];
	_ =	sdelay $0x1  }
0x99: {  	s4 =	simm.s32 $_scs_section_size  }
0x9a: {  	s5 =	simm.s32 $_size__tile_overlayer_lowered;
	s6 =	simm.s32 $_tile_overlayer_lowered  }
0x9b: {  	s22 =	simm.s32 $0x1BFF;
	s21 =	sshll.u32 s6, $0x1;
	s3 =	sadd.s32 s4, s19  }
0x9c: {  	s7 =	simm.s32 $0x0;
	s20 =	sshll.u32 s5, $0x1;
	s5 =	sadd.s32 s21, s3  }
0x9d: {  	[timem:s7], [sflag:s22] =	dma.local [hbm:s5], s20  }
0x9e: {  	_ =	swait.ge [sflag:s22], s20  }
0x9f: {  	s4 =	ssub.s32 $0x0, s20;
	[sflag:s22] =	ssyncset.done $0x0  }
0xa0: {  	[sflag:s22] =	ssyncadd.s32 s4;
	_ =	sdelay $0x1  }
0xa1: {  	s23 =	simm.s32 $0x1B8B  }
0xa2: {  	_ =	swait.ge [sflag:s23], $0x1  }
0xa3: {  	[sflag:s23] =	ssyncset.done $0x0  }
0xa4: {  	s25 =	simm.s32 $0x1B8E;
	s24 =	sld [smem:$0x3FFE];
	[sflag:s23] =	ssyncadd.s32 $0xFFFFFFFF  }
0xa5: {  	s26 =	simm.s32 $execute0_lowered;
	[smem:$0x3FD2] =	sst s25  }
0xa6: {  	s5 =	sshll.u32 s26, $0x1;
	_ =	strace $0x80000046;
	[dreg:$0x1] =	wrdreg $0xFFFFFFFF  }
0xa7: {  	s28 =	simm.s32 $_size_execute0_lowered;
	s3 =	sadd.s32 s3, s5;
	[dreg:$0x0] =	wrdreg $0x0  }
0xa8: {  	s5 =	sshll.u32 s28, $0x1;
	[dreg:$0x2] =	wrdreg s3  }
0xa9: {  	[dreg:$0x3] =	wrdreg s5  }
0xaa: {  	[dreg:$0x4] =	wrdreg $0xC0  }
0xab: {  	_ =	task [dreg:s7], $0x5FFFF  }
0xac: {  	[dreg:$0x1] =	wrdreg $0xFFFFFFFF  }
0xad: {  	[dreg:$0x0] =	wrdreg $0x60  }
0xae: {  	[dreg:$0x2] =	wrdreg s24  }
0xaf: {  	[dreg:$0x3] =	wrdreg s2  }
0xb0: {  	[dreg:$0x4] =	wrdreg $0x9  }
0xb1: {  	_ =	task.clear_ibuf [dreg:s7], $0x5FFFF;
	_ =	strace $0x90000046  }
0xb2: {  	s29 =	simm.s32 $0x9;
	_ =	strace $0x80000048  }
0xb3: {  	_ =	swait.ge [sflag:s29], $0x1  }
0xb4: {  	[sflag:s29] =	ssyncadd.s32 $0xFFFFFFFF  }
0xb5: {  	_ =	strace $0x90000048  }
0xb6: {  	_ =	sfence  }
0xb7: {  	s30 =	sld [smem:$0x0];
	_ =	sdelay $0x2  }
0xb8: {  	s31 =	sshll.u32 s1, $0xD;
	s1 =	sshrl.u32 s1, $0x2  }
0xb9: {  	s3 =	sand.u32 $0x4000, s31;
	s1 =	sadd.s32 s1, s30  }
0xba: {  	s0 =	sor.u32 s3, s0;
	s1 =	sshll.u32 s1, $0x11  }
0xbb: {  	s0 =	sor.u32 s1, s0  }
0xbc: {  	s0 =	sadd.s32 $0x8F2B, s0  }
0xbd: {  	[sflag:s0] =	ssyncadd.remote.s32 $0x1  }
0xbe: {  	_ =	sfence.sel $0xFFFF  }
0xbf: {  	[dreg:$0x0] =	wrdreg $0xFFFFFFFF;
	(pc) =	sbr.abs _section_cstart, $3  }
0xc0: {  	[dreg:$0x1] =	wrdreg $0xFFFFFFFF  }
0xc1: {  	_ =	task.clear_ibuf [dreg:s7], $0x2FFFF;
	_ =	strace $0x9FFFFFFF  }
0xc2: {  	(tm) =	ssettm $0x7FFFFFFF  }
0xc3: {  	_ =	shalt  }
tec
execute0_lowered:
.L_overlay_start_1:
0x0: {  	(tag) =	ssettag $0x1  }
0x1: {  	s0 =	rddreg [dreg:$0x0];
	s1 =	srdreg.scid  }
0x2: {  	s2 =	stileid.u32;
	s5 =	rddreg [dreg:$0x1];
	s9 =	simm.s32 $0x3  }
0x3: {  	s16 =	simm.s32 $0x2800;
	s11 =	simm.s32 $0x80;
	s12 =	simm.s32 $0x3200  }
0x4: {  	s13 =	simm.s32 $0x5200;
	s15 =	simm.s32 $0x7200;
	s17 =	simm.s32 $0x9200  }
0x5: {  	s19 =	simm.s32 $0xB200;
	s20 =	simm.s32 $0x1;
	s21 =	simm.s32 $0xD200  }
0x6: {  	s22 =	simm.s32 $0xF200;
	s23 =	simm.s32 $0x11200;
	s24 =	simm.s32 $0x13200  }
0x7: {  	s25 =	simm.s32 $0x15200;
	s26 =	simm.s32 $0x2;
	s28 =	simm.s32 $0x1B200  }
0x8: {  	s1 =	sand.u32 $0x1, s1;
	s3 =	sshll.u32 s2, $0x1;
	s2 =	simm.s32 $0x0  }
0x9: {  	s18 =	simm.s32 $0x0;
	s3 =	sor.u32 s1, s3;
	[smem:$0x7FF] =	sst s2  }
0xa: {  	s1 =	ssub.s32 $0x2, s1;
	s4 =	smul.u32 $0x500, s3;
	_ =	strace $0x80000047  }
0xb: {  	v0 =	vimm.s32 $0x36147250;
	s6 =	smul.u32 $0x140, s3;
	s3 =	sadd.s32 $0x16E3E00, s0;
	s8 =	sshrl.u32 s1, $0x1  }
0xc: {  	v2 =	vunpack.c.l.s4.s8 v0;
	s1 =	ssub.s32 s1, s8;
	s7 =	sadd.s32 s4, s0;
	s4 =	sadd.s32 $0xF42C00, s0  }
0xd: {  	v0 =	vlaneseq.u32;
	s0 =	sadd.s32 s6, s0;
	s6 =	sadd.s32 s5, s6;
	s7 =	sadd.s32 $0x800, s7  }
0xe: {  	v1 =	vmul.u32 $0x5, v0;
	v2 =	vunpack.c.0.s8.s32 v2;
	s8 =	smax.u32 s1, $0x1;
	[dreg:$0x3] =	wrdreg s7;
	s7 =	sadd.s32 $0xA800, s0  }
.LBB2_1:
0xf: {  	s0 =	rddreg [dreg:$0x3]  }
0x10: {  	[tilespmem:s2], [sflag:$0x3] =	stream.linear.gather [hbm4b:s0+s2], $0x2800, $0x38;
	[tilespmem:$0x1BC00] =	vst v63  }
0x11: {  	_ =	swait.ge [sflag:s9], $0x2800  }
0x12: {  	[sflag:s9] =	ssyncset.done $0x0  }
0x13: {  	[sflag:s9] =	ssyncadd.s32 $0xFFFFD800  }
0x14: {  	[tilespmem:s16], [sflag:$0x3] =	stream.linear.gather [hbm4b:s6+s2], $0xA00, $0x38;
	[tilespmem:$0x1BC00] =	vst v63  }
0x15: {  	_ =	swait.ge [sflag:s9], $0xA00  }
0x16: {  	[sflag:s9] =	ssyncset.done $0x0  }
0x17: {  	[sflag:s9] =	ssyncadd.s32 $0xFFFFF600  }
0x18: {  	[tilespmem:s12], [sflag:$0x1] =	stream.indirect.gather [hbm4b:s3+s11], $0x40, s2, s11, $0xb8;
	[tilespmem:$0x1BC00] =	vst v63  }
0x19: {  	_ = 	snop  }
0x1a: {  	[tilespmem:s13], [sflag:$0x1] =	stream.indirect.gather [hbm4b:s3+s11], $0x40, s11, s11, $0xb8;
	[tilespmem:$0x1BC00] =	vst v63  }
0x1b: {  	s5 =	simm.s32 $0x100  }
0x1c: {  	[tilespmem:s15], [sflag:$0x1] =	stream.indirect.gather [hbm4b:s3+s11], $0x40, s5, s11, $0xb8;
	[tilespmem:$0x1BC00] =	vst v63  }
0x1d: {  	s10 =	simm.s32 $0x180;
	s14 =	simm.s32 $0x200  }
0x1e: {  	[tilespmem:s17], [sflag:$0x1] =	stream.indirect.gather [hbm4b:s3+s11], $0x40, s10, s11, $0xb8;
	[tilespmem:$0x1BC00] =	vst v63  }
0x1f: {  	s29 =	simm.s32 $0x17230;
	s30 =	simm.s32 $0x17A30;
	s31 =	simm.s32 $0x0  }
0x20: {  	[tilespmem:s19], [sflag:$0x1] =	stream.indirect.gather [hbm4b:s3+s11], $0x40, s14, s11, $0xb8;
	[tilespmem:$0x1BC00] =	vst v63  }
.LBB2_2:
0x21: {  	s0 =	sshllo.u32 s31, $0x1  }
0x22: {  	_ =	swait.ge [sflag:s20], $0xA000;
	s0 =	smul.u32 $0xA00, s0  }
0x23: {  	[sflag:s20] =	ssyncset.done $0x0  }
0x24: {  	[sflag:s20] =	ssyncadd.s32 $0xFFFF6000;
	s0 =	sshra.s32 s0, $0x2  }
0x25: {  	[tilespmem:s21], [sflag:$0x2] =	stream.indirect.gather [hbm4b:s3+s11], $0x40, s0, s11, $0xb8;
	[tilespmem:$0x1BC00] =	vst v63  }
0x26: {  	s1 =	sadd.s32 $0x80, s0  }
0x27: {  	[tilespmem:s22], [sflag:$0x2] =	stream.indirect.gather [hbm4b:s3+s11], $0x40, s1, s11, $0xb8;
	[tilespmem:$0x1BC00] =	vst v63  }
0x28: {  	s10 =	sadd.s32 $0x100, s0  }
0x29: {  	[tilespmem:s23], [sflag:$0x2] =	stream.indirect.gather [hbm4b:s3+s11], $0x40, s10, s11, $0xb8;
	[tilespmem:$0x1BC00] =	vst v63  }
0x2a: {  	s14 =	sadd.s32 $0x180, s0  }
0x2b: {  	[tilespmem:s24], [sflag:$0x2] =	stream.indirect.gather [hbm4b:s3+s11], $0x40, s14, s11, $0xb8;
	[tilespmem:$0x1BC00] =	vst v63  }
0x2c: {  	s0 =	sadd.s32 $0x200, s0;
	s1 =	simm.s32 $0x3480  }
0x2d: {  	[tilespmem:s25], [sflag:$0x2] =	stream.indirect.gather [hbm4b:s3+s11], $0x40, s0, s11, $0xb8;
	[tilespmem:$0x1BC00] =	vst v63  }
0x2e: {  	v9 =	vld [tilespmem:s1+$0xFFFFFD80]  }
0x2f: {  	v10 =	vld [tilespmem:s1+$0xFFFFFD90]  }
0x30: {  	v11 =	vld [tilespmem:s1+$0xFFFFFDD0]  }
0x31: {  	v4 =	vld [tilespmem:s1+$0x250]  }
0x32: {  	v5 =	vld [tilespmem:s1+$0x240]  }
0x33: {  	v6 =	vld [tilespmem:s1+$0x200]  }
0x34: {  	v3 =	vld [tilespmem:s1+$0x1C0]  }
0x35: {  	v12 =	vld [tilespmem:s1+$0x180]  }
0x36: {  	v7 =	vld [tilespmem:s1+$0x210]  }
0x37: {  	v13 =	vld [tilespmem:s1+$0x140]  }
0x38: {  	v8 =	vld [tilespmem:s1+$0x1D0]  }
0x39: {  	v14 =	vld [tilespmem:s1+$0x100]  }
0x3a: {  	v15 =	vld [tilespmem:s1+$0x190]  }
0x3b: {  	v16 =	vld [tilespmem:s1+$0xC0]  }
0x3c: {  	v17 =	vld [tilespmem:s1+$0x150]  }
0x3d: {  	v18 =	vld [tilespmem:s1+$0x80]  }
0x3e: {  	v19 =	vld [tilespmem:s1+$0x110]  }
0x3f: {  	v20 =	vld [tilespmem:s1+$0xD0]  }
0x40: {  	v21 =	vld [tilespmem:s1+$0x50]  }
0x41: {  	v22 =	vld [tilespmem:s1+$0x40]  }
0x42: {  	v23 =	vld [tilespmem:s1+$0x10]  }
0x43: {  	v24 =	vld [tilespmem:s1+$0x0]  }
0x44: {  	v25 =	vld [tilespmem:s1+$0x90]  }
0x45: {  	v26 =	vld [tilespmem:s1+$0xFFFFFFD0]  }
0x46: {  	v27 =	vld [tilespmem:s1+$0xFFFFFFC0]  }
0x47: {  	v28 =	vld [tilespmem:s1+$0xFFFFFF90]  }
0x48: {  	v29 =	vld [tilespmem:s1+$0xFFFFFF80]  }
0x49: {  	v30 =	vld [tilespmem:s1+$0xFFFFFF50]  }
0x4a: {  	v31 =	vld [tilespmem:s1+$0xFFFFFF40]  }
0x4b: {  	v32 =	vld [tilespmem:s1+$0xFFFFFF10]  }
0x4c: {  	v33 =	vld [tilespmem:s1+$0xFFFFFF00]  }
0x4d: {  	v34 =	vld [tilespmem:s1+$0xFFFFFED0]  }
0x4e: {  	v35 =	vld [tilespmem:s1+$0xFFFFFEC0]  }
0x4f: {  	v36 =	vld [tilespmem:s1+$0xFFFFFE90]  }
0x50: {  	v37 =	vld [tilespmem:s1+$0xFFFFFE80]  }
0x51: {  	v38 =	vld [tilespmem:s1+$0xFFFFFE50]  }
0x52: {  	v39 =	vld [tilespmem:s1+$0xFFFFFE40]  }
0x53: {  	v40 =	vld [tilespmem:s1+$0xFFFFFE10]  }
0x54: {  	v41 =	vld [tilespmem:s1+$0xFFFFFDF0]  }
0x55: {  	v42 =	vld [tilespmem:s1+$0xFFFFFE00]  }
0x56: {  	v43 =	vld [tilespmem:s1+$0xFFFFFDC0]  }
0x57: {  	v44 =	vld [tilespmem:s1+$0xFFFFFDE0]  }
0x58: {  	v45 =	vld [tilespmem:s1+$0xFFFFFDA0]  }
0x59: {  	v46 =	vld [tilespmem:s1+$0xFFFFFDB0]  }
0x5a: {  	v47 =	vld [tilespmem:s1+$0xFFFFFE20]  }
0x5b: {  	v60 =	vld [tilespmem:s1+$0xFFFFFE30];
	v9 =	vadd.f32 v43, v9  }
0x5c: {  	v61 =	vld [tilespmem:s1+$0xFFFFFE60];
	v10 =	vadd.f32 v11, v10  }
0x5d: {  	v62 =	vld [tilespmem:s1+$0xFFFFFE70];
	v44 =	vadd.f32 v44, v45;
	v9 =	vadd.f32 v42, v9  }
0x5e: {  	v48 =	vld [tilespmem:s1+$0xFFFFFEA0];
	v63 =	vadd.f32 v41, v46;
	v10 =	vadd.f32 v40, v10  }
0x5f: {  	v49 =	vld [tilespmem:s1+$0xFFFFFEB0];
	v44 =	vadd.f32 v47, v44;
	v9 =	vadd.f32 v39, v9  }
0x60: {  	v51 =	vld [tilespmem:s1+$0xFFFFFEE0];
	v50 =	vadd.f32 v60, v63;
	v10 =	vadd.f32 v38, v10  }
0x61: {  	v52 =	vld [tilespmem:s1+$0xFFFFFEF0];
	v11 =	vadd.f32 v61, v44;
	v9 =	vadd.f32 v37, v9  }
0x62: {  	v54 =	vld [tilespmem:s1+$0xFFFFFF20];
	v53 =	vadd.f32 v62, v50;
	v10 =	vadd.f32 v36, v10  }
0x63: {  	v55 =	vld [tilespmem:s1+$0xFFFFFF30];
	v11 =	vadd.f32 v48, v11;
	v9 =	vadd.f32 v35, v9  }
0x64: {  	v57 =	vld [tilespmem:s1+$0xFFFFFF60];
	v56 =	vadd.f32 v49, v53;
	v10 =	vadd.f32 v34, v10  }
0x65: {  	v58 =	vld [tilespmem:s1+$0xFFFFFF70];
	v11 =	vadd.f32 v51, v11;
	v9 =	vadd.f32 v33, v9  }
0x66: {  	v60 =	vld [tilespmem:s1+$0xFFFFFFA0];
	v59 =	vadd.f32 v52, v56;
	v10 =	vadd.f32 v32, v10  }
0x67: {  	v61 =	vld [tilespmem:s1+$0xFFFFFFB0];
	v11 =	vadd.f32 v54, v11;
	v9 =	vadd.f32 v31, v9  }
0x68: {  	v63 =	vld [tilespmem:s1+$0xFFFFFFE0];
	v62 =	vadd.f32 v55, v59;
	v10 =	vadd.f32 v30, v10  }
0x69: {  	v35 =	vld [tilespmem:s1+$0xFFFFFFF0];
	v11 =	vadd.f32 v57, v11;
	v9 =	vadd.f32 v29, v9  }
0x6a: {  	v37 =	vld [tilespmem:s1+$0x20];
	v36 =	vadd.f32 v58, v62;
	v10 =	vadd.f32 v28, v10  }
0x6b: {  	v38 =	vld [tilespmem:s1+$0x30];
	v11 =	vadd.f32 v60, v11;
	v9 =	vadd.f32 v27, v9  }
0x6c: {  	v40 =	vld [tilespmem:s1+$0x60];
	v39 =	vadd.f32 v61, v36;
	v10 =	vadd.f32 v26, v10  }
0x6d: {  	v41 =	vld [tilespmem:s1+$0x70];
	v11 =	vadd.f32 v63, v11;
	v9 =	vadd.f32 v24, v9  }
0x6e: {  	v43 =	vld [tilespmem:s1+$0xA0];
	v42 =	vadd.f32 v35, v39;
	v10 =	vadd.f32 v23, v10  }
0x6f: {  	v44 =	vld [tilespmem:s1+$0xB0];
	v11 =	vadd.f32 v37, v11;
	v9 =	vadd.f32 v22, v9  }
0x70: {  	v46 =	vld [tilespmem:s1+$0xE0];
	v45 =	vadd.f32 v38, v42;
	v10 =	vadd.f32 v21, v10  }
0x71: {  	v47 =	vld [tilespmem:s1+$0xF0];
	v11 =	vadd.f32 v40, v11;
	v9 =	vadd.f32 v18, v9  }
0x72: {  	v48 =	vld [tilespmem:s1+$0x120];
	v21 =	vadd.f32 v41, v45;
	v10 =	vadd.f32 v25, v10  }
0x73: {  	v49 =	vld [tilespmem:s1+$0x130];
	v11 =	vadd.f32 v43, v11;
	v9 =	vadd.f32 v16, v9  }
0x74: {  	v51 =	vld [tilespmem:s1+$0x160];
	v50 =	vadd.f32 v44, v21;
	v10 =	vadd.f32 v20, v10  }
0x75: {  	v52 =	vld [tilespmem:s1+$0x170];
	v11 =	vadd.f32 v46, v11;
	v9 =	vadd.f32 v14, v9  }
0x76: {  	v53 =	vld [tilespmem:s1+$0x1A0];
	v18 =	vadd.f32 v47, v50;
	v10 =	vadd.f32 v19, v10  }
0x77: {  	v54 =	vld [tilespmem:s1+$0x1B0];
	v11 =	vadd.f32 v48, v11;
	v9 =	vadd.f32 v13, v9  }
0x78: {  	v55 =	vld [tilespmem:s1+$0x1E0];
	v16 =	vadd.f32 v49, v18;
	v10 =	vadd.f32 v17, v10  }
0x79: {  	v56 =	vld [tilespmem:s1+$0x1F0];
	v11 =	vadd.f32 v51, v11;
	v9 =	vadd.f32 v12, v9  }
0x7a: {  	v57 =	vld [tilespmem:s1+$0x220];
	v14 =	vadd.f32 v52, v16;
	v10 =	vadd.f32 v15, v10  }
0x7b: {  	v58 =	vld [tilespmem:s1+$0x230];
	v11 =	vadd.f32 v53, v11;
	v9 =	vadd.f32 v3, v9  }
0x7c: {  	v60 =	vld [tilespmem:s1+$0x260];
	v59 =	vadd.f32 v54, v14;
	v3 =	vmov s29;
	v8 =	vadd.f32 v8, v10  }
0x7d: {  	v11 =	vadd.f32 v55, v11;
	v6 =	vadd.f32 v6, v9  }
0x7e: {  	v61 =	vld [tilespmem:s1+$0x270];
	v62 =	vadd.f32 v56, v59;
	v7 =	vadd.f32 v7, v8  }
0x7f: {  	v63 =	vadd.f32 v57, v11;
	v5 =	vadd.f32 v5, v6  }
0x80: {  	s5 =	simm.s32 $0x0;
	v4 =	vadd.f32 v4, v7  }
0x81: {  	v6 =	vadd.f32 v58, v62;
	v7 =	vadd.f32 v60, v63;
	[tilespmem:v3+s5+$0xFFFFFFD0 ss:$0x1] =	vst.idx.msk $0xffff, v5  }
0x82: {  	[tilespmem:v3+s5+$0xFFFFFFE0 ss:$0x1] =	vst.idx.msk $0xffff, v4  }
0x83: {  	s0 =	simm.s32 $0x100;
	v4 =	vadd.f32 v61, v6;
	[tilespmem:v3+s5+$0xFFFFFFF0 ss:$0x1] =	vst.idx.msk $0xffff, v7  }
.LBB2_3:
0x84: {  	p0 =	sne.s32 s0, $0x1F00  }
0x85: {  	[tilespmem:v3+s5+$0x0 ss:$0x1] =	vst.idx.msk $0xffff, v4;
	s1 =	sadd.s32 $0x500, s1;
	s14 =	smov.u32 s0;
	s0 =	sadd.s32 $0x100, s0  }
0x86: {  	v20 =	vld [tilespmem:s1+$0xFFFFFD80]  }
0x87: {  	v8 =	vld [tilespmem:s1+$0xFFFFFD90]  }
0x88: {  	v9 =	vld [tilespmem:s1+$0xFFFFFDD0]  }
0x89: {  	v4 =	vld [tilespmem:s1+$0x250]  }
0x8a: {  	v5 =	vld [tilespmem:s1+$0x240]  }
0x8b: {  	v6 =	vld [tilespmem:s1+$0x200]  }
0x8c: {  	v7 =	vld [tilespmem:s1+$0x1C0]  }
0x8d: {  	v21 =	vadd.f32 v9, v8;
	v8 =	vld [tilespmem:s1+$0x180]  }
0x8e: {  	v9 =	vld [tilespmem:s1+$0x210]  }
0x8f: {  	v10 =	vld [tilespmem:s1+$0x140]  }
0x90: {  	v11 =	vld [tilespmem:s1+$0x1D0]  }
0x91: {  	v12 =	vld [tilespmem:s1+$0x100]  }
0x92: {  	v13 =	vld [tilespmem:s1+$0x190]  }
0x93: {  	v14 =	vld [tilespmem:s1+$0xC0]  }
0x94: {  	v15 =	vld [tilespmem:s1+$0x150]  }
0x95: {  	v16 =	vld [tilespmem:s1+$0x80]  }
0x96: {  	v17 =	vld [tilespmem:s1+$0x110]  }
0x97: {  	v18 =	vld [tilespmem:s1+$0xD0]  }
0x98: {  	v22 =	vld [tilespmem:s1+$0x50]  }
0x99: {  	v19 =	vld [tilespmem:s1+$0x40]  }
0x9a: {  	v23 =	vld [tilespmem:s1+$0x10]  }
0x9b: {  	v24 =	vld [tilespmem:s1+$0x0]  }
0x9c: {  	v25 =	vld [tilespmem:s1+$0x90]  }
0x9d: {  	v26 =	vld [tilespmem:s1+$0xFFFFFFD0]  }
0x9e: {  	v27 =	vld [tilespmem:s1+$0xFFFFFFC0]  }
0x9f: {  	v28 =	vld [tilespmem:s1+$0xFFFFFF90]  }
0xa0: {  	v29 =	vld [tilespmem:s1+$0xFFFFFF80]  }
0xa1: {  	v30 =	vld [tilespmem:s1+$0xFFFFFF50]  }
0xa2: {  	v31 =	vld [tilespmem:s1+$0xFFFFFF40]  }
0xa3: {  	v32 =	vld [tilespmem:s1+$0xFFFFFF10]  }
0xa4: {  	v33 =	vld [tilespmem:s1+$0xFFFFFF00]  }
0xa5: {  	v34 =	vld [tilespmem:s1+$0xFFFFFED0]  }
0xa6: {  	v35 =	vld [tilespmem:s1+$0xFFFFFEC0]  }
0xa7: {  	v36 =	vld [tilespmem:s1+$0xFFFFFE90]  }
0xa8: {  	v37 =	vld [tilespmem:s1+$0xFFFFFE80]  }
0xa9: {  	v38 =	vld [tilespmem:s1+$0xFFFFFE50]  }
0xaa: {  	v39 =	vld [tilespmem:s1+$0xFFFFFE40]  }
0xab: {  	v40 =	vld [tilespmem:s1+$0xFFFFFE10]  }
0xac: {  	v41 =	vld [tilespmem:s1+$0xFFFFFDF0]  }
0xad: {  	v42 =	vld [tilespmem:s1+$0xFFFFFE00]  }
0xae: {  	v43 =	vld [tilespmem:s1+$0xFFFFFDC0]  }
0xaf: {  	v44 =	vld [tilespmem:s1+$0xFFFFFDE0]  }
0xb0: {  	v45 =	vld [tilespmem:s1+$0xFFFFFDA0];
	v21 =	vadd.f32 v40, v21  }
0xb1: {  	v40 =	vld [tilespmem:s1+$0xFFFFFDB0]  }
0xb2: {  	v46 =	vld [tilespmem:s1+$0xFFFFFE20];
	v21 =	vadd.f32 v38, v21  }
0xb3: {  	v20 =	vadd.f32 v43, v20;
	v38 =	vld [tilespmem:s1+$0xFFFFFE30]  }
0xb4: {  	v43 =	vld [tilespmem:s1+$0xFFFFFE60];
	v21 =	vadd.f32 v36, v21  }
0xb5: {  	v36 =	vadd.f32 v44, v45;
	v20 =	vadd.f32 v42, v20;
	v42 =	vld [tilespmem:s1+$0xFFFFFE70]  }
0xb6: {  	v40 =	vadd.f32 v41, v40;
	v41 =	vld [tilespmem:s1+$0xFFFFFEA0];
	v21 =	vadd.f32 v34, v21  }
0xb7: {  	v34 =	vadd.f32 v46, v36;
	v20 =	vadd.f32 v39, v20;
	v36 =	vld [tilespmem:s1+$0xFFFFFEB0]  }
0xb8: {  	v38 =	vadd.f32 v38, v40;
	v39 =	vld [tilespmem:s1+$0xFFFFFEE0];
	v21 =	vadd.f32 v32, v21  }
0xb9: {  	v32 =	vadd.f32 v43, v34;
	v20 =	vadd.f32 v37, v20;
	v34 =	vld [tilespmem:s1+$0xFFFFFEF0]  }
0xba: {  	v37 =	vadd.f32 v42, v38;
	v38 =	vld [tilespmem:s1+$0xFFFFFF20];
	v21 =	vadd.f32 v30, v21  }
0xbb: {  	v30 =	vadd.f32 v41, v32;
	v20 =	vadd.f32 v35, v20;
	v32 =	vld [tilespmem:s1+$0xFFFFFF30]  }
0xbc: {  	v35 =	vadd.f32 v36, v37;
	v36 =	vld [tilespmem:s1+$0xFFFFFF60];
	v21 =	vadd.f32 v28, v21  }
0xbd: {  	v28 =	vadd.f32 v39, v30;
	v20 =	vadd.f32 v33, v20;
	v30 =	vld [tilespmem:s1+$0xFFFFFF70]  }
0xbe: {  	v33 =	vadd.f32 v34, v35;
	v34 =	vld [tilespmem:s1+$0xFFFFFFA0];
	v21 =	vadd.f32 v26, v21  }
0xbf: {  	v26 =	vadd.f32 v38, v28;
	v20 =	vadd.f32 v31, v20;
	v28 =	vld [tilespmem:s1+$0xFFFFFFB0]  }
0xc0: {  	v31 =	vadd.f32 v32, v33;
	v32 =	vld [tilespmem:s1+$0xFFFFFFE0];
	v21 =	vadd.f32 v23, v21  }
0xc1: {  	v23 =	vadd.f32 v36, v26;
	v20 =	vadd.f32 v29, v20;
	v26 =	vld [tilespmem:s1+$0xFFFFFFF0]  }
0xc2: {  	v29 =	vadd.f32 v30, v31;
	v30 =	vld [tilespmem:s1+$0x20];
	v21 =	vadd.f32 v22, v21  }
0xc3: {  	v22 =	vadd.f32 v34, v23;
	v20 =	vadd.f32 v27, v20;
	v23 =	vld [tilespmem:s1+$0x30]  }
0xc4: {  	v27 =	vadd.f32 v28, v29;
	v28 =	vld [tilespmem:s1+$0x60];
	v21 =	vadd.f32 v25, v21  }
0xc5: {  	v22 =	vadd.f32 v32, v22;
	v20 =	vadd.f32 v24, v20;
	v24 =	vld [tilespmem:s1+$0x70]  }
0xc6: {  	v25 =	vadd.f32 v26, v27;
	v26 =	vld [tilespmem:s1+$0xA0];
	v18 =	vadd.f32 v18, v21  }
0xc7: {  	v21 =	vadd.f32 v30, v22;
	v19 =	vadd.f32 v19, v20;
	v20 =	vld [tilespmem:s1+$0xB0]  }
0xc8: {  	v22 =	vadd.f32 v23, v25;
	v23 =	vld [tilespmem:s1+$0xE0];
	v17 =	vadd.f32 v17, v18  }
0xc9: {  	v18 =	vadd.f32 v28, v21;
	v16 =	vadd.f32 v16, v19;
	v19 =	vld [tilespmem:s1+$0xF0]  }
0xca: {  	v21 =	vadd.f32 v24, v22;
	v22 =	vld [tilespmem:s1+$0x120];
	v15 =	vadd.f32 v15, v17  }
0xcb: {  	v17 =	vadd.f32 v26, v18;
	v14 =	vadd.f32 v14, v16;
	v16 =	vld [tilespmem:s1+$0x130]  }
0xcc: {  	v18 =	vadd.f32 v20, v21;
	v20 =	vld [tilespmem:s1+$0x160];
	v13 =	vadd.f32 v13, v15  }
0xcd: {  	v15 =	vadd.f32 v23, v17;
	v12 =	vadd.f32 v12, v14;
	v14 =	vld [tilespmem:s1+$0x170]  }
0xce: {  	v17 =	vadd.f32 v19, v18;
	v18 =	vld [tilespmem:s1+$0x1A0];
	v11 =	vadd.f32 v11, v13  }
0xcf: {  	v13 =	vadd.f32 v22, v15;
	v10 =	vadd.f32 v10, v12;
	v12 =	vld [tilespmem:s1+$0x1B0]  }
0xd0: {  	v15 =	vadd.f32 v16, v17;
	v16 =	vld [tilespmem:s1+$0x1E0];
	v9 =	vadd.f32 v9, v11  }
0xd1: {  	v11 =	vadd.f32 v20, v13;
	v8 =	vadd.f32 v8, v10;
	v10 =	vld [tilespmem:s1+$0x1F0]  }
0xd2: {  	v13 =	vadd.f32 v14, v15;
	v14 =	vld [tilespmem:s1+$0x220]  }
0xd3: {  	v11 =	vadd.f32 v18, v11;
	v7 =	vadd.f32 v7, v8;
	v8 =	vld [tilespmem:s1+$0x230]  }
0xd4: {  	v12 =	vadd.f32 v12, v13;
	v13 =	vld [tilespmem:s1+$0x260]  }
0xd5: {  	v11 =	vadd.f32 v16, v11;
	v6 =	vadd.f32 v6, v7;
	v7 =	vld [tilespmem:s1+$0x270]  }
0xd6: {  	v10 =	vadd.f32 v10, v12  }
.Ltmp0:
0xd7: {  	v11 =	vadd.f32 v14, v11;
	v5 =	vadd.f32 v5, v6;
	(pc) =	sbr.rel @p0 .LBB2_3-.Ltmp0, $4  }
0xd8: {  	s5 =	sshra.s32 s14, $0x2;
	v6 =	vadd.f32 v8, v10;
	v8 =	vadd.f32 v4, v9  }
0xd9: {  	v9 =	vadd.f32 v13, v11;
	[tilespmem:v3+s5+$0xFFFFFFD0 ss:$0x1] =	vst.idx.msk $0xffff, v5  }
0xda: {  	v4 =	vadd.f32 v7, v6;
	[tilespmem:v3+s5+$0xFFFFFFE0 ss:$0x1] =	vst.idx.msk $0xffff, v8  }
0xdb: {  	[tilespmem:v3+s5+$0xFFFFFFF0 ss:$0x1] =	vst.idx.msk $0xffff, v9  }
0xdc: {  	_ =	sdelay $0x2  }
0xdd: {  	p0 =	seq.s32 s31, $0x3  }
0xde: {  	[tilespmem:v3+s5+$0x0 ss:$0x1] =	vst.idx.msk $0xffff, v4;
	s0 =	smul.u32 @!p0 $0x1400, s31  }
0xdf: {  	_ =	swait.ge [sflag:s26], $0xA000  }
0xe0: {  	s5 =	simm.s32 @!p0 $0x80;
	[sflag:s26] =	ssyncset.done $0x0;
	s0 =	sshra.s32 @!p0 s0, $0x2  }
0xe1: {  	s10 =	simm.s32 @!p0 $0x3200;
	[sflag:s26] =	ssyncadd.s32 $0xFFFF6000;
	s1 =	sadd.s32 @!p0 $0x500, s0  }
0xe2: {  	[tilespmem:s10], [sflag:$0x1] =	stream.indirect.gather @!p0 [hbm4b:s3+s5], $0x40, s1, s5, $0xb8;
	[tilespmem:$0x1BC00] =	vst v63  }
0xe3: {  	s1 =	sadd.s32 @!p0 $0x580, s0;
	s10 =	simm.s32 @!p0 $0x5200  }
0xe4: {  	[tilespmem:s10], [sflag:$0x1] =	stream.indirect.gather @!p0 [hbm4b:s3+s5], $0x40, s1, s5, $0xb8;
	[tilespmem:$0x1BC00] =	vst v63  }
0xe5: {  	s1 =	sadd.s32 @!p0 $0x600, s0;
	s10 =	simm.s32 @!p0 $0x7200  }
0xe6: {  	[tilespmem:s10], [sflag:$0x1] =	stream.indirect.gather @!p0 [hbm4b:s3+s5], $0x40, s1, s5, $0xb8;
	[tilespmem:$0x1BC00] =	vst v63  }
0xe7: {  	s1 =	sadd.s32 @!p0 $0x680, s0;
	s10 =	simm.s32 @!p0 $0x9200  }
0xe8: {  	[tilespmem:s10], [sflag:$0x1] =	stream.indirect.gather @!p0 [hbm4b:s3+s5], $0x40, s1, s5, $0xb8;
	[tilespmem:$0x1BC00] =	vst v63  }
0xe9: {  	s0 =	sadd.s32 @!p0 $0x700, s0;
	s1 =	simm.s32 @!p0 $0xB200  }
0xea: {  	[tilespmem:s1], [sflag:$0x1] =	stream.indirect.gather @!p0 [hbm4b:s3+s5], $0x40, s0, s5, $0xb8;
	[tilespmem:$0x1BC00] =	vst v63  }
0xeb: {  	s0 =	simm.s32 $0x0;
	s1 =	smov.u32 s30  }
.LBB2_5:
0xec: {  	s14 =	sshra.s32 s0, $0x2  }
0xed: {  	v3 =	vld [tilespmem:s14+$0xD200]  }
0xee: {  	v4 =	vld [tilespmem:s14+$0xD210]  }
0xef: {  	v5 =	vld [tilespmem:s14+$0xD220]  }
0xf0: {  	v6 =	vld [tilespmem:s14+$0xD230]  }
0xf1: {  	v7 =	vld [tilespmem:s14+$0xD240]  }
0xf2: {  	v8 =	vld [tilespmem:s14+$0xD250]  }
0xf3: {  	v9 =	vld [tilespmem:s14+$0xD260]  }
0xf4: {  	v10 =	vld [tilespmem:s14+$0xD270]  }
0xf5: {  	v11 =	vld [tilespmem:s14+$0xD280]  }
0xf6: {  	v12 =	vld [tilespmem:s14+$0xD290]  }
0xf7: {  	v13 =	vld [tilespmem:s14+$0xD2A0]  }
0xf8: {  	v14 =	vld [tilespmem:s14+$0xD2B0]  }
0xf9: {  	v15 =	vld [tilespmem:s14+$0xD2C0]  }
0xfa: {  	v16 =	vld [tilespmem:s14+$0xD2D0]  }
0xfb: {  	v17 =	vld [tilespmem:s14+$0xD2E0]  }
0xfc: {  	v18 =	vld [tilespmem:s14+$0xD2F0]  }
0xfd: {  	v19 =	vld [tilespmem:s14+$0xD300]  }
0xfe: {  	v20 =	vld [tilespmem:s14+$0xD310]  }
0xff: {  	v21 =	vld [tilespmem:s14+$0xD320]  }
0x100: {  	v22 =	vld [tilespmem:s14+$0xD330]  }
0x101: {  	v23 =	vld [tilespmem:s14+$0xD340]  }
0x102: {  	v24 =	vld [tilespmem:s14+$0xD350]  }
0x103: {  	v25 =	vld [tilespmem:s14+$0xD360]  }
0x104: {  	v26 =	vld [tilespmem:s14+$0xD370]  }
0x105: {  	v27 =	vld [tilespmem:s14+$0xD380]  }
0x106: {  	v28 =	vld [tilespmem:s14+$0xD390]  }
0x107: {  	v29 =	vld [tilespmem:s14+$0xD3A0]  }
0x108: {  	v30 =	vld [tilespmem:s14+$0xD3B0]  }
0x109: {  	v31 =	vld [tilespmem:s14+$0xD3C0]  }
0x10a: {  	v32 =	vld [tilespmem:s14+$0xD3D0]  }
0x10b: {  	v33 =	vld [tilespmem:s14+$0xD3E0]  }
0x10c: {  	v34 =	vld [tilespmem:s14+$0xD3F0]  }
0x10d: {  	v35 =	vld [tilespmem:s14+$0xD400]  }
0x10e: {  	v36 =	vld [tilespmem:s14+$0xD410]  }
0x10f: {  	v37 =	vld [tilespmem:s14+$0xD420]  }
0x110: {  	v38 =	vld [tilespmem:s14+$0xD430]  }
0x111: {  	v39 =	vld [tilespmem:s14+$0xD440]  }
0x112: {  	v40 =	vld [tilespmem:s14+$0xD450]  }
0x113: {  	v41 =	vld [tilespmem:s14+$0xD460]  }
0x114: {  	v42 =	vld [tilespmem:s14+$0xD470]  }
0x115: {  	v43 =	vld [tilespmem:s14+$0xD480]  }
0x116: {  	v44 =	vld [tilespmem:s14+$0xD490]  }
0x117: {  	v45 =	vld [tilespmem:s14+$0xD4A0]  }
0x118: {  	v46 =	vld [tilespmem:s14+$0xD4B0]  }
0x119: {  	v47 =	vld [tilespmem:s14+$0xD4C0]  }
0x11a: {  	v52 =	vld [tilespmem:s14+$0xD4D0];
	v3 =	vadd.f32 v7, v3  }
0x11b: {  	v53 =	vld [tilespmem:s14+$0xD4E0];
	v4 =	vadd.f32 v8, v4  }
0x11c: {  	v54 =	vld [tilespmem:s14+$0xD4F0];
	v5 =	vadd.f32 v9, v5;
	v3 =	vadd.f32 v11, v3  }
0x11d: {  	v55 =	vld [tilespmem:s14+$0xD500];
	v6 =	vadd.f32 v10, v6;
	v4 =	vadd.f32 v12, v4  }
0x11e: {  	v56 =	vld [tilespmem:s14+$0xD510];
	v5 =	vadd.f32 v13, v5;
	v3 =	vadd.f32 v15, v3  }
0x11f: {  	v57 =	vld [tilespmem:s14+$0xD520];
	v6 =	vadd.f32 v14, v6;
	v4 =	vadd.f32 v16, v4  }
0x120: {  	v58 =	vld [tilespmem:s14+$0xD530];
	v5 =	vadd.f32 v17, v5;
	v3 =	vadd.f32 v19, v3  }
0x121: {  	v59 =	vld [tilespmem:s14+$0xD540];
	v6 =	vadd.f32 v18, v6;
	v4 =	vadd.f32 v20, v4  }
0x122: {  	v60 =	vld [tilespmem:s14+$0xD550];
	v5 =	vadd.f32 v21, v5;
	v3 =	vadd.f32 v23, v3  }
0x123: {  	v61 =	vld [tilespmem:s14+$0xD560];
	v6 =	vadd.f32 v22, v6;
	v4 =	vadd.f32 v24, v4  }
0x124: {  	v62 =	vld [tilespmem:s14+$0xD570];
	v5 =	vadd.f32 v25, v5;
	v3 =	vadd.f32 v27, v3  }
0x125: {  	v63 =	vld [tilespmem:s14+$0xD580];
	v6 =	vadd.f32 v26, v6;
	v4 =	vadd.f32 v28, v4  }
0x126: {  	v48 =	vld [tilespmem:s14+$0xD600];
	v5 =	vadd.f32 v29, v5;
	v3 =	vadd.f32 v31, v3  }
0x127: {  	v49 =	vld [tilespmem:s14+$0xD610];
	v6 =	vadd.f32 v30, v6;
	v4 =	vadd.f32 v32, v4  }
0x128: {  	v50 =	vld [tilespmem:s14+$0xD620];
	v5 =	vadd.f32 v33, v5;
	v3 =	vadd.f32 v35, v3  }
0x129: {  	v51 =	vld [tilespmem:s14+$0xD630];
	v6 =	vadd.f32 v34, v6;
	v4 =	vadd.f32 v36, v4  }
0x12a: {  	v31 =	vld [tilespmem:s14+$0xD590];
	v5 =	vadd.f32 v37, v5;
	v3 =	vadd.f32 v39, v3  }
0x12b: {  	v32 =	vld [tilespmem:s14+$0xD5A0];
	v6 =	vadd.f32 v38, v6;
	v4 =	vadd.f32 v40, v4  }
0x12c: {  	v35 =	vld [tilespmem:s14+$0xD5B0];
	v5 =	vadd.f32 v41, v5;
	v3 =	vadd.f32 v43, v3  }
0x12d: {  	v36 =	vld [tilespmem:s14+$0xD5C0];
	v6 =	vadd.f32 v42, v6;
	v4 =	vadd.f32 v44, v4  }
0x12e: {  	v39 =	vld [tilespmem:s14+$0xD5D0];
	v5 =	vadd.f32 v45, v5;
	v3 =	vadd.f32 v47, v3  }
0x12f: {  	v40 =	vld [tilespmem:s14+$0xD5E0];
	v6 =	vadd.f32 v46, v6;
	v4 =	vadd.f32 v52, v4  }
0x130: {  	v43 =	vld [tilespmem:s14+$0xD5F0];
	v5 =	vadd.f32 v53, v5;
	v3 =	vadd.f32 v55, v3  }
0x131: {  	v6 =	vadd.f32 v54, v6;
	v52 =	vld [tilespmem:s14+$0xD640];
	v4 =	vadd.f32 v56, v4  }
0x132: {  	v53 =	vld [tilespmem:s14+$0xD650];
	v5 =	vadd.f32 v57, v5;
	v3 =	vadd.f32 v59, v3  }
0x133: {  	v54 =	vld [tilespmem:s14+$0xD660];
	v6 =	vadd.f32 v58, v6;
	v4 =	vadd.f32 v60, v4  }
0x134: {  	v55 =	vld [tilespmem:s14+$0xD670];
	v5 =	vadd.f32 v61, v5;
	v3 =	vadd.f32 v63, v3  }
0x135: {  	v56 =	vld [tilespmem:s14+$0xD680];
	v6 =	vadd.f32 v62, v6;
	v4 =	vadd.f32 v31, v4  }
0x136: {  	v57 =	vld [tilespmem:s14+$0xD690];
	v5 =	vadd.f32 v32, v5;
	v3 =	vadd.f32 v36, v3  }
0x137: {  	v58 =	vld [tilespmem:s14+$0xD6A0];
	v6 =	vadd.f32 v35, v6;
	v4 =	vadd.f32 v39, v4  }
0x138: {  	v59 =	vld [tilespmem:s14+$0xD6B0];
	v5 =	vadd.f32 v40, v5;
	v3 =	vadd.f32 v48, v3  }
0x139: {  	v60 =	vld [tilespmem:s14+$0xD6C0];
	v6 =	vadd.f32 v43, v6;
	v4 =	vadd.f32 v49, v4  }
0x13a: {  	v61 =	vld [tilespmem:s14+$0xD6D0];
	v5 =	vadd.f32 v50, v5;
	v3 =	vadd.f32 v52, v3  }
0x13b: {  	v62 =	vld [tilespmem:s14+$0xD6E0];
	v6 =	vadd.f32 v51, v6;
	v4 =	vadd.f32 v53, v4  }
0x13c: {  	v63 =	vld [tilespmem:s14+$0xD6F0];
	v5 =	vadd.f32 v54, v5;
	v3 =	vadd.f32 v56, v3  }
0x13d: {  	v6 =	vadd.f32 v55, v6;
	v4 =	vadd.f32 v57, v4  }
0x13e: {  	p0 =	sne.s32 s0, $0x26C00;
	v5 =	vadd.f32 v58, v5;
	v3 =	vadd.f32 v60, v3  }
.Ltmp1:
0x13f: {  	v6 =	vadd.f32 v59, v6;
	v4 =	vadd.f32 v61, v4;
	(pc) =	sbr.rel @p0 .LBB2_5-.Ltmp1, $4  }
0x140: {  	v5 =	vadd.f32 v62, v5;
	[tilespmem:s1+$0xFFFFFFD0] =	vst v3  }
0x141: {  	v3 =	vadd.f32 v63, v6;
	[tilespmem:s1+$0xFFFFFFE0] =	vst v4  }
0x142: {  	[tilespmem:s1+$0xFFFFFFF0] =	vst v5  }
0x143: {  	s0 =	sadd.s32 $0x1400, s0;
	[tilespmem:s1+$0x0] =	vst v3;
	s1 =	sadd.s32 $0x40, s1  }
0x144: {  	s31 =	sadd.s32 $0x1, s31  }
0x145: {  	p0 =	sne.s32 s31, $0x4  }
.Ltmp2:
0x146: {  	_ = 	snop;
	(pc) =	sbr.rel @p0 .LBB2_2-.Ltmp2, $2  }
0x147: {  	_ =	sdelay $0x2  }
0x148: {  	s29 =	sadd.s32 $0x1000, s29;
	s30 =	sadd.s32 $0x1000, s30  }
0x149: {  	[tilespmem:s12], [sflag:$0x1] =	stream.indirect.gather [hbm4b:s4+s11], $0x40, s16, s11, $0xb8;
	[tilespmem:$0x1BC00] =	vst v63  }
0x14a: {  	s0 =	simm.s32 $0x2880  }
0x14b: {  	[tilespmem:s13], [sflag:$0x1] =	stream.indirect.gather [hbm4b:s4+s11], $0x40, s0, s11, $0xb8;
	[tilespmem:$0x1BC00] =	vst v63  }
0x14c: {  	s16 =	simm.s32 $0x2900  }
0x14d: {  	[tilespmem:s15], [sflag:$0x1] =	stream.indirect.gather [hbm4b:s4+s11], $0x40, s16, s11, $0xb8;
	[tilespmem:$0x1BC00] =	vst v63  }
0x14e: {  	s31 =	simm.s32 $0x2980  }
0x14f: {  	[tilespmem:s17], [sflag:$0x1] =	stream.indirect.gather [hbm4b:s4+s11], $0x40, s31, s11, $0xb8;
	[tilespmem:$0x1BC00] =	vst v63  }
0x150: {  	s1 =	simm.s32 $0x2A00  }
0x151: {  	[tilespmem:s19], [sflag:$0x1] =	stream.indirect.gather [hbm4b:s4+s11], $0x40, s1, s11, $0xb8;
	[tilespmem:$0x1BC00] =	vst v63  }
0x152: {  	_ =	swait.ge [sflag:s20], $0xA000  }
0x153: {  	[sflag:s20] =	ssyncset.done $0x0  }
0x154: {  	s5 =	simm.s32 $0x2A80;
	[sflag:s20] =	ssyncadd.s32 $0xFFFF6000  }
0x155: {  	[tilespmem:s21], [sflag:$0x2] =	stream.indirect.gather [hbm4b:s4+s11], $0x40, s5, s11, $0xb8;
	[tilespmem:$0x1BC00] =	vst v63  }
0x156: {  	s10 =	simm.s32 $0x2B00  }
0x157: {  	[tilespmem:s22], [sflag:$0x2] =	stream.indirect.gather [hbm4b:s4+s11], $0x40, s10, s11, $0xb8;
	[tilespmem:$0x1BC00] =	vst v63  }
0x158: {  	s14 =	simm.s32 $0x2B80  }
0x159: {  	[tilespmem:s23], [sflag:$0x2] =	stream.indirect.gather [hbm4b:s4+s11], $0x40, s14, s11, $0xb8;
	[tilespmem:$0x1BC00] =	vst v63  }
0x15a: {  	s29 =	simm.s32 $0x17220;
	s30 =	simm.s32 $0x0;
	s16 =	simm.s32 $0x2C00  }
0x15b: {  	[tilespmem:s24], [sflag:$0x2] =	stream.indirect.gather [hbm4b:s4+s11], $0x40, s16, s11, $0xb8;
	[tilespmem:$0x1BC00] =	vst v63  }
0x15c: {  	s0 =	simm.s32 $0x0;
	s31 =	simm.s32 $0x2C80;
	s1 =	simm.s32 $0x32A0  }
0x15d: {  	[tilespmem:s25], [sflag:$0x2] =	stream.indirect.gather [hbm4b:s4+s11], $0x40, s31, s11, $0xb8;
	[tilespmem:$0x1BC00] =	vst v63  }
.LBB2_8:
0x15e: {  	v3 =	vld [tilespmem:s29+$0xFFFFFFE0]  }
0x15f: {  	v4 =	vld [tilespmem:s29+$0xFFFFFFF0]  }
0x160: {  	v5 =	vld [tilespmem:s1+$0x60]  }
0x161: {  	v6 =	vld [tilespmem:s1+$0x70]  }
0x162: {  	v7 =	vld [tilespmem:s29+$0x0]  }
0x163: {  	v8 =	vld [tilespmem:s1+$0x80]  }
0x164: {  	v9 =	vld [tilespmem:s29+$0x10]  }
0x165: {  	v10 =	vld [tilespmem:s1+$0x90]  }
0x166: {  	v11 =	vld [tilespmem:s1+$0xFFFFFF60]  }
0x167: {  	v12 =	vld [tilespmem:s1+$0xFFFFFF70]  }
0x168: {  	v13 =	vld [tilespmem:s1+$0xFFFFFFA0]  }
0x169: {  	v14 =	vld [tilespmem:s1+$0xFFFFFFB0]  }
0x16a: {  	v15 =	vld [tilespmem:s1+$0xFFFFFFE0]  }
0x16b: {  	v16 =	vld [tilespmem:s1+$0xFFFFFFF0]  }
0x16c: {  	v17 =	vld [tilespmem:s1+$0x20]  }
0x16d: {  	v18 =	vld [tilespmem:s1+$0x30]  }
0x16e: {  	v19 =	vld [tilespmem:s1+$0xFFFFFF80]  }
0x16f: {  	v20 =	vld [tilespmem:s1+$0xFFFFFFC0];
	v5 =	vmul.f32 v5, v3;
	v6 =	vmul.f32 v6, v4  }
0x170: {  	v21 =	vld [tilespmem:s1+$0x0]  }
0x171: {  	v23 =	vld [tilespmem:s1+$0xFFFFFF90];
	v5 =	vadd.f32 v6, v5;
	v6 =	vmul.f32 v8, v7  }
0x172: {  	v24 =	vld [tilespmem:s1+$0x10];
	s10 =	sadd.s32 $0x40, s29;
	v11 =	vmul.f32 v11, v3  }
0x173: {  	v25 =	vld [tilespmem:s10+$0xFFFFFFE0];
	v12 =	vmul.f32 v12, v4;
	v5 =	vadd.f32 v6, v5;
	v6 =	vmul.f32 v10, v9  }
0x174: {  	s5 =	sadd.s32 $0x140, s1;
	v8 =	vld [tilespmem:s1+$0xFFFFFFD0]  }
0x175: {  	v11 =	vadd.f32 v12, v11;
	v12 =	vmul.f32 v19, v7;
	v19 =	vld [tilespmem:s5+$0x60];
	v5 =	vadd.f32 v6, v5  }
0x176: {  	v10 =	vld [tilespmem:s1+$0x50];
	v6 =	vmul.f32 v13, v3;
	v13 =	vmul.f32 v14, v4  }
0x177: {  	v15 =	vmul.f32 v15, v3;
	v16 =	vmul.f32 v16, v4;
	v14 =	vld [tilespmem:s10+$0xFFFFFFF0];
	(xrf2) =	vadd.scan.msk.f32 $0xffff, v5  }
0x178: {  	v11 =	vadd.f32 v12, v11;
	v12 =	vmul.f32 v23, v9;
	v5 =	vadd.f32 v13, v6;
	v6 =	vld [tilespmem:s5+$0x70]  }
0x179: {  	v23 =	vld [tilespmem:s5+$0x80];
	v13 =	vmul.f32 v20, v7  }
0x17a: {  	v11 =	vadd.f32 v12, v11;
	v12 =	vadd.f32 v16, v15;
	v15 =	vmul.f32 v21, v7;
	v20 =	vld [tilespmem:s10+$0x0]  }
0x17b: {  	v16 =	vld [tilespmem:s5+$0x90];
	v5 =	vadd.f32 v13, v5;
	v13 =	vmul.f32 v8, v9  }
0x17c: {  	v12 =	vadd.f32 v15, v12;
	v15 =	vmul.f32 v24, v9;
	v8 =	vld [tilespmem:s10+$0x10]  }
0x17d: {  	v5 =	vadd.f32 v13, v5;
	v13 =	vmul.f32 v19, v25;
	v6 =	vmul.f32 v6, v14  }
0x17e: {  	v22 =	vld [tilespmem:s1+$0x40];
	v3 =	vmul.f32 v17, v3;
	v17 =	vmul.f32 v18, v4;
	(xrf2) =	vadd.scan.msk.f32 $0xffff, v11  }
0x17f: {  	v18 =	vld [tilespmem:s5+$0xFFFFFFE0];
	v12 =	vadd.f32 v15, v12;
	(xrf2) =	vadd.scan.msk.f32 $0xffff, v5;
	v5 =	vadd.f32 v6, v13;
	v13 =	vmul.f32 v23, v20  }
0x180: {  	v11 =	vld [tilespmem:s5+$0xFFFFFF60]  }
0x181: {  	v9 =	vmul.f32 v10, v9;
	v10 =	vld [tilespmem:s5+$0x30];
	v5 =	vadd.f32 v13, v5;
	v13 =	vmul.f32 v16, v8;
	v16, _, _ =	vpop (xrf2);
	(xrf2) =	vadd.scan.msk.f32 $0xffff, v12  }
0x182: {  	v19 =	vld [tilespmem:s5+$0xFFFFFF70]  }
0x183: {  	v3 =	vadd.f32 v17, v3;
	v7 =	vmul.f32 v22, v7;
	v15 =	vld [tilespmem:s5+$0xFFFFFFB0]  }
0x184: {  	v21 =	vld [tilespmem:s5+$0x20];
	v17 =	vmov s0  }
0x185: {  	vm0 =	veq.s32 v17, v0;
	v17 =	vld [tilespmem:s5+$0x40];
	v7 =	vadd.f32 v7, v3;
	v5 =	vadd.f32 v13, v5  }
0x186: {  	v6 =	vld [tilespmem:s5+$0xFFFFFFA0];
	v10 =	vmul.f32 v10, v14  }
0x187: {  	v22 =	vadd.f32 v9, v7;
	v9 =	vld [tilespmem:s5+$0xFFFFFFC0];
	v7 =	vmul.f32 v19, v14;
	(xrf2) =	vadd.scan.msk.f32 $0xffff, v5;
	v5 =	vmul.f32 v11, v25  }
0x188: {  	v4 =	vimm.f32 $0.0e+00;
	v12 =	vld [tilespmem:s5+$0xFFFFFFF0];
	v16 =	vbroadcast v16, $0xF;
	v11 =	vmul.f32 v15, v14  }
0x189: {  	v13 =	vld [tilespmem:s5+$0xFFFFFF80];
	v15, _, _ =	vpop (xrf2);
	v5 =	vadd.f32 v7, v5;
	v7 =	vmul.f32 v18, v25;
	v18 =	vmul.f32 v21, v25  }
0x18a: {  	v3 =	vsel vm0, v16, v4;
	v16 =	vld [tilespmem:s5+$0x0];
	v19, _, _ =	vpop (xrf2)  }
0x18b: {  	v6 =	vmul.f32 v6, v25;
	v25 =	vadd.f32 v10, v18;
	v10, _, _ =	vpop (xrf2);
	(xrf2) =	vadd.scan.msk.f32 $0xffff, v22  }
0x18c: {  	v9 =	vmul.f32 v9, v20;
	v15 =	vbroadcast v15, $0xF;
	v21 =	vld [tilespmem:s5+$0xFFFFFF90]  }
0x18d: {  	v23 =	vld [tilespmem:s5+$0xFFFFFFD0];
	vm0 =	vmmov vm0;
	v11 =	vadd.f32 v11, v6;
	v12 =	vmul.f32 v12, v14  }
0x18e: {  	v63 =	vld [tilespmem:s5+$0x10];
	v6 =	vsel vm0, v15, v4;
	v15 =	vmul.f32 v13, v20;
	v14 =	vbroadcast v19, $0xF  }
0x18f: {  	s16 =	sadd.s32 $0x140, s5;
	v13 =	vld [tilespmem:s5+$0x50];
	v12 =	vadd.f32 v12, v7;
	v16 =	vmul.f32 v16, v20;
	v20 =	vmul.f32 v17, v20  }
0x190: {  	s31 =	sadd.s32 $0x40, s10;
	v18 =	vld [tilespmem:s16+$0x60];
	v7 =	vsel vm0, v14, v4;
	v14 =	vadd.f32 v15, v5;
	v15 =	vadd.f32 v9, v11  }
0x191: {  	s10 =	simm.s32 $0x1;
	v9 =	vld [tilespmem:s31+$0xFFFFFFF0];
	v19 =	vmul.f32 v21, v8;
	v17 =	vadd.f32 v16, v12;
	v5 =	vbroadcast v10, $0xF  }
0x192: {  	v21 =	vmul.f32 v23, v8;
	v16 =	vadd.f32 v20, v25;
	v20 =	vld [tilespmem:s16+$0x70];
	v12 =	vmov s10;
	v11, _, _ =	vpop (xrf2)  }
0x193: {  	s14 =	simm.s32 $0x2;
	s5 =	simm.s32 $0x3;
	v22 =	vmul.f32 v63, v8;
	v10 =	vld [tilespmem:s31+$0xFFFFFFE0];
	v5 =	vsel vm0, v5, v4;
	v11 =	vbroadcast v11, $0xF  }
.LBB2_9:
0x194: {  	p0 =	sne.s32 s5, $0xF;
	v23 =	vld [tilespmem:s31+$0x0];
	v14 =	vadd.f32 v19, v14;
	vm1 =	veq.s32 v12, v0;
	v12 =	vmul.f32 v13, v8  }
0x195: {  	v15 =	vadd.f32 v21, v15;
	v13 =	vld [tilespmem:s16+$0x80];
	v17 =	vadd.f32 v22, v17;
	v3 =	vsel vm1, v11, v3;
	v11, _, _ =	vpop (xrf2)  }
0x196: {  	v8 =	vld [tilespmem:s31+$0x10];
	v12 =	vadd.f32 v12, v16;
	(xrf2) =	vadd.scan.msk.f32 $0xffff, v14;
	v11 =	vbroadcast v11, $0xF  }
0x197: {  	v14 =	vld [tilespmem:s16+$0x90]  }
0x198: {  	v18 =	vmul.f32 v18, v10;
	v16 =	vld [tilespmem:s16+$0xFFFFFF60];
	v19 =	vmul.f32 v20, v9;
	v4 =	vsel vm0, v11, v4  }
0x199: {  	vm0 =	vmmov vm1;
	v11 =	vld [tilespmem:s16+$0xFFFFFF70];
	(xrf2) =	vadd.scan.msk.f32 $0xffff, v15  }
0x19a: {  	v15 =	vld [tilespmem:s16+$0xFFFFFFA0];
	v18 =	vadd.f32 v19, v18;
	v13 =	vmul.f32 v13, v23  }
0x19b: {  	v19 =	vld [tilespmem:s16+$0xFFFFFFB0]  }
0x19c: {  	v20 =	vld [tilespmem:s16+$0xFFFFFFE0];
	v13 =	vadd.f32 v13, v18;
	v14 =	vmul.f32 v14, v8;
	(xrf2) =	vadd.scan.msk.f32 $0xffff, v17  }
0x19d: {  	v16 =	vmul.f32 v16, v10;
	v17 =	vld [tilespmem:s16+$0xFFFFFFF0]  }
0x19e: {  	v11 =	vmul.f32 v11, v9;
	v18 =	vld [tilespmem:s16+$0x20];
	v21 =	vadd.f32 v14, v13  }
0x19f: {  	v14 =	vmul.f32 v15, v10;
	v15 =	vld [tilespmem:s16+$0x30]  }
0x1a0: {  	v11 =	vadd.f32 v11, v16;
	v16 =	vld [tilespmem:s16+$0xFFFFFF80];
	v19 =	vmul.f32 v19, v9;
	(xrf2) =	vadd.scan.msk.f32 $0xffff, v21;
	v13, _, _ =	vpop (xrf2)  }
0x1a1: {  	v21 =	vld [tilespmem:s16+$0xFFFFFFC0];
	v20 =	vmul.f32 v20, v10;
	v22 =	vbroadcast v13, $0xF  }
0x1a2: {  	v19 =	vadd.f32 v19, v14;
	v14 =	vmul.f32 v17, v9;
	v17 =	vld [tilespmem:s16+$0x0]  }
0x1a3: {  	v10 =	vmul.f32 v18, v10;
	v18 =	vld [tilespmem:s16+$0x40];
	v6 =	vsel vm0, v22, v6;
	v13, _, _ =	vpop (xrf2);
	(xrf2) =	vadd.scan.msk.f32 $0xffff, v12  }
0x1a4: {  	v12 =	vld [tilespmem:s16+$0xFFFFFF90];
	v20 =	vadd.f32 v14, v20;
	v25 =	vmul.f32 v15, v9;
	v13 =	vbroadcast v13, $0xF  }
0x1a5: {  	v14 =	vmul.f32 v16, v23;
	v16 =	vld [tilespmem:s16+$0xFFFFFFD0]  }
0x1a6: {  	v15 =	vmul.f32 v21, v23;
	v22 =	vld [tilespmem:s16+$0x10];
	v24 =	vadd.f32 v25, v10;
	v7 =	vsel vm0, v13, v7;
	v9, _, _ =	vpop (xrf2)  }
.Ltmp3:
0x1a7: {  	s31 =	sadd.s32 $0x40, s31;
	v14 =	vadd.f32 v14, v11;
	v25 =	vmul.f32 v17, v23;
	v13 =	vld [tilespmem:s16+$0x50];
	v21 =	vbroadcast v9, $0xF;
	(pc) =	sbr.rel @p0 .LBB2_9-.Ltmp3, $4  }
0x1a8: {  	v10 =	vld [tilespmem:s31+$0xFFFFFFE0];
	v15 =	vadd.f32 v15, v19;
	v23 =	vmul.f32 v18, v23  }
0x1a9: {  	s16 =	sadd.s32 $0x140, s16;
	v9 =	vld [tilespmem:s31+$0xFFFFFFF0];
	v19 =	vmul.f32 v12, v8;
	v17 =	vadd.f32 v25, v20;
	v5 =	vsel vm0, v21, v5  }
0x1aa: {  	v18 =	vld [tilespmem:s16+$0x60];
	v21 =	vmul.f32 v16, v8;
	v16 =	vadd.f32 v23, v24;
	v11, _, _ =	vpop (xrf2)  }
0x1ab: {  	v12 =	vmov s14;
	s14 =	smov.u32 s5;
	s5 =	sadd.s32 $0x1, s5;
	v20 =	vld [tilespmem:s16+$0x70];
	v22 =	vmul.f32 v22, v8;
	v11 =	vbroadcast v11, $0xF  }
0x1ac: {  	v23 =	vld [tilespmem:s31+$0x0]  }
0x1ad: {  	v24 =	vld [tilespmem:s16+$0x80]  }
0x1ae: {  	v25 =	vld [tilespmem:s31+$0x10]  }
0x1af: {  	v26 =	vld [tilespmem:s16+$0x90]  }
0x1b0: {  	v27 =	vld [tilespmem:s16+$0xFFFFFF60]  }
0x1b1: {  	v28 =	vld [tilespmem:s16+$0xFFFFFF70]  }
0x1b2: {  	v29 =	vld [tilespmem:s16+$0xFFFFFFA0]  }
0x1b3: {  	v30 =	vld [tilespmem:s16+$0xFFFFFFB0]  }
0x1b4: {  	v31 =	vld [tilespmem:s16+$0xFFFFFFE0]  }
0x1b5: {  	v32 =	vld [tilespmem:s16+$0xFFFFFFF0]  }
0x1b6: {  	v33 =	vld [tilespmem:s16+$0x20]  }
0x1b7: {  	v34 =	vld [tilespmem:s16+$0x30];
	v8 =	vmul.f32 v13, v8  }
0x1b8: {  	v35 =	vld [tilespmem:s16+$0xFFFFFF80];
	v18 =	vmul.f32 v18, v10;
	v20 =	vmul.f32 v20, v9  }
0x1b9: {  	v48 =	vld [tilespmem:s16+$0xFFFFFFC0];
	v49 =	vmul.f32 v24, v23;
	v50 =	vmul.f32 v26, v25  }
0x1ba: {  	v14 =	vadd.f32 v19, v14;
	v51 =	vld [tilespmem:s16+$0x0];
	v52 =	vmul.f32 v27, v10;
	v53 =	vmul.f32 v28, v9  }
0x1bb: {  	v47 =	vadd.f32 v21, v15;
	v57 =	vld [tilespmem:s16+$0xFFFFFF90];
	v55 =	vmul.f32 v29, v10;
	v56 =	vmul.f32 v30, v9  }
0x1bc: {  	v54 =	vld [tilespmem:s16+$0x40];
	v17 =	vadd.f32 v22, v17;
	v58 =	vmul.f32 v31, v10;
	v59 =	vmul.f32 v33, v10  }
0x1bd: {  	v60 =	vld [tilespmem:s16+$0xFFFFFFD0];
	v61 =	vmul.f32 v32, v9;
	v62 =	vmul.f32 v34, v9;
	v18 =	vadd.f32 v20, v18  }
0x1be: {  	v63 =	vld [tilespmem:s16+$0x10];
	v8 =	vadd.f32 v8, v16;
	v32 =	vmul.f32 v35, v23;
	v35 =	vmul.f32 v48, v23  }
0x1bf: {  	v33 =	vld [tilespmem:s16+$0x50];
	v37 =	vmul.f32 v51, v23;
	v22 =	vadd.f32 v53, v52;
	v18 =	vadd.f32 v49, v18  }
0x1c0: {  	(xrf2) =	vadd.scan.msk.f32 $0xffff, v14;
	v38 =	vmul.f32 v57, v25;
	v19 =	vadd.f32 v56, v55;
	v34 =	vadd.f32 v61, v58  }
0x1c1: {  	(xrf2) =	vadd.scan.msk.f32 $0xffff, v47;
	v39 =	vmul.f32 v54, v23;
	v36 =	vadd.f32 v32, v22;
	v18 =	vadd.f32 v50, v18  }
0x1c2: {  	(xrf2) =	vadd.scan.msk.f32 $0xffff, v17;
	v40 =	vmul.f32 v60, v25;
	v9 =	vadd.f32 v62, v59;
	v10 =	vadd.f32 v35, v19  }
0x1c3: {  	v41 =	vmul.f32 v63, v25;
	v14 =	vadd.f32 v37, v34;
	v13 =	vadd.f32 v38, v36;
	(xrf2) =	vadd.scan.msk.f32 $0xffff, v18  }
0x1c4: {  	v42 =	vadd.f32 v39, v9;
	v43 =	vmul.f32 v33, v25;
	v10 =	vadd.f32 v40, v10;
	(xrf2) =	vadd.scan.msk.f32 $0xffff, v8  }
0x1c5: {  	v14 =	vadd.f32 v41, v14;
	(xrf2) =	vadd.scan.msk.f32 $0xffff, v13  }
0x1c6: {  	v8 =	vadd.f32 v43, v42;
	(xrf2) =	vadd.scan.msk.f32 $0xffff, v10  }
0x1c7: {  	(xrf2) =	vadd.scan.msk.f32 $0xffff, v14  }
0x1c8: {  	(xrf2) =	vadd.scan.msk.f32 $0xffff, v8  }
0x1c9: {  	s5 =	smul.u32 $0x50, s30;
	v44, _, _ =	vpop (xrf2)  }
0x1ca: {  	vm1 =	veq.s32 v12, v0;
	v45, _, _ =	vpop (xrf2)  }
0x1cb: {  	vm2 =	vmmov vm1;
	s10 =	sor.u32 $0x1, s5;
	v48 =	vadd.s32 s5, v1;
	v46, _, _ =	vpop (xrf2)  }
0x1cc: {  	s31 =	sor.u32 $0x3, s5;
	v54 =	vadd.s32 s10, v1;
	s16 =	sor.u32 $0x2, s5;
	v52 =	vmov s14;
	v47, _, _ =	vpop (xrf2);
	v8 =	vbroadcast v44, $0xF  }
0x1cd: {  	v56 =	vadd.s32 s16, v1;
	v58 =	vadd.s32 s31, v1;
	v50 =	vand.u32 $0x7F8, v48;
	v49, _, _ =	vpop (xrf2)  }
0x1ce: {  	s5 =	sor.u32 $0x4, s5;
	v10 =	vbroadcast v46, $0xF;
	v4 =	vsel vm0, v8, v4;
	v8 =	vor.u32 v2, v50;
	v51, _, _ =	vpop (xrf2)  }
0x1cf: {  	v61 =	vadd.s32 s5, v1;
	vm15 =	veq.s32 v52, v0;
	v9 =	vbroadcast v45, $0xF;
	v53, _, _ =	vpop (xrf2)  }
0x1d0: {  	vm3 =	vmmov vm15;
	v7 =	vsel vm2, v10, v7;
	v10 =	vbroadcast v53, $0xF;
	v55, _, _ =	vpop (xrf2)  }
0x1d1: {  	s30 =	sadd.s32 $0x1, s30;
	v6 =	vsel vm2, v9, v6;
	v12 =	vbroadcast v47, $0xF;
	v15 =	vbroadcast v55, $0xF;
	v57, _, _ =	vpop (xrf2)  }
0x1d2: {  	p0 =	sne.s32 s30, $0x8;
	v9 =	vbroadcast v51, $0xF;
	v6 =	vsel vm3, v10, v6;
	v59 =	vbroadcast v57, $0xF;
	v60, _, _ =	vpop (xrf2)  }
.Ltmp4:
0x1d3: {  	v5 =	vsel vm2, v12, v5;
	v7 =	vsel vm3, v15, v7;
	v62 =	vbroadcast v60, $0xF;
	[tilespmem:v8+s28+$0x0] =	vst.idx.msk $0xffff, v6;
	(pc) =	sbr.rel @p0 .LBB2_8-.Ltmp4, $4  }
0x1d4: {  	v63 =	vbroadcast v49, $0xF;
	v4 =	vsel vm2, v9, v4;
	v5 =	vsel vm3, v59, v5;
	[tilespmem:v54+s28+$0x0] =	vst.idx.msk $0xffff, v7  }
0x1d5: {  	v3 =	vsel vm1, v11, v3;
	v4 =	vsel vm3, v62, v4;
	[tilespmem:v56+s28+$0x0] =	vst.idx.msk $0xffff, v5  }
0x1d6: {  	v3 =	vsel vm15, v63, v3;
	[tilespmem:v58+s28+$0x0] =	vst.idx.msk $0xffff, v4  }
0x1d7: {  	s1 =	sadd.s32 $0x1400, s1;
	s29 =	sadd.s32 $0x400, s29;
	[tilespmem:v61+s28+$0x0] =	vst.idx.msk $0xffff, v3  }
0x1d8: {  	_ =	swait.ge [sflag:s26], $0xA000  }
0x1d9: {  	s0 =	simm.s32 $0x0;
	s1 =	simm.s32 $0x3200;
	[sflag:s26] =	ssyncset.done $0x0  }
0x1da: {  	s29 =	simm.s32 $0x19230;
	s30 =	simm.s32 $0x0;
	[sflag:s26] =	ssyncadd.s32 $0xFFFF6000  }
.LBB2_12:
0x1db: {  	v4 =	vld [tilespmem:s29+$0xFFFFFFD0]  }
0x1dc: {  	v3 =	vmov s1;
	v7 =	vld [tilespmem:s29+$0xFFFFFFE0]  }
0x1dd: {  	v9 =	vld [tilespmem:s29+$0xFFFFFFF0]  }
0x1de: {  	v11 =	vld [tilespmem:s29+$0x0];
	s14 =	sadd.s32 $0x40, s29  }
0x1df: {  	v26 =	vld [tilespmem:s14+$0xFFFFFFD0]  }
0x1e0: {  	s5 =	simm.s32 $0x0;
	v61 =	vld [tilespmem:s14+$0xFFFFFFF0]  }
0x1e1: {  	v5 =	vld.idx.msk [tilespmem:v3+s5+$0xA100 ss:$0x1], $0xffff  }
0x1e2: {  	v6 =	vld.idx.msk [tilespmem:v3+s5+$0xA110 ss:$0x1], $0xffff  }
0x1e3: {  	v8 =	vld.idx.msk [tilespmem:v3+s5+$0xA120 ss:$0x1], $0xffff  }
0x1e4: {  	v10 =	vld.idx.msk [tilespmem:v3+s5+$0xA130 ss:$0x1], $0xffff  }
0x1e5: {  	v12 =	vld.idx.msk [tilespmem:v3+s5+$0xA000 ss:$0x1], $0xffff  }
0x1e6: {  	v13 =	vld.idx.msk [tilespmem:v3+s5+$0xA010 ss:$0x1], $0xffff  }
0x1e7: {  	v14 =	vld.idx.msk [tilespmem:v3+s5+$0xA040 ss:$0x1], $0xffff  }
0x1e8: {  	v15 =	vld.idx.msk [tilespmem:v3+s5+$0xA050 ss:$0x1], $0xffff  }
0x1e9: {  	v16 =	vld.idx.msk [tilespmem:v3+s5+$0xA080 ss:$0x1], $0xffff  }
0x1ea: {  	v17 =	vld.idx.msk [tilespmem:v3+s5+$0xA090 ss:$0x1], $0xffff;
	v5 =	vmul.f32 v5, v4;
	v6 =	vmul.f32 v6, v7  }
0x1eb: {  	v18 =	vld.idx.msk [tilespmem:v3+s5+$0xA0C0 ss:$0x1], $0xffff  }
0x1ec: {  	v19 =	vld.idx.msk [tilespmem:v3+s5+$0xA0D0 ss:$0x1], $0xffff;
	v5 =	vadd.f32 v6, v5;
	v6 =	vmul.f32 v8, v9  }
0x1ed: {  	v20 =	vld.idx.msk [tilespmem:v3+s5+$0xA020 ss:$0x1], $0xffff  }
0x1ee: {  	v21 =	vld.idx.msk [tilespmem:v3+s5+$0xA060 ss:$0x1], $0xffff;
	v5 =	vadd.f32 v6, v5;
	v6 =	vmul.f32 v10, v11  }
0x1ef: {  	v22 =	vld.idx.msk [tilespmem:v3+s5+$0xA0A0 ss:$0x1], $0xffff  }
0x1f0: {  	v24 =	vld.idx.msk [tilespmem:v3+s5+$0xA030 ss:$0x1], $0xffff;
	v12 =	vmul.f32 v12, v4;
	v5 =	vadd.f32 v6, v5  }
0x1f1: {  	v13 =	vmul.f32 v13, v7;
	v16 =	vmul.f32 v16, v4;
	v8 =	vld.idx.msk [tilespmem:v3+s5+$0xA070 ss:$0x1], $0xffff  }
0x1f2: {  	v23 =	vld.idx.msk [tilespmem:v3+s5+$0xA0E0 ss:$0x1], $0xffff;
	v6 =	vmul.f32 v14, v4;
	v14 =	vmul.f32 v15, v7;
	(xrf2) =	vadd.scan.msk.f32 $0xffff, v5  }
0x1f3: {  	s10 =	simm.s32 $0x140;
	v25 =	vld.idx.msk [tilespmem:v3+s5+$0xA0B0 ss:$0x1], $0xffff;
	v17 =	vmul.f32 v17, v7;
	v12 =	vadd.f32 v13, v12;
	v13 =	vmul.f32 v20, v9  }
0x1f4: {  	v20 =	vld.idx.msk [tilespmem:v3+s10+$0xA110 ss:$0x1], $0xffff;
	v5 =	vadd.f32 v14, v6;
	v14 =	vmul.f32 v21, v9  }
0x1f5: {  	v16 =	vadd.f32 v17, v16;
	v10 =	vld.idx.msk [tilespmem:v3+s5+$0xA0F0 ss:$0x1], $0xffff;
	v12 =	vadd.f32 v13, v12;
	v13 =	vmul.f32 v24, v11  }
0x1f6: {  	v17 =	vmul.f32 v22, v9;
	v15 =	vld.idx.msk [tilespmem:v3+s10+$0xA100 ss:$0x1], $0xffff;
	v5 =	vadd.f32 v14, v5;
	v14 =	vmul.f32 v8, v11  }
0x1f7: {  	v12 =	vadd.f32 v13, v12;
	v13 =	vld.idx.msk [tilespmem:v3+s10+$0xA130 ss:$0x1], $0xffff  }
0x1f8: {  	v6 =	vld [tilespmem:s14+$0xFFFFFFE0];
	v5 =	vadd.f32 v14, v5;
	v14 =	vadd.f32 v17, v16;
	v16 =	vmul.f32 v25, v11  }
0x1f9: {  	v4 =	vmul.f32 v18, v4;
	v7 =	vmul.f32 v19, v7;
	v18 =	vld.idx.msk [tilespmem:v3+s10+$0xA040 ss:$0x1], $0xffff  }
0x1fa: {  	v21 =	vld.idx.msk [tilespmem:v3+s10+$0xA120 ss:$0x1], $0xffff;
	(xrf2) =	vadd.scan.msk.f32 $0xffff, v12;
	v14 =	vadd.f32 v16, v14  }
0x1fb: {  	v4 =	vadd.f32 v7, v4;
	v8 =	vld [tilespmem:s14+$0x0];
	(xrf2) =	vadd.scan.msk.f32 $0xffff, v5  }
0x1fc: {  	v7 =	vmul.f32 v23, v9;
	v10 =	vmul.f32 v10, v11;
	v11 =	vld.idx.msk [tilespmem:v3+s10+$0xA0C0 ss:$0x1], $0xffff;
	v19, _, _ =	vpop (xrf2);
	(xrf2) =	vadd.scan.msk.f32 $0xffff, v14  }
0x1fd: {  	v15 =	vmul.f32 v15, v26;
	v20 =	vmul.f32 v20, v6;
	v16 =	vld.idx.msk [tilespmem:v3+s10+$0xA050 ss:$0x1], $0xffff;
	_ =	sdelay $0x1  }
0x1fe: {  	v22 =	vmov s0;
	v7 =	vadd.f32 v7, v4;
	v15 =	vadd.f32 v20, v15;
	v20 =	vld.idx.msk [tilespmem:v3+s10+$0xA0D0 ss:$0x1], $0xffff  }
0x1ff: {  	vm0 =	veq.s32 v22, v0;
	v14 =	vld.idx.msk [tilespmem:v3+s10+$0xA090 ss:$0x1], $0xffff;
	v4 =	vbroadcast v19, $0xF;
	v19 =	vmul.f32 v21, v61  }
0x200: {  	v18 =	vmul.f32 v18, v26;
	v22 =	vadd.f32 v10, v7;
	v7 =	vmul.f32 v13, v8  }
0x201: {  	v12 =	vld.idx.msk [tilespmem:v3+s10+$0xA000 ss:$0x1], $0xffff;
	v11 =	vmul.f32 v11, v26;
	v16 =	vmul.f32 v16, v6;
	v13 =	vadd.f32 v19, v15  }
0x202: {  	v17 =	vld.idx.msk [tilespmem:v3+s10+$0xA010 ss:$0x1], $0xffff  }
0x203: {  	v63 =	vadd.f32 v16, v18;
	v18 =	vmul.f32 v20, v6;
	v19, _, _ =	vpop (xrf2);
	v23 =	vadd.f32 v7, v13  }
0x204: {  	v9 =	vld.idx.msk [tilespmem:v3+s10+$0xA080 ss:$0x1], $0xffff;
	v13 =	vmul.f32 v14, v6;
	v14, _, _ =	vpop (xrf2)  }
0x205: {  	v10 =	vld.idx.msk [tilespmem:v3+s10+$0xA020 ss:$0x1], $0xffff;
	v18 =	vadd.f32 v18, v11;
	v11, _, _ =	vpop (xrf2);
	(xrf2) =	vadd.scan.msk.f32 $0xffff, v23  }
0x206: {  	v21 =	vld.idx.msk [tilespmem:v3+s10+$0xA0A0 ss:$0x1], $0xffff  }
0x207: {  	v12 =	vmul.f32 v12, v26;
	v15 =	vmul.f32 v17, v6;
	v17 =	vld.idx.msk [tilespmem:v3+s10+$0xA060 ss:$0x1], $0xffff  }
0x208: {  	v62 =	vld.idx.msk [tilespmem:v3+s10+$0xA0E0 ss:$0x1], $0xffff;
	v5 =	vimm.f32 $0.0e+00;
	(xrf2) =	vadd.scan.msk.f32 $0xffff, v22  }
0x209: {  	v7 =	vmul.f32 v9, v26;
	v9 =	vbroadcast v19, $0xF;
	v19 =	vadd.f32 v15, v12;
	v15 =	vld.idx.msk [tilespmem:v3+s10+$0xA030 ss:$0x1], $0xffff  }
0x20a: {  	v4 =	vsel vm0, v4, v5;
	vm0 =	vmmov vm0;
	v12 =	vld.idx.msk [tilespmem:v3+s10+$0xA070 ss:$0x1], $0xffff;
	v20 =	vbroadcast v14, $0xF  }
0x20b: {  	v16 =	vadd.f32 v13, v7;
	v13 =	vld.idx.msk [tilespmem:v3+s10+$0xA0B0 ss:$0x1], $0xffff;
	v6 =	vsel vm0, v9, v5;
	v9 =	vmul.f32 v10, v61  }
0x20c: {  	v21 =	vmul.f32 v21, v61;
	v14 =	vld.idx.msk [tilespmem:v3+s10+$0xA0F0 ss:$0x1], $0xffff;
	s10 =	sadd.s32 $0x40, s14;
	v27 =	vmul.f32 v17, v61  }
0x20d: {  	s16 =	sshll.u32 s30, $0x4;
	s31 =	simm.s32 $0x280;
	v10 =	vld [tilespmem:s10+$0xFFFFFFD0];
	v7 =	vsel vm0, v20, v5;
	v19 =	vadd.f32 v9, v19;
	v11 =	vbroadcast v11, $0xF  }
0x20e: {  	s5 =	simm.s32 $0xF00;
	s14 =	sor.u32 $0x80, s16;
	s16 =	simm.s32 $0x0;
	v17 =	vld.idx.msk [tilespmem:v3+s31+$0xA100 ss:$0x1], $0xffff;
	v20 =	vadd.f32 v27, v63;
	v9 =	vimm.f32 $0.0e+00;
	v22 =	vmul.f32 v62, v61  }
.LBB2_13:
0x20f: {  	p0 =	sne.s32 s5, $0x4B00;
	v23 =	vld.idx.msk [tilespmem:v3+s31+$0xA110 ss:$0x1], $0xffff;
	v15 =	vmul.f32 v15, v8;
	v16 =	vadd.f32 v21, v16;
	v21, _, _ =	vpop (xrf2);
	v5 =	vsel vm0, v11, v5;
	s16 =	sadd.s32 $0x1, s16  }
0x210: {  	v11 =	vld [tilespmem:s10+$0xFFFFFFE0];
	v24 =	vmov s16;
	v18 =	vadd.f32 v22, v18;
	v21 =	vbroadcast v21, $0xF  }
0x211: {  	v12 =	vmul.f32 v12, v8;
	v13 =	vmul.f32 v13, v8;
	v22 =	vld.idx.msk [tilespmem:v3+s31+$0xA120 ss:$0x1], $0xffff;
	vm1 =	veq.s32 v24, v0  }
0x212: {  	v15 =	vadd.f32 v15, v19;
	v14 =	vmul.f32 v14, v8;
	v24 =	vld [tilespmem:s10+$0xFFFFFFF0];
	v4 =	vsel vm1, v21, v4;
	v8, _, _ =	vpop (xrf2)  }
0x213: {  	v12 =	vadd.f32 v12, v20;
	v13 =	vadd.f32 v13, v16;
	v19 =	vld.idx.msk [tilespmem:v3+s31+$0xA130 ss:$0x1], $0xffff;
	v16 =	vbroadcast v8, $0xF  }
0x214: {  	v14 =	vadd.f32 v14, v18;
	v8 =	vld [tilespmem:s10+$0x0];
	(xrf2) =	vadd.scan.msk.f32 $0xffff, v15  }
0x215: {  	v17 =	vmul.f32 v17, v10;
	v15 =	vld.idx.msk [tilespmem:v3+s31+$0xA000 ss:$0x1], $0xffff;
	v18 =	vmul.f32 v23, v11;
	v9 =	vsel vm0, v16, v9  }
0x216: {  	vm0 =	vmmov vm1;
	v16 =	vld.idx.msk [tilespmem:v3+s31+$0xA010 ss:$0x1], $0xffff  }
0x217: {  	v20 =	vld.idx.msk [tilespmem:v3+s31+$0xA040 ss:$0x1], $0xffff;
	v17 =	vadd.f32 v18, v17;
	v18 =	vmul.f32 v22, v24;
	(xrf2) =	vadd.scan.msk.f32 $0xffff, v12  }
0x218: {  	v12 =	vld.idx.msk [tilespmem:v3+s31+$0xA050 ss:$0x1], $0xffff  }
0x219: {  	v21 =	vld.idx.msk [tilespmem:v3+s31+$0xA080 ss:$0x1], $0xffff;
	v17 =	vadd.f32 v18, v17;
	v18 =	vmul.f32 v19, v8  }
0x21a: {  	v19 =	vld.idx.msk [tilespmem:v3+s31+$0xA090 ss:$0x1], $0xffff;
	(xrf2) =	vadd.scan.msk.f32 $0xffff, v13  }
0x21b: {  	v26 =	vmul.f32 v15, v10;
	v22 =	vld.idx.msk [tilespmem:v3+s31+$0xA0C0 ss:$0x1], $0xffff;
	v15 =	vadd.f32 v18, v17  }
0x21c: {  	v16 =	vmul.f32 v16, v11;
	v17 =	vld.idx.msk [tilespmem:v3+s31+$0xA0D0 ss:$0x1], $0xffff  }
0x21d: {  	v20 =	vmul.f32 v20, v10;
	v18 =	vld.idx.msk [tilespmem:v3+s31+$0xA020 ss:$0x1], $0xffff;
	(xrf2) =	vadd.scan.msk.f32 $0xffff, v15  }
0x21e: {  	v23 =	vadd.f32 v16, v26;
	v12 =	vmul.f32 v12, v11;
	v25 =	vld.idx.msk [tilespmem:v3+s31+$0xA060 ss:$0x1], $0xffff;
	v13, _, _ =	vpop (xrf2)  }
0x21f: {  	v16 =	vmul.f32 v21, v10;
	v21 =	vld.idx.msk [tilespmem:v3+s31+$0xA0A0 ss:$0x1], $0xffff;
	v27 =	vbroadcast v13, $0xF  }
0x220: {  	v20 =	vadd.f32 v12, v20;
	v19 =	vmul.f32 v19, v11;
	v26 =	vld.idx.msk [tilespmem:v3+s31+$0xA0E0 ss:$0x1], $0xffff;
	(xrf2) =	vadd.scan.msk.f32 $0xffff, v14  }
0x221: {  	v10 =	vmul.f32 v22, v10;
	v15 =	vld.idx.msk [tilespmem:v3+s31+$0xA030 ss:$0x1], $0xffff;
	v6 =	vsel vm0, v27, v6;
	v13, _, _ =	vpop (xrf2)  }
.Ltmp5:
0x222: {  	v16 =	vadd.f32 v19, v16;
	v27 =	vmul.f32 v17, v11;
	v12 =	vld.idx.msk [tilespmem:v3+s31+$0xA070 ss:$0x1], $0xffff;
	v17 =	vbroadcast v13, $0xF;
	(pc) =	sbr.rel @p0 .LBB2_13-.Ltmp5, $4  }
0x223: {  	v19 =	vmul.f32 v18, v24;
	v13 =	vld.idx.msk [tilespmem:v3+s31+$0xA0B0 ss:$0x1], $0xffff  }
0x224: {  	s10 =	sadd.s32 $0x40, s10;
	v22 =	vmul.f32 v25, v24;
	v18 =	vadd.f32 v27, v10;
	v14 =	vld.idx.msk [tilespmem:v3+s31+$0xA0F0 ss:$0x1], $0xffff;
	v7 =	vsel vm0, v17, v7;
	v11, _, _ =	vpop (xrf2)  }
0x225: {  	s31 =	sshra.s32 s5, $0x2;
	v19 =	vadd.f32 v19, v23;
	v21 =	vmul.f32 v21, v24;
	v10 =	vld [tilespmem:s10+$0xFFFFFFD0];
	v11 =	vbroadcast v11, $0xF  }
0x226: {  	s5 =	sadd.s32 $0x500, s5;
	v20 =	vadd.f32 v22, v20;
	v22 =	vmul.f32 v26, v24;
	v17 =	vld.idx.msk [tilespmem:v3+s31+$0xA100 ss:$0x1], $0xffff  }
0x227: {  	_ =	sdelay $0x3  }
0x228: {  	v23 =	vld.idx.msk [tilespmem:v3+s31+$0xA110 ss:$0x1], $0xffff  }
0x229: {  	v24 =	vld [tilespmem:s10+$0xFFFFFFE0]  }
0x22a: {  	v25 =	vld.idx.msk [tilespmem:v3+s31+$0xA120 ss:$0x1], $0xffff  }
0x22b: {  	v26 =	vld [tilespmem:s10+$0xFFFFFFF0]  }
0x22c: {  	v27 =	vld.idx.msk [tilespmem:v3+s31+$0xA130 ss:$0x1], $0xffff  }
0x22d: {  	v28 =	vld [tilespmem:s10+$0x0]  }
0x22e: {  	v29 =	vld.idx.msk [tilespmem:v3+s31+$0xA000 ss:$0x1], $0xffff  }
0x22f: {  	v30 =	vld.idx.msk [tilespmem:v3+s31+$0xA010 ss:$0x1], $0xffff  }
0x230: {  	v31 =	vld.idx.msk [tilespmem:v3+s31+$0xA040 ss:$0x1], $0xffff  }
0x231: {  	v32 =	vld.idx.msk [tilespmem:v3+s31+$0xA050 ss:$0x1], $0xffff  }
0x232: {  	v33 =	vld.idx.msk [tilespmem:v3+s31+$0xA080 ss:$0x1], $0xffff  }
0x233: {  	v34 =	vld.idx.msk [tilespmem:v3+s31+$0xA090 ss:$0x1], $0xffff  }
0x234: {  	v15 =	vmul.f32 v15, v8;
	v35 =	vld.idx.msk [tilespmem:v3+s31+$0xA0C0 ss:$0x1], $0xffff  }
0x235: {  	v12 =	vmul.f32 v12, v8;
	v45 =	vld.idx.msk [tilespmem:v3+s31+$0xA0D0 ss:$0x1], $0xffff;
	v13 =	vmul.f32 v13, v8  }
0x236: {  	v16 =	vadd.f32 v21, v16;
	v47 =	vld.idx.msk [tilespmem:v3+s31+$0xA020 ss:$0x1], $0xffff;
	v48 =	vmul.f32 v14, v8;
	v17 =	vmul.f32 v17, v10  }
0x237: {  	v49 =	vld.idx.msk [tilespmem:v3+s31+$0xA060 ss:$0x1], $0xffff;
	v18 =	vadd.f32 v22, v18;
	v46 =	vmul.f32 v23, v24;
	v50 =	vmul.f32 v25, v26  }
0x238: {  	v52 =	vld.idx.msk [tilespmem:v3+s31+$0xA0A0 ss:$0x1], $0xffff;
	v15 =	vadd.f32 v15, v19;
	v51 =	vmul.f32 v27, v28;
	v53 =	vmul.f32 v29, v10  }
0x239: {  	v58 =	vld.idx.msk [tilespmem:v3+s31+$0xA030 ss:$0x1], $0xffff;
	v12 =	vadd.f32 v12, v20;
	v54 =	vmul.f32 v30, v24;
	v56 =	vmul.f32 v31, v10  }
0x23a: {  	v55 =	vld.idx.msk [tilespmem:v3+s31+$0xA0E0 ss:$0x1], $0xffff;
	v13 =	vadd.f32 v13, v16;
	v57 =	vmul.f32 v32, v24;
	v59 =	vmul.f32 v33, v10  }
0x23b: {  	v61 =	vld.idx.msk [tilespmem:v3+s31+$0xA070 ss:$0x1], $0xffff;
	v8 =	vadd.f32 v48, v18;
	v60 =	vmul.f32 v35, v10;
	v62 =	vmul.f32 v34, v24  }
0x23c: {  	v63 =	vld.idx.msk [tilespmem:v3+s31+$0xA0B0 ss:$0x1], $0xffff;
	v21 =	vmul.f32 v45, v24;
	v22 =	vmul.f32 v47, v26;
	v17 =	vadd.f32 v46, v17  }
0x23d: {  	v3 =	vld.idx.msk [tilespmem:v3+s31+$0xA0F0 ss:$0x1], $0xffff;
	v14 =	vmul.f32 v49, v26;
	v34 =	vmul.f32 v52, v26;
	v16 =	vadd.f32 v54, v53  }
0x23e: {  	v35 =	vmul.f32 v58, v28;
	v19 =	vadd.f32 v57, v56;
	v17 =	vadd.f32 v50, v17  }
0x23f: {  	(xrf2) =	vadd.scan.msk.f32 $0xffff, v15;
	v37 =	vmul.f32 v55, v26;
	v32 =	vadd.f32 v62, v59;
	v10 =	vadd.f32 v21, v60  }
0x240: {  	(xrf2) =	vadd.scan.msk.f32 $0xffff, v12;
	v38 =	vmul.f32 v61, v28;
	v33 =	vadd.f32 v22, v16;
	v17 =	vadd.f32 v51, v17  }
0x241: {  	v39 =	vmul.f32 v63, v28;
	(xrf2) =	vadd.scan.msk.f32 $0xffff, v13;
	v36 =	vadd.f32 v14, v19;
	v15 =	vadd.f32 v34, v32  }
0x242: {  	v3 =	vmul.f32 v3, v28;
	v40 =	vadd.f32 v37, v10;
	v12 =	vadd.f32 v35, v33;
	(xrf2) =	vadd.scan.msk.f32 $0xffff, v17  }
0x243: {  	v41 =	vadd.f32 v38, v36;
	(xrf2) =	vadd.scan.msk.f32 $0xffff, v8  }
0x244: {  	v42 =	vadd.f32 v39, v15;
	v3 =	vadd.f32 v3, v40;
	(xrf2) =	vadd.scan.msk.f32 $0xffff, v12  }
0x245: {  	(xrf2) =	vadd.scan.msk.f32 $0xffff, v41  }
0x246: {  	(xrf2) =	vadd.scan.msk.f32 $0xffff, v42  }
0x247: {  	v43, _, _ =	vpop (xrf2);
	s10 =	smul.u32 $0x5, s14;
	(xrf2) =	vadd.scan.msk.f32 $0xffff, v3  }
0x248: {  	s5 =	sadd.s32 $0x1, s16;
	v3, _, _ =	vpop (xrf2)  }
0x249: {  	v5 =	vsel vm0, v11, v5;
	s16 =	sor.u32 $0x3, s10;
	v48 =	vadd.s32 s10, v1;
	v45 =	vmov s5;
	s5 =	sadd.s32 $0x1, s5;
	v44, _, _ =	vpop (xrf2)  }
0x24a: {  	v58 =	vadd.s32 s16, v1;
	vm1 =	veq.s32 v45, v0;
	v52 =	vmov s5;
	v46, _, _ =	vpop (xrf2)  }
0x24b: {  	s31 =	sor.u32 $0x1, s10;
	s14 =	sor.u32 $0x2, s10;
	vm2 =	vmmov vm1;
	vm15 =	veq.s32 v52, v0;
	v3 =	vbroadcast v3, $0xF;
	v47, _, _ =	vpop (xrf2)  }
0x24c: {  	v54 =	vadd.s32 s31, v1;
	v56 =	vadd.s32 s14, v1;
	v50 =	vand.u32 $0x7FFFFFF8, v48;
	v49, _, _ =	vpop (xrf2)  }
0x24d: {  	s31 =	sor.u32 $0x4, s10;
	v12 =	vbroadcast v46, $0xF;
	v3 =	vsel vm0, v3, v9;
	v9 =	vor.u32 v2, v50;
	v51, _, _ =	vpop (xrf2)  }
0x24e: {  	vm3 =	vmmov vm15;
	v61 =	vadd.s32 s31, v1;
	v10 =	vbroadcast v44, $0xF;
	v53, _, _ =	vpop (xrf2)  }
0x24f: {  	v8 =	vbroadcast v43, $0xF;
	v7 =	vsel vm2, v12, v7;
	v12 =	vbroadcast v53, $0xF;
	v55, _, _ =	vpop (xrf2)  }
0x250: {  	s30 =	sadd.s32 $0x1, s30;
	v6 =	vsel vm2, v10, v6;
	v11 =	vbroadcast v47, $0xF;
	v15 =	vbroadcast v55, $0xF;
	v57, _, _ =	vpop (xrf2)  }
0x251: {  	p0 =	sne.s32 s30, $0x8;
	v10 =	vbroadcast v51, $0xF;
	v6 =	vsel vm3, v12, v6;
	v59 =	vbroadcast v57, $0xF;
	v60, _, _ =	vpop (xrf2)  }
.Ltmp6:
0x252: {  	v5 =	vsel vm2, v11, v5;
	v7 =	vsel vm3, v15, v7;
	v62 =	vbroadcast v60, $0xF;
	[tilespmem:v9+s28+$0x0] =	vst.idx.msk $0xffff, v6;
	(pc) =	sbr.rel @p0 .LBB2_12-.Ltmp6, $4  }
0x253: {  	v63 =	vbroadcast v49, $0xF;
	v3 =	vsel vm2, v10, v3;
	v5 =	vsel vm3, v59, v5;
	[tilespmem:v54+s28+$0x0] =	vst.idx.msk $0xffff, v7  }
0x254: {  	v4 =	vsel vm1, v8, v4;
	v3 =	vsel vm3, v62, v3;
	[tilespmem:v56+s28+$0x0] =	vst.idx.msk $0xffff, v5  }
0x255: {  	v4 =	vsel vm15, v63, v4;
	[tilespmem:v58+s28+$0x0] =	vst.idx.msk $0xffff, v3  }
0x256: {  	s1 =	sadd.s32 $0x1400, s1;
	s29 =	sadd.s32 $0x400, s29;
	[tilespmem:v61+s28+$0x0] =	vst.idx.msk $0xffff, v4  }
0x257: {  	s0 =	simm.s32 $0x1400  }
0x258: {  	[tilespmem:s12], [sflag:$0x1] =	stream.indirect.gather [hbm4b:s3+s11], $0x40, s0, s11, $0xb8;
	[tilespmem:$0x1BC00] =	vst v63  }
0x259: {  	s5 =	simm.s32 $0x1480  }
0x25a: {  	[tilespmem:s13], [sflag:$0x1] =	stream.indirect.gather [hbm4b:s3+s11], $0x40, s5, s11, $0xb8;
	[tilespmem:$0x1BC00] =	vst v63  }
0x25b: {  	s10 =	simm.s32 $0x1500  }
0x25c: {  	[tilespmem:s15], [sflag:$0x1] =	stream.indirect.gather [hbm4b:s3+s11], $0x40, s10, s11, $0xb8;
	[tilespmem:$0x1BC00] =	vst v63  }
0x25d: {  	s14 =	simm.s32 $0x1580;
	s16 =	simm.s32 $0x1600  }
0x25e: {  	[tilespmem:s17], [sflag:$0x1] =	stream.indirect.gather [hbm4b:s3+s11], $0x40, s14, s11, $0xb8;
	[tilespmem:$0x1BC00] =	vst v63  }
0x25f: {  	s29 =	simm.s32 $0x0;
	s30 =	simm.s32 $0x17230;
	s31 =	simm.s32 $0x17A30  }
0x260: {  	[tilespmem:s19], [sflag:$0x1] =	stream.indirect.gather [hbm4b:s3+s11], $0x40, s16, s11, $0xb8;
	[tilespmem:$0x1BC00] =	vst v63  }
.LBB2_16:
0x261: {  	s0 =	smul.u32 $0x1400, s29  }
0x262: {  	_ =	swait.ge [sflag:s20], $0xA000  }
0x263: {  	[sflag:s20] =	ssyncset.done $0x0;
	s1 =	sshra.s32 s0, $0x2  }
0x264: {  	[sflag:s20] =	ssyncadd.s32 $0xFFFF6000;
	s0 =	sadd.s32 $0x1680, s1  }
0x265: {  	[tilespmem:s21], [sflag:$0x2] =	stream.indirect.gather [hbm4b:s3+s11], $0x40, s0, s11, $0xb8;
	[tilespmem:$0x1BC00] =	vst v63  }
0x266: {  	s5 =	sadd.s32 $0x1700, s1  }
0x267: {  	[tilespmem:s22], [sflag:$0x2] =	stream.indirect.gather [hbm4b:s3+s11], $0x40, s5, s11, $0xb8;
	[tilespmem:$0x1BC00] =	vst v63  }
0x268: {  	s10 =	sadd.s32 $0x1780, s1  }
0x269: {  	[tilespmem:s23], [sflag:$0x2] =	stream.indirect.gather [hbm4b:s3+s11], $0x40, s10, s11, $0xb8;
	[tilespmem:$0x1BC00] =	vst v63  }
0x26a: {  	s14 =	sadd.s32 $0x1800, s1  }
0x26b: {  	[tilespmem:s24], [sflag:$0x2] =	stream.indirect.gather [hbm4b:s3+s11], $0x40, s14, s11, $0xb8;
	[tilespmem:$0x1BC00] =	vst v63  }
0x26c: {  	s16 =	sadd.s32 $0x1880, s1;
	s0 =	simm.s32 $0x3480  }
0x26d: {  	[tilespmem:s25], [sflag:$0x2] =	stream.indirect.gather [hbm4b:s3+s11], $0x40, s16, s11, $0xb8;
	[tilespmem:$0x1BC00] =	vst v63  }
0x26e: {  	v9 =	vld [tilespmem:s0+$0xFFFFFD80]  }
0x26f: {  	v10 =	vld [tilespmem:s0+$0xFFFFFD90]  }
0x270: {  	v11 =	vld [tilespmem:s0+$0xFFFFFDD0]  }
0x271: {  	v4 =	vld [tilespmem:s0+$0x250]  }
0x272: {  	v5 =	vld [tilespmem:s0+$0x240]  }
0x273: {  	v6 =	vld [tilespmem:s0+$0x200]  }
0x274: {  	v3 =	vld [tilespmem:s0+$0x1C0]  }
0x275: {  	v12 =	vld [tilespmem:s0+$0x180]  }
0x276: {  	v7 =	vld [tilespmem:s0+$0x210]  }
0x277: {  	v13 =	vld [tilespmem:s0+$0x140]  }
0x278: {  	v8 =	vld [tilespmem:s0+$0x1D0]  }
0x279: {  	v14 =	vld [tilespmem:s0+$0x100]  }
0x27a: {  	v15 =	vld [tilespmem:s0+$0x190]  }
0x27b: {  	v16 =	vld [tilespmem:s0+$0xC0]  }
0x27c: {  	v17 =	vld [tilespmem:s0+$0x150]  }
0x27d: {  	v18 =	vld [tilespmem:s0+$0x80]  }
0x27e: {  	v19 =	vld [tilespmem:s0+$0x110]  }
0x27f: {  	v20 =	vld [tilespmem:s0+$0xD0]  }
0x280: {  	v21 =	vld [tilespmem:s0+$0x50]  }
0x281: {  	v22 =	vld [tilespmem:s0+$0x40]  }
0x282: {  	v23 =	vld [tilespmem:s0+$0x10]  }
0x283: {  	v24 =	vld [tilespmem:s0+$0x0]  }
0x284: {  	v25 =	vld [tilespmem:s0+$0x90]  }
0x285: {  	v26 =	vld [tilespmem:s0+$0xFFFFFFD0]  }
0x286: {  	v27 =	vld [tilespmem:s0+$0xFFFFFFC0]  }
0x287: {  	v28 =	vld [tilespmem:s0+$0xFFFFFF90]  }
0x288: {  	v29 =	vld [tilespmem:s0+$0xFFFFFF80]  }
0x289: {  	v30 =	vld [tilespmem:s0+$0xFFFFFF50]  }
0x28a: {  	v31 =	vld [tilespmem:s0+$0xFFFFFF40]  }
0x28b: {  	v32 =	vld [tilespmem:s0+$0xFFFFFF10]  }
0x28c: {  	v33 =	vld [tilespmem:s0+$0xFFFFFF00]  }
0x28d: {  	v34 =	vld [tilespmem:s0+$0xFFFFFED0]  }
0x28e: {  	v35 =	vld [tilespmem:s0+$0xFFFFFEC0]  }
0x28f: {  	v36 =	vld [tilespmem:s0+$0xFFFFFE90]  }
0x290: {  	v37 =	vld [tilespmem:s0+$0xFFFFFE80]  }
0x291: {  	v38 =	vld [tilespmem:s0+$0xFFFFFE50]  }
0x292: {  	v39 =	vld [tilespmem:s0+$0xFFFFFE40]  }
0x293: {  	v40 =	vld [tilespmem:s0+$0xFFFFFE10]  }
0x294: {  	v41 =	vld [tilespmem:s0+$0xFFFFFDF0]  }
0x295: {  	v42 =	vld [tilespmem:s0+$0xFFFFFE00]  }
0x296: {  	v43 =	vld [tilespmem:s0+$0xFFFFFDC0]  }
0x297: {  	v44 =	vld [tilespmem:s0+$0xFFFFFDE0]  }
0x298: {  	v45 =	vld [tilespmem:s0+$0xFFFFFDA0]  }
0x299: {  	v46 =	vld [tilespmem:s0+$0xFFFFFDB0]  }
0x29a: {  	v47 =	vld [tilespmem:s0+$0xFFFFFE20]  }
0x29b: {  	v60 =	vld [tilespmem:s0+$0xFFFFFE30];
	v9 =	vadd.f32 v43, v9  }
0x29c: {  	v61 =	vld [tilespmem:s0+$0xFFFFFE60];
	v10 =	vadd.f32 v11, v10  }
0x29d: {  	v62 =	vld [tilespmem:s0+$0xFFFFFE70];
	v44 =	vadd.f32 v44, v45;
	v9 =	vadd.f32 v42, v9  }
0x29e: {  	v48 =	vld [tilespmem:s0+$0xFFFFFEA0];
	v63 =	vadd.f32 v41, v46;
	v10 =	vadd.f32 v40, v10  }
0x29f: {  	v49 =	vld [tilespmem:s0+$0xFFFFFEB0];
	v44 =	vadd.f32 v47, v44;
	v9 =	vadd.f32 v39, v9  }
0x2a0: {  	v51 =	vld [tilespmem:s0+$0xFFFFFEE0];
	v50 =	vadd.f32 v60, v63;
	v10 =	vadd.f32 v38, v10  }
0x2a1: {  	v52 =	vld [tilespmem:s0+$0xFFFFFEF0];
	v11 =	vadd.f32 v61, v44;
	v9 =	vadd.f32 v37, v9  }
0x2a2: {  	v54 =	vld [tilespmem:s0+$0xFFFFFF20];
	v53 =	vadd.f32 v62, v50;
	v10 =	vadd.f32 v36, v10  }
0x2a3: {  	v55 =	vld [tilespmem:s0+$0xFFFFFF30];
	v11 =	vadd.f32 v48, v11;
	v9 =	vadd.f32 v35, v9  }
0x2a4: {  	v57 =	vld [tilespmem:s0+$0xFFFFFF60];
	v56 =	vadd.f32 v49, v53;
	v10 =	vadd.f32 v34, v10  }
0x2a5: {  	v58 =	vld [tilespmem:s0+$0xFFFFFF70];
	v11 =	vadd.f32 v51, v11;
	v9 =	vadd.f32 v33, v9  }
0x2a6: {  	v60 =	vld [tilespmem:s0+$0xFFFFFFA0];
	v59 =	vadd.f32 v52, v56;
	v10 =	vadd.f32 v32, v10  }
0x2a7: {  	v61 =	vld [tilespmem:s0+$0xFFFFFFB0];
	v11 =	vadd.f32 v54, v11;
	v9 =	vadd.f32 v31, v9  }
0x2a8: {  	v63 =	vld [tilespmem:s0+$0xFFFFFFE0];
	v62 =	vadd.f32 v55, v59;
	v10 =	vadd.f32 v30, v10  }
0x2a9: {  	v35 =	vld [tilespmem:s0+$0xFFFFFFF0];
	v11 =	vadd.f32 v57, v11;
	v9 =	vadd.f32 v29, v9  }
0x2aa: {  	v37 =	vld [tilespmem:s0+$0x20];
	v36 =	vadd.f32 v58, v62;
	v10 =	vadd.f32 v28, v10  }
0x2ab: {  	v38 =	vld [tilespmem:s0+$0x30];
	v11 =	vadd.f32 v60, v11;
	v9 =	vadd.f32 v27, v9  }
0x2ac: {  	v40 =	vld [tilespmem:s0+$0x60];
	v39 =	vadd.f32 v61, v36;
	v10 =	vadd.f32 v26, v10  }
0x2ad: {  	v41 =	vld [tilespmem:s0+$0x70];
	v11 =	vadd.f32 v63, v11;
	v9 =	vadd.f32 v24, v9  }
0x2ae: {  	v43 =	vld [tilespmem:s0+$0xA0];
	v42 =	vadd.f32 v35, v39;
	v10 =	vadd.f32 v23, v10  }
0x2af: {  	v44 =	vld [tilespmem:s0+$0xB0];
	v11 =	vadd.f32 v37, v11;
	v9 =	vadd.f32 v22, v9  }
0x2b0: {  	v46 =	vld [tilespmem:s0+$0xE0];
	v45 =	vadd.f32 v38, v42;
	v10 =	vadd.f32 v21, v10  }
0x2b1: {  	v47 =	vld [tilespmem:s0+$0xF0];
	v11 =	vadd.f32 v40, v11;
	v9 =	vadd.f32 v18, v9  }
0x2b2: {  	v48 =	vld [tilespmem:s0+$0x120];
	v21 =	vadd.f32 v41, v45;
	v10 =	vadd.f32 v25, v10  }
0x2b3: {  	v49 =	vld [tilespmem:s0+$0x130];
	v11 =	vadd.f32 v43, v11;
	v9 =	vadd.f32 v16, v9  }
0x2b4: {  	v51 =	vld [tilespmem:s0+$0x160];
	v50 =	vadd.f32 v44, v21;
	v10 =	vadd.f32 v20, v10  }
0x2b5: {  	v52 =	vld [tilespmem:s0+$0x170];
	v11 =	vadd.f32 v46, v11;
	v9 =	vadd.f32 v14, v9  }
0x2b6: {  	v53 =	vld [tilespmem:s0+$0x1A0];
	v18 =	vadd.f32 v47, v50;
	v10 =	vadd.f32 v19, v10  }
0x2b7: {  	v54 =	vld [tilespmem:s0+$0x1B0];
	v11 =	vadd.f32 v48, v11;
	v9 =	vadd.f32 v13, v9  }
0x2b8: {  	v55 =	vld [tilespmem:s0+$0x1E0];
	v16 =	vadd.f32 v49, v18;
	v10 =	vadd.f32 v17, v10  }
0x2b9: {  	v56 =	vld [tilespmem:s0+$0x1F0];
	v11 =	vadd.f32 v51, v11;
	v9 =	vadd.f32 v12, v9  }
0x2ba: {  	v57 =	vld [tilespmem:s0+$0x220];
	v14 =	vadd.f32 v52, v16;
	v10 =	vadd.f32 v15, v10  }
0x2bb: {  	v58 =	vld [tilespmem:s0+$0x230];
	v11 =	vadd.f32 v53, v11;
	v9 =	vadd.f32 v3, v9  }
0x2bc: {  	v60 =	vld [tilespmem:s0+$0x260];
	v59 =	vadd.f32 v54, v14;
	v3 =	vmov s30;
	v8 =	vadd.f32 v8, v10  }
0x2bd: {  	v11 =	vadd.f32 v55, v11;
	v6 =	vadd.f32 v6, v9  }
0x2be: {  	v61 =	vld [tilespmem:s0+$0x270];
	v62 =	vadd.f32 v56, v59;
	v7 =	vadd.f32 v7, v8  }
0x2bf: {  	v63 =	vadd.f32 v57, v11;
	v5 =	vadd.f32 v5, v6  }
0x2c0: {  	s5 =	simm.s32 $0x0;
	v4 =	vadd.f32 v4, v7  }
0x2c1: {  	v6 =	vadd.f32 v58, v62;
	v7 =	vadd.f32 v60, v63;
	[tilespmem:v3+s5+$0xFFFFFFD0 ss:$0x1] =	vst.idx.msk $0xffff, v5  }
0x2c2: {  	[tilespmem:v3+s5+$0xFFFFFFE0 ss:$0x1] =	vst.idx.msk $0xffff, v4  }
0x2c3: {  	s14 =	simm.s32 $0x100;
	v4 =	vadd.f32 v61, v6;
	[tilespmem:v3+s5+$0xFFFFFFF0 ss:$0x1] =	vst.idx.msk $0xffff, v7  }
.LBB2_17:
0x2c4: {  	p0 =	sne.s32 s14, $0x1F00  }
0x2c5: {  	[tilespmem:v3+s5+$0x0 ss:$0x1] =	vst.idx.msk $0xffff, v4;
	s0 =	sadd.s32 $0x500, s0;
	s16 =	smov.u32 s14;
	s14 =	sadd.s32 $0x100, s14  }
0x2c6: {  	v20 =	vld [tilespmem:s0+$0xFFFFFD80]  }
0x2c7: {  	v8 =	vld [tilespmem:s0+$0xFFFFFD90]  }
0x2c8: {  	v9 =	vld [tilespmem:s0+$0xFFFFFDD0]  }
0x2c9: {  	v4 =	vld [tilespmem:s0+$0x250]  }
0x2ca: {  	v5 =	vld [tilespmem:s0+$0x240]  }
0x2cb: {  	v6 =	vld [tilespmem:s0+$0x200]  }
0x2cc: {  	v7 =	vld [tilespmem:s0+$0x1C0]  }
0x2cd: {  	v21 =	vadd.f32 v9, v8;
	v8 =	vld [tilespmem:s0+$0x180]  }
0x2ce: {  	v9 =	vld [tilespmem:s0+$0x210]  }
0x2cf: {  	v10 =	vld [tilespmem:s0+$0x140]  }
0x2d0: {  	v11 =	vld [tilespmem:s0+$0x1D0]  }
0x2d1: {  	v12 =	vld [tilespmem:s0+$0x100]  }
0x2d2: {  	v13 =	vld [tilespmem:s0+$0x190]  }
0x2d3: {  	v14 =	vld [tilespmem:s0+$0xC0]  }
0x2d4: {  	v15 =	vld [tilespmem:s0+$0x150]  }
0x2d5: {  	v16 =	vld [tilespmem:s0+$0x80]  }
0x2d6: {  	v17 =	vld [tilespmem:s0+$0x110]  }
0x2d7: {  	v18 =	vld [tilespmem:s0+$0xD0]  }
0x2d8: {  	v22 =	vld [tilespmem:s0+$0x50]  }
0x2d9: {  	v19 =	vld [tilespmem:s0+$0x40]  }
0x2da: {  	v23 =	vld [tilespmem:s0+$0x10]  }
0x2db: {  	v24 =	vld [tilespmem:s0+$0x0]  }
0x2dc: {  	v25 =	vld [tilespmem:s0+$0x90]  }
0x2dd: {  	v26 =	vld [tilespmem:s0+$0xFFFFFFD0]  }
0x2de: {  	v27 =	vld [tilespmem:s0+$0xFFFFFFC0]  }
0x2df: {  	v28 =	vld [tilespmem:s0+$0xFFFFFF90]  }
0x2e0: {  	v29 =	vld [tilespmem:s0+$0xFFFFFF80]  }
0x2e1: {  	v30 =	vld [tilespmem:s0+$0xFFFFFF50]  }
0x2e2: {  	v31 =	vld [tilespmem:s0+$0xFFFFFF40]  }
0x2e3: {  	v32 =	vld [tilespmem:s0+$0xFFFFFF10]  }
0x2e4: {  	v33 =	vld [tilespmem:s0+$0xFFFFFF00]  }
0x2e5: {  	v34 =	vld [tilespmem:s0+$0xFFFFFED0]  }
0x2e6: {  	v35 =	vld [tilespmem:s0+$0xFFFFFEC0]  }
0x2e7: {  	v36 =	vld [tilespmem:s0+$0xFFFFFE90]  }
0x2e8: {  	v37 =	vld [tilespmem:s0+$0xFFFFFE80]  }
0x2e9: {  	v38 =	vld [tilespmem:s0+$0xFFFFFE50]  }
0x2ea: {  	v39 =	vld [tilespmem:s0+$0xFFFFFE40]  }
0x2eb: {  	v40 =	vld [tilespmem:s0+$0xFFFFFE10]  }
0x2ec: {  	v41 =	vld [tilespmem:s0+$0xFFFFFDF0]  }
0x2ed: {  	v42 =	vld [tilespmem:s0+$0xFFFFFE00]  }
0x2ee: {  	v43 =	vld [tilespmem:s0+$0xFFFFFDC0]  }
0x2ef: {  	v44 =	vld [tilespmem:s0+$0xFFFFFDE0]  }
0x2f0: {  	v45 =	vld [tilespmem:s0+$0xFFFFFDA0];
	v21 =	vadd.f32 v40, v21  }
0x2f1: {  	v40 =	vld [tilespmem:s0+$0xFFFFFDB0]  }
0x2f2: {  	v46 =	vld [tilespmem:s0+$0xFFFFFE20];
	v21 =	vadd.f32 v38, v21  }
0x2f3: {  	v20 =	vadd.f32 v43, v20;
	v38 =	vld [tilespmem:s0+$0xFFFFFE30]  }
0x2f4: {  	v43 =	vld [tilespmem:s0+$0xFFFFFE60];
	v21 =	vadd.f32 v36, v21  }
0x2f5: {  	v36 =	vadd.f32 v44, v45;
	v20 =	vadd.f32 v42, v20;
	v42 =	vld [tilespmem:s0+$0xFFFFFE70]  }
0x2f6: {  	v40 =	vadd.f32 v41, v40;
	v41 =	vld [tilespmem:s0+$0xFFFFFEA0];
	v21 =	vadd.f32 v34, v21  }
0x2f7: {  	v34 =	vadd.f32 v46, v36;
	v20 =	vadd.f32 v39, v20;
	v36 =	vld [tilespmem:s0+$0xFFFFFEB0]  }
0x2f8: {  	v38 =	vadd.f32 v38, v40;
	v39 =	vld [tilespmem:s0+$0xFFFFFEE0];
	v21 =	vadd.f32 v32, v21  }
0x2f9: {  	v32 =	vadd.f32 v43, v34;
	v20 =	vadd.f32 v37, v20;
	v34 =	vld [tilespmem:s0+$0xFFFFFEF0]  }
0x2fa: {  	v37 =	vadd.f32 v42, v38;
	v38 =	vld [tilespmem:s0+$0xFFFFFF20];
	v21 =	vadd.f32 v30, v21  }
0x2fb: {  	v30 =	vadd.f32 v41, v32;
	v20 =	vadd.f32 v35, v20;
	v32 =	vld [tilespmem:s0+$0xFFFFFF30]  }
0x2fc: {  	v35 =	vadd.f32 v36, v37;
	v36 =	vld [tilespmem:s0+$0xFFFFFF60];
	v21 =	vadd.f32 v28, v21  }
0x2fd: {  	v28 =	vadd.f32 v39, v30;
	v20 =	vadd.f32 v33, v20;
	v30 =	vld [tilespmem:s0+$0xFFFFFF70]  }
0x2fe: {  	v33 =	vadd.f32 v34, v35;
	v34 =	vld [tilespmem:s0+$0xFFFFFFA0];
	v21 =	vadd.f32 v26, v21  }
0x2ff: {  	v26 =	vadd.f32 v38, v28;
	v20 =	vadd.f32 v31, v20;
	v28 =	vld [tilespmem:s0+$0xFFFFFFB0]  }
0x300: {  	v31 =	vadd.f32 v32, v33;
	v32 =	vld [tilespmem:s0+$0xFFFFFFE0];
	v21 =	vadd.f32 v23, v21  }
0x301: {  	v23 =	vadd.f32 v36, v26;
	v20 =	vadd.f32 v29, v20;
	v26 =	vld [tilespmem:s0+$0xFFFFFFF0]  }
0x302: {  	v29 =	vadd.f32 v30, v31;
	v30 =	vld [tilespmem:s0+$0x20];
	v21 =	vadd.f32 v22, v21  }
0x303: {  	v22 =	vadd.f32 v34, v23;
	v20 =	vadd.f32 v27, v20;
	v23 =	vld [tilespmem:s0+$0x30]  }
0x304: {  	v27 =	vadd.f32 v28, v29;
	v28 =	vld [tilespmem:s0+$0x60];
	v21 =	vadd.f32 v25, v21  }
0x305: {  	v22 =	vadd.f32 v32, v22;
	v20 =	vadd.f32 v24, v20;
	v24 =	vld [tilespmem:s0+$0x70]  }
0x306: {  	v25 =	vadd.f32 v26, v27;
	v26 =	vld [tilespmem:s0+$0xA0];
	v18 =	vadd.f32 v18, v21  }
0x307: {  	v21 =	vadd.f32 v30, v22;
	v19 =	vadd.f32 v19, v20;
	v20 =	vld [tilespmem:s0+$0xB0]  }
0x308: {  	v22 =	vadd.f32 v23, v25;
	v23 =	vld [tilespmem:s0+$0xE0];
	v17 =	vadd.f32 v17, v18  }
0x309: {  	v18 =	vadd.f32 v28, v21;
	v16 =	vadd.f32 v16, v19;
	v19 =	vld [tilespmem:s0+$0xF0]  }
0x30a: {  	v21 =	vadd.f32 v24, v22;
	v22 =	vld [tilespmem:s0+$0x120];
	v15 =	vadd.f32 v15, v17  }
0x30b: {  	v17 =	vadd.f32 v26, v18;
	v14 =	vadd.f32 v14, v16;
	v16 =	vld [tilespmem:s0+$0x130]  }
0x30c: {  	v18 =	vadd.f32 v20, v21;
	v20 =	vld [tilespmem:s0+$0x160];
	v13 =	vadd.f32 v13, v15  }
0x30d: {  	v15 =	vadd.f32 v23, v17;
	v12 =	vadd.f32 v12, v14;
	v14 =	vld [tilespmem:s0+$0x170]  }
0x30e: {  	v17 =	vadd.f32 v19, v18;
	v18 =	vld [tilespmem:s0+$0x1A0];
	v11 =	vadd.f32 v11, v13  }
0x30f: {  	v13 =	vadd.f32 v22, v15;
	v10 =	vadd.f32 v10, v12;
	v12 =	vld [tilespmem:s0+$0x1B0]  }
0x310: {  	v15 =	vadd.f32 v16, v17;
	v16 =	vld [tilespmem:s0+$0x1E0];
	v9 =	vadd.f32 v9, v11  }
0x311: {  	v11 =	vadd.f32 v20, v13;
	v8 =	vadd.f32 v8, v10;
	v10 =	vld [tilespmem:s0+$0x1F0]  }
0x312: {  	v13 =	vadd.f32 v14, v15;
	v14 =	vld [tilespmem:s0+$0x220]  }
0x313: {  	v11 =	vadd.f32 v18, v11;
	v7 =	vadd.f32 v7, v8;
	v8 =	vld [tilespmem:s0+$0x230]  }
0x314: {  	v12 =	vadd.f32 v12, v13;
	v13 =	vld [tilespmem:s0+$0x260]  }
0x315: {  	v11 =	vadd.f32 v16, v11;
	v6 =	vadd.f32 v6, v7;
	v7 =	vld [tilespmem:s0+$0x270]  }
0x316: {  	v10 =	vadd.f32 v10, v12  }
.Ltmp7:
0x317: {  	v11 =	vadd.f32 v14, v11;
	v5 =	vadd.f32 v5, v6;
	(pc) =	sbr.rel @p0 .LBB2_17-.Ltmp7, $4  }
0x318: {  	s5 =	sshra.s32 s16, $0x2;
	v6 =	vadd.f32 v8, v10;
	v8 =	vadd.f32 v4, v9  }
0x319: {  	v9 =	vadd.f32 v13, v11;
	[tilespmem:v3+s5+$0xFFFFFFD0 ss:$0x1] =	vst.idx.msk $0xffff, v5  }
0x31a: {  	v4 =	vadd.f32 v7, v6;
	[tilespmem:v3+s5+$0xFFFFFFE0 ss:$0x1] =	vst.idx.msk $0xffff, v8  }
0x31b: {  	[tilespmem:v3+s5+$0xFFFFFFF0 ss:$0x1] =	vst.idx.msk $0xffff, v9  }
0x31c: {  	_ =	sdelay $0x3  }
0x31d: {  	[tilespmem:v3+s5+$0x0 ss:$0x1] =	vst.idx.msk $0xffff, v4  }
0x31e: {  	p0 =	seq.s32 s29, $0x3;
	_ =	swait.ge [sflag:s26], $0xA000  }
0x31f: {  	s0 =	sadd.s32 @!p0 $0x1900, s1;
	[sflag:s26] =	ssyncset.done $0x0  }
0x320: {  	s5 =	simm.s32 @!p0 $0x80;
	s10 =	simm.s32 @!p0 $0x3200;
	[sflag:s26] =	ssyncadd.s32 $0xFFFF6000  }
0x321: {  	[tilespmem:s10], [sflag:$0x1] =	stream.indirect.gather @!p0 [hbm4b:s3+s5], $0x40, s0, s5, $0xb8;
	[tilespmem:$0x1BC00] =	vst v63  }
0x322: {  	s0 =	sadd.s32 @!p0 $0x1980, s1;
	s10 =	simm.s32 @!p0 $0x5200  }
0x323: {  	[tilespmem:s10], [sflag:$0x1] =	stream.indirect.gather @!p0 [hbm4b:s3+s5], $0x40, s0, s5, $0xb8;
	[tilespmem:$0x1BC00] =	vst v63  }
0x324: {  	s0 =	sadd.s32 @!p0 $0x1A00, s1;
	s10 =	simm.s32 @!p0 $0x7200  }
0x325: {  	[tilespmem:s10], [sflag:$0x1] =	stream.indirect.gather @!p0 [hbm4b:s3+s5], $0x40, s0, s5, $0xb8;
	[tilespmem:$0x1BC00] =	vst v63  }
0x326: {  	s0 =	sadd.s32 @!p0 $0x1A80, s1;
	s10 =	simm.s32 @!p0 $0x9200  }
0x327: {  	[tilespmem:s10], [sflag:$0x1] =	stream.indirect.gather @!p0 [hbm4b:s3+s5], $0x40, s0, s5, $0xb8;
	[tilespmem:$0x1BC00] =	vst v63  }
0x328: {  	s0 =	sadd.s32 @!p0 $0x1B00, s1;
	s1 =	simm.s32 @!p0 $0xB200  }
0x329: {  	[tilespmem:s1], [sflag:$0x1] =	stream.indirect.gather @!p0 [hbm4b:s3+s5], $0x40, s0, s5, $0xb8;
	[tilespmem:$0x1BC00] =	vst v63  }
0x32a: {  	s0 =	simm.s32 $0x0;
	s1 =	smov.u32 s31  }
.LBB2_19:
0x32b: {  	s14 =	sshra.s32 s0, $0x2  }
0x32c: {  	v3 =	vld [tilespmem:s14+$0xD200]  }
0x32d: {  	v4 =	vld [tilespmem:s14+$0xD210]  }
0x32e: {  	v5 =	vld [tilespmem:s14+$0xD220]  }
0x32f: {  	v6 =	vld [tilespmem:s14+$0xD230]  }
0x330: {  	v7 =	vld [tilespmem:s14+$0xD240]  }
0x331: {  	v8 =	vld [tilespmem:s14+$0xD250]  }
0x332: {  	v9 =	vld [tilespmem:s14+$0xD260]  }
0x333: {  	v10 =	vld [tilespmem:s14+$0xD270]  }
0x334: {  	v11 =	vld [tilespmem:s14+$0xD280]  }
0x335: {  	v12 =	vld [tilespmem:s14+$0xD290]  }
0x336: {  	v13 =	vld [tilespmem:s14+$0xD2A0]  }
0x337: {  	v14 =	vld [tilespmem:s14+$0xD2B0]  }
0x338: {  	v15 =	vld [tilespmem:s14+$0xD2C0]  }
0x339: {  	v16 =	vld [tilespmem:s14+$0xD2D0]  }
0x33a: {  	v17 =	vld [tilespmem:s14+$0xD2E0]  }
0x33b: {  	v18 =	vld [tilespmem:s14+$0xD2F0]  }
0x33c: {  	v19 =	vld [tilespmem:s14+$0xD300]  }
0x33d: {  	v20 =	vld [tilespmem:s14+$0xD310]  }
0x33e: {  	v21 =	vld [tilespmem:s14+$0xD320]  }
0x33f: {  	v22 =	vld [tilespmem:s14+$0xD330]  }
0x340: {  	v23 =	vld [tilespmem:s14+$0xD340]  }
0x341: {  	v24 =	vld [tilespmem:s14+$0xD350]  }
0x342: {  	v25 =	vld [tilespmem:s14+$0xD360]  }
0x343: {  	v26 =	vld [tilespmem:s14+$0xD370]  }
0x344: {  	v27 =	vld [tilespmem:s14+$0xD380]  }
0x345: {  	v28 =	vld [tilespmem:s14+$0xD390]  }
0x346: {  	v29 =	vld [tilespmem:s14+$0xD3A0]  }
0x347: {  	v30 =	vld [tilespmem:s14+$0xD3B0]  }
0x348: {  	v31 =	vld [tilespmem:s14+$0xD3C0]  }
0x349: {  	v32 =	vld [tilespmem:s14+$0xD3D0]  }
0x34a: {  	v33 =	vld [tilespmem:s14+$0xD3E0]  }
0x34b: {  	v34 =	vld [tilespmem:s14+$0xD3F0]  }
0x34c: {  	v35 =	vld [tilespmem:s14+$0xD400]  }
0x34d: {  	v36 =	vld [tilespmem:s14+$0xD410]  }
0x34e: {  	v37 =	vld [tilespmem:s14+$0xD420]  }
0x34f: {  	v38 =	vld [tilespmem:s14+$0xD430]  }
0x350: {  	v39 =	vld [tilespmem:s14+$0xD440]  }
0x351: {  	v40 =	vld [tilespmem:s14+$0xD450]  }
0x352: {  	v41 =	vld [tilespmem:s14+$0xD460]  }
0x353: {  	v42 =	vld [tilespmem:s14+$0xD470]  }
0x354: {  	v43 =	vld [tilespmem:s14+$0xD480]  }
0x355: {  	v44 =	vld [tilespmem:s14+$0xD490]  }
0x356: {  	v45 =	vld [tilespmem:s14+$0xD4A0]  }
0x357: {  	v46 =	vld [tilespmem:s14+$0xD4B0]  }
0x358: {  	v47 =	vld [tilespmem:s14+$0xD4C0]  }
0x359: {  	v52 =	vld [tilespmem:s14+$0xD4D0];
	v3 =	vadd.f32 v7, v3  }
0x35a: {  	v53 =	vld [tilespmem:s14+$0xD4E0];
	v4 =	vadd.f32 v8, v4  }
0x35b: {  	v54 =	vld [tilespmem:s14+$0xD4F0];
	v5 =	vadd.f32 v9, v5;
	v3 =	vadd.f32 v11, v3  }
0x35c: {  	v55 =	vld [tilespmem:s14+$0xD500];
	v6 =	vadd.f32 v10, v6;
	v4 =	vadd.f32 v12, v4  }
0x35d: {  	v56 =	vld [tilespmem:s14+$0xD510];
	v5 =	vadd.f32 v13, v5;
	v3 =	vadd.f32 v15, v3  }
0x35e: {  	v57 =	vld [tilespmem:s14+$0xD520];
	v6 =	vadd.f32 v14, v6;
	v4 =	vadd.f32 v16, v4  }
0x35f: {  	v58 =	vld [tilespmem:s14+$0xD530];
	v5 =	vadd.f32 v17, v5;
	v3 =	vadd.f32 v19, v3  }
0x360: {  	v59 =	vld [tilespmem:s14+$0xD540];
	v6 =	vadd.f32 v18, v6;
	v4 =	vadd.f32 v20, v4  }
0x361: {  	v60 =	vld [tilespmem:s14+$0xD550];
	v5 =	vadd.f32 v21, v5;
	v3 =	vadd.f32 v23, v3  }
0x362: {  	v61 =	vld [tilespmem:s14+$0xD560];
	v6 =	vadd.f32 v22, v6;
	v4 =	vadd.f32 v24, v4  }
0x363: {  	v62 =	vld [tilespmem:s14+$0xD570];
	v5 =	vadd.f32 v25, v5;
	v3 =	vadd.f32 v27, v3  }
0x364: {  	v63 =	vld [tilespmem:s14+$0xD580];
	v6 =	vadd.f32 v26, v6;
	v4 =	vadd.f32 v28, v4  }
0x365: {  	v48 =	vld [tilespmem:s14+$0xD600];
	v5 =	vadd.f32 v29, v5;
	v3 =	vadd.f32 v31, v3  }
0x366: {  	v49 =	vld [tilespmem:s14+$0xD610];
	v6 =	vadd.f32 v30, v6;
	v4 =	vadd.f32 v32, v4  }
0x367: {  	v50 =	vld [tilespmem:s14+$0xD620];
	v5 =	vadd.f32 v33, v5;
	v3 =	vadd.f32 v35, v3  }
0x368: {  	v51 =	vld [tilespmem:s14+$0xD630];
	v6 =	vadd.f32 v34, v6;
	v4 =	vadd.f32 v36, v4  }
0x369: {  	v31 =	vld [tilespmem:s14+$0xD590];
	v5 =	vadd.f32 v37, v5;
	v3 =	vadd.f32 v39, v3  }
0x36a: {  	v32 =	vld [tilespmem:s14+$0xD5A0];
	v6 =	vadd.f32 v38, v6;
	v4 =	vadd.f32 v40, v4  }
0x36b: {  	v35 =	vld [tilespmem:s14+$0xD5B0];
	v5 =	vadd.f32 v41, v5;
	v3 =	vadd.f32 v43, v3  }
0x36c: {  	v36 =	vld [tilespmem:s14+$0xD5C0];
	v6 =	vadd.f32 v42, v6;
	v4 =	vadd.f32 v44, v4  }
0x36d: {  	v39 =	vld [tilespmem:s14+$0xD5D0];
	v5 =	vadd.f32 v45, v5;
	v3 =	vadd.f32 v47, v3  }
0x36e: {  	v40 =	vld [tilespmem:s14+$0xD5E0];
	v6 =	vadd.f32 v46, v6;
	v4 =	vadd.f32 v52, v4  }
0x36f: {  	v43 =	vld [tilespmem:s14+$0xD5F0];
	v5 =	vadd.f32 v53, v5;
	v3 =	vadd.f32 v55, v3  }
0x370: {  	v6 =	vadd.f32 v54, v6;
	v52 =	vld [tilespmem:s14+$0xD640];
	v4 =	vadd.f32 v56, v4  }
0x371: {  	v53 =	vld [tilespmem:s14+$0xD650];
	v5 =	vadd.f32 v57, v5;
	v3 =	vadd.f32 v59, v3  }
0x372: {  	v54 =	vld [tilespmem:s14+$0xD660];
	v6 =	vadd.f32 v58, v6;
	v4 =	vadd.f32 v60, v4  }
0x373: {  	v55 =	vld [tilespmem:s14+$0xD670];
	v5 =	vadd.f32 v61, v5;
	v3 =	vadd.f32 v63, v3  }
0x374: {  	v56 =	vld [tilespmem:s14+$0xD680];
	v6 =	vadd.f32 v62, v6;
	v4 =	vadd.f32 v31, v4  }
0x375: {  	v57 =	vld [tilespmem:s14+$0xD690];
	v5 =	vadd.f32 v32, v5;
	v3 =	vadd.f32 v36, v3  }
0x376: {  	v58 =	vld [tilespmem:s14+$0xD6A0];
	v6 =	vadd.f32 v35, v6;
	v4 =	vadd.f32 v39, v4  }
0x377: {  	v59 =	vld [tilespmem:s14+$0xD6B0];
	v5 =	vadd.f32 v40, v5;
	v3 =	vadd.f32 v48, v3  }
0x378: {  	v60 =	vld [tilespmem:s14+$0xD6C0];
	v6 =	vadd.f32 v43, v6;
	v4 =	vadd.f32 v49, v4  }
0x379: {  	v61 =	vld [tilespmem:s14+$0xD6D0];
	v5 =	vadd.f32 v50, v5;
	v3 =	vadd.f32 v52, v3  }
0x37a: {  	v62 =	vld [tilespmem:s14+$0xD6E0];
	v6 =	vadd.f32 v51, v6;
	v4 =	vadd.f32 v53, v4  }
0x37b: {  	v63 =	vld [tilespmem:s14+$0xD6F0];
	v5 =	vadd.f32 v54, v5;
	v3 =	vadd.f32 v56, v3  }
0x37c: {  	v6 =	vadd.f32 v55, v6;
	v4 =	vadd.f32 v57, v4  }
0x37d: {  	p0 =	sne.s32 s0, $0x26C00;
	v5 =	vadd.f32 v58, v5;
	v3 =	vadd.f32 v60, v3  }
.Ltmp8:
0x37e: {  	v6 =	vadd.f32 v59, v6;
	v4 =	vadd.f32 v61, v4;
	(pc) =	sbr.rel @p0 .LBB2_19-.Ltmp8, $4  }
0x37f: {  	v5 =	vadd.f32 v62, v5;
	[tilespmem:s1+$0xFFFFFFD0] =	vst v3  }
0x380: {  	v3 =	vadd.f32 v63, v6;
	[tilespmem:s1+$0xFFFFFFE0] =	vst v4  }
0x381: {  	[tilespmem:s1+$0xFFFFFFF0] =	vst v5  }
0x382: {  	s0 =	sadd.s32 $0x1400, s0;
	[tilespmem:s1+$0x0] =	vst v3;
	s1 =	sadd.s32 $0x40, s1  }
0x383: {  	s29 =	sadd.s32 $0x1, s29  }
0x384: {  	p0 =	sne.s32 s29, $0x4  }
.Ltmp9:
0x385: {  	_ = 	snop;
	(pc) =	sbr.rel @p0 .LBB2_16-.Ltmp9, $2  }
0x386: {  	_ =	sdelay $0x2  }
0x387: {  	s30 =	sadd.s32 $0x1000, s30;
	s31 =	sadd.s32 $0x1000, s31  }
0x388: {  	s0 =	simm.s32 $0x2D00  }
0x389: {  	[tilespmem:s12], [sflag:$0x1] =	stream.indirect.gather [hbm4b:s4+s11], $0x40, s0, s11, $0xb8;
	[tilespmem:$0x1BC00] =	vst v63  }
0x38a: {  	s14 =	simm.s32 $0x2D80  }
0x38b: {  	[tilespmem:s13], [sflag:$0x1] =	stream.indirect.gather [hbm4b:s4+s11], $0x40, s14, s11, $0xb8;
	[tilespmem:$0x1BC00] =	vst v63  }
0x38c: {  	s16 =	simm.s32 $0x2E00  }
0x38d: {  	[tilespmem:s15], [sflag:$0x1] =	stream.indirect.gather [hbm4b:s4+s11], $0x40, s16, s11, $0xb8;
	[tilespmem:$0x1BC00] =	vst v63  }
0x38e: {  	s31 =	simm.s32 $0x2E80  }
0x38f: {  	[tilespmem:s17], [sflag:$0x1] =	stream.indirect.gather [hbm4b:s4+s11], $0x40, s31, s11, $0xb8;
	[tilespmem:$0x1BC00] =	vst v63  }
0x390: {  	s1 =	simm.s32 $0x2F00  }
0x391: {  	[tilespmem:s19], [sflag:$0x1] =	stream.indirect.gather [hbm4b:s4+s11], $0x40, s1, s11, $0xb8;
	[tilespmem:$0x1BC00] =	vst v63  }
0x392: {  	_ =	swait.ge [sflag:s20], $0xA000  }
0x393: {  	[sflag:s20] =	ssyncset.done $0x0  }
0x394: {  	s5 =	simm.s32 $0x2F80;
	[sflag:s20] =	ssyncadd.s32 $0xFFFF6000  }
0x395: {  	[tilespmem:s21], [sflag:$0x2] =	stream.indirect.gather [hbm4b:s4+s11], $0x40, s5, s11, $0xb8;
	[tilespmem:$0x1BC00] =	vst v63  }
0x396: {  	s10 =	simm.s32 $0x3000  }
0x397: {  	[tilespmem:s22], [sflag:$0x2] =	stream.indirect.gather [hbm4b:s4+s11], $0x40, s10, s11, $0xb8;
	[tilespmem:$0x1BC00] =	vst v63  }
0x398: {  	s14 =	simm.s32 $0x3080  }
0x399: {  	[tilespmem:s23], [sflag:$0x2] =	stream.indirect.gather [hbm4b:s4+s11], $0x40, s14, s11, $0xb8;
	[tilespmem:$0x1BC00] =	vst v63  }
0x39a: {  	s29 =	simm.s32 $0x17220;
	s30 =	simm.s32 $0x0;
	s16 =	simm.s32 $0x3100  }
0x39b: {  	[tilespmem:s24], [sflag:$0x2] =	stream.indirect.gather [hbm4b:s4+s11], $0x40, s16, s11, $0xb8;
	[tilespmem:$0x1BC00] =	vst v63  }
0x39c: {  	s0 =	simm.s32 $0x0;
	s31 =	simm.s32 $0x3180;
	s1 =	simm.s32 $0x32A0  }
0x39d: {  	[tilespmem:s25], [sflag:$0x2] =	stream.indirect.gather [hbm4b:s4+s11], $0x40, s31, s11, $0xb8;
	[tilespmem:$0x1BC00] =	vst v63  }
.LBB2_22:
0x39e: {  	v3 =	vld [tilespmem:s29+$0xFFFFFFE0]  }
0x39f: {  	v4 =	vld [tilespmem:s29+$0xFFFFFFF0]  }
0x3a0: {  	v5 =	vld [tilespmem:s1+$0x60]  }
0x3a1: {  	v6 =	vld [tilespmem:s1+$0x70]  }
0x3a2: {  	v7 =	vld [tilespmem:s29+$0x0]  }
0x3a3: {  	v8 =	vld [tilespmem:s1+$0x80]  }
0x3a4: {  	v9 =	vld [tilespmem:s29+$0x10]  }
0x3a5: {  	v10 =	vld [tilespmem:s1+$0x90]  }
0x3a6: {  	v11 =	vld [tilespmem:s1+$0xFFFFFF60]  }
0x3a7: {  	v12 =	vld [tilespmem:s1+$0xFFFFFF70]  }
0x3a8: {  	v13 =	vld [tilespmem:s1+$0xFFFFFFA0]  }
0x3a9: {  	v14 =	vld [tilespmem:s1+$0xFFFFFFB0]  }
0x3aa: {  	v15 =	vld [tilespmem:s1+$0xFFFFFFE0]  }
0x3ab: {  	v16 =	vld [tilespmem:s1+$0xFFFFFFF0]  }
0x3ac: {  	v17 =	vld [tilespmem:s1+$0x20]  }
0x3ad: {  	v18 =	vld [tilespmem:s1+$0x30]  }
0x3ae: {  	v19 =	vld [tilespmem:s1+$0xFFFFFF80]  }
0x3af: {  	v20 =	vld [tilespmem:s1+$0xFFFFFFC0];
	v5 =	vmul.f32 v5, v3;
	v6 =	vmul.f32 v6, v4  }
0x3b0: {  	v21 =	vld [tilespmem:s1+$0x0]  }
0x3b1: {  	v23 =	vld [tilespmem:s1+$0xFFFFFF90];
	v5 =	vadd.f32 v6, v5;
	v6 =	vmul.f32 v8, v7  }
0x3b2: {  	v24 =	vld [tilespmem:s1+$0x10];
	s10 =	sadd.s32 $0x40, s29;
	v11 =	vmul.f32 v11, v3  }
0x3b3: {  	v25 =	vld [tilespmem:s10+$0xFFFFFFE0];
	v12 =	vmul.f32 v12, v4;
	v5 =	vadd.f32 v6, v5;
	v6 =	vmul.f32 v10, v9  }
0x3b4: {  	s5 =	sadd.s32 $0x140, s1;
	v8 =	vld [tilespmem:s1+$0xFFFFFFD0]  }
0x3b5: {  	v11 =	vadd.f32 v12, v11;
	v12 =	vmul.f32 v19, v7;
	v19 =	vld [tilespmem:s5+$0x60];
	v5 =	vadd.f32 v6, v5  }
0x3b6: {  	v10 =	vld [tilespmem:s1+$0x50];
	v6 =	vmul.f32 v13, v3;
	v13 =	vmul.f32 v14, v4  }
0x3b7: {  	v15 =	vmul.f32 v15, v3;
	v16 =	vmul.f32 v16, v4;
	v14 =	vld [tilespmem:s10+$0xFFFFFFF0];
	(xrf2) =	vadd.scan.msk.f32 $0xffff, v5  }
0x3b8: {  	v11 =	vadd.f32 v12, v11;
	v12 =	vmul.f32 v23, v9;
	v5 =	vadd.f32 v13, v6;
	v6 =	vld [tilespmem:s5+$0x70]  }
0x3b9: {  	v23 =	vld [tilespmem:s5+$0x80];
	v13 =	vmul.f32 v20, v7  }
0x3ba: {  	v11 =	vadd.f32 v12, v11;
	v12 =	vadd.f32 v16, v15;
	v15 =	vmul.f32 v21, v7;
	v20 =	vld [tilespmem:s10+$0x0]  }
0x3bb: {  	v16 =	vld [tilespmem:s5+$0x90];
	v5 =	vadd.f32 v13, v5;
	v13 =	vmul.f32 v8, v9  }
0x3bc: {  	v12 =	vadd.f32 v15, v12;
	v15 =	vmul.f32 v24, v9;
	v8 =	vld [tilespmem:s10+$0x10]  }
0x3bd: {  	v5 =	vadd.f32 v13, v5;
	v13 =	vmul.f32 v19, v25;
	v6 =	vmul.f32 v6, v14  }
0x3be: {  	v22 =	vld [tilespmem:s1+$0x40];
	v3 =	vmul.f32 v17, v3;
	v17 =	vmul.f32 v18, v4;
	(xrf2) =	vadd.scan.msk.f32 $0xffff, v11  }
0x3bf: {  	v18 =	vld [tilespmem:s5+$0xFFFFFFE0];
	v12 =	vadd.f32 v15, v12;
	(xrf2) =	vadd.scan.msk.f32 $0xffff, v5;
	v5 =	vadd.f32 v6, v13;
	v13 =	vmul.f32 v23, v20  }
0x3c0: {  	v11 =	vld [tilespmem:s5+$0xFFFFFF60]  }
0x3c1: {  	v9 =	vmul.f32 v10, v9;
	v10 =	vld [tilespmem:s5+$0x30];
	v5 =	vadd.f32 v13, v5;
	v13 =	vmul.f32 v16, v8;
	v16, _, _ =	vpop (xrf2);
	(xrf2) =	vadd.scan.msk.f32 $0xffff, v12  }
0x3c2: {  	v19 =	vld [tilespmem:s5+$0xFFFFFF70]  }
0x3c3: {  	v3 =	vadd.f32 v17, v3;
	v7 =	vmul.f32 v22, v7;
	v15 =	vld [tilespmem:s5+$0xFFFFFFB0]  }
0x3c4: {  	v21 =	vld [tilespmem:s5+$0x20];
	v17 =	vmov s0  }
0x3c5: {  	vm0 =	veq.s32 v17, v0;
	v17 =	vld [tilespmem:s5+$0x40];
	v7 =	vadd.f32 v7, v3;
	v5 =	vadd.f32 v13, v5  }
0x3c6: {  	v6 =	vld [tilespmem:s5+$0xFFFFFFA0];
	v10 =	vmul.f32 v10, v14  }
0x3c7: {  	v22 =	vadd.f32 v9, v7;
	v9 =	vld [tilespmem:s5+$0xFFFFFFC0];
	v7 =	vmul.f32 v19, v14;
	(xrf2) =	vadd.scan.msk.f32 $0xffff, v5;
	v5 =	vmul.f32 v11, v25  }
0x3c8: {  	v4 =	vimm.f32 $0.0e+00;
	v12 =	vld [tilespmem:s5+$0xFFFFFFF0];
	v16 =	vbroadcast v16, $0xF;
	v11 =	vmul.f32 v15, v14  }
0x3c9: {  	v13 =	vld [tilespmem:s5+$0xFFFFFF80];
	v15, _, _ =	vpop (xrf2);
	v5 =	vadd.f32 v7, v5;
	v7 =	vmul.f32 v18, v25;
	v18 =	vmul.f32 v21, v25  }
0x3ca: {  	v3 =	vsel vm0, v16, v4;
	v16 =	vld [tilespmem:s5+$0x0];
	v19, _, _ =	vpop (xrf2)  }
0x3cb: {  	v6 =	vmul.f32 v6, v25;
	v25 =	vadd.f32 v10, v18;
	v10, _, _ =	vpop (xrf2);
	(xrf2) =	vadd.scan.msk.f32 $0xffff, v22  }
0x3cc: {  	v9 =	vmul.f32 v9, v20;
	v15 =	vbroadcast v15, $0xF;
	v21 =	vld [tilespmem:s5+$0xFFFFFF90]  }
0x3cd: {  	v23 =	vld [tilespmem:s5+$0xFFFFFFD0];
	vm0 =	vmmov vm0;
	v11 =	vadd.f32 v11, v6;
	v12 =	vmul.f32 v12, v14  }
0x3ce: {  	v63 =	vld [tilespmem:s5+$0x10];
	v6 =	vsel vm0, v15, v4;
	v15 =	vmul.f32 v13, v20;
	v14 =	vbroadcast v19, $0xF  }
0x3cf: {  	s16 =	sadd.s32 $0x140, s5;
	v13 =	vld [tilespmem:s5+$0x50];
	v12 =	vadd.f32 v12, v7;
	v16 =	vmul.f32 v16, v20;
	v20 =	vmul.f32 v17, v20  }
0x3d0: {  	s31 =	sadd.s32 $0x40, s10;
	v18 =	vld [tilespmem:s16+$0x60];
	v7 =	vsel vm0, v14, v4;
	v14 =	vadd.f32 v15, v5;
	v15 =	vadd.f32 v9, v11  }
0x3d1: {  	s10 =	simm.s32 $0x1;
	v9 =	vld [tilespmem:s31+$0xFFFFFFF0];
	v19 =	vmul.f32 v21, v8;
	v17 =	vadd.f32 v16, v12;
	v5 =	vbroadcast v10, $0xF  }
0x3d2: {  	v21 =	vmul.f32 v23, v8;
	v16 =	vadd.f32 v20, v25;
	v20 =	vld [tilespmem:s16+$0x70];
	v12 =	vmov s10;
	v11, _, _ =	vpop (xrf2)  }
0x3d3: {  	s14 =	simm.s32 $0x2;
	s5 =	simm.s32 $0x3;
	v22 =	vmul.f32 v63, v8;
	v10 =	vld [tilespmem:s31+$0xFFFFFFE0];
	v5 =	vsel vm0, v5, v4;
	v11 =	vbroadcast v11, $0xF  }
.LBB2_23:
0x3d4: {  	p0 =	sne.s32 s5, $0xF;
	v23 =	vld [tilespmem:s31+$0x0];
	v14 =	vadd.f32 v19, v14;
	vm1 =	veq.s32 v12, v0;
	v12 =	vmul.f32 v13, v8  }
0x3d5: {  	v15 =	vadd.f32 v21, v15;
	v13 =	vld [tilespmem:s16+$0x80];
	v17 =	vadd.f32 v22, v17;
	v3 =	vsel vm1, v11, v3;
	v11, _, _ =	vpop (xrf2)  }
0x3d6: {  	v8 =	vld [tilespmem:s31+$0x10];
	v12 =	vadd.f32 v12, v16;
	(xrf2) =	vadd.scan.msk.f32 $0xffff, v14;
	v11 =	vbroadcast v11, $0xF  }
0x3d7: {  	v14 =	vld [tilespmem:s16+$0x90]  }
0x3d8: {  	v18 =	vmul.f32 v18, v10;
	v16 =	vld [tilespmem:s16+$0xFFFFFF60];
	v19 =	vmul.f32 v20, v9;
	v4 =	vsel vm0, v11, v4  }
0x3d9: {  	vm0 =	vmmov vm1;
	v11 =	vld [tilespmem:s16+$0xFFFFFF70];
	(xrf2) =	vadd.scan.msk.f32 $0xffff, v15  }
0x3da: {  	v15 =	vld [tilespmem:s16+$0xFFFFFFA0];
	v18 =	vadd.f32 v19, v18;
	v13 =	vmul.f32 v13, v23  }
0x3db: {  	v19 =	vld [tilespmem:s16+$0xFFFFFFB0]  }
0x3dc: {  	v20 =	vld [tilespmem:s16+$0xFFFFFFE0];
	v13 =	vadd.f32 v13, v18;
	v14 =	vmul.f32 v14, v8;
	(xrf2) =	vadd.scan.msk.f32 $0xffff, v17  }
0x3dd: {  	v16 =	vmul.f32 v16, v10;
	v17 =	vld [tilespmem:s16+$0xFFFFFFF0]  }
0x3de: {  	v11 =	vmul.f32 v11, v9;
	v18 =	vld [tilespmem:s16+$0x20];
	v21 =	vadd.f32 v14, v13  }
0x3df: {  	v14 =	vmul.f32 v15, v10;
	v15 =	vld [tilespmem:s16+$0x30]  }
0x3e0: {  	v11 =	vadd.f32 v11, v16;
	v16 =	vld [tilespmem:s16+$0xFFFFFF80];
	v19 =	vmul.f32 v19, v9;
	(xrf2) =	vadd.scan.msk.f32 $0xffff, v21;
	v13, _, _ =	vpop (xrf2)  }
0x3e1: {  	v21 =	vld [tilespmem:s16+$0xFFFFFFC0];
	v20 =	vmul.f32 v20, v10;
	v22 =	vbroadcast v13, $0xF  }
0x3e2: {  	v19 =	vadd.f32 v19, v14;
	v14 =	vmul.f32 v17, v9;
	v17 =	vld [tilespmem:s16+$0x0]  }
0x3e3: {  	v10 =	vmul.f32 v18, v10;
	v18 =	vld [tilespmem:s16+$0x40];
	v6 =	vsel vm0, v22, v6;
	v13, _, _ =	vpop (xrf2);
	(xrf2) =	vadd.scan.msk.f32 $0xffff, v12  }
0x3e4: {  	v12 =	vld [tilespmem:s16+$0xFFFFFF90];
	v20 =	vadd.f32 v14, v20;
	v25 =	vmul.f32 v15, v9;
	v13 =	vbroadcast v13, $0xF  }
0x3e5: {  	v14 =	vmul.f32 v16, v23;
	v16 =	vld [tilespmem:s16+$0xFFFFFFD0]  }
0x3e6: {  	v15 =	vmul.f32 v21, v23;
	v22 =	vld [tilespmem:s16+$0x10];
	v24 =	vadd.f32 v25, v10;
	v7 =	vsel vm0, v13, v7;
	v9, _, _ =	vpop (xrf2)  }
.Ltmp10:
0x3e7: {  	s31 =	sadd.s32 $0x40, s31;
	v14 =	vadd.f32 v14, v11;
	v25 =	vmul.f32 v17, v23;
	v13 =	vld [tilespmem:s16+$0x50];
	v21 =	vbroadcast v9, $0xF;
	(pc) =	sbr.rel @p0 .LBB2_23-.Ltmp10, $4  }
0x3e8: {  	v10 =	vld [tilespmem:s31+$0xFFFFFFE0];
	v15 =	vadd.f32 v15, v19;
	v23 =	vmul.f32 v18, v23  }
0x3e9: {  	s16 =	sadd.s32 $0x140, s16;
	v9 =	vld [tilespmem:s31+$0xFFFFFFF0];
	v19 =	vmul.f32 v12, v8;
	v17 =	vadd.f32 v25, v20;
	v5 =	vsel vm0, v21, v5  }
0x3ea: {  	v18 =	vld [tilespmem:s16+$0x60];
	v21 =	vmul.f32 v16, v8;
	v16 =	vadd.f32 v23, v24;
	v11, _, _ =	vpop (xrf2)  }
0x3eb: {  	v12 =	vmov s14;
	s14 =	smov.u32 s5;
	s5 =	sadd.s32 $0x1, s5;
	v20 =	vld [tilespmem:s16+$0x70];
	v22 =	vmul.f32 v22, v8;
	v11 =	vbroadcast v11, $0xF  }
0x3ec: {  	v23 =	vld [tilespmem:s31+$0x0]  }
0x3ed: {  	v24 =	vld [tilespmem:s16+$0x80]  }
0x3ee: {  	v25 =	vld [tilespmem:s31+$0x10]  }
0x3ef: {  	v26 =	vld [tilespmem:s16+$0x90]  }
0x3f0: {  	v27 =	vld [tilespmem:s16+$0xFFFFFF60]  }
0x3f1: {  	v28 =	vld [tilespmem:s16+$0xFFFFFF70]  }
0x3f2: {  	v29 =	vld [tilespmem:s16+$0xFFFFFFA0]  }
0x3f3: {  	v30 =	vld [tilespmem:s16+$0xFFFFFFB0]  }
0x3f4: {  	v31 =	vld [tilespmem:s16+$0xFFFFFFE0]  }
0x3f5: {  	v32 =	vld [tilespmem:s16+$0xFFFFFFF0]  }
0x3f6: {  	v33 =	vld [tilespmem:s16+$0x20]  }
0x3f7: {  	v34 =	vld [tilespmem:s16+$0x30];
	v8 =	vmul.f32 v13, v8  }
0x3f8: {  	v35 =	vld [tilespmem:s16+$0xFFFFFF80];
	v18 =	vmul.f32 v18, v10;
	v20 =	vmul.f32 v20, v9  }
0x3f9: {  	v48 =	vld [tilespmem:s16+$0xFFFFFFC0];
	v49 =	vmul.f32 v24, v23;
	v50 =	vmul.f32 v26, v25  }
0x3fa: {  	v14 =	vadd.f32 v19, v14;
	v51 =	vld [tilespmem:s16+$0x0];
	v52 =	vmul.f32 v27, v10;
	v53 =	vmul.f32 v28, v9  }
0x3fb: {  	v47 =	vadd.f32 v21, v15;
	v57 =	vld [tilespmem:s16+$0xFFFFFF90];
	v55 =	vmul.f32 v29, v10;
	v56 =	vmul.f32 v30, v9  }
0x3fc: {  	v54 =	vld [tilespmem:s16+$0x40];
	v17 =	vadd.f32 v22, v17;
	v58 =	vmul.f32 v31, v10;
	v59 =	vmul.f32 v33, v10  }
0x3fd: {  	v60 =	vld [tilespmem:s16+$0xFFFFFFD0];
	v61 =	vmul.f32 v32, v9;
	v62 =	vmul.f32 v34, v9;
	v18 =	vadd.f32 v20, v18  }
0x3fe: {  	v63 =	vld [tilespmem:s16+$0x10];
	v8 =	vadd.f32 v8, v16;
	v32 =	vmul.f32 v35, v23;
	v35 =	vmul.f32 v48, v23  }
0x3ff: {  	v33 =	vld [tilespmem:s16+$0x50];
	v37 =	vmul.f32 v51, v23;
	v22 =	vadd.f32 v53, v52;
	v18 =	vadd.f32 v49, v18  }
0x400: {  	(xrf2) =	vadd.scan.msk.f32 $0xffff, v14;
	v38 =	vmul.f32 v57, v25;
	v19 =	vadd.f32 v56, v55;
	v34 =	vadd.f32 v61, v58  }
0x401: {  	(xrf2) =	vadd.scan.msk.f32 $0xffff, v47;
	v39 =	vmul.f32 v54, v23;
	v36 =	vadd.f32 v32, v22;
	v18 =	vadd.f32 v50, v18  }
0x402: {  	(xrf2) =	vadd.scan.msk.f32 $0xffff, v17;
	v40 =	vmul.f32 v60, v25;
	v9 =	vadd.f32 v62, v59;
	v10 =	vadd.f32 v35, v19  }
0x403: {  	v41 =	vmul.f32 v63, v25;
	v14 =	vadd.f32 v37, v34;
	v13 =	vadd.f32 v38, v36;
	(xrf2) =	vadd.scan.msk.f32 $0xffff, v18  }
0x404: {  	v42 =	vadd.f32 v39, v9;
	v43 =	vmul.f32 v33, v25;
	v10 =	vadd.f32 v40, v10;
	(xrf2) =	vadd.scan.msk.f32 $0xffff, v8  }
0x405: {  	v14 =	vadd.f32 v41, v14;
	(xrf2) =	vadd.scan.msk.f32 $0xffff, v13  }
0x406: {  	v8 =	vadd.f32 v43, v42;
	(xrf2) =	vadd.scan.msk.f32 $0xffff, v10  }
0x407: {  	(xrf2) =	vadd.scan.msk.f32 $0xffff, v14  }
0x408: {  	s5 =	smul.u32 $0x50, s30;
	(xrf2) =	vadd.scan.msk.f32 $0xffff, v8  }
0x409: {  	v44, _, _ =	vpop (xrf2)  }
0x40a: {  	vm1 =	veq.s32 v12, v0;
	s10 =	sadd.s32 $0x500, s5;
	v45, _, _ =	vpop (xrf2)  }
0x40b: {  	vm2 =	vmmov vm1;
	v48 =	vadd.s32 s10, v1;
	s16 =	sadd.s32 $0x502, s5;
	v46, _, _ =	vpop (xrf2)  }
0x40c: {  	s31 =	sadd.s32 $0x503, s5;
	v52 =	vmov s14;
	v56 =	vadd.s32 s16, v1;
	v47, _, _ =	vpop (xrf2);
	v8 =	vbroadcast v44, $0xF  }
0x40d: {  	v58 =	vadd.s32 s31, v1;
	vm15 =	veq.s32 v52, v0;
	v50 =	vand.u32 $0x1FF8, v48;
	v49, _, _ =	vpop (xrf2)  }
0x40e: {  	s14 =	sadd.s32 $0x501, s5;
	s5 =	sadd.s32 $0x504, s5;
	v10 =	vbroadcast v46, $0xF;
	v4 =	vsel vm0, v8, v4;
	v8 =	vor.u32 v2, v50;
	v51, _, _ =	vpop (xrf2)  }
0x40f: {  	v54 =	vadd.s32 s14, v1;
	v61 =	vadd.s32 s5, v1;
	v9 =	vbroadcast v45, $0xF;
	v53, _, _ =	vpop (xrf2)  }
0x410: {  	vm3 =	vmmov vm15;
	v7 =	vsel vm2, v10, v7;
	v10 =	vbroadcast v53, $0xF;
	v55, _, _ =	vpop (xrf2)  }
0x411: {  	s30 =	sadd.s32 $0x1, s30;
	v6 =	vsel vm2, v9, v6;
	v12 =	vbroadcast v47, $0xF;
	v15 =	vbroadcast v55, $0xF;
	v57, _, _ =	vpop (xrf2)  }
0x412: {  	p0 =	sne.s32 s30, $0x8;
	v9 =	vbroadcast v51, $0xF;
	v6 =	vsel vm3, v10, v6;
	v59 =	vbroadcast v57, $0xF;
	v60, _, _ =	vpop (xrf2)  }
.Ltmp11:
0x413: {  	v5 =	vsel vm2, v12, v5;
	v7 =	vsel vm3, v15, v7;
	v62 =	vbroadcast v60, $0xF;
	[tilespmem:v8+s28+$0x0] =	vst.idx.msk $0xffff, v6;
	(pc) =	sbr.rel @p0 .LBB2_22-.Ltmp11, $4  }
0x414: {  	v63 =	vbroadcast v49, $0xF;
	v4 =	vsel vm2, v9, v4;
	v5 =	vsel vm3, v59, v5;
	[tilespmem:v54+s28+$0x0] =	vst.idx.msk $0xffff, v7  }
0x415: {  	v3 =	vsel vm1, v11, v3;
	v4 =	vsel vm3, v62, v4;
	[tilespmem:v56+s28+$0x0] =	vst.idx.msk $0xffff, v5  }
0x416: {  	v3 =	vsel vm15, v63, v3;
	[tilespmem:v58+s28+$0x0] =	vst.idx.msk $0xffff, v4  }
0x417: {  	s1 =	sadd.s32 $0x1400, s1;
	s29 =	sadd.s32 $0x400, s29;
	[tilespmem:v61+s28+$0x0] =	vst.idx.msk $0xffff, v3  }
0x418: {  	_ =	swait.ge [sflag:s26], $0xA000  }
0x419: {  	s0 =	simm.s32 $0x0;
	s1 =	simm.s32 $0x3200;
	[sflag:s26] =	ssyncset.done $0x0  }
0x41a: {  	s29 =	simm.s32 $0x19230;
	s30 =	simm.s32 $0x0;
	[sflag:s26] =	ssyncadd.s32 $0xFFFF6000  }
.LBB2_26:
0x41b: {  	v3 =	vmov s1;
	v4 =	vld [tilespmem:s29+$0xFFFFFFD0]  }
0x41c: {  	v7 =	vld [tilespmem:s29+$0xFFFFFFE0]  }
0x41d: {  	v10 =	vld [tilespmem:s29+$0xFFFFFFF0]  }
0x41e: {  	v11 =	vld [tilespmem:s29+$0x0];
	s31 =	sadd.s32 $0x40, s29  }
0x41f: {  	s5 =	simm.s32 $0x0;
	v61 =	vld [tilespmem:s31+$0xFFFFFFF0]  }
0x420: {  	v5 =	vld.idx.msk [tilespmem:v3+s5+$0xA100 ss:$0x1], $0xffff  }
0x421: {  	v6 =	vld.idx.msk [tilespmem:v3+s5+$0xA110 ss:$0x1], $0xffff  }
0x422: {  	v8 =	vld.idx.msk [tilespmem:v3+s5+$0xA120 ss:$0x1], $0xffff  }
0x423: {  	v9 =	vld.idx.msk [tilespmem:v3+s5+$0xA130 ss:$0x1], $0xffff  }
0x424: {  	v12 =	vld.idx.msk [tilespmem:v3+s5+$0xA000 ss:$0x1], $0xffff  }
0x425: {  	v13 =	vld.idx.msk [tilespmem:v3+s5+$0xA010 ss:$0x1], $0xffff  }
0x426: {  	v14 =	vld.idx.msk [tilespmem:v3+s5+$0xA040 ss:$0x1], $0xffff  }
0x427: {  	v15 =	vld.idx.msk [tilespmem:v3+s5+$0xA050 ss:$0x1], $0xffff  }
0x428: {  	v16 =	vld.idx.msk [tilespmem:v3+s5+$0xA080 ss:$0x1], $0xffff  }
0x429: {  	v17 =	vld.idx.msk [tilespmem:v3+s5+$0xA090 ss:$0x1], $0xffff  }
0x42a: {  	v18 =	vld.idx.msk [tilespmem:v3+s5+$0xA0C0 ss:$0x1], $0xffff  }
0x42b: {  	v19 =	vld.idx.msk [tilespmem:v3+s5+$0xA0D0 ss:$0x1], $0xffff  }
0x42c: {  	v20 =	vld.idx.msk [tilespmem:v3+s5+$0xA020 ss:$0x1], $0xffff;
	v5 =	vmul.f32 v5, v4;
	v6 =	vmul.f32 v6, v7  }
0x42d: {  	v21 =	vld.idx.msk [tilespmem:v3+s5+$0xA060 ss:$0x1], $0xffff  }
0x42e: {  	v22 =	vld.idx.msk [tilespmem:v3+s5+$0xA0A0 ss:$0x1], $0xffff;
	v5 =	vadd.f32 v6, v5;
	v6 =	vmul.f32 v8, v10  }
0x42f: {  	v23 =	vld.idx.msk [tilespmem:v3+s5+$0xA0E0 ss:$0x1], $0xffff  }
0x430: {  	v24 =	vld.idx.msk [tilespmem:v3+s5+$0xA030 ss:$0x1], $0xffff;
	v5 =	vadd.f32 v6, v5;
	v6 =	vmul.f32 v9, v11  }
0x431: {  	v25 =	vld.idx.msk [tilespmem:v3+s5+$0xA0B0 ss:$0x1], $0xffff  }
0x432: {  	v26 =	vld.idx.msk [tilespmem:v3+s5+$0xA0F0 ss:$0x1], $0xffff;
	v9 =	vmul.f32 v12, v4;
	v12 =	vmul.f32 v13, v7;
	v5 =	vadd.f32 v6, v5  }
0x433: {  	v16 =	vmul.f32 v16, v4;
	v17 =	vmul.f32 v17, v7;
	v8 =	vld.idx.msk [tilespmem:v3+s5+$0xA070 ss:$0x1], $0xffff  }
0x434: {  	s10 =	simm.s32 $0x140;
	v13 =	vld [tilespmem:s31+$0xFFFFFFD0];
	v9 =	vadd.f32 v12, v9;
	v12 =	vmul.f32 v20, v10;
	(xrf2) =	vadd.scan.msk.f32 $0xffff, v5  }
0x435: {  	v16 =	vadd.f32 v17, v16;
	v6 =	vmul.f32 v14, v4;
	v14 =	vmul.f32 v15, v7;
	v15 =	vld.idx.msk [tilespmem:v3+s10+$0xA100 ss:$0x1], $0xffff  }
0x436: {  	v20 =	vld.idx.msk [tilespmem:v3+s10+$0xA110 ss:$0x1], $0xffff;
	v4 =	vmul.f32 v18, v4;
	v9 =	vadd.f32 v12, v9;
	v12 =	vmul.f32 v24, v11  }
0x437: {  	v7 =	vmul.f32 v19, v7;
	v18 =	vld.idx.msk [tilespmem:v3+s10+$0xA040 ss:$0x1], $0xffff;
	v5 =	vadd.f32 v14, v6;
	v14 =	vmul.f32 v21, v10  }
0x438: {  	v17 =	vmul.f32 v22, v10;
	v8 =	vmul.f32 v8, v11;
	v6 =	vld [tilespmem:s31+$0xFFFFFFE0];
	v12 =	vadd.f32 v12, v9  }
0x439: {  	v21 =	vld.idx.msk [tilespmem:v3+s10+$0xA120 ss:$0x1], $0xffff;
	v4 =	vadd.f32 v7, v4;
	v7 =	vmul.f32 v23, v10;
	v5 =	vadd.f32 v14, v5  }
0x43a: {  	v10 =	vld.idx.msk [tilespmem:v3+s10+$0xA080 ss:$0x1], $0xffff;
	(xrf2) =	vadd.scan.msk.f32 $0xffff, v12;
	v12 =	vadd.f32 v17, v16;
	v16 =	vmul.f32 v25, v11  }
0x43b: {  	v14 =	vld.idx.msk [tilespmem:v3+s10+$0xA130 ss:$0x1], $0xffff;
	v5 =	vadd.f32 v8, v5  }
0x43c: {  	v9 =	vld [tilespmem:s31+$0x0];
	v12 =	vadd.f32 v16, v12  }
0x43d: {  	v8 =	vld.idx.msk [tilespmem:v3+s10+$0xA000 ss:$0x1], $0xffff;
	(xrf2) =	vadd.scan.msk.f32 $0xffff, v5  }
0x43e: {  	v7 =	vadd.f32 v7, v4;
	v17 =	vld.idx.msk [tilespmem:v3+s10+$0xA010 ss:$0x1], $0xffff;
	v11 =	vmul.f32 v26, v11;
	v19, _, _ =	vpop (xrf2);
	(xrf2) =	vadd.scan.msk.f32 $0xffff, v12  }
0x43f: {  	v22 =	vmov s0;
	v15 =	vmul.f32 v15, v13;
	v20 =	vmul.f32 v20, v6;
	v16 =	vld.idx.msk [tilespmem:v3+s10+$0xA050 ss:$0x1], $0xffff  }
0x440: {  	vm0 =	veq.s32 v22, v0;
	v22 =	vadd.f32 v11, v7;
	v11 =	vld.idx.msk [tilespmem:v3+s10+$0xA020 ss:$0x1], $0xffff  }
0x441: {  	v15 =	vadd.f32 v20, v15;
	v20 =	vmul.f32 v21, v61;
	v12 =	vld.idx.msk [tilespmem:v3+s10+$0xA090 ss:$0x1], $0xffff  }
0x442: {  	v4 =	vbroadcast v19, $0xF;
	v19 =	vld.idx.msk [tilespmem:v3+s10+$0xA0C0 ss:$0x1], $0xffff  }
0x443: {  	v18 =	vmul.f32 v18, v13;
	v21 =	vld.idx.msk [tilespmem:v3+s10+$0xA0D0 ss:$0x1], $0xffff;
	v7 =	vmul.f32 v14, v9;
	v14 =	vadd.f32 v20, v15  }
0x444: {  	v5 =	vimm.f32 $0.0e+00;
	v8 =	vmul.f32 v8, v13;
	v15 =	vmul.f32 v17, v6  }
0x445: {  	v16 =	vmul.f32 v16, v6;
	v62 =	vadd.f32 v7, v14;
	v7 =	vmul.f32 v10, v13;
	v20, _, _ =	vpop (xrf2)  }
0x446: {  	v4 =	vsel vm0, v4, v5;
	vm0 =	vmmov vm0;
	v10 =	vbroadcast v20, $0xF  }
0x447: {  	v17 =	vld.idx.msk [tilespmem:v3+s10+$0xA060 ss:$0x1], $0xffff;
	v14 =	vmul.f32 v12, v6;
	v20 =	vadd.f32 v16, v18;
	v19 =	vmul.f32 v19, v13;
	v13, _, _ =	vpop (xrf2)  }
0x448: {  	v18 =	vmul.f32 v21, v6;
	v6 =	vsel vm0, v10, v5;
	v10 =	vmul.f32 v11, v61;
	v11, _, _ =	vpop (xrf2);
	(xrf2) =	vadd.scan.msk.f32 $0xffff, v62;
	_ =	sdelay $0x1  }
0x449: {  	v63 =	vld.idx.msk [tilespmem:v3+s10+$0xA0E0 ss:$0x1], $0xffff  }
0x44a: {  	v23 =	vld.idx.msk [tilespmem:v3+s10+$0xA0A0 ss:$0x1], $0xffff;
	(xrf2) =	vadd.scan.msk.f32 $0xffff, v22  }
0x44b: {  	s16 =	simm.s32 $0x280;
	v8 =	vadd.f32 v15, v8;
	v15 =	vld.idx.msk [tilespmem:v3+s10+$0xA030 ss:$0x1], $0xffff  }
0x44c: {  	v27 =	vmul.f32 v17, v61;
	v17 =	vld.idx.msk [tilespmem:v3+s16+$0xA100 ss:$0x1], $0xffff  }
0x44d: {  	v12 =	vld.idx.msk [tilespmem:v3+s10+$0xA070 ss:$0x1], $0xffff;
	v21 =	vbroadcast v13, $0xF;
	v16 =	vadd.f32 v14, v7  }
0x44e: {  	v13 =	vld.idx.msk [tilespmem:v3+s10+$0xA0B0 ss:$0x1], $0xffff;
	v20 =	vadd.f32 v27, v20;
	v18 =	vadd.f32 v18, v19  }
0x44f: {  	v14 =	vld.idx.msk [tilespmem:v3+s10+$0xA0F0 ss:$0x1], $0xffff;
	s10 =	sadd.s32 $0x40, s31;
	v7 =	vsel vm0, v21, v5;
	v21 =	vmul.f32 v23, v61;
	v11 =	vbroadcast v11, $0xF  }
0x450: {  	s14 =	simm.s32 $0x0;
	s5 =	simm.s32 $0xF00;
	v19 =	vadd.f32 v10, v8;
	v10 =	vld [tilespmem:s10+$0xFFFFFFD0];
	v8 =	vimm.f32 $0.0e+00;
	v22 =	vmul.f32 v63, v61  }
.LBB2_27:
0x451: {  	p0 =	sne.s32 s5, $0x4B00;
	v23 =	vld.idx.msk [tilespmem:v3+s16+$0xA110 ss:$0x1], $0xffff;
	v15 =	vmul.f32 v15, v9;
	v16 =	vadd.f32 v21, v16;
	v21, _, _ =	vpop (xrf2);
	v5 =	vsel vm0, v11, v5;
	s14 =	sadd.s32 $0x1, s14  }
0x452: {  	v11 =	vld [tilespmem:s10+$0xFFFFFFE0];
	v24 =	vmov s14;
	v18 =	vadd.f32 v22, v18;
	v21 =	vbroadcast v21, $0xF  }
0x453: {  	v12 =	vmul.f32 v12, v9;
	v13 =	vmul.f32 v13, v9;
	v22 =	vld.idx.msk [tilespmem:v3+s16+$0xA120 ss:$0x1], $0xffff;
	vm1 =	veq.s32 v24, v0  }
0x454: {  	v15 =	vadd.f32 v15, v19;
	v14 =	vmul.f32 v14, v9;
	v24 =	vld [tilespmem:s10+$0xFFFFFFF0];
	v4 =	vsel vm1, v21, v4;
	v9, _, _ =	vpop (xrf2)  }
0x455: {  	v12 =	vadd.f32 v12, v20;
	v13 =	vadd.f32 v13, v16;
	v19 =	vld.idx.msk [tilespmem:v3+s16+$0xA130 ss:$0x1], $0xffff;
	v16 =	vbroadcast v9, $0xF  }
0x456: {  	v14 =	vadd.f32 v14, v18;
	v9 =	vld [tilespmem:s10+$0x0];
	(xrf2) =	vadd.scan.msk.f32 $0xffff, v15  }
0x457: {  	v17 =	vmul.f32 v17, v10;
	v15 =	vld.idx.msk [tilespmem:v3+s16+$0xA000 ss:$0x1], $0xffff;
	v18 =	vmul.f32 v23, v11;
	v8 =	vsel vm0, v16, v8  }
0x458: {  	vm0 =	vmmov vm1;
	v16 =	vld.idx.msk [tilespmem:v3+s16+$0xA010 ss:$0x1], $0xffff  }
0x459: {  	v20 =	vld.idx.msk [tilespmem:v3+s16+$0xA040 ss:$0x1], $0xffff;
	v17 =	vadd.f32 v18, v17;
	v18 =	vmul.f32 v22, v24;
	(xrf2) =	vadd.scan.msk.f32 $0xffff, v12  }
0x45a: {  	v12 =	vld.idx.msk [tilespmem:v3+s16+$0xA050 ss:$0x1], $0xffff  }
0x45b: {  	v21 =	vld.idx.msk [tilespmem:v3+s16+$0xA080 ss:$0x1], $0xffff;
	v17 =	vadd.f32 v18, v17;
	v18 =	vmul.f32 v19, v9  }
0x45c: {  	v19 =	vld.idx.msk [tilespmem:v3+s16+$0xA090 ss:$0x1], $0xffff;
	(xrf2) =	vadd.scan.msk.f32 $0xffff, v13  }
0x45d: {  	v26 =	vmul.f32 v15, v10;
	v22 =	vld.idx.msk [tilespmem:v3+s16+$0xA0C0 ss:$0x1], $0xffff;
	v15 =	vadd.f32 v18, v17  }
0x45e: {  	v16 =	vmul.f32 v16, v11;
	v17 =	vld.idx.msk [tilespmem:v3+s16+$0xA0D0 ss:$0x1], $0xffff  }
0x45f: {  	v20 =	vmul.f32 v20, v10;
	v18 =	vld.idx.msk [tilespmem:v3+s16+$0xA020 ss:$0x1], $0xffff;
	(xrf2) =	vadd.scan.msk.f32 $0xffff, v15  }
0x460: {  	v23 =	vadd.f32 v16, v26;
	v12 =	vmul.f32 v12, v11;
	v25 =	vld.idx.msk [tilespmem:v3+s16+$0xA060 ss:$0x1], $0xffff;
	v13, _, _ =	vpop (xrf2)  }
0x461: {  	v16 =	vmul.f32 v21, v10;
	v21 =	vld.idx.msk [tilespmem:v3+s16+$0xA0A0 ss:$0x1], $0xffff;
	v27 =	vbroadcast v13, $0xF  }
0x462: {  	v20 =	vadd.f32 v12, v20;
	v19 =	vmul.f32 v19, v11;
	v26 =	vld.idx.msk [tilespmem:v3+s16+$0xA0E0 ss:$0x1], $0xffff;
	(xrf2) =	vadd.scan.msk.f32 $0xffff, v14  }
0x463: {  	v10 =	vmul.f32 v22, v10;
	v15 =	vld.idx.msk [tilespmem:v3+s16+$0xA030 ss:$0x1], $0xffff;
	v6 =	vsel vm0, v27, v6;
	v13, _, _ =	vpop (xrf2)  }
.Ltmp12:
0x464: {  	v16 =	vadd.f32 v19, v16;
	v27 =	vmul.f32 v17, v11;
	v12 =	vld.idx.msk [tilespmem:v3+s16+$0xA070 ss:$0x1], $0xffff;
	v17 =	vbroadcast v13, $0xF;
	(pc) =	sbr.rel @p0 .LBB2_27-.Ltmp12, $4  }
0x465: {  	v19 =	vmul.f32 v18, v24;
	v13 =	vld.idx.msk [tilespmem:v3+s16+$0xA0B0 ss:$0x1], $0xffff  }
0x466: {  	s10 =	sadd.s32 $0x40, s10;
	v22 =	vmul.f32 v25, v24;
	v18 =	vadd.f32 v27, v10;
	v14 =	vld.idx.msk [tilespmem:v3+s16+$0xA0F0 ss:$0x1], $0xffff;
	v7 =	vsel vm0, v17, v7;
	v11, _, _ =	vpop (xrf2)  }
0x467: {  	s16 =	sshra.s32 s5, $0x2;
	v19 =	vadd.f32 v19, v23;
	v21 =	vmul.f32 v21, v24;
	v10 =	vld [tilespmem:s10+$0xFFFFFFD0];
	v11 =	vbroadcast v11, $0xF  }
0x468: {  	s5 =	sadd.s32 $0x500, s5;
	v20 =	vadd.f32 v22, v20;
	v22 =	vmul.f32 v26, v24;
	v17 =	vld.idx.msk [tilespmem:v3+s16+$0xA100 ss:$0x1], $0xffff  }
0x469: {  	_ =	sdelay $0x3  }
0x46a: {  	v23 =	vld.idx.msk [tilespmem:v3+s16+$0xA110 ss:$0x1], $0xffff  }
0x46b: {  	v24 =	vld [tilespmem:s10+$0xFFFFFFE0]  }
0x46c: {  	v25 =	vld.idx.msk [tilespmem:v3+s16+$0xA120 ss:$0x1], $0xffff  }
0x46d: {  	v26 =	vld [tilespmem:s10+$0xFFFFFFF0]  }
0x46e: {  	v27 =	vld.idx.msk [tilespmem:v3+s16+$0xA130 ss:$0x1], $0xffff  }
0x46f: {  	v28 =	vld [tilespmem:s10+$0x0]  }
0x470: {  	v29 =	vld.idx.msk [tilespmem:v3+s16+$0xA000 ss:$0x1], $0xffff  }
0x471: {  	v30 =	vld.idx.msk [tilespmem:v3+s16+$0xA010 ss:$0x1], $0xffff  }
0x472: {  	v31 =	vld.idx.msk [tilespmem:v3+s16+$0xA040 ss:$0x1], $0xffff  }
0x473: {  	v32 =	vld.idx.msk [tilespmem:v3+s16+$0xA050 ss:$0x1], $0xffff  }
0x474: {  	v33 =	vld.idx.msk [tilespmem:v3+s16+$0xA080 ss:$0x1], $0xffff  }
0x475: {  	v34 =	vld.idx.msk [tilespmem:v3+s16+$0xA090 ss:$0x1], $0xffff  }
0x476: {  	v15 =	vmul.f32 v15, v9;
	v35 =	vld.idx.msk [tilespmem:v3+s16+$0xA0C0 ss:$0x1], $0xffff  }
0x477: {  	v12 =	vmul.f32 v12, v9;
	v45 =	vld.idx.msk [tilespmem:v3+s16+$0xA0D0 ss:$0x1], $0xffff;
	v13 =	vmul.f32 v13, v9  }
0x478: {  	v16 =	vadd.f32 v21, v16;
	v47 =	vld.idx.msk [tilespmem:v3+s16+$0xA020 ss:$0x1], $0xffff;
	v48 =	vmul.f32 v14, v9;
	v17 =	vmul.f32 v17, v10  }
0x479: {  	v49 =	vld.idx.msk [tilespmem:v3+s16+$0xA060 ss:$0x1], $0xffff;
	v18 =	vadd.f32 v22, v18;
	v46 =	vmul.f32 v23, v24;
	v50 =	vmul.f32 v25, v26  }
0x47a: {  	v52 =	vld.idx.msk [tilespmem:v3+s16+$0xA0A0 ss:$0x1], $0xffff;
	v15 =	vadd.f32 v15, v19;
	v51 =	vmul.f32 v27, v28;
	v53 =	vmul.f32 v29, v10  }
0x47b: {  	v58 =	vld.idx.msk [tilespmem:v3+s16+$0xA030 ss:$0x1], $0xffff;
	v12 =	vadd.f32 v12, v20;
	v54 =	vmul.f32 v30, v24;
	v56 =	vmul.f32 v31, v10  }
0x47c: {  	v55 =	vld.idx.msk [tilespmem:v3+s16+$0xA0E0 ss:$0x1], $0xffff;
	v13 =	vadd.f32 v13, v16;
	v57 =	vmul.f32 v32, v24;
	v59 =	vmul.f32 v33, v10  }
0x47d: {  	v61 =	vld.idx.msk [tilespmem:v3+s16+$0xA070 ss:$0x1], $0xffff;
	v9 =	vadd.f32 v48, v18;
	v60 =	vmul.f32 v35, v10;
	v62 =	vmul.f32 v34, v24  }
0x47e: {  	v63 =	vld.idx.msk [tilespmem:v3+s16+$0xA0B0 ss:$0x1], $0xffff;
	v21 =	vmul.f32 v45, v24;
	v22 =	vmul.f32 v47, v26;
	v17 =	vadd.f32 v46, v17  }
0x47f: {  	v3 =	vld.idx.msk [tilespmem:v3+s16+$0xA0F0 ss:$0x1], $0xffff;
	v14 =	vmul.f32 v49, v26;
	v34 =	vmul.f32 v52, v26;
	v16 =	vadd.f32 v54, v53  }
0x480: {  	v35 =	vmul.f32 v58, v28;
	v19 =	vadd.f32 v57, v56;
	v17 =	vadd.f32 v50, v17  }
0x481: {  	(xrf2) =	vadd.scan.msk.f32 $0xffff, v15;
	v37 =	vmul.f32 v55, v26;
	v32 =	vadd.f32 v62, v59;
	v10 =	vadd.f32 v21, v60  }
0x482: {  	(xrf2) =	vadd.scan.msk.f32 $0xffff, v12;
	v38 =	vmul.f32 v61, v28;
	v33 =	vadd.f32 v22, v16;
	v17 =	vadd.f32 v51, v17  }
0x483: {  	v39 =	vmul.f32 v63, v28;
	(xrf2) =	vadd.scan.msk.f32 $0xffff, v13;
	v36 =	vadd.f32 v14, v19;
	v15 =	vadd.f32 v34, v32  }
0x484: {  	v3 =	vmul.f32 v3, v28;
	v40 =	vadd.f32 v37, v10;
	v12 =	vadd.f32 v35, v33;
	(xrf2) =	vadd.scan.msk.f32 $0xffff, v17  }
0x485: {  	v41 =	vadd.f32 v38, v36;
	(xrf2) =	vadd.scan.msk.f32 $0xffff, v9  }
0x486: {  	v42 =	vadd.f32 v39, v15;
	v3 =	vadd.f32 v3, v40;
	(xrf2) =	vadd.scan.msk.f32 $0xffff, v12  }
0x487: {  	(xrf2) =	vadd.scan.msk.f32 $0xffff, v41  }
0x488: {  	s10 =	smul.u32 $0x50, s30;
	(xrf2) =	vadd.scan.msk.f32 $0xffff, v42  }
0x489: {  	v43, _, _ =	vpop (xrf2);
	(xrf2) =	vadd.scan.msk.f32 $0xffff, v3  }
0x48a: {  	s5 =	sadd.s32 $0x1, s14;
	s16 =	sadd.s32 $0x780, s10;
	v3, _, _ =	vpop (xrf2)  }
0x48b: {  	v5 =	vsel vm0, v11, v5;
	v48 =	vadd.s32 s16, v1;
	s16 =	sadd.s32 $0x783, s10;
	v45 =	vmov s5;
	s5 =	sadd.s32 $0x1, s5;
	v44, _, _ =	vpop (xrf2)  }
0x48c: {  	v58 =	vadd.s32 s16, v1;
	vm1 =	veq.s32 v45, v0;
	v52 =	vmov s5;
	v46, _, _ =	vpop (xrf2)  }
0x48d: {  	s31 =	sadd.s32 $0x781, s10;
	s14 =	sadd.s32 $0x782, s10;
	vm2 =	vmmov vm1;
	vm15 =	veq.s32 v52, v0;
	v3 =	vbroadcast v3, $0xF;
	v47, _, _ =	vpop (xrf2)  }
0x48e: {  	v54 =	vadd.s32 s31, v1;
	v56 =	vadd.s32 s14, v1;
	v50 =	vand.u32 $0x1FF8, v48;
	v49, _, _ =	vpop (xrf2)  }
0x48f: {  	s31 =	sadd.s32 $0x784, s10;
	v12 =	vbroadcast v46, $0xF;
	v3 =	vsel vm0, v3, v8;
	v8 =	vor.u32 v2, v50;
	v51, _, _ =	vpop (xrf2)  }
0x490: {  	vm3 =	vmmov vm15;
	v61 =	vadd.s32 s31, v1;
	v10 =	vbroadcast v44, $0xF;
	v53, _, _ =	vpop (xrf2)  }
0x491: {  	v9 =	vbroadcast v43, $0xF;
	v7 =	vsel vm2, v12, v7;
	v12 =	vbroadcast v53, $0xF;
	v55, _, _ =	vpop (xrf2)  }
0x492: {  	s30 =	sadd.s32 $0x1, s30;
	v6 =	vsel vm2, v10, v6;
	v11 =	vbroadcast v47, $0xF;
	v15 =	vbroadcast v55, $0xF;
	v57, _, _ =	vpop (xrf2)  }
0x493: {  	p0 =	sne.s32 s30, $0x8;
	v10 =	vbroadcast v51, $0xF;
	v6 =	vsel vm3, v12, v6;
	v59 =	vbroadcast v57, $0xF;
	v60, _, _ =	vpop (xrf2)  }
.Ltmp13:
0x494: {  	v5 =	vsel vm2, v11, v5;
	v7 =	vsel vm3, v15, v7;
	v62 =	vbroadcast v60, $0xF;
	[tilespmem:v8+s28+$0x0] =	vst.idx.msk $0xffff, v6;
	(pc) =	sbr.rel @p0 .LBB2_26-.Ltmp13, $4  }
0x495: {  	v63 =	vbroadcast v49, $0xF;
	v3 =	vsel vm2, v10, v3;
	v5 =	vsel vm3, v59, v5;
	[tilespmem:v54+s28+$0x0] =	vst.idx.msk $0xffff, v7  }
0x496: {  	v4 =	vsel vm1, v9, v4;
	v3 =	vsel vm3, v62, v3;
	[tilespmem:v56+s28+$0x0] =	vst.idx.msk $0xffff, v5  }
0x497: {  	v4 =	vsel vm15, v63, v4;
	[tilespmem:v58+s28+$0x0] =	vst.idx.msk $0xffff, v3  }
0x498: {  	s1 =	sadd.s32 $0x1400, s1;
	s29 =	sadd.s32 $0x400, s29;
	[tilespmem:v61+s28+$0x0] =	vst.idx.msk $0xffff, v4  }
0x499: {  	s18 =	sadd.s32 $0x1, s18  }
0x49a: {  	p0 =	sne.s32 s18, s8  }
.Ltmp14:
0x49b: {  	_ = 	snop;
	(pc) =	sbr.rel @p0 .LBB2_1-.Ltmp14, $4  }
0x49c: {  	[hbm4b:s7+s2] =	stream.linear.scatter [tilespmem:s28], [sflag:$0x3], $0xA00, $0x38;
	[tilespmem:$0x1BC00] =	vst v63  }
0x49d: {  	_ =	swait.ge [sflag:s9], $0xA00  }
0x49e: {  	[sflag:s9] =	ssyncset.done $0x0  }
0x49f: {  	s16 =	simm.s32 $0x2800;
	[sflag:s9] =	ssyncadd.s32 $0xFFFFF600  }
0x4a0: {  	_ =	sfence.sel $0x180000  }
0x4a1: {  	[bflag:$0x0] =	sbarrier.arrive $0xFFFF  }
0x4a2: {  	_ =	strace $0x90000047  }
0x4a3: {  	s0 =	stileid.u32;
	[bflag:$0x2] =	sbarrier.arrive $0xFFFF  }
0x4a4: {  	p0 =	sne.s32 s0, $0x0;
	s0 =	rddreg [dreg:$0x2]  }
0x4a5: {  	s0 =	sadd.s32 @!p0 $0x100000, s0  }
0x4a6: {  	[sflag:s0] =	ssyncadd.tile.s32 @!p0 $0x1;
	_ =	shalt  }
.Lfunc_end2:
_tile_overlayer_lowered:
.L_overlay_start_2:
0x4a7: {  	(tag) =	ssettag $0x2  }
0x4a8: {  	s0 =	rddreg [dreg:$0x0];
	s2 =	stileid.u32  }
0x4a9: {  	s1 =	rddreg [dreg:$0x1];
	p0 =	sne.s32 s2, $0x0  }
0x4aa: {  	s3 =	rddreg [dreg:$0x2];
	[bflag:$0x3] =	sbarrier.arrive $0xFFFF;
	s2 =	simm.s32 @!p0 $0x1C03  }
0x4ab: {  	[timem:s3], [sflag:s2] =	dma.local @!p0 [hbm:s0], s1  }
0x4ac: {  	s0 =	simm.s32 @!p0 $0x3  }
0x4ad: {  	_ =	swait.ge @!p0 [sflag:s0], s1  }
0x4ae: {  	s1 =	ssub.s32 @!p0 $0x0, s1;
	[sflag:s0] =	ssyncset.done @!p0 $0x0  }
0x4af: {  	[sflag:s0] =	ssyncadd.s32 @!p0 s1  }
0x4b0: {  	[bflag:$0x3] =	sbarrier.arrive $0xFFFF  }
0x4b1: {  	_ =	shalt  }

</sc_bundles>
